<compile_context>
chip_gen: v7x
topology: tpu7x:2x2x1
jax: 0.10.2.dev20260603
libtpu: 0.0.44.dev20260713+nightly
codegen_flags: <defaults>
</compile_context>

<pallas_src>
import functools
import math

import numpy as np

import jax
import jax.numpy as jnp
from jax import lax
from jax.experimental import pallas as pl
from jax.experimental.pallas import tpu as pltpu
from jax.experimental.pallas import tpu_sc as plsc

N = 10000
D = 128
E = 320000
NP = 10240
BM = 1000
CHUNK = 64
NW = 32
JPT = 160
NCHUNK_P = NW * JPT
EP = NCHUNK_P * CHUNK
PIECE = JPT // 4
NBUF = 4
RPW = NP // 16

def _wid():
    core = lax.axis_index("c")
    sub = lax.axis_index("s")
    wid = sub * 2 + core
    return core, sub, wid


def _deg_body(dst_hbm, dega_hbm, degb_hbm, didx_v, ones_v, zbuf_v, deg_sh, sem):
    core, sub, wid = _wid()

    @pl.loop(0, CHUNK // 16)
    def _fill_ones(i):
        ones_v[pl.ds(i * 16, 16)] = jnp.full((16,), 1.0, jnp.float32)

    @pl.loop(0, RPW // 16)
    def _fill_zero(i):
        zbuf_v[pl.ds(i * 16, 16)] = jnp.zeros((16,), jnp.float32)

    pltpu.sync_copy(dst_hbm.at[pl.ds(pl.multiple_of(wid * JPT, JPT), JPT)], didx_v)
    pltpu.sync_copy(zbuf_v, deg_sh.at[pl.ds(pl.multiple_of(sub * RPW, RPW), RPW)])
    plsc.subcore_barrier()

    @pl.loop(0, JPT // 8)
    def _count(it):
        descs = [
            pltpu.async_copy(ones_v, deg_sh.at[didx_v.at[it * 8 + b]], sem, add=True)
            for b in range(8)
        ]
        for desc in descs:
            desc.wait()

    plsc.subcore_barrier()
    off = pl.multiple_of(sub * RPW, RPW)

    @pl.when(core == 0)
    def _():
        pltpu.sync_copy(deg_sh.at[pl.ds(off, RPW)], dega_hbm.at[pl.ds(off, RPW)])

    @pl.when(core == 1)
    def _():
        pltpu.sync_copy(deg_sh.at[pl.ds(off, RPW)], degb_hbm.at[pl.ds(off, RPW)])


def _scatter_body(h_hbm, src_hbm, dst_hbm, pa_hbm, pb_hbm,
                  sidx_v, didx_v, rows0_v, rows1_v, rows2_v, rows3_v,
                  acc_sh, gsem0, gsem1, gsem2, gsem3,
                  ssem0, ssem1, ssem2, ssem3):
    core, sub, wid = _wid()
    rows = (rows0_v, rows1_v, rows2_v, rows3_v)
    gsem = (gsem0, gsem1, gsem2, gsem3)
    ssem = (ssem0, ssem1, ssem2, ssem3)

    @pl.loop(0, CHUNK)
    def _zrow(r):
        for cc in range(D // 16):
            rows0_v[r, pl.ds(cc * 16, 16)] = jnp.zeros((16,), jnp.float32)

    for k in range(RPW // CHUNK):
        off = pl.multiple_of(sub * RPW + k * CHUNK, CHUNK)
        pltpu.sync_copy(rows0_v, acc_sh.at[pl.ds(off, CHUNK)])

    plsc.subcore_barrier()

    def wait_gather(rows_v, sem):
        pltpu.make_async_copy(h_hbm.at[sidx_v.at[0]], rows_v, sem).wait()

    def wait_scatter(rows_v, sem):
        pltpu.make_async_copy(rows_v, acc_sh.at[didx_v.at[0]], sem).wait()

    for h in range(JPT // PIECE):
        start = pl.multiple_of(wid * JPT + h * PIECE, PIECE)
        pltpu.sync_copy(src_hbm.at[pl.ds(start, PIECE)], sidx_v)
        pltpu.sync_copy(dst_hbm.at[pl.ds(start, PIECE)], didx_v)

        for b in range(NBUF):
            pltpu.async_copy(h_hbm.at[sidx_v.at[b]], rows[b], gsem[b])

        @pl.loop(0, PIECE // NBUF - 1)
        def _pipe(it):
            j = it * NBUF
            for b in range(NBUF):
                wait_gather(rows[b], gsem[b])
                pltpu.async_copy(rows[b], acc_sh.at[didx_v.at[j + b]], ssem[b],
                                 add=True)
            for b in range(NBUF):
                wait_scatter(rows[b], ssem[b])
                pltpu.async_copy(h_hbm.at[sidx_v.at[j + NBUF + b]], rows[b],
                                 gsem[b])

        for b in range(NBUF):
            wait_gather(rows[b], gsem[b])
            pltpu.async_copy(rows[b], acc_sh.at[didx_v.at[PIECE - NBUF + b]],
                             ssem[b], add=True)
        for b in range(NBUF):
            wait_scatter(rows[b], ssem[b])

    plsc.subcore_barrier()

    woff = pl.multiple_of(sub * RPW, RPW)

    @pl.when(core == 0)
    def _():
        pltpu.sync_copy(acc_sh.at[pl.ds(woff, RPW)], pa_hbm.at[pl.ds(woff, RPW)])

    @pl.when(core == 1)
    def _():
        pltpu.sync_copy(acc_sh.at[pl.ds(woff, RPW)], pb_hbm.at[pl.ds(woff, RPW)])


@functools.lru_cache(maxsize=None)
def _sc_kernels():
    mesh = plsc.VectorSubcoreMesh(
        core_axis_name="c", subcore_axis_name="s", num_cores=2, num_subcores=16
    )
    deg = pl.kernel(
        _deg_body,
        out_type=(
            jax.ShapeDtypeStruct((NP,), jnp.float32),
            jax.ShapeDtypeStruct((NP,), jnp.float32),
        ),
        mesh=mesh,
        scratch_types=[
            pltpu.VMEM((JPT, CHUNK), jnp.int32),
            pltpu.VMEM((CHUNK,), jnp.float32),
            pltpu.VMEM((RPW,), jnp.float32),
            pltpu.VMEM_SHARED((NP,), jnp.float32),
            pltpu.SemaphoreType.DMA,
        ],
    )
    scatter = pl.kernel(
        _scatter_body,
        out_type=(
            jax.ShapeDtypeStruct((NP, D), jnp.float32),
            jax.ShapeDtypeStruct((NP, D), jnp.float32),
        ),
        mesh=mesh,
        scratch_types=[
            pltpu.VMEM((PIECE, CHUNK), jnp.int32),
            pltpu.VMEM((PIECE, CHUNK), jnp.int32),
            pltpu.VMEM((CHUNK, D), jnp.float32),
            pltpu.VMEM((CHUNK, D), jnp.float32),
            pltpu.VMEM((CHUNK, D), jnp.float32),
            pltpu.VMEM((CHUNK, D), jnp.float32),
            pltpu.VMEM_SHARED((NP, D), jnp.float32),
        ] + [pltpu.SemaphoreType.DMA] * 8,
    )
    return deg, scatter


def _t1_body(x_ref, w_ref, dega_ref, degb_ref, h_ref, dis_ref):
    deg = dega_ref[...] + degb_ref[...] + 1.0
    dis = lax.rsqrt(deg)
    dis_ref[...] = dis
    h_ref[...] = (
        jnp.dot(x_ref[...], w_ref[...], preferred_element_type=jnp.float32) * dis
    )


_t1 = pl.pallas_call(
    _t1_body,
    grid=(N // BM,),
    in_specs=[
        pl.BlockSpec((BM, D), lambda i: (i, 0)),
        pl.BlockSpec((D, D), lambda i: (0, 0)),
        pl.BlockSpec((BM, 1), lambda i: (i, 0)),
        pl.BlockSpec((BM, 1), lambda i: (i, 0)),
    ],
    out_specs=[
        pl.BlockSpec((BM, D), lambda i: (i, 0)),
        pl.BlockSpec((BM, 1), lambda i: (i, 0)),
    ],
    out_shape=[
        jax.ShapeDtypeStruct((N, D), jnp.float32),
        jax.ShapeDtypeStruct((N, 1), jnp.float32),
    ],
)


def _pe_table():
    pos = np.arange(N, dtype=np.float32)[:, None]
    div = np.exp(np.arange(0, D, 2, dtype=np.float32) * np.float32(-math.log(10000.0) / D))
    pe = np.zeros((N, D), dtype=np.float32)
    pe[:, 0::2] = np.sin(pos * div, dtype=np.float32)
    pe[:, 1::2] = np.cos(pos * div, dtype=np.float32)
    return pe


_PE = _pe_table()


def _t2_body(pa_ref, pb_ref, h1_ref, dis_ref, pe_ref, b1_ref, w2_ref, h2_ref):
    dis = dis_ref[...]
    agg = dis * (pa_ref[...] + pb_ref[...] + h1_ref[...]) + b1_ref[...]
    x1 = jnp.maximum(agg + pe_ref[...], 0.0)
    h2_ref[...] = (
        jnp.dot(x1, w2_ref[...], preferred_element_type=jnp.float32) * dis
    )


_t2 = pl.pallas_call(
    _t2_body,
    grid=(N // BM,),
    in_specs=[
        pl.BlockSpec((BM, D), lambda i: (i, 0)),
        pl.BlockSpec((BM, D), lambda i: (i, 0)),
        pl.BlockSpec((BM, D), lambda i: (i, 0)),
        pl.BlockSpec((BM, 1), lambda i: (i, 0)),
        pl.BlockSpec((BM, D), lambda i: (i, 0)),
        pl.BlockSpec((1, D), lambda i: (0, 0)),
        pl.BlockSpec((D, D), lambda i: (0, 0)),
    ],
    out_specs=pl.BlockSpec((BM, D), lambda i: (i, 0)),
    out_shape=jax.ShapeDtypeStruct((N, D), jnp.float32),
)


def _t3_body(qa_ref, qb_ref, h2_ref, dis_ref, b2_ref, out_ref):
    out_ref[...] = (
        dis_ref[...] * (qa_ref[...] + qb_ref[...] + h2_ref[...]) + b2_ref[...]
    )


_t3 = pl.pallas_call(
    _t3_body,
    grid=(N // BM,),
    in_specs=[
        pl.BlockSpec((BM, D), lambda i: (i, 0)),
        pl.BlockSpec((BM, D), lambda i: (i, 0)),
        pl.BlockSpec((BM, D), lambda i: (i, 0)),
        pl.BlockSpec((BM, 1), lambda i: (i, 0)),
        pl.BlockSpec((1, D), lambda i: (0, 0)),
    ],
    out_specs=pl.BlockSpec((BM, D), lambda i: (i, 0)),
    out_shape=jax.ShapeDtypeStruct((N, D), jnp.float32),
)


def kernel(basic_block, edge_index, W1, b1, W2, b2):
    ei = edge_index.astype(jnp.int32)
    cyc = jnp.arange(EP - E, dtype=jnp.int32) % (NP - N)
    fill = jnp.stack([cyc, N + cyc])
    srcp, dstp = jnp.concatenate([ei, fill], axis=1).reshape(2, NCHUNK_P, CHUNK)

    _deg_kernel, _scatter_kernel = _sc_kernels()
    dega, degb = _deg_kernel(dstp)
    h1p, dis = _t1(basic_block, W1, dega.reshape(NP, 1), degb.reshape(NP, 1))
    pa, pb = _scatter_kernel(h1p, srcp, dstp)
    h2p = _t2(pa, pb, h1p, dis, jnp.asarray(_PE), b1.reshape(1, D), W2)
    qa, qb = _scatter_kernel(h2p, srcp, dstp)
    return _t3(qa, qb, h2p, dis, b2.reshape(1, D))

# --- scband reference (transcript-rebuilt; emitter-appended) ---
"""Pipeline reference for scband-encoder-69243462746830 (READ-ONLY COPY).

The authoritative reference and input builder live on the scoring server;
editing this copy changes nothing except your own understanding.
"""

import jax, jax.numpy as jnp
import numpy as np

NUM_NODES = 10000
D_IN = 128
D_HID = 128
NUM_EDGES = 320000


def gcn_conv(x, edge_index, W, b, num_nodes):
    # torch_geometric GCNConv semantics: add self-loops, symmetric normalization,
    # out = D^{-1/2} (A + I) D^{-1/2} X W + b
    src = edge_index[0]
    dst = edge_index[1]
    loop = jnp.arange(num_nodes, dtype=edge_index.dtype)
    src = jnp.concatenate([src, loop])
    dst = jnp.concatenate([dst, loop])
    deg = jnp.zeros((num_nodes,), dtype=x.dtype).at[dst].add(1.0)
    deg_inv_sqrt = jnp.where(deg > 0, 1.0 / jnp.sqrt(deg), 0.0)
    norm = deg_inv_sqrt[src] * deg_inv_sqrt[dst]
    h = x @ W
    msg = h[src] * norm[:, None]
    out = jnp.zeros((num_nodes, W.shape[1]), dtype=x.dtype).at[dst].add(msg)
    return out + b


def positional_encoding(x):
    # standard sinusoidal positional encoding added to node features
    n, d = x.shape
    pos = jnp.arange(n, dtype=jnp.float32)[:, None]
    div = jnp.exp(jnp.arange(0, d, 2, dtype=jnp.float32) * (-jnp.log(10000.0) / d))
    pe = jnp.zeros((n, d), dtype=x.dtype)
    pe = pe.at[:, 0::2].set(jnp.sin(pos * div))
    pe = pe.at[:, 1::2].set(jnp.cos(pos * div))
    return x + pe


def setup_inputs(seed: int = 0) -> dict:
    key = jax.random.key(seed)
    k1, k2, k3, k4, k5, k6 = jax.random.split(key, 6)
    basic_block = jax.random.normal(k1, (NUM_NODES, D_IN), dtype=jnp.float32)
    edge_index = jax.random.randint(k2, (2, NUM_EDGES), 0, NUM_NODES, dtype=jnp.int64)
    s1 = 1.0 / np.sqrt(D_IN)
    s2 = 1.0 / np.sqrt(D_HID)
    W1 = jax.random.uniform(k3, (D_IN, D_HID), dtype=jnp.float32, minval=-s1, maxval=s1)
    b1 = jax.random.uniform(k4, (D_HID,), dtype=jnp.float32, minval=-s1, maxval=s1)
    W2 = jax.random.uniform(k5, (D_HID, D_HID), dtype=jnp.float32, minval=-s2, maxval=s2)
    b2 = jax.random.uniform(k6, (D_HID,), dtype=jnp.float32, minval=-s2, maxval=s2)
    return {"basic_block": basic_block, "edge_index": edge_index, "W1": W1, "b1": b1, "W2": W2, "b2": b2}


def reference(basic_block, edge_index, W1, b1, W2, b2):
    num_nodes = basic_block.shape[0]
    x = gcn_conv(basic_block, edge_index, W1, b1, num_nodes)
    x = positional_encoding(x)
    x = jax.nn.relu(x)
    x = gcn_conv(x, edge_index, W2, b2, num_nodes)
    return x

if __name__ == "__main__":
    import jax
    _d = setup_inputs()
    print(jax.jit(kernel)(*tuple(_d.values())))

</pallas_src>

<mosaic_0001>
#map = affine_map<(d0, d1) -> (0, 0)>
#map1 = affine_map<(d0, d1) -> (0)>
module attributes {stable_mosaic.version = 14 : i64} {
  func.func @_deg_body(%arg0: i32, %arg1: i32, %arg2: memref<5120x64xi32, #tpu.memory_space<hbm>>, %arg3: memref<10240xf32, #tpu.memory_space<hbm>>, %arg4: memref<10240xf32, #tpu.memory_space<hbm>>, %arg5: memref<160x64xi32, #tpu.memory_space<vmem>>, %arg6: memref<64xf32, #tpu.memory_space<vmem>>, %arg7: memref<640xf32, #tpu.memory_space<vmem>>, %arg8: memref<10240xf32, #tpu.memory_space<vmem_shared>>, %arg9: memref<!tpu.dma_semaphore, #tpu.memory_space<semaphore_mem>>) attributes {dimension_semantics = [#tpu.dimension_semantics<core_parallel>, #tpu.dimension_semantics<subcore_parallel>], iteration_bounds = array<i64: 2, 16>, scalar_prefetch = 0 : i64, scratch_operands = 5 : i64, tpu.core_type = #tpu.core_type<sc_vector_subcore>, window_params = [{transform_indices = #map}, {transform_indices = #map1}, {transform_indices = #map1}]} {
    %mul3A = arith.constant 2 : i32
    %mul3A_0 = arith.muli %arg1, %mul3A : i32
    %add3A = arith.addi %mul3A_0, %arg0 : i32
    %scan3A = arith.constant 0 : i32
    %scan3A_1 = arith.constant 4 : i32
    %scan3A_2 = arith.addi %scan3A, %scan3A_1 : i32
    %scan3A_3 = arith.constant 1 : i32
    scf.for %scan3A_31 = %scan3A to %scan3A_2 step %scan3A_3  : i32 {
      %mul3A_32 = arith.constant 1 : i32
      %mul3A_33 = arith.muli %scan3A_31, %mul3A_32 : i32
      %add3A_34 = arith.constant 0 : i32
      %add3A_35 = arith.addi %add3A_34, %mul3A_33 : i32
      %broadcast_in_dim3A = arith.constant 1.000000e+00 : f32
      %broadcast_in_dim3A_36 = vector.broadcast %broadcast_in_dim3A : f32 to vector<16xf32>
      %mul3A_37 = arith.constant 16 : i32
      %mul3A_38 = arith.muli %add3A_35, %mul3A_37 : i32
      %swap3A = arith.index_cast %mul3A_38 : i32 to index
      %swap3A_39 = tpu.vector_load %arg6[%swap3A] {strides = array<i32>} : memref<64xf32, #tpu.memory_space<vmem>>, vector<16xf32>,
      %swap3A_40 = vector.shape_cast %swap3A_39 : vector<16xf32> to vector<16xf32>
      %swap3A_41 = vector.shape_cast %broadcast_in_dim3A_36 : vector<16xf32> to vector<16xf32>
      tpu.vector_store %arg6[%swap3A], %swap3A_41 {strides = array<i32>} : memref<64xf32, #tpu.memory_space<vmem>>, vector<16xf32>,
    }
    %scan3A_4 = arith.constant 4 : i32
    %scan3A_5 = arith.constant 0 : i32
    %scan3A_6 = arith.constant 40 : i32
    %scan3A_7 = arith.addi %scan3A_5, %scan3A_6 : i32
    %scan3A_8 = arith.constant 1 : i32
    scf.for %scan3A_31 = %scan3A_5 to %scan3A_7 step %scan3A_8  : i32 {
      %mul3A_32 = arith.constant 1 : i32
      %mul3A_33 = arith.muli %scan3A_31, %mul3A_32 : i32
      %add3A_34 = arith.constant 0 : i32
      %add3A_35 = arith.addi %add3A_34, %mul3A_33 : i32
      %broadcast_in_dim3A = arith.constant 0.000000e+00 : f32
      %broadcast_in_dim3A_36 = vector.broadcast %broadcast_in_dim3A : f32 to vector<16xf32>
      %mul3A_37 = arith.constant 16 : i32
      %mul3A_38 = arith.muli %add3A_35, %mul3A_37 : i32
      %swap3A = arith.index_cast %mul3A_38 : i32 to index
      %swap3A_39 = tpu.vector_load %arg7[%swap3A] {strides = array<i32>} : memref<640xf32, #tpu.memory_space<vmem>>, vector<16xf32>,
      %swap3A_40 = vector.shape_cast %swap3A_39 : vector<16xf32> to vector<16xf32>
      %swap3A_41 = vector.shape_cast %broadcast_in_dim3A_36 : vector<16xf32> to vector<16xf32>
      tpu.vector_store %arg7[%swap3A], %swap3A_41 {strides = array<i32>} : memref<640xf32, #tpu.memory_space<vmem>>, vector<16xf32>,
    }
    %scan3A_9 = arith.constant 40 : i32
    %mul3A_10 = arith.constant 160 : i32
    %mul3A_11 = arith.muli %add3A, %mul3A_10 : i32
    %multiple_of3A = tpu.assume_multiple %mul3A_11, 160 : i32
    "tpu.region"() ({
      %run_scoped3A = tpu.sem_alloc : memref<!tpu.dma_semaphore, #tpu.memory_space<semaphore_mem>>
      %dma_start3A = arith.constant 0 : i32
      %dma_start3A_31 = tpu.memref_slice %arg2[%multiple_of3A, %dma_start3A] : memref<5120x64xi32, #tpu.memory_space<hbm>> -> memref<160x64xi32, #tpu.memory_space<hbm>>
      %dma_start3A_32 = arith.constant 0 : i32
      %dma_start3A_33 = tpu.memref_slice %arg2[%multiple_of3A, %dma_start3A_32] : memref<5120x64xi32, #tpu.memory_space<hbm>> -> memref<160x64xi32, #tpu.memory_space<hbm>>
      tpu.enqueue_dma source(%dma_start3A_33 : memref<160x64xi32, #tpu.memory_space<hbm>>) target(%arg5 : memref<160x64xi32, #tpu.memory_space<vmem>>) target_semaphore(%run_scoped3A : memref<!tpu.dma_semaphore, #tpu.memory_space<semaphore_mem>>)
      %dma_wait3A = arith.constant 0 : i32
      %dma_wait3A_34 = tpu.memref_slice %arg2[%multiple_of3A, %dma_wait3A] : memref<5120x64xi32, #tpu.memory_space<hbm>> -> memref<160x64xi32, #tpu.memory_space<hbm>>
      %dma_wait3A_35 = arith.constant 0 : i32
      %dma_wait3A_36 = tpu.memref_slice %arg2[%multiple_of3A, %dma_wait3A_35] : memref<5120x64xi32, #tpu.memory_space<hbm>> -> memref<160x64xi32, #tpu.memory_space<hbm>>
      tpu.wait_dma2 semaphore(%run_scoped3A : memref<!tpu.dma_semaphore, #tpu.memory_space<semaphore_mem>>) src(%dma_wait3A_36 : memref<160x64xi32, #tpu.memory_space<hbm>>) dst(%arg5 : memref<160x64xi32, #tpu.memory_space<vmem>>)
      tpu.yield
    }) : () -> ()
    %mul3A_12 = arith.constant 640 : i32
    %mul3A_13 = arith.muli %arg1, %mul3A_12 : i32
    %multiple_of3A_14 = tpu.assume_multiple %mul3A_13, 640 : i32
    "tpu.region"() ({
      %run_scoped3A = tpu.sem_alloc : memref<!tpu.dma_semaphore, #tpu.memory_space<semaphore_mem>>
      %dma_start3A = tpu.memref_slice %arg8[%multiple_of3A_14] : memref<10240xf32, #tpu.memory_space<vmem_shared>> -> memref<640xf32, #tpu.memory_space<vmem_shared>>
      %dma_start3A_31 = tpu.memref_slice %arg8[%multiple_of3A_14] : memref<10240xf32, #tpu.memory_space<vmem_shared>> -> memref<640xf32, #tpu.memory_space<vmem_shared>>
      tpu.enqueue_dma source(%arg7 : memref<640xf32, #tpu.memory_space<vmem>>) target(%dma_start3A_31 : memref<640xf32, #tpu.memory_space<vmem_shared>>) target_semaphore(%run_scoped3A : memref<!tpu.dma_semaphore, #tpu.memory_space<semaphore_mem>>)
      %dma_wait3A = tpu.memref_slice %arg8[%multiple_of3A_14] : memref<10240xf32, #tpu.memory_space<vmem_shared>> -> memref<640xf32, #tpu.memory_space<vmem_shared>>
      %dma_wait3A_32 = tpu.memref_slice %arg8[%multiple_of3A_14] : memref<10240xf32, #tpu.memory_space<vmem_shared>> -> memref<640xf32, #tpu.memory_space<vmem_shared>>
      tpu.wait_dma2 semaphore(%run_scoped3A : memref<!tpu.dma_semaphore, #tpu.memory_space<semaphore_mem>>) src(%arg7 : memref<640xf32, #tpu.memory_space<vmem>>) dst(%dma_wait3A_32 : memref<640xf32, #tpu.memory_space<vmem_shared>>)
      tpu.yield
    }) : () -> ()
    %barrier3A = arith.constant 0 : index
    tpu.barrier barrier_id(%barrier3A)
    %scan3A_15 = arith.constant 0 : i32
    %scan3A_16 = arith.constant 20 : i32
    %scan3A_17 = arith.addi %scan3A_15, %scan3A_16 : i32
    %scan3A_18 = arith.constant 1 : i32
    scf.for %scan3A_31 = %scan3A_15 to %scan3A_17 step %scan3A_18  : i32 {
      %mul3A_32 = arith.constant 1 : i32
      %mul3A_33 = arith.muli %scan3A_31, %mul3A_32 : i32
      %add3A_34 = arith.constant 0 : i32
      %add3A_35 = arith.addi %add3A_34, %mul3A_33 : i32
      %mul3A_36 = arith.constant 8 : i32
      %mul3A_37 = arith.muli %add3A_35, %mul3A_36 : i32
      %add3A_38 = arith.constant 0 : i32
      %add3A_39 = arith.addi %mul3A_37, %add3A_38 : i32
      %dma_start3A = arith.constant 0 : i32
      %dma_start3A_40 = tpu.memref_slice %arg5[%add3A_39, %dma_start3A] : memref<160x64xi32, #tpu.memory_space<vmem>> -> memref<1x64xi32, #tpu.memory_space<vmem>>
      %dma_start3A_41 = tpu.memref_squeeze %dma_start3A_40 : memref<1x64xi32, #tpu.memory_space<vmem>> -> memref<64xi32, #tpu.memory_space<vmem>>
      %dma_start3A_42 = arith.constant 0 : i32
      %dma_start3A_43 = tpu.memref_slice %arg8[%dma_start3A_42] : memref<10240xf32, #tpu.memory_space<vmem_shared>> -> memref<10240xf32, #tpu.memory_space<vmem_shared>>
      tpu.enqueue_indirect_dma source(%arg6 : memref<64xf32, #tpu.memory_space<vmem>>) target(%dma_start3A_43 : memref<10240xf32, #tpu.memory_space<vmem_shared>>) offsets(%dma_start3A_41 : memref<64xi32, #tpu.memory_space<vmem>>) semaphore(%arg9 : memref<!tpu.dma_semaphore, #tpu.memory_space<semaphore_mem>>) {add = true}
      %mul3A_44 = arith.constant 8 : i32
      %mul3A_45 = arith.muli %add3A_35, %mul3A_44 : i32
      %add3A_46 = arith.constant 1 : i32
      %add3A_47 = arith.addi %mul3A_45, %add3A_46 : i32
      %dma_start3A_48 = arith.constant 0 : i32
      %dma_start3A_49 = tpu.memref_slice %arg5[%add3A_47, %dma_start3A_48] : memref<160x64xi32, #tpu.memory_space<vmem>> -> memref<1x64xi32, #tpu.memory_space<vmem>>
      %dma_start3A_50 = tpu.memref_squeeze %dma_start3A_49 : memref<1x64xi32, #tpu.memory_space<vmem>> -> memref<64xi32, #tpu.memory_space<vmem>>
      %dma_start3A_51 = arith.constant 0 : i32
      %dma_start3A_52 = tpu.memref_slice %arg8[%dma_start3A_51] : memref<10240xf32, #tpu.memory_space<vmem_shared>> -> memref<10240xf32, #tpu.memory_space<vmem_shared>>
      tpu.enqueue_indirect_dma source(%arg6 : memref<64xf32, #tpu.memory_space<vmem>>) target(%dma_start3A_52 : memref<10240xf32, #tpu.memory_space<vmem_shared>>) offsets(%dma_start3A_50 : memref<64xi32, #tpu.memory_space<vmem>>) semaphore(%arg9 : memref<!tpu.dma_semaphore, #tpu.memory_space<semaphore_mem>>) {add = true}
      %mul3A_53 = arith.constant 8 : i32
      %mul3A_54 = arith.muli %add3A_35, %mul3A_53 : i32
      %add3A_55 = arith.constant 2 : i32
      %add3A_56 = arith.addi %mul3A_54, %add3A_55 : i32
      %dma_start3A_57 = arith.constant 0 : i32
      %dma_start3A_58 = tpu.memref_slice %arg5[%add3A_56, %dma_start3A_57] : memref<160x64xi32, #tpu.memory_space<vmem>> -> memref<1x64xi32, #tpu.memory_space<vmem>>
      %dma_start3A_59 = tpu.memref_squeeze %dma_start3A_58 : memref<1x64xi32, #tpu.memory_space<vmem>> -> memref<64xi32, #tpu.memory_space<vmem>>
      %dma_start3A_60 = arith.constant 0 : i32
      %dma_start3A_61 = tpu.memref_slice %arg8[%dma_start3A_60] : memref<10240xf32, #tpu.memory_space<vmem_shared>> -> memref<10240xf32, #tpu.memory_space<vmem_shared>>
      tpu.enqueue_indirect_dma source(%arg6 : memref<64xf32, #tpu.memory_space<vmem>>) target(%dma_start3A_61 : memref<10240xf32, #tpu.memory_space<vmem_shared>>) offsets(%dma_start3A_59 : memref<64xi32, #tpu.memory_space<vmem>>) semaphore(%arg9 : memref<!tpu.dma_semaphore, #tpu.memory_space<semaphore_mem>>) {add = true}
      %mul3A_62 = arith.constant 8 : i32
      %mul3A_63 = arith.muli %add3A_35, %mul3A_62 : i32
      %add3A_64 = arith.constant 3 : i32
      %add3A_65 = arith.addi %mul3A_63, %add3A_64 : i32
      %dma_start3A_66 = arith.constant 0 : i32
      %dma_start3A_67 = tpu.memref_slice %arg5[%add3A_65, %dma_start3A_66] : memref<160x64xi32, #tpu.memory_space<vmem>> -> memref<1x64xi32, #tpu.memory_space<vmem>>
      %dma_start3A_68 = tpu.memref_squeeze %dma_start3A_67 : memref<1x64xi32, #tpu.memory_space<vmem>> -> memref<64xi32, #tpu.memory_space<vmem>>
      %dma_start3A_69 = arith.constant 0 : i32
      %dma_start3A_70 = tpu.memref_slice %arg8[%dma_start3A_69] : memref<10240xf32, #tpu.memory_space<vmem_shared>> -> memref<10240xf32, #tpu.memory_space<vmem_shared>>
      tpu.enqueue_indirect_dma source(%arg6 : memref<64xf32, #tpu.memory_space<vmem>>) target(%dma_start3A_70 : memref<10240xf32, #tpu.memory_space<vmem_shared>>) offsets(%dma_start3A_68 : memref<64xi32, #tpu.memory_space<vmem>>) semaphore(%arg9 : memref<!tpu.dma_semaphore, #tpu.memory_space<semaphore_mem>>) {add = true}
      %mul3A_71 = arith.constant 8 : i32
      %mul3A_72 = arith.muli %add3A_35, %mul3A_71 : i32
      %add3A_73 = arith.constant 4 : i32
      %add3A_74 = arith.addi %mul3A_72, %add3A_73 : i32
      %dma_start3A_75 = arith.constant 0 : i32
      %dma_start3A_76 = tpu.memref_slice %arg5[%add3A_74, %dma_start3A_75] : memref<160x64xi32, #tpu.memory_space<vmem>> -> memref<1x64xi32, #tpu.memory_space<vmem>>
      %dma_start3A_77 = tpu.memref_squeeze %dma_start3A_76 : memref<1x64xi32, #tpu.memory_space<vmem>> -> memref<64xi32, #tpu.memory_space<vmem>>
      %dma_start3A_78 = arith.constant 0 : i32
      %dma_start3A_79 = tpu.memref_slice %arg8[%dma_start3A_78] : memref<10240xf32, #tpu.memory_space<vmem_shared>> -> memref<10240xf32, #tpu.memory_space<vmem_shared>>
      tpu.enqueue_indirect_dma source(%arg6 : memref<64xf32, #tpu.memory_space<vmem>>) target(%dma_start3A_79 : memref<10240xf32, #tpu.memory_space<vmem_shared>>) offsets(%dma_start3A_77 : memref<64xi32, #tpu.memory_space<vmem>>) semaphore(%arg9 : memref<!tpu.dma_semaphore, #tpu.memory_space<semaphore_mem>>) {add = true}
      %mul3A_80 = arith.constant 8 : i32
      %mul3A_81 = arith.muli %add3A_35, %mul3A_80 : i32
      %add3A_82 = arith.constant 5 : i32
      %add3A_83 = arith.addi %mul3A_81, %add3A_82 : i32
      %dma_start3A_84 = arith.constant 0 : i32
      %dma_start3A_85 = tpu.memref_slice %arg5[%add3A_83, %dma_start3A_84] : memref<160x64xi32, #tpu.memory_space<vmem>> -> memref<1x64xi32, #tpu.memory_space<vmem>>
      %dma_start3A_86 = tpu.memref_squeeze %dma_start3A_85 : memref<1x64xi32, #tpu.memory_space<vmem>> -> memref<64xi32, #tpu.memory_space<vmem>>
      %dma_start3A_87 = arith.constant 0 : i32
      %dma_start3A_88 = tpu.memref_slice %arg8[%dma_start3A_87] : memref<10240xf32, #tpu.memory_space<vmem_shared>> -> memref<10240xf32, #tpu.memory_space<vmem_shared>>
      tpu.enqueue_indirect_dma source(%arg6 : memref<64xf32, #tpu.memory_space<vmem>>) target(%dma_start3A_88 : memref<10240xf32, #tpu.memory_space<vmem_shared>>) offsets(%dma_start3A_86 : memref<64xi32, #tpu.memory_space<vmem>>) semaphore(%arg9 : memref<!tpu.dma_semaphore, #tpu.memory_space<semaphore_mem>>) {add = true}
      %mul3A_89 = arith.constant 8 : i32
      %mul3A_90 = arith.muli %add3A_35, %mul3A_89 : i32
      %add3A_91 = arith.constant 6 : i32
      %add3A_92 = arith.addi %mul3A_90, %add3A_91 : i32
      %dma_start3A_93 = arith.constant 0 : i32
      %dma_start3A_94 = tpu.memref_slice %arg5[%add3A_92, %dma_start3A_93] : memref<160x64xi32, #tpu.memory_space<vmem>> -> memref<1x64xi32, #tpu.memory_space<vmem>>
      %dma_start3A_95 = tpu.memref_squeeze %dma_start3A_94 : memref<1x64xi32, #tpu.memory_space<vmem>> -> memref<64xi32, #tpu.memory_space<vmem>>
      %dma_start3A_96 = arith.constant 0 : i32
      %dma_start3A_97 = tpu.memref_slice %arg8[%dma_start3A_96] : memref<10240xf32, #tpu.memory_space<vmem_shared>> -> memref<10240xf32, #tpu.memory_space<vmem_shared>>
      tpu.enqueue_indirect_dma source(%arg6 : memref<64xf32, #tpu.memory_space<vmem>>) target(%dma_start3A_97 : memref<10240xf32, #tpu.memory_space<vmem_shared>>) offsets(%dma_start3A_95 : memref<64xi32, #tpu.memory_space<vmem>>) semaphore(%arg9 : memref<!tpu.dma_semaphore, #tpu.memory_space<semaphore_mem>>) {add = true}
      %mul3A_98 = arith.constant 8 : i32
      %mul3A_99 = arith.muli %add3A_35, %mul3A_98 : i32
      %add3A_100 = arith.constant 7 : i32
      %add3A_101 = arith.addi %mul3A_99, %add3A_100 : i32
      %dma_start3A_102 = arith.constant 0 : i32
      %dma_start3A_103 = tpu.memref_slice %arg5[%add3A_101, %dma_start3A_102] : memref<160x64xi32, #tpu.memory_space<vmem>> -> memref<1x64xi32, #tpu.memory_space<vmem>>
      %dma_start3A_104 = tpu.memref_squeeze %dma_start3A_103 : memref<1x64xi32, #tpu.memory_space<vmem>> -> memref<64xi32, #tpu.memory_space<vmem>>
      %dma_start3A_105 = arith.constant 0 : i32
      %dma_start3A_106 = tpu.memref_slice %arg8[%dma_start3A_105] : memref<10240xf32, #tpu.memory_space<vmem_shared>> -> memref<10240xf32, #tpu.memory_space<vmem_shared>>
      tpu.enqueue_indirect_dma source(%arg6 : memref<64xf32, #tpu.memory_space<vmem>>) target(%dma_start3A_106 : memref<10240xf32, #tpu.memory_space<vmem_shared>>) offsets(%dma_start3A_104 : memref<64xi32, #tpu.memory_space<vmem>>) semaphore(%arg9 : memref<!tpu.dma_semaphore, #tpu.memory_space<semaphore_mem>>) {add = true}
      %dma_wait3A = arith.constant 0 : i32
      %dma_wait3A_107 = tpu.memref_slice %arg5[%add3A_39, %dma_wait3A] : memref<160x64xi32, #tpu.memory_space<vmem>> -> memref<1x64xi32, #tpu.memory_space<vmem>>
      %dma_wait3A_108 = tpu.memref_squeeze %dma_wait3A_107 : memref<1x64xi32, #tpu.memory_space<vmem>> -> memref<64xi32, #tpu.memory_space<vmem>>
      %dma_wait3A_109 = arith.constant 0 : i32
      %dma_wait3A_110 = tpu.memref_slice %arg8[%dma_wait3A_109] : memref<10240xf32, #tpu.memory_space<vmem_shared>> -> memref<10240xf32, #tpu.memory_space<vmem_shared>>
      tpu.wait_indirect_dma semaphore(%arg9 : memref<!tpu.dma_semaphore, #tpu.memory_space<semaphore_mem>>) src(%arg6 : memref<64xf32, #tpu.memory_space<vmem>>) dst(%dma_wait3A_110 : memref<10240xf32, #tpu.memory_space<vmem_shared>>)
      %dma_wait3A_111 = arith.constant 0 : i32
      %dma_wait3A_112 = tpu.memref_slice %arg5[%add3A_47, %dma_wait3A_111] : memref<160x64xi32, #tpu.memory_space<vmem>> -> memref<1x64xi32, #tpu.memory_space<vmem>>
      %dma_wait3A_113 = tpu.memref_squeeze %dma_wait3A_112 : memref<1x64xi32, #tpu.memory_space<vmem>> -> memref<64xi32, #tpu.memory_space<vmem>>
      %dma_wait3A_114 = arith.constant 0 : i32
      %dma_wait3A_115 = tpu.memref_slice %arg8[%dma_wait3A_114] : memref<10240xf32, #tpu.memory_space<vmem_shared>> -> memref<10240xf32, #tpu.memory_space<vmem_shared>>
      tpu.wait_indirect_dma semaphore(%arg9 : memref<!tpu.dma_semaphore, #tpu.memory_space<semaphore_mem>>) src(%arg6 : memref<64xf32, #tpu.memory_space<vmem>>) dst(%dma_wait3A_115 : memref<10240xf32, #tpu.memory_space<vmem_shared>>)
      %dma_wait3A_116 = arith.constant 0 : i32
      %dma_wait3A_117 = tpu.memref_slice %arg5[%add3A_56, %dma_wait3A_116] : memref<160x64xi32, #tpu.memory_space<vmem>> -> memref<1x64xi32, #tpu.memory_space<vmem>>
      %dma_wait3A_118 = tpu.memref_squeeze %dma_wait3A_117 : memref<1x64xi32, #tpu.memory_space<vmem>> -> memref<64xi32, #tpu.memory_space<vmem>>
      %dma_wait3A_119 = arith.constant 0 : i32
      %dma_wait3A_120 = tpu.memref_slice %arg8[%dma_wait3A_119] : memref<10240xf32, #tpu.memory_space<vmem_shared>> -> memref<10240xf32, #tpu.memory_space<vmem_shared>>
      tpu.wait_indirect_dma semaphore(%arg9 : memref<!tpu.dma_semaphore, #tpu.memory_space<semaphore_mem>>) src(%arg6 : memref<64xf32, #tpu.memory_space<vmem>>) dst(%dma_wait3A_120 : memref<10240xf32, #tpu.memory_space<vmem_shared>>)
      %dma_wait3A_121 = arith.constant 0 : i32
      %dma_wait3A_122 = tpu.memref_slice %arg5[%add3A_65, %dma_wait3A_121] : memref<160x64xi32, #tpu.memory_space<vmem>> -> memref<1x64xi32, #tpu.memory_space<vmem>>
      %dma_wait3A_123 = tpu.memref_squeeze %dma_wait3A_122 : memref<1x64xi32, #tpu.memory_space<vmem>> -> memref<64xi32, #tpu.memory_space<vmem>>
      %dma_wait3A_124 = arith.constant 0 : i32
      %dma_wait3A_125 = tpu.memref_slice %arg8[%dma_wait3A_124] : memref<10240xf32, #tpu.memory_space<vmem_shared>> -> memref<10240xf32, #tpu.memory_space<vmem_shared>>
      tpu.wait_indirect_dma semaphore(%arg9 : memref<!tpu.dma_semaphore, #tpu.memory_space<semaphore_mem>>) src(%arg6 : memref<64xf32, #tpu.memory_space<vmem>>) dst(%dma_wait3A_125 : memref<10240xf32, #tpu.memory_space<vmem_shared>>)
      %dma_wait3A_126 = arith.constant 0 : i32
      %dma_wait3A_127 = tpu.memref_slice %arg5[%add3A_74, %dma_wait3A_126] : memref<160x64xi32, #tpu.memory_space<vmem>> -> memref<1x64xi32, #tpu.memory_space<vmem>>
      %dma_wait3A_128 = tpu.memref_squeeze %dma_wait3A_127 : memref<1x64xi32, #tpu.memory_space<vmem>> -> memref<64xi32, #tpu.memory_space<vmem>>
      %dma_wait3A_129 = arith.constant 0 : i32
      %dma_wait3A_130 = tpu.memref_slice %arg8[%dma_wait3A_129] : memref<10240xf32, #tpu.memory_space<vmem_shared>> -> memref<10240xf32, #tpu.memory_space<vmem_shared>>
      tpu.wait_indirect_dma semaphore(%arg9 : memref<!tpu.dma_semaphore, #tpu.memory_space<semaphore_mem>>) src(%arg6 : memref<64xf32, #tpu.memory_space<vmem>>) dst(%dma_wait3A_130 : memref<10240xf32, #tpu.memory_space<vmem_shared>>)
      %dma_wait3A_131 = arith.constant 0 : i32
      %dma_wait3A_132 = tpu.memref_slice %arg5[%add3A_83, %dma_wait3A_131] : memref<160x64xi32, #tpu.memory_space<vmem>> -> memref<1x64xi32, #tpu.memory_space<vmem>>
      %dma_wait3A_133 = tpu.memref_squeeze %dma_wait3A_132 : memref<1x64xi32, #tpu.memory_space<vmem>> -> memref<64xi32, #tpu.memory_space<vmem>>
      %dma_wait3A_134 = arith.constant 0 : i32
      %dma_wait3A_135 = tpu.memref_slice %arg8[%dma_wait3A_134] : memref<10240xf32, #tpu.memory_space<vmem_shared>> -> memref<10240xf32, #tpu.memory_space<vmem_shared>>
      tpu.wait_indirect_dma semaphore(%arg9 : memref<!tpu.dma_semaphore, #tpu.memory_space<semaphore_mem>>) src(%arg6 : memref<64xf32, #tpu.memory_space<vmem>>) dst(%dma_wait3A_135 : memref<10240xf32, #tpu.memory_space<vmem_shared>>)
      %dma_wait3A_136 = arith.constant 0 : i32
      %dma_wait3A_137 = tpu.memref_slice %arg5[%add3A_92, %dma_wait3A_136] : memref<160x64xi32, #tpu.memory_space<vmem>> -> memref<1x64xi32, #tpu.memory_space<vmem>>
      %dma_wait3A_138 = tpu.memref_squeeze %dma_wait3A_137 : memref<1x64xi32, #tpu.memory_space<vmem>> -> memref<64xi32, #tpu.memory_space<vmem>>
      %dma_wait3A_139 = arith.constant 0 : i32
      %dma_wait3A_140 = tpu.memref_slice %arg8[%dma_wait3A_139] : memref<10240xf32, #tpu.memory_space<vmem_shared>> -> memref<10240xf32, #tpu.memory_space<vmem_shared>>
      tpu.wait_indirect_dma semaphore(%arg9 : memref<!tpu.dma_semaphore, #tpu.memory_space<semaphore_mem>>) src(%arg6 : memref<64xf32, #tpu.memory_space<vmem>>) dst(%dma_wait3A_140 : memref<10240xf32, #tpu.memory_space<vmem_shared>>)
      %dma_wait3A_141 = arith.constant 0 : i32
      %dma_wait3A_142 = tpu.memref_slice %arg5[%add3A_101, %dma_wait3A_141] : memref<160x64xi32, #tpu.memory_space<vmem>> -> memref<1x64xi32, #tpu.memory_space<vmem>>
      %dma_wait3A_143 = tpu.memref_squeeze %dma_wait3A_142 : memref<1x64xi32, #tpu.memory_space<vmem>> -> memref<64xi32, #tpu.memory_space<vmem>>
      %dma_wait3A_144 = arith.constant 0 : i32
      %dma_wait3A_145 = tpu.memref_slice %arg8[%dma_wait3A_144] : memref<10240xf32, #tpu.memory_space<vmem_shared>> -> memref<10240xf32, #tpu.memory_space<vmem_shared>>
      tpu.wait_indirect_dma semaphore(%arg9 : memref<!tpu.dma_semaphore, #tpu.memory_space<semaphore_mem>>) src(%arg6 : memref<64xf32, #tpu.memory_space<vmem>>) dst(%dma_wait3A_145 : memref<10240xf32, #tpu.memory_space<vmem_shared>>)
    }
    %scan3A_19 = arith.constant 20 : i32
    %barrier3A_20 = arith.constant 0 : index
    tpu.barrier barrier_id(%barrier3A_20)
    %mul3A_21 = arith.constant 640 : i32
    %mul3A_22 = arith.muli %arg1, %mul3A_21 : i32
    %multiple_of3A_23 = tpu.assume_multiple %mul3A_22, 640 : i32
    %eq3A = arith.constant 0 : i32
    %eq3A_24 = arith.cmpi eq, %arg0, %eq3A : i32
    %convert_element_type3A = arith.extui %eq3A_24 : i1 to i32
    %cond3A = arith.constant 0 : i32
    %cond3A_25 = arith.cmpi ne, %convert_element_type3A, %cond3A : i32
    scf.if %cond3A_25 {
      "tpu.region"() ({
        %run_scoped3A = tpu.sem_alloc : memref<!tpu.dma_semaphore, #tpu.memory_space<semaphore_mem>>
        %dma_start3A = tpu.memref_slice %arg3[%multiple_of3A_23] : memref<10240xf32, #tpu.memory_space<hbm>> -> memref<640xf32, #tpu.memory_space<hbm>>
        %dma_start3A_31 = tpu.memref_slice %arg8[%multiple_of3A_23] : memref<10240xf32, #tpu.memory_space<vmem_shared>> -> memref<640xf32, #tpu.memory_space<vmem_shared>>
        tpu.enqueue_dma source(%dma_start3A_31 : memref<640xf32, #tpu.memory_space<vmem_shared>>) target(%dma_start3A : memref<640xf32, #tpu.memory_space<hbm>>) target_semaphore(%run_scoped3A : memref<!tpu.dma_semaphore, #tpu.memory_space<semaphore_mem>>)
        %dma_wait3A = tpu.memref_slice %arg3[%multiple_of3A_23] : memref<10240xf32, #tpu.memory_space<hbm>> -> memref<640xf32, #tpu.memory_space<hbm>>
        %dma_wait3A_32 = tpu.memref_slice %arg8[%multiple_of3A_23] : memref<10240xf32, #tpu.memory_space<vmem_shared>> -> memref<640xf32, #tpu.memory_space<vmem_shared>>
        tpu.wait_dma2 semaphore(%run_scoped3A : memref<!tpu.dma_semaphore, #tpu.memory_space<semaphore_mem>>) src(%dma_wait3A_32 : memref<640xf32, #tpu.memory_space<vmem_shared>>) dst(%dma_wait3A : memref<640xf32, #tpu.memory_space<hbm>>)
        tpu.yield
      }) : () -> ()
    } else {
    }
    %eq3A_26 = arith.constant 1 : i32
    %eq3A_27 = arith.cmpi eq, %arg0, %eq3A_26 : i32
    %convert_element_type3A_28 = arith.extui %eq3A_27 : i1 to i32
    %cond3A_29 = arith.constant 0 : i32
    %cond3A_30 = arith.cmpi ne, %convert_element_type3A_28, %cond3A_29 : i32
    scf.if %cond3A_30 {
      "tpu.region"() ({
        %run_scoped3A = tpu.sem_alloc : memref<!tpu.dma_semaphore, #tpu.memory_space<semaphore_mem>>
        %dma_start3A = tpu.memref_slice %arg4[%multiple_of3A_23] : memref<10240xf32, #tpu.memory_space<hbm>> -> memref<640xf32, #tpu.memory_space<hbm>>
        %dma_start3A_31 = tpu.memref_slice %arg8[%multiple_of3A_23] : memref<10240xf32, #tpu.memory_space<vmem_shared>> -> memref<640xf32, #tpu.memory_space<vmem_shared>>
        tpu.enqueue_dma source(%dma_start3A_31 : memref<640xf32, #tpu.memory_space<vmem_shared>>) target(%dma_start3A : memref<640xf32, #tpu.memory_space<hbm>>) target_semaphore(%run_scoped3A : memref<!tpu.dma_semaphore, #tpu.memory_space<semaphore_mem>>)
        %dma_wait3A = tpu.memref_slice %arg4[%multiple_of3A_23] : memref<10240xf32, #tpu.memory_space<hbm>> -> memref<640xf32, #tpu.memory_space<hbm>>
        %dma_wait3A_32 = tpu.memref_slice %arg8[%multiple_of3A_23] : memref<10240xf32, #tpu.memory_space<vmem_shared>> -> memref<640xf32, #tpu.memory_space<vmem_shared>>
        tpu.wait_dma2 semaphore(%run_scoped3A : memref<!tpu.dma_semaphore, #tpu.memory_space<semaphore_mem>>) src(%dma_wait3A_32 : memref<640xf32, #tpu.memory_space<vmem_shared>>) dst(%dma_wait3A : memref<640xf32, #tpu.memory_space<hbm>>)
        tpu.yield
      }) : () -> ()
    } else {
    }
    return
  }
}

#map = affine_map<(d0, d1) -> (0, 0)>
module attributes {stable_mosaic.version = 14 : i64} {
  func.func @_scatter_body(%arg0: i32, %arg1: i32, %arg2: memref<10000x128xf32, #tpu.memory_space<hbm>>, %arg3: memref<5120x64xi32, #tpu.memory_space<hbm>>, %arg4: memref<5120x64xi32, #tpu.memory_space<hbm>>, %arg5: memref<10240x128xf32, #tpu.memory_space<hbm>>, %arg6: memref<10240x128xf32, #tpu.memory_space<hbm>>, %arg7: memref<40x64xi32, #tpu.memory_space<vmem>>, %arg8: memref<40x64xi32, #tpu.memory_space<vmem>>, %arg9: memref<64x128xf32, #tpu.memory_space<vmem>>, %arg10: memref<64x128xf32, #tpu.memory_space<vmem>>, %arg11: memref<64x128xf32, #tpu.memory_space<vmem>>, %arg12: memref<64x128xf32, #tpu.memory_space<vmem>>, %arg13: memref<10240x128xf32, #tpu.memory_space<vmem_shared>>, %arg14: memref<!tpu.dma_semaphore, #tpu.memory_space<semaphore_mem>>, %arg15: memref<!tpu.dma_semaphore, #tpu.memory_space<semaphore_mem>>, %arg16: memref<!tpu.dma_semaphore, #tpu.memory_space<semaphore_mem>>, %arg17: memref<!tpu.dma_semaphore, #tpu.memory_space<semaphore_mem>>, %arg18: memref<!tpu.dma_semaphore, #tpu.memory_space<semaphore_mem>>, %arg19: memref<!tpu.dma_semaphore, #tpu.memory_space<semaphore_mem>>, %arg20: memref<!tpu.dma_semaphore, #tpu.memory_space<semaphore_mem>>, %arg21: memref<!tpu.dma_semaphore, #tpu.memory_space<semaphore_mem>>) attributes {dimension_semantics = [#tpu.dimension_semantics<core_parallel>, #tpu.dimension_semantics<subcore_parallel>], iteration_bounds = array<i64: 2, 16>, scalar_prefetch = 0 : i64, scratch_operands = 15 : i64, tpu.core_type = #tpu.core_type<sc_vector_subcore>, window_params = [{transform_indices = #map}, {transform_indices = #map}, {transform_indices = #map}, {transform_indices = #map}, {transform_indices = #map}]} {
    %mul3A = arith.constant 2 : i32
    %mul3A_0 = arith.muli %arg1, %mul3A : i32
    %add3A = arith.addi %mul3A_0, %arg0 : i32
    %scan3A = arith.constant 0 : i32
    %scan3A_1 = arith.constant 64 : i32
    %scan3A_2 = arith.addi %scan3A, %scan3A_1 : i32
    %scan3A_3 = arith.constant 1 : i32
    scf.for %scan3A_551 = %scan3A to %scan3A_2 step %scan3A_3  : i32 {
      %mul3A_552 = arith.constant 1 : i32
      %mul3A_553 = arith.muli %scan3A_551, %mul3A_552 : i32
      %add3A_554 = arith.constant 0 : i32
      %add3A_555 = arith.addi %add3A_554, %mul3A_553 : i32
      %broadcast_in_dim3A = arith.constant 0.000000e+00 : f32
      %broadcast_in_dim3A_556 = vector.broadcast %broadcast_in_dim3A : f32 to vector<16xf32>
      %swap3A = arith.index_cast %add3A_555 : i32 to index
      %swap3A_557 = arith.constant 0 : index
      %swap3A_558 = tpu.vector_load %arg9[%swap3A, %swap3A_557] {strides = array<i32>} : memref<64x128xf32, #tpu.memory_space<vmem>>, vector<1x16xf32>,
      %swap3A_559 = vector.shape_cast %swap3A_558 : vector<1x16xf32> to vector<16xf32>
      %swap3A_560 = vector.shape_cast %broadcast_in_dim3A_556 : vector<16xf32> to vector<1x16xf32>
      tpu.vector_store %arg9[%swap3A, %swap3A_557], %swap3A_560 {strides = array<i32>} : memref<64x128xf32, #tpu.memory_space<vmem>>, vector<1x16xf32>,
      %broadcast_in_dim3A_561 = arith.constant 0.000000e+00 : f32
      %broadcast_in_dim3A_562 = vector.broadcast %broadcast_in_dim3A_561 : f32 to vector<16xf32>
      %swap3A_563 = arith.index_cast %add3A_555 : i32 to index
      %swap3A_564 = arith.constant 16 : index
      %swap3A_565 = tpu.vector_load %arg9[%swap3A_563, %swap3A_564] {strides = array<i32>} : memref<64x128xf32, #tpu.memory_space<vmem>>, vector<1x16xf32>,
      %swap3A_566 = vector.shape_cast %swap3A_565 : vector<1x16xf32> to vector<16xf32>
      %swap3A_567 = vector.shape_cast %broadcast_in_dim3A_562 : vector<16xf32> to vector<1x16xf32>
      tpu.vector_store %arg9[%swap3A_563, %swap3A_564], %swap3A_567 {strides = array<i32>} : memref<64x128xf32, #tpu.memory_space<vmem>>, vector<1x16xf32>,
      %broadcast_in_dim3A_568 = arith.constant 0.000000e+00 : f32
      %broadcast_in_dim3A_569 = vector.broadcast %broadcast_in_dim3A_568 : f32 to vector<16xf32>
      %swap3A_570 = arith.index_cast %add3A_555 : i32 to index
      %swap3A_571 = arith.constant 32 : index
      %swap3A_572 = tpu.vector_load %arg9[%swap3A_570, %swap3A_571] {strides = array<i32>} : memref<64x128xf32, #tpu.memory_space<vmem>>, vector<1x16xf32>,
      %swap3A_573 = vector.shape_cast %swap3A_572 : vector<1x16xf32> to vector<16xf32>
      %swap3A_574 = vector.shape_cast %broadcast_in_dim3A_569 : vector<16xf32> to vector<1x16xf32>
      tpu.vector_store %arg9[%swap3A_570, %swap3A_571], %swap3A_574 {strides = array<i32>} : memref<64x128xf32, #tpu.memory_space<vmem>>, vector<1x16xf32>,
      %broadcast_in_dim3A_575 = arith.constant 0.000000e+00 : f32
      %broadcast_in_dim3A_576 = vector.broadcast %broadcast_in_dim3A_575 : f32 to vector<16xf32>
      %swap3A_577 = arith.index_cast %add3A_555 : i32 to index
      %swap3A_578 = arith.constant 48 : index
      %swap3A_579 = tpu.vector_load %arg9[%swap3A_577, %swap3A_578] {strides = array<i32>} : memref<64x128xf32, #tpu.memory_space<vmem>>, vector<1x16xf32>,
      %swap3A_580 = vector.shape_cast %swap3A_579 : vector<1x16xf32> to vector<16xf32>
      %swap3A_581 = vector.shape_cast %broadcast_in_dim3A_576 : vector<16xf32> to vector<1x16xf32>
      tpu.vector_store %arg9[%swap3A_577, %swap3A_578], %swap3A_581 {strides = array<i32>} : memref<64x128xf32, #tpu.memory_space<vmem>>, vector<1x16xf32>,
      %broadcast_in_dim3A_582 = arith.constant 0.000000e+00 : f32
      %broadcast_in_dim3A_583 = vector.broadcast %broadcast_in_dim3A_582 : f32 to vector<16xf32>
      %swap3A_584 = arith.index_cast %add3A_555 : i32 to index
      %swap3A_585 = arith.constant 64 : index
      %swap3A_586 = tpu.vector_load %arg9[%swap3A_584, %swap3A_585] {strides = array<i32>} : memref<64x128xf32, #tpu.memory_space<vmem>>, vector<1x16xf32>,
      %swap3A_587 = vector.shape_cast %swap3A_586 : vector<1x16xf32> to vector<16xf32>
      %swap3A_588 = vector.shape_cast %broadcast_in_dim3A_583 : vector<16xf32> to vector<1x16xf32>
      tpu.vector_store %arg9[%swap3A_584, %swap3A_585], %swap3A_588 {strides = array<i32>} : memref<64x128xf32, #tpu.memory_space<vmem>>, vector<1x16xf32>,
      %broadcast_in_dim3A_589 = arith.constant 0.000000e+00 : f32
      %broadcast_in_dim3A_590 = vector.broadcast %broadcast_in_dim3A_589 : f32 to vector<16xf32>
      %swap3A_591 = arith.index_cast %add3A_555 : i32 to index
      %swap3A_592 = arith.constant 80 : index
      %swap3A_593 = tpu.vector_load %arg9[%swap3A_591, %swap3A_592] {strides = array<i32>} : memref<64x128xf32, #tpu.memory_space<vmem>>, vector<1x16xf32>,
      %swap3A_594 = vector.shape_cast %swap3A_593 : vector<1x16xf32> to vector<16xf32>
      %swap3A_595 = vector.shape_cast %broadcast_in_dim3A_590 : vector<16xf32> to vector<1x16xf32>
      tpu.vector_store %arg9[%swap3A_591, %swap3A_592], %swap3A_595 {strides = array<i32>} : memref<64x128xf32, #tpu.memory_space<vmem>>, vector<1x16xf32>,
      %broadcast_in_dim3A_596 = arith.constant 0.000000e+00 : f32
      %broadcast_in_dim3A_597 = vector.broadcast %broadcast_in_dim3A_596 : f32 to vector<16xf32>
      %swap3A_598 = arith.index_cast %add3A_555 : i32 to index
      %swap3A_599 = arith.constant 96 : index
      %swap3A_600 = tpu.vector_load %arg9[%swap3A_598, %swap3A_599] {strides = array<i32>} : memref<64x128xf32, #tpu.memory_space<vmem>>, vector<1x16xf32>,
      %swap3A_601 = vector.shape_cast %swap3A_600 : vector<1x16xf32> to vector<16xf32>
      %swap3A_602 = vector.shape_cast %broadcast_in_dim3A_597 : vector<16xf32> to vector<1x16xf32>
      tpu.vector_store %arg9[%swap3A_598, %swap3A_599], %swap3A_602 {strides = array<i32>} : memref<64x128xf32, #tpu.memory_space<vmem>>, vector<1x16xf32>,
      %broadcast_in_dim3A_603 = arith.constant 0.000000e+00 : f32
      %broadcast_in_dim3A_604 = vector.broadcast %broadcast_in_dim3A_603 : f32 to vector<16xf32>
      %swap3A_605 = arith.index_cast %add3A_555 : i32 to index
      %swap3A_606 = arith.constant 112 : index
      %swap3A_607 = tpu.vector_load %arg9[%swap3A_605, %swap3A_606] {strides = array<i32>} : memref<64x128xf32, #tpu.memory_space<vmem>>, vector<1x16xf32>,
      %swap3A_608 = vector.shape_cast %swap3A_607 : vector<1x16xf32> to vector<16xf32>
      %swap3A_609 = vector.shape_cast %broadcast_in_dim3A_604 : vector<16xf32> to vector<1x16xf32>
      tpu.vector_store %arg9[%swap3A_605, %swap3A_606], %swap3A_609 {strides = array<i32>} : memref<64x128xf32, #tpu.memory_space<vmem>>, vector<1x16xf32>,
    }
    %scan3A_4 = arith.constant 64 : i32
    %mul3A_5 = arith.constant 640 : i32
    %mul3A_6 = arith.muli %arg1, %mul3A_5 : i32
    %add3A_7 = arith.constant 0 : i32
    %add3A_8 = arith.addi %mul3A_6, %add3A_7 : i32
    %multiple_of3A = tpu.assume_multiple %add3A_8, 64 : i32
    "tpu.region"() ({
      %run_scoped3A = tpu.sem_alloc : memref<!tpu.dma_semaphore, #tpu.memory_space<semaphore_mem>>
      %dma_start3A_551 = arith.constant 0 : i32
      %dma_start3A_552 = tpu.memref_slice %arg13[%multiple_of3A, %dma_start3A_551] : memref<10240x128xf32, #tpu.memory_space<vmem_shared>> -> memref<64x128xf32, #tpu.memory_space<vmem_shared>>
      %dma_start3A_553 = arith.constant 0 : i32
      %dma_start3A_554 = tpu.memref_slice %arg13[%multiple_of3A, %dma_start3A_553] : memref<10240x128xf32, #tpu.memory_space<vmem_shared>> -> memref<64x128xf32, #tpu.memory_space<vmem_shared>>
      tpu.enqueue_dma source(%arg9 : memref<64x128xf32, #tpu.memory_space<vmem>>) target(%dma_start3A_554 : memref<64x128xf32, #tpu.memory_space<vmem_shared>>) target_semaphore(%run_scoped3A : memref<!tpu.dma_semaphore, #tpu.memory_space<semaphore_mem>>)
      %dma_wait3A_555 = arith.constant 0 : i32
      %dma_wait3A_556 = tpu.memref_slice %arg13[%multiple_of3A, %dma_wait3A_555] : memref<10240x128xf32, #tpu.memory_space<vmem_shared>> -> memref<64x128xf32, #tpu.memory_space<vmem_shared>>
      %dma_wait3A_557 = arith.constant 0 : i32
      %dma_wait3A_558 = tpu.memref_slice %arg13[%multiple_of3A, %dma_wait3A_557] : memref<10240x128xf32, #tpu.memory_space<vmem_shared>> -> memref<64x128xf32, #tpu.memory_space<vmem_shared>>
      tpu.wait_dma2 semaphore(%run_scoped3A : memref<!tpu.dma_semaphore, #tpu.memory_space<semaphore_mem>>) src(%arg9 : memref<64x128xf32, #tpu.memory_space<vmem>>) dst(%dma_wait3A_558 : memref<64x128xf32, #tpu.memory_space<vmem_shared>>)
      tpu.yield
    }) : () -> ()
    %mul3A_9 = arith.constant 640 : i32
    %mul3A_10 = arith.muli %arg1, %mul3A_9 : i32
    %add3A_11 = arith.constant 64 : i32
    %add3A_12 = arith.addi %mul3A_10, %add3A_11 : i32
    %multiple_of3A_13 = tpu.assume_multiple %add3A_12, 64 : i32
    "tpu.region"() ({
      %run_scoped3A = tpu.sem_alloc : memref<!tpu.dma_semaphore, #tpu.memory_space<semaphore_mem>>
      %dma_start3A_551 = arith.constant 0 : i32
      %dma_start3A_552 = tpu.memref_slice %arg13[%multiple_of3A_13, %dma_start3A_551] : memref<10240x128xf32, #tpu.memory_space<vmem_shared>> -> memref<64x128xf32, #tpu.memory_space<vmem_shared>>
      %dma_start3A_553 = arith.constant 0 : i32
      %dma_start3A_554 = tpu.memref_slice %arg13[%multiple_of3A_13, %dma_start3A_553] : memref<10240x128xf32, #tpu.memory_space<vmem_shared>> -> memref<64x128xf32, #tpu.memory_space<vmem_shared>>
      tpu.enqueue_dma source(%arg9 : memref<64x128xf32, #tpu.memory_space<vmem>>) target(%dma_start3A_554 : memref<64x128xf32, #tpu.memory_space<vmem_shared>>) target_semaphore(%run_scoped3A : memref<!tpu.dma_semaphore, #tpu.memory_space<semaphore_mem>>)
      %dma_wait3A_555 = arith.constant 0 : i32
      %dma_wait3A_556 = tpu.memref_slice %arg13[%multiple_of3A_13, %dma_wait3A_555] : memref<10240x128xf32, #tpu.memory_space<vmem_shared>> -> memref<64x128xf32, #tpu.memory_space<vmem_shared>>
      %dma_wait3A_557 = arith.constant 0 : i32
      %dma_wait3A_558 = tpu.memref_slice %arg13[%multiple_of3A_13, %dma_wait3A_557] : memref<10240x128xf32, #tpu.memory_space<vmem_shared>> -> memref<64x128xf32, #tpu.memory_space<vmem_shared>>
      tpu.wait_dma2 semaphore(%run_scoped3A : memref<!tpu.dma_semaphore, #tpu.memory_space<semaphore_mem>>) src(%arg9 : memref<64x128xf32, #tpu.memory_space<vmem>>) dst(%dma_wait3A_558 : memref<64x128xf32, #tpu.memory_space<vmem_shared>>)
      tpu.yield
    }) : () -> ()
    %mul3A_14 = arith.constant 640 : i32
    %mul3A_15 = arith.muli %arg1, %mul3A_14 : i32
    %add3A_16 = arith.constant 128 : i32
    %add3A_17 = arith.addi %mul3A_15, %add3A_16 : i32
    %multiple_of3A_18 = tpu.assume_multiple %add3A_17, 64 : i32
    "tpu.region"() ({
      %run_scoped3A = tpu.sem_alloc : memref<!tpu.dma_semaphore, #tpu.memory_space<semaphore_mem>>
      %dma_start3A_551 = arith.constant 0 : i32
      %dma_start3A_552 = tpu.memref_slice %arg13[%multiple_of3A_18, %dma_start3A_551] : memref<10240x128xf32, #tpu.memory_space<vmem_shared>> -> memref<64x128xf32, #tpu.memory_space<vmem_shared>>
      %dma_start3A_553 = arith.constant 0 : i32
      %dma_start3A_554 = tpu.memref_slice %arg13[%multiple_of3A_18, %dma_start3A_553] : memref<10240x128xf32, #tpu.memory_space<vmem_shared>> -> memref<64x128xf32, #tpu.memory_space<vmem_shared>>
      tpu.enqueue_dma source(%arg9 : memref<64x128xf32, #tpu.memory_space<vmem>>) target(%dma_start3A_554 : memref<64x128xf32, #tpu.memory_space<vmem_shared>>) target_semaphore(%run_scoped3A : memref<!tpu.dma_semaphore, #tpu.memory_space<semaphore_mem>>)
      %dma_wait3A_555 = arith.constant 0 : i32
      %dma_wait3A_556 = tpu.memref_slice %arg13[%multiple_of3A_18, %dma_wait3A_555] : memref<10240x128xf32, #tpu.memory_space<vmem_shared>> -> memref<64x128xf32, #tpu.memory_space<vmem_shared>>
      %dma_wait3A_557 = arith.constant 0 : i32
      %dma_wait3A_558 = tpu.memref_slice %arg13[%multiple_of3A_18, %dma_wait3A_557] : memref<10240x128xf32, #tpu.memory_space<vmem_shared>> -> memref<64x128xf32, #tpu.memory_space<vmem_shared>>
      tpu.wait_dma2 semaphore(%run_scoped3A : memref<!tpu.dma_semaphore, #tpu.memory_space<semaphore_mem>>) src(%arg9 : memref<64x128xf32, #tpu.memory_space<vmem>>) dst(%dma_wait3A_558 : memref<64x128xf32, #tpu.memory_space<vmem_shared>>)
      tpu.yield
    }) : () -> ()
    %mul3A_19 = arith.constant 640 : i32
    %mul3A_20 = arith.muli %arg1, %mul3A_19 : i32
    %add3A_21 = arith.constant 192 : i32
    %add3A_22 = arith.addi %mul3A_20, %add3A_21 : i32
    %multiple_of3A_23 = tpu.assume_multiple %add3A_22, 64 : i32
    "tpu.region"() ({
      %run_scoped3A = tpu.sem_alloc : memref<!tpu.dma_semaphore, #tpu.memory_space<semaphore_mem>>
      %dma_start3A_551 = arith.constant 0 : i32
      %dma_start3A_552 = tpu.memref_slice %arg13[%multiple_of3A_23, %dma_start3A_551] : memref<10240x128xf32, #tpu.memory_space<vmem_shared>> -> memref<64x128xf32, #tpu.memory_space<vmem_shared>>
      %dma_start3A_553 = arith.constant 0 : i32
      %dma_start3A_554 = tpu.memref_slice %arg13[%multiple_of3A_23, %dma_start3A_553] : memref<10240x128xf32, #tpu.memory_space<vmem_shared>> -> memref<64x128xf32, #tpu.memory_space<vmem_shared>>
      tpu.enqueue_dma source(%arg9 : memref<64x128xf32, #tpu.memory_space<vmem>>) target(%dma_start3A_554 : memref<64x128xf32, #tpu.memory_space<vmem_shared>>) target_semaphore(%run_scoped3A : memref<!tpu.dma_semaphore, #tpu.memory_space<semaphore_mem>>)
      %dma_wait3A_555 = arith.constant 0 : i32
      %dma_wait3A_556 = tpu.memref_slice %arg13[%multiple_of3A_23, %dma_wait3A_555] : memref<10240x128xf32, #tpu.memory_space<vmem_shared>> -> memref<64x128xf32, #tpu.memory_space<vmem_shared>>
      %dma_wait3A_557 = arith.constant 0 : i32
      %dma_wait3A_558 = tpu.memref_slice %arg13[%multiple_of3A_23, %dma_wait3A_557] : memref<10240x128xf32, #tpu.memory_space<vmem_shared>> -> memref<64x128xf32, #tpu.memory_space<vmem_shared>>
      tpu.wait_dma2 semaphore(%run_scoped3A : memref<!tpu.dma_semaphore, #tpu.memory_space<semaphore_mem>>) src(%arg9 : memref<64x128xf32, #tpu.memory_space<vmem>>) dst(%dma_wait3A_558 : memref<64x128xf32, #tpu.memory_space<vmem_shared>>)
      tpu.yield
    }) : () -> ()
    %mul3A_24 = arith.constant 640 : i32
    %mul3A_25 = arith.muli %arg1, %mul3A_24 : i32
    %add3A_26 = arith.constant 256 : i32
    %add3A_27 = arith.addi %mul3A_25, %add3A_26 : i32
    %multiple_of3A_28 = tpu.assume_multiple %add3A_27, 64 : i32
    "tpu.region"() ({
      %run_scoped3A = tpu.sem_alloc : memref<!tpu.dma_semaphore, #tpu.memory_space<semaphore_mem>>
      %dma_start3A_551 = arith.constant 0 : i32
      %dma_start3A_552 = tpu.memref_slice %arg13[%multiple_of3A_28, %dma_start3A_551] : memref<10240x128xf32, #tpu.memory_space<vmem_shared>> -> memref<64x128xf32, #tpu.memory_space<vmem_shared>>
      %dma_start3A_553 = arith.constant 0 : i32
      %dma_start3A_554 = tpu.memref_slice %arg13[%multiple_of3A_28, %dma_start3A_553] : memref<10240x128xf32, #tpu.memory_space<vmem_shared>> -> memref<64x128xf32, #tpu.memory_space<vmem_shared>>
      tpu.enqueue_dma source(%arg9 : memref<64x128xf32, #tpu.memory_space<vmem>>) target(%dma_start3A_554 : memref<64x128xf32, #tpu.memory_space<vmem_shared>>) target_semaphore(%run_scoped3A : memref<!tpu.dma_semaphore, #tpu.memory_space<semaphore_mem>>)
      %dma_wait3A_555 = arith.constant 0 : i32
      %dma_wait3A_556 = tpu.memref_slice %arg13[%multiple_of3A_28, %dma_wait3A_555] : memref<10240x128xf32, #tpu.memory_space<vmem_shared>> -> memref<64x128xf32, #tpu.memory_space<vmem_shared>>
      %dma_wait3A_557 = arith.constant 0 : i32
      %dma_wait3A_558 = tpu.memref_slice %arg13[%multiple_of3A_28, %dma_wait3A_557] : memref<10240x128xf32, #tpu.memory_space<vmem_shared>> -> memref<64x128xf32, #tpu.memory_space<vmem_shared>>
      tpu.wait_dma2 semaphore(%run_scoped3A : memref<!tpu.dma_semaphore, #tpu.memory_space<semaphore_mem>>) src(%arg9 : memref<64x128xf32, #tpu.memory_space<vmem>>) dst(%dma_wait3A_558 : memref<64x128xf32, #tpu.memory_space<vmem_shared>>)
      tpu.yield
    }) : () -> ()
    %mul3A_29 = arith.constant 640 : i32
    %mul3A_30 = arith.muli %arg1, %mul3A_29 : i32
    %add3A_31 = arith.constant 320 : i32
    %add3A_32 = arith.addi %mul3A_30, %add3A_31 : i32
    %multiple_of3A_33 = tpu.assume_multiple %add3A_32, 64 : i32
    "tpu.region"() ({
      %run_scoped3A = tpu.sem_alloc : memref<!tpu.dma_semaphore, #tpu.memory_space<semaphore_mem>>
      %dma_start3A_551 = arith.constant 0 : i32
      %dma_start3A_552 = tpu.memref_slice %arg13[%multiple_of3A_33, %dma_start3A_551] : memref<10240x128xf32, #tpu.memory_space<vmem_shared>> -> memref<64x128xf32, #tpu.memory_space<vmem_shared>>
      %dma_start3A_553 = arith.constant 0 : i32
      %dma_start3A_554 = tpu.memref_slice %arg13[%multiple_of3A_33, %dma_start3A_553] : memref<10240x128xf32, #tpu.memory_space<vmem_shared>> -> memref<64x128xf32, #tpu.memory_space<vmem_shared>>
      tpu.enqueue_dma source(%arg9 : memref<64x128xf32, #tpu.memory_space<vmem>>) target(%dma_start3A_554 : memref<64x128xf32, #tpu.memory_space<vmem_shared>>) target_semaphore(%run_scoped3A : memref<!tpu.dma_semaphore, #tpu.memory_space<semaphore_mem>>)
      %dma_wait3A_555 = arith.constant 0 : i32
      %dma_wait3A_556 = tpu.memref_slice %arg13[%multiple_of3A_33, %dma_wait3A_555] : memref<10240x128xf32, #tpu.memory_space<vmem_shared>> -> memref<64x128xf32, #tpu.memory_space<vmem_shared>>
      %dma_wait3A_557 = arith.constant 0 : i32
      %dma_wait3A_558 = tpu.memref_slice %arg13[%multiple_of3A_33, %dma_wait3A_557] : memref<10240x128xf32, #tpu.memory_space<vmem_shared>> -> memref<64x128xf32, #tpu.memory_space<vmem_shared>>
      tpu.wait_dma2 semaphore(%run_scoped3A : memref<!tpu.dma_semaphore, #tpu.memory_space<semaphore_mem>>) src(%arg9 : memref<64x128xf32, #tpu.memory_space<vmem>>) dst(%dma_wait3A_558 : memref<64x128xf32, #tpu.memory_space<vmem_shared>>)
      tpu.yield
    }) : () -> ()
    %mul3A_34 = arith.constant 640 : i32
    %mul3A_35 = arith.muli %arg1, %mul3A_34 : i32
    %add3A_36 = arith.constant 384 : i32
    %add3A_37 = arith.addi %mul3A_35, %add3A_36 : i32
    %multiple_of3A_38 = tpu.assume_multiple %add3A_37, 64 : i32
    "tpu.region"() ({
      %run_scoped3A = tpu.sem_alloc : memref<!tpu.dma_semaphore, #tpu.memory_space<semaphore_mem>>
      %dma_start3A_551 = arith.constant 0 : i32
      %dma_start3A_552 = tpu.memref_slice %arg13[%multiple_of3A_38, %dma_start3A_551] : memref<10240x128xf32, #tpu.memory_space<vmem_shared>> -> memref<64x128xf32, #tpu.memory_space<vmem_shared>>
      %dma_start3A_553 = arith.constant 0 : i32
      %dma_start3A_554 = tpu.memref_slice %arg13[%multiple_of3A_38, %dma_start3A_553] : memref<10240x128xf32, #tpu.memory_space<vmem_shared>> -> memref<64x128xf32, #tpu.memory_space<vmem_shared>>
      tpu.enqueue_dma source(%arg9 : memref<64x128xf32, #tpu.memory_space<vmem>>) target(%dma_start3A_554 : memref<64x128xf32, #tpu.memory_space<vmem_shared>>) target_semaphore(%run_scoped3A : memref<!tpu.dma_semaphore, #tpu.memory_space<semaphore_mem>>)
      %dma_wait3A_555 = arith.constant 0 : i32
      %dma_wait3A_556 = tpu.memref_slice %arg13[%multiple_of3A_38, %dma_wait3A_555] : memref<10240x128xf32, #tpu.memory_space<vmem_shared>> -> memref<64x128xf32, #tpu.memory_space<vmem_shared>>
      %dma_wait3A_557 = arith.constant 0 : i32
      %dma_wait3A_558 = tpu.memref_slice %arg13[%multiple_of3A_38, %dma_wait3A_557] : memref<10240x128xf32, #tpu.memory_space<vmem_shared>> -> memref<64x128xf32, #tpu.memory_space<vmem_shared>>
      tpu.wait_dma2 semaphore(%run_scoped3A : memref<!tpu.dma_semaphore, #tpu.memory_space<semaphore_mem>>) src(%arg9 : memref<64x128xf32, #tpu.memory_space<vmem>>) dst(%dma_wait3A_558 : memref<64x128xf32, #tpu.memory_space<vmem_shared>>)
      tpu.yield
    }) : () -> ()
    %mul3A_39 = arith.constant 640 : i32
    %mul3A_40 = arith.muli %arg1, %mul3A_39 : i32
    %add3A_41 = arith.constant 448 : i32
    %add3A_42 = arith.addi %mul3A_40, %add3A_41 : i32
    %multiple_of3A_43 = tpu.assume_multiple %add3A_42, 64 : i32
    "tpu.region"() ({
      %run_scoped3A = tpu.sem_alloc : memref<!tpu.dma_semaphore, #tpu.memory_space<semaphore_mem>>
      %dma_start3A_551 = arith.constant 0 : i32
      %dma_start3A_552 = tpu.memref_slice %arg13[%multiple_of3A_43, %dma_start3A_551] : memref<10240x128xf32, #tpu.memory_space<vmem_shared>> -> memref<64x128xf32, #tpu.memory_space<vmem_shared>>
      %dma_start3A_553 = arith.constant 0 : i32
      %dma_start3A_554 = tpu.memref_slice %arg13[%multiple_of3A_43, %dma_start3A_553] : memref<10240x128xf32, #tpu.memory_space<vmem_shared>> -> memref<64x128xf32, #tpu.memory_space<vmem_shared>>
      tpu.enqueue_dma source(%arg9 : memref<64x128xf32, #tpu.memory_space<vmem>>) target(%dma_start3A_554 : memref<64x128xf32, #tpu.memory_space<vmem_shared>>) target_semaphore(%run_scoped3A : memref<!tpu.dma_semaphore, #tpu.memory_space<semaphore_mem>>)
      %dma_wait3A_555 = arith.constant 0 : i32
      %dma_wait3A_556 = tpu.memref_slice %arg13[%multiple_of3A_43, %dma_wait3A_555] : memref<10240x128xf32, #tpu.memory_space<vmem_shared>> -> memref<64x128xf32, #tpu.memory_space<vmem_shared>>
      %dma_wait3A_557 = arith.constant 0 : i32
      %dma_wait3A_558 = tpu.memref_slice %arg13[%multiple_of3A_43, %dma_wait3A_557] : memref<10240x128xf32, #tpu.memory_space<vmem_shared>> -> memref<64x128xf32, #tpu.memory_space<vmem_shared>>
      tpu.wait_dma2 semaphore(%run_scoped3A : memref<!tpu.dma_semaphore, #tpu.memory_space<semaphore_mem>>) src(%arg9 : memref<64x128xf32, #tpu.memory_space<vmem>>) dst(%dma_wait3A_558 : memref<64x128xf32, #tpu.memory_space<vmem_shared>>)
      tpu.yield
    }) : () -> ()
    %mul3A_44 = arith.constant 640 : i32
    %mul3A_45 = arith.muli %arg1, %mul3A_44 : i32
    %add3A_46 = arith.constant 512 : i32
    %add3A_47 = arith.addi %mul3A_45, %add3A_46 : i32
    %multiple_of3A_48 = tpu.assume_multiple %add3A_47, 64 : i32
    "tpu.region"() ({
      %run_scoped3A = tpu.sem_alloc : memref<!tpu.dma_semaphore, #tpu.memory_space<semaphore_mem>>
      %dma_start3A_551 = arith.constant 0 : i32
      %dma_start3A_552 = tpu.memref_slice %arg13[%multiple_of3A_48, %dma_start3A_551] : memref<10240x128xf32, #tpu.memory_space<vmem_shared>> -> memref<64x128xf32, #tpu.memory_space<vmem_shared>>
      %dma_start3A_553 = arith.constant 0 : i32
      %dma_start3A_554 = tpu.memref_slice %arg13[%multiple_of3A_48, %dma_start3A_553] : memref<10240x128xf32, #tpu.memory_space<vmem_shared>> -> memref<64x128xf32, #tpu.memory_space<vmem_shared>>
      tpu.enqueue_dma source(%arg9 : memref<64x128xf32, #tpu.memory_space<vmem>>) target(%dma_start3A_554 : memref<64x128xf32, #tpu.memory_space<vmem_shared>>) target_semaphore(%run_scoped3A : memref<!tpu.dma_semaphore, #tpu.memory_space<semaphore_mem>>)
      %dma_wait3A_555 = arith.constant 0 : i32
      %dma_wait3A_556 = tpu.memref_slice %arg13[%multiple_of3A_48, %dma_wait3A_555] : memref<10240x128xf32, #tpu.memory_space<vmem_shared>> -> memref<64x128xf32, #tpu.memory_space<vmem_shared>>
      %dma_wait3A_557 = arith.constant 0 : i32
      %dma_wait3A_558 = tpu.memref_slice %arg13[%multiple_of3A_48, %dma_wait3A_557] : memref<10240x128xf32, #tpu.memory_space<vmem_shared>> -> memref<64x128xf32, #tpu.memory_space<vmem_shared>>
      tpu.wait_dma2 semaphore(%run_scoped3A : memref<!tpu.dma_semaphore, #tpu.memory_space<semaphore_mem>>) src(%arg9 : memref<64x128xf32, #tpu.memory_space<vmem>>) dst(%dma_wait3A_558 : memref<64x128xf32, #tpu.memory_space<vmem_shared>>)
      tpu.yield
    }) : () -> ()
    %mul3A_49 = arith.constant 640 : i32
    %mul3A_50 = arith.muli %arg1, %mul3A_49 : i32
    %add3A_51 = arith.constant 576 : i32
    %add3A_52 = arith.addi %mul3A_50, %add3A_51 : i32
    %multiple_of3A_53 = tpu.assume_multiple %add3A_52, 64 : i32
    "tpu.region"() ({
      %run_scoped3A = tpu.sem_alloc : memref<!tpu.dma_semaphore, #tpu.memory_space<semaphore_mem>>
      %dma_start3A_551 = arith.constant 0 : i32
      %dma_start3A_552 = tpu.memref_slice %arg13[%multiple_of3A_53, %dma_start3A_551] : memref<10240x128xf32, #tpu.memory_space<vmem_shared>> -> memref<64x128xf32, #tpu.memory_space<vmem_shared>>
      %dma_start3A_553 = arith.constant 0 : i32
      %dma_start3A_554 = tpu.memref_slice %arg13[%multiple_of3A_53, %dma_start3A_553] : memref<10240x128xf32, #tpu.memory_space<vmem_shared>> -> memref<64x128xf32, #tpu.memory_space<vmem_shared>>
      tpu.enqueue_dma source(%arg9 : memref<64x128xf32, #tpu.memory_space<vmem>>) target(%dma_start3A_554 : memref<64x128xf32, #tpu.memory_space<vmem_shared>>) target_semaphore(%run_scoped3A : memref<!tpu.dma_semaphore, #tpu.memory_space<semaphore_mem>>)
      %dma_wait3A_555 = arith.constant 0 : i32
      %dma_wait3A_556 = tpu.memref_slice %arg13[%multiple_of3A_53, %dma_wait3A_555] : memref<10240x128xf32, #tpu.memory_space<vmem_shared>> -> memref<64x128xf32, #tpu.memory_space<vmem_shared>>
      %dma_wait3A_557 = arith.constant 0 : i32
      %dma_wait3A_558 = tpu.memref_slice %arg13[%multiple_of3A_53, %dma_wait3A_557] : memref<10240x128xf32, #tpu.memory_space<vmem_shared>> -> memref<64x128xf32, #tpu.memory_space<vmem_shared>>
      tpu.wait_dma2 semaphore(%run_scoped3A : memref<!tpu.dma_semaphore, #tpu.memory_space<semaphore_mem>>) src(%arg9 : memref<64x128xf32, #tpu.memory_space<vmem>>) dst(%dma_wait3A_558 : memref<64x128xf32, #tpu.memory_space<vmem_shared>>)
      tpu.yield
    }) : () -> ()
    %barrier3A = arith.constant 0 : index
    tpu.barrier barrier_id(%barrier3A)
    %mul3A_54 = arith.constant 160 : i32
    %mul3A_55 = arith.muli %add3A, %mul3A_54 : i32
    %add3A_56 = arith.constant 0 : i32
    %add3A_57 = arith.addi %mul3A_55, %add3A_56 : i32
    %multiple_of3A_58 = tpu.assume_multiple %add3A_57, 40 : i32
    "tpu.region"() ({
      %run_scoped3A = tpu.sem_alloc : memref<!tpu.dma_semaphore, #tpu.memory_space<semaphore_mem>>
      %dma_start3A_551 = arith.constant 0 : i32
      %dma_start3A_552 = tpu.memref_slice %arg3[%multiple_of3A_58, %dma_start3A_551] : memref<5120x64xi32, #tpu.memory_space<hbm>> -> memref<40x64xi32, #tpu.memory_space<hbm>>
      %dma_start3A_553 = arith.constant 0 : i32
      %dma_start3A_554 = tpu.memref_slice %arg3[%multiple_of3A_58, %dma_start3A_553] : memref<5120x64xi32, #tpu.memory_space<hbm>> -> memref<40x64xi32, #tpu.memory_space<hbm>>
      tpu.enqueue_dma source(%dma_start3A_554 : memref<40x64xi32, #tpu.memory_space<hbm>>) target(%arg7 : memref<40x64xi32, #tpu.memory_space<vmem>>) target_semaphore(%run_scoped3A : memref<!tpu.dma_semaphore, #tpu.memory_space<semaphore_mem>>)
      %dma_wait3A_555 = arith.constant 0 : i32
      %dma_wait3A_556 = tpu.memref_slice %arg3[%multiple_of3A_58, %dma_wait3A_555] : memref<5120x64xi32, #tpu.memory_space<hbm>> -> memref<40x64xi32, #tpu.memory_space<hbm>>
      %dma_wait3A_557 = arith.constant 0 : i32
      %dma_wait3A_558 = tpu.memref_slice %arg3[%multiple_of3A_58, %dma_wait3A_557] : memref<5120x64xi32, #tpu.memory_space<hbm>> -> memref<40x64xi32, #tpu.memory_space<hbm>>
      tpu.wait_dma2 semaphore(%run_scoped3A : memref<!tpu.dma_semaphore, #tpu.memory_space<semaphore_mem>>) src(%dma_wait3A_558 : memref<40x64xi32, #tpu.memory_space<hbm>>) dst(%arg7 : memref<40x64xi32, #tpu.memory_space<vmem>>)
      tpu.yield
    }) : () -> ()
    "tpu.region"() ({
      %run_scoped3A = tpu.sem_alloc : memref<!tpu.dma_semaphore, #tpu.memory_space<semaphore_mem>>
      %dma_start3A_551 = arith.constant 0 : i32
      %dma_start3A_552 = tpu.memref_slice %arg4[%multiple_of3A_58, %dma_start3A_551] : memref<5120x64xi32, #tpu.memory_space<hbm>> -> memref<40x64xi32, #tpu.memory_space<hbm>>
      %dma_start3A_553 = arith.constant 0 : i32
      %dma_start3A_554 = tpu.memref_slice %arg4[%multiple_of3A_58, %dma_start3A_553] : memref<5120x64xi32, #tpu.memory_space<hbm>> -> memref<40x64xi32, #tpu.memory_space<hbm>>
      tpu.enqueue_dma source(%dma_start3A_554 : memref<40x64xi32, #tpu.memory_space<hbm>>) target(%arg8 : memref<40x64xi32, #tpu.memory_space<vmem>>) target_semaphore(%run_scoped3A : memref<!tpu.dma_semaphore, #tpu.memory_space<semaphore_mem>>)
      %dma_wait3A_555 = arith.constant 0 : i32
      %dma_wait3A_556 = tpu.memref_slice %arg4[%multiple_of3A_58, %dma_wait3A_555] : memref<5120x64xi32, #tpu.memory_space<hbm>> -> memref<40x64xi32, #tpu.memory_space<hbm>>
      %dma_wait3A_557 = arith.constant 0 : i32
      %dma_wait3A_558 = tpu.memref_slice %arg4[%multiple_of3A_58, %dma_wait3A_557] : memref<5120x64xi32, #tpu.memory_space<hbm>> -> memref<40x64xi32, #tpu.memory_space<hbm>>
      tpu.wait_dma2 semaphore(%run_scoped3A : memref<!tpu.dma_semaphore, #tpu.memory_space<semaphore_mem>>) src(%dma_wait3A_558 : memref<40x64xi32, #tpu.memory_space<hbm>>) dst(%arg8 : memref<40x64xi32, #tpu.memory_space<vmem>>)
      tpu.yield
    }) : () -> ()
    %dma_start3A = arith.constant 0 : i32
    %dma_start3A_59 = arith.constant 0 : i32
    %dma_start3A_60 = tpu.memref_slice %arg7[%dma_start3A, %dma_start3A_59] : memref<40x64xi32, #tpu.memory_space<vmem>> -> memref<1x64xi32, #tpu.memory_space<vmem>>
    %dma_start3A_61 = tpu.memref_squeeze %dma_start3A_60 : memref<1x64xi32, #tpu.memory_space<vmem>> -> memref<64xi32, #tpu.memory_space<vmem>>
    %dma_start3A_62 = arith.constant 0 : i32
    %dma_start3A_63 = arith.constant 0 : i32
    %dma_start3A_64 = tpu.memref_slice %arg2[%dma_start3A_62, %dma_start3A_63] : memref<10000x128xf32, #tpu.memory_space<hbm>> -> memref<10000x128xf32, #tpu.memory_space<hbm>>
    tpu.enqueue_indirect_dma source(%dma_start3A_64 : memref<10000x128xf32, #tpu.memory_space<hbm>>) target(%arg9 : memref<64x128xf32, #tpu.memory_space<vmem>>) offsets(%dma_start3A_61 : memref<64xi32, #tpu.memory_space<vmem>>) semaphore(%arg14 : memref<!tpu.dma_semaphore, #tpu.memory_space<semaphore_mem>>)
    %dma_start3A_65 = arith.constant 1 : i32
    %dma_start3A_66 = arith.constant 0 : i32
    %dma_start3A_67 = tpu.memref_slice %arg7[%dma_start3A_65, %dma_start3A_66] : memref<40x64xi32, #tpu.memory_space<vmem>> -> memref<1x64xi32, #tpu.memory_space<vmem>>
    %dma_start3A_68 = tpu.memref_squeeze %dma_start3A_67 : memref<1x64xi32, #tpu.memory_space<vmem>> -> memref<64xi32, #tpu.memory_space<vmem>>
    %dma_start3A_69 = arith.constant 0 : i32
    %dma_start3A_70 = arith.constant 0 : i32
    %dma_start3A_71 = tpu.memref_slice %arg2[%dma_start3A_69, %dma_start3A_70] : memref<10000x128xf32, #tpu.memory_space<hbm>> -> memref<10000x128xf32, #tpu.memory_space<hbm>>
    tpu.enqueue_indirect_dma source(%dma_start3A_71 : memref<10000x128xf32, #tpu.memory_space<hbm>>) target(%arg10 : memref<64x128xf32, #tpu.memory_space<vmem>>) offsets(%dma_start3A_68 : memref<64xi32, #tpu.memory_space<vmem>>) semaphore(%arg15 : memref<!tpu.dma_semaphore, #tpu.memory_space<semaphore_mem>>)
    %dma_start3A_72 = arith.constant 2 : i32
    %dma_start3A_73 = arith.constant 0 : i32
    %dma_start3A_74 = tpu.memref_slice %arg7[%dma_start3A_72, %dma_start3A_73] : memref<40x64xi32, #tpu.memory_space<vmem>> -> memref<1x64xi32, #tpu.memory_space<vmem>>
    %dma_start3A_75 = tpu.memref_squeeze %dma_start3A_74 : memref<1x64xi32, #tpu.memory_space<vmem>> -> memref<64xi32, #tpu.memory_space<vmem>>
    %dma_start3A_76 = arith.constant 0 : i32
    %dma_start3A_77 = arith.constant 0 : i32
    %dma_start3A_78 = tpu.memref_slice %arg2[%dma_start3A_76, %dma_start3A_77] : memref<10000x128xf32, #tpu.memory_space<hbm>> -> memref<10000x128xf32, #tpu.memory_space<hbm>>
    tpu.enqueue_indirect_dma source(%dma_start3A_78 : memref<10000x128xf32, #tpu.memory_space<hbm>>) target(%arg11 : memref<64x128xf32, #tpu.memory_space<vmem>>) offsets(%dma_start3A_75 : memref<64xi32, #tpu.memory_space<vmem>>) semaphore(%arg16 : memref<!tpu.dma_semaphore, #tpu.memory_space<semaphore_mem>>)
    %dma_start3A_79 = arith.constant 3 : i32
    %dma_start3A_80 = arith.constant 0 : i32
    %dma_start3A_81 = tpu.memref_slice %arg7[%dma_start3A_79, %dma_start3A_80] : memref<40x64xi32, #tpu.memory_space<vmem>> -> memref<1x64xi32, #tpu.memory_space<vmem>>
    %dma_start3A_82 = tpu.memref_squeeze %dma_start3A_81 : memref<1x64xi32, #tpu.memory_space<vmem>> -> memref<64xi32, #tpu.memory_space<vmem>>
    %dma_start3A_83 = arith.constant 0 : i32
    %dma_start3A_84 = arith.constant 0 : i32
    %dma_start3A_85 = tpu.memref_slice %arg2[%dma_start3A_83, %dma_start3A_84] : memref<10000x128xf32, #tpu.memory_space<hbm>> -> memref<10000x128xf32, #tpu.memory_space<hbm>>
    tpu.enqueue_indirect_dma source(%dma_start3A_85 : memref<10000x128xf32, #tpu.memory_space<hbm>>) target(%arg12 : memref<64x128xf32, #tpu.memory_space<vmem>>) offsets(%dma_start3A_82 : memref<64xi32, #tpu.memory_space<vmem>>) semaphore(%arg17 : memref<!tpu.dma_semaphore, #tpu.memory_space<semaphore_mem>>)
    %scan3A_86 = arith.constant 0 : i32
    %scan3A_87 = arith.constant 9 : i32
    %scan3A_88 = arith.addi %scan3A_86, %scan3A_87 : i32
    %scan3A_89 = arith.constant 1 : i32
    scf.for %scan3A_551 = %scan3A_86 to %scan3A_88 step %scan3A_89  : i32 {
      %mul3A_552 = arith.constant 1 : i32
      %mul3A_553 = arith.muli %scan3A_551, %mul3A_552 : i32
      %add3A_554 = arith.constant 0 : i32
      %add3A_555 = arith.addi %add3A_554, %mul3A_553 : i32
      %mul3A_556 = arith.constant 4 : i32
      %mul3A_557 = arith.muli %add3A_555, %mul3A_556 : i32
      %dma_wait3A_558 = arith.constant 0 : i32
      %dma_wait3A_559 = arith.constant 0 : i32
      %dma_wait3A_560 = tpu.memref_slice %arg7[%dma_wait3A_558, %dma_wait3A_559] : memref<40x64xi32, #tpu.memory_space<vmem>> -> memref<1x64xi32, #tpu.memory_space<vmem>>
      %dma_wait3A_561 = tpu.memref_squeeze %dma_wait3A_560 : memref<1x64xi32, #tpu.memory_space<vmem>> -> memref<64xi32, #tpu.memory_space<vmem>>
      %dma_wait3A_562 = arith.constant 0 : i32
      %dma_wait3A_563 = arith.constant 0 : i32
      %dma_wait3A_564 = tpu.memref_slice %arg2[%dma_wait3A_562, %dma_wait3A_563] : memref<10000x128xf32, #tpu.memory_space<hbm>> -> memref<10000x128xf32, #tpu.memory_space<hbm>>
      tpu.wait_indirect_dma semaphore(%arg14 : memref<!tpu.dma_semaphore, #tpu.memory_space<semaphore_mem>>) src(%dma_wait3A_564 : memref<10000x128xf32, #tpu.memory_space<hbm>>) dst(%arg9 : memref<64x128xf32, #tpu.memory_space<vmem>>)
      %add3A_565 = arith.constant 0 : i32
      %add3A_566 = arith.addi %mul3A_557, %add3A_565 : i32
      %dma_start3A_567 = arith.constant 0 : i32
      %dma_start3A_568 = tpu.memref_slice %arg8[%add3A_566, %dma_start3A_567] : memref<40x64xi32, #tpu.memory_space<vmem>> -> memref<1x64xi32, #tpu.memory_space<vmem>>
      %dma_start3A_569 = tpu.memref_squeeze %dma_start3A_568 : memref<1x64xi32, #tpu.memory_space<vmem>> -> memref<64xi32, #tpu.memory_space<vmem>>
      %dma_start3A_570 = arith.constant 0 : i32
      %dma_start3A_571 = arith.constant 0 : i32
      %dma_start3A_572 = tpu.memref_slice %arg13[%dma_start3A_570, %dma_start3A_571] : memref<10240x128xf32, #tpu.memory_space<vmem_shared>> -> memref<10240x128xf32, #tpu.memory_space<vmem_shared>>
      tpu.enqueue_indirect_dma source(%arg9 : memref<64x128xf32, #tpu.memory_space<vmem>>) target(%dma_start3A_572 : memref<10240x128xf32, #tpu.memory_space<vmem_shared>>) offsets(%dma_start3A_569 : memref<64xi32, #tpu.memory_space<vmem>>) semaphore(%arg18 : memref<!tpu.dma_semaphore, #tpu.memory_space<semaphore_mem>>) {add = true}
      %dma_wait3A_573 = arith.constant 0 : i32
      %dma_wait3A_574 = arith.constant 0 : i32
      %dma_wait3A_575 = tpu.memref_slice %arg7[%dma_wait3A_573, %dma_wait3A_574] : memref<40x64xi32, #tpu.memory_space<vmem>> -> memref<1x64xi32, #tpu.memory_space<vmem>>
      %dma_wait3A_576 = tpu.memref_squeeze %dma_wait3A_575 : memref<1x64xi32, #tpu.memory_space<vmem>> -> memref<64xi32, #tpu.memory_space<vmem>>
      %dma_wait3A_577 = arith.constant 0 : i32
      %dma_wait3A_578 = arith.constant 0 : i32
      %dma_wait3A_579 = tpu.memref_slice %arg2[%dma_wait3A_577, %dma_wait3A_578] : memref<10000x128xf32, #tpu.memory_space<hbm>> -> memref<10000x128xf32, #tpu.memory_space<hbm>>
      tpu.wait_indirect_dma semaphore(%arg15 : memref<!tpu.dma_semaphore, #tpu.memory_space<semaphore_mem>>) src(%dma_wait3A_579 : memref<10000x128xf32, #tpu.memory_space<hbm>>) dst(%arg10 : memref<64x128xf32, #tpu.memory_space<vmem>>)
      %add3A_580 = arith.constant 1 : i32
      %add3A_581 = arith.addi %mul3A_557, %add3A_580 : i32
      %dma_start3A_582 = arith.constant 0 : i32
      %dma_start3A_583 = tpu.memref_slice %arg8[%add3A_581, %dma_start3A_582] : memref<40x64xi32, #tpu.memory_space<vmem>> -> memref<1x64xi32, #tpu.memory_space<vmem>>
      %dma_start3A_584 = tpu.memref_squeeze %dma_start3A_583 : memref<1x64xi32, #tpu.memory_space<vmem>> -> memref<64xi32, #tpu.memory_space<vmem>>
      %dma_start3A_585 = arith.constant 0 : i32
      %dma_start3A_586 = arith.constant 0 : i32
      %dma_start3A_587 = tpu.memref_slice %arg13[%dma_start3A_585, %dma_start3A_586] : memref<10240x128xf32, #tpu.memory_space<vmem_shared>> -> memref<10240x128xf32, #tpu.memory_space<vmem_shared>>
      tpu.enqueue_indirect_dma source(%arg10 : memref<64x128xf32, #tpu.memory_space<vmem>>) target(%dma_start3A_587 : memref<10240x128xf32, #tpu.memory_space<vmem_shared>>) offsets(%dma_start3A_584 : memref<64xi32, #tpu.memory_space<vmem>>) semaphore(%arg19 : memref<!tpu.dma_semaphore, #tpu.memory_space<semaphore_mem>>) {add = true}
      %dma_wait3A_588 = arith.constant 0 : i32
      %dma_wait3A_589 = arith.constant 0 : i32
      %dma_wait3A_590 = tpu.memref_slice %arg7[%dma_wait3A_588, %dma_wait3A_589] : memref<40x64xi32, #tpu.memory_space<vmem>> -> memref<1x64xi32, #tpu.memory_space<vmem>>
      %dma_wait3A_591 = tpu.memref_squeeze %dma_wait3A_590 : memref<1x64xi32, #tpu.memory_space<vmem>> -> memref<64xi32, #tpu.memory_space<vmem>>
      %dma_wait3A_592 = arith.constant 0 : i32
      %dma_wait3A_593 = arith.constant 0 : i32
      %dma_wait3A_594 = tpu.memref_slice %arg2[%dma_wait3A_592, %dma_wait3A_593] : memref<10000x128xf32, #tpu.memory_space<hbm>> -> memref<10000x128xf32, #tpu.memory_space<hbm>>
      tpu.wait_indirect_dma semaphore(%arg16 : memref<!tpu.dma_semaphore, #tpu.memory_space<semaphore_mem>>) src(%dma_wait3A_594 : memref<10000x128xf32, #tpu.memory_space<hbm>>) dst(%arg11 : memref<64x128xf32, #tpu.memory_space<vmem>>)
      %add3A_595 = arith.constant 2 : i32
      %add3A_596 = arith.addi %mul3A_557, %add3A_595 : i32
      %dma_start3A_597 = arith.constant 0 : i32
      %dma_start3A_598 = tpu.memref_slice %arg8[%add3A_596, %dma_start3A_597] : memref<40x64xi32, #tpu.memory_space<vmem>> -> memref<1x64xi32, #tpu.memory_space<vmem>>
      %dma_start3A_599 = tpu.memref_squeeze %dma_start3A_598 : memref<1x64xi32, #tpu.memory_space<vmem>> -> memref<64xi32, #tpu.memory_space<vmem>>
      %dma_start3A_600 = arith.constant 0 : i32
      %dma_start3A_601 = arith.constant 0 : i32
      %dma_start3A_602 = tpu.memref_slice %arg13[%dma_start3A_600, %dma_start3A_601] : memref<10240x128xf32, #tpu.memory_space<vmem_shared>> -> memref<10240x128xf32, #tpu.memory_space<vmem_shared>>
      tpu.enqueue_indirect_dma source(%arg11 : memref<64x128xf32, #tpu.memory_space<vmem>>) target(%dma_start3A_602 : memref<10240x128xf32, #tpu.memory_space<vmem_shared>>) offsets(%dma_start3A_599 : memref<64xi32, #tpu.memory_space<vmem>>) semaphore(%arg20 : memref<!tpu.dma_semaphore, #tpu.memory_space<semaphore_mem>>) {add = true}
      %dma_wait3A_603 = arith.constant 0 : i32
      %dma_wait3A_604 = arith.constant 0 : i32
      %dma_wait3A_605 = tpu.memref_slice %arg7[%dma_wait3A_603, %dma_wait3A_604] : memref<40x64xi32, #tpu.memory_space<vmem>> -> memref<1x64xi32, #tpu.memory_space<vmem>>
      %dma_wait3A_606 = tpu.memref_squeeze %dma_wait3A_605 : memref<1x64xi32, #tpu.memory_space<vmem>> -> memref<64xi32, #tpu.memory_space<vmem>>
      %dma_wait3A_607 = arith.constant 0 : i32
      %dma_wait3A_608 = arith.constant 0 : i32
      %dma_wait3A_609 = tpu.memref_slice %arg2[%dma_wait3A_607, %dma_wait3A_608] : memref<10000x128xf32, #tpu.memory_space<hbm>> -> memref<10000x128xf32, #tpu.memory_space<hbm>>
      tpu.wait_indirect_dma semaphore(%arg17 : memref<!tpu.dma_semaphore, #tpu.memory_space<semaphore_mem>>) src(%dma_wait3A_609 : memref<10000x128xf32, #tpu.memory_space<hbm>>) dst(%arg12 : memref<64x128xf32, #tpu.memory_space<vmem>>)
      %add3A_610 = arith.constant 3 : i32
      %add3A_611 = arith.addi %mul3A_557, %add3A_610 : i32
      %dma_start3A_612 = arith.constant 0 : i32
      %dma_start3A_613 = tpu.memref_slice %arg8[%add3A_611, %dma_start3A_612] : memref<40x64xi32, #tpu.memory_space<vmem>> -> memref<1x64xi32, #tpu.memory_space<vmem>>
      %dma_start3A_614 = tpu.memref_squeeze %dma_start3A_613 : memref<1x64xi32, #tpu.memory_space<vmem>> -> memref<64xi32, #tpu.memory_space<vmem>>
      %dma_start3A_615 = arith.constant 0 : i32
      %dma_start3A_616 = arith.constant 0 : i32
      %dma_start3A_617 = tpu.memref_slice %arg13[%dma_start3A_615, %dma_start3A_616] : memref<10240x128xf32, #tpu.memory_space<vmem_shared>> -> memref<10240x128xf32, #tpu.memory_space<vmem_shared>>
      tpu.enqueue_indirect_dma source(%arg12 : memref<64x128xf32, #tpu.memory_space<vmem>>) target(%dma_start3A_617 : memref<10240x128xf32, #tpu.memory_space<vmem_shared>>) offsets(%dma_start3A_614 : memref<64xi32, #tpu.memory_space<vmem>>) semaphore(%arg21 : memref<!tpu.dma_semaphore, #tpu.memory_space<semaphore_mem>>) {add = true}
      %dma_wait3A_618 = arith.constant 0 : i32
      %dma_wait3A_619 = arith.constant 0 : i32
      %dma_wait3A_620 = tpu.memref_slice %arg8[%dma_wait3A_618, %dma_wait3A_619] : memref<40x64xi32, #tpu.memory_space<vmem>> -> memref<1x64xi32, #tpu.memory_space<vmem>>
      %dma_wait3A_621 = tpu.memref_squeeze %dma_wait3A_620 : memref<1x64xi32, #tpu.memory_space<vmem>> -> memref<64xi32, #tpu.memory_space<vmem>>
      %dma_wait3A_622 = arith.constant 0 : i32
      %dma_wait3A_623 = arith.constant 0 : i32
      %dma_wait3A_624 = tpu.memref_slice %arg13[%dma_wait3A_622, %dma_wait3A_623] : memref<10240x128xf32, #tpu.memory_space<vmem_shared>> -> memref<10240x128xf32, #tpu.memory_space<vmem_shared>>
      tpu.wait_indirect_dma semaphore(%arg18 : memref<!tpu.dma_semaphore, #tpu.memory_space<semaphore_mem>>) src(%arg9 : memref<64x128xf32, #tpu.memory_space<vmem>>) dst(%dma_wait3A_624 : memref<10240x128xf32, #tpu.memory_space<vmem_shared>>)
      %add3A_625 = arith.constant 4 : i32
      %add3A_626 = arith.addi %mul3A_557, %add3A_625 : i32
      %add3A_627 = arith.constant 0 : i32
      %add3A_628 = arith.addi %add3A_626, %add3A_627 : i32
      %dma_start3A_629 = arith.constant 0 : i32
      %dma_start3A_630 = tpu.memref_slice %arg7[%add3A_628, %dma_start3A_629] : memref<40x64xi32, #tpu.memory_space<vmem>> -> memref<1x64xi32, #tpu.memory_space<vmem>>
      %dma_start3A_631 = tpu.memref_squeeze %dma_start3A_630 : memref<1x64xi32, #tpu.memory_space<vmem>> -> memref<64xi32, #tpu.memory_space<vmem>>
      %dma_start3A_632 = arith.constant 0 : i32
      %dma_start3A_633 = arith.constant 0 : i32
      %dma_start3A_634 = tpu.memref_slice %arg2[%dma_start3A_632, %dma_start3A_633] : memref<10000x128xf32, #tpu.memory_space<hbm>> -> memref<10000x128xf32, #tpu.memory_space<hbm>>
      tpu.enqueue_indirect_dma source(%dma_start3A_634 : memref<10000x128xf32, #tpu.memory_space<hbm>>) target(%arg9 : memref<64x128xf32, #tpu.memory_space<vmem>>) offsets(%dma_start3A_631 : memref<64xi32, #tpu.memory_space<vmem>>) semaphore(%arg14 : memref<!tpu.dma_semaphore, #tpu.memory_space<semaphore_mem>>)
      %dma_wait3A_635 = arith.constant 0 : i32
      %dma_wait3A_636 = arith.constant 0 : i32
      %dma_wait3A_637 = tpu.memref_slice %arg8[%dma_wait3A_635, %dma_wait3A_636] : memref<40x64xi32, #tpu.memory_space<vmem>> -> memref<1x64xi32, #tpu.memory_space<vmem>>
      %dma_wait3A_638 = tpu.memref_squeeze %dma_wait3A_637 : memref<1x64xi32, #tpu.memory_space<vmem>> -> memref<64xi32, #tpu.memory_space<vmem>>
      %dma_wait3A_639 = arith.constant 0 : i32
      %dma_wait3A_640 = arith.constant 0 : i32
      %dma_wait3A_641 = tpu.memref_slice %arg13[%dma_wait3A_639, %dma_wait3A_640] : memref<10240x128xf32, #tpu.memory_space<vmem_shared>> -> memref<10240x128xf32, #tpu.memory_space<vmem_shared>>
      tpu.wait_indirect_dma semaphore(%arg19 : memref<!tpu.dma_semaphore, #tpu.memory_space<semaphore_mem>>) src(%arg10 : memref<64x128xf32, #tpu.memory_space<vmem>>) dst(%dma_wait3A_641 : memref<10240x128xf32, #tpu.memory_space<vmem_shared>>)
      %add3A_642 = arith.constant 4 : i32
      %add3A_643 = arith.addi %mul3A_557, %add3A_642 : i32
      %add3A_644 = arith.constant 1 : i32
      %add3A_645 = arith.addi %add3A_643, %add3A_644 : i32
      %dma_start3A_646 = arith.constant 0 : i32
      %dma_start3A_647 = tpu.memref_slice %arg7[%add3A_645, %dma_start3A_646] : memref<40x64xi32, #tpu.memory_space<vmem>> -> memref<1x64xi32, #tpu.memory_space<vmem>>
      %dma_start3A_648 = tpu.memref_squeeze %dma_start3A_647 : memref<1x64xi32, #tpu.memory_space<vmem>> -> memref<64xi32, #tpu.memory_space<vmem>>
      %dma_start3A_649 = arith.constant 0 : i32
      %dma_start3A_650 = arith.constant 0 : i32
      %dma_start3A_651 = tpu.memref_slice %arg2[%dma_start3A_649, %dma_start3A_650] : memref<10000x128xf32, #tpu.memory_space<hbm>> -> memref<10000x128xf32, #tpu.memory_space<hbm>>
      tpu.enqueue_indirect_dma source(%dma_start3A_651 : memref<10000x128xf32, #tpu.memory_space<hbm>>) target(%arg10 : memref<64x128xf32, #tpu.memory_space<vmem>>) offsets(%dma_start3A_648 : memref<64xi32, #tpu.memory_space<vmem>>) semaphore(%arg15 : memref<!tpu.dma_semaphore, #tpu.memory_space<semaphore_mem>>)
      %dma_wait3A_652 = arith.constant 0 : i32
      %dma_wait3A_653 = arith.constant 0 : i32
      %dma_wait3A_654 = tpu.memref_slice %arg8[%dma_wait3A_652, %dma_wait3A_653] : memref<40x64xi32, #tpu.memory_space<vmem>> -> memref<1x64xi32, #tpu.memory_space<vmem>>
      %dma_wait3A_655 = tpu.memref_squeeze %dma_wait3A_654 : memref<1x64xi32, #tpu.memory_space<vmem>> -> memref<64xi32, #tpu.memory_space<vmem>>
      %dma_wait3A_656 = arith.constant 0 : i32
      %dma_wait3A_657 = arith.constant 0 : i32
      %dma_wait3A_658 = tpu.memref_slice %arg13[%dma_wait3A_656, %dma_wait3A_657] : memref<10240x128xf32, #tpu.memory_space<vmem_shared>> -> memref<10240x128xf32, #tpu.memory_space<vmem_shared>>
      tpu.wait_indirect_dma semaphore(%arg20 : memref<!tpu.dma_semaphore, #tpu.memory_space<semaphore_mem>>) src(%arg11 : memref<64x128xf32, #tpu.memory_space<vmem>>) dst(%dma_wait3A_658 : memref<10240x128xf32, #tpu.memory_space<vmem_shared>>)
      %add3A_659 = arith.constant 4 : i32
      %add3A_660 = arith.addi %mul3A_557, %add3A_659 : i32
      %add3A_661 = arith.constant 2 : i32
      %add3A_662 = arith.addi %add3A_660, %add3A_661 : i32
      %dma_start3A_663 = arith.constant 0 : i32
      %dma_start3A_664 = tpu.memref_slice %arg7[%add3A_662, %dma_start3A_663] : memref<40x64xi32, #tpu.memory_space<vmem>> -> memref<1x64xi32, #tpu.memory_space<vmem>>
      %dma_start3A_665 = tpu.memref_squeeze %dma_start3A_664 : memref<1x64xi32, #tpu.memory_space<vmem>> -> memref<64xi32, #tpu.memory_space<vmem>>
      %dma_start3A_666 = arith.constant 0 : i32
      %dma_start3A_667 = arith.constant 0 : i32
      %dma_start3A_668 = tpu.memref_slice %arg2[%dma_start3A_666, %dma_start3A_667] : memref<10000x128xf32, #tpu.memory_space<hbm>> -> memref<10000x128xf32, #tpu.memory_space<hbm>>
      tpu.enqueue_indirect_dma source(%dma_start3A_668 : memref<10000x128xf32, #tpu.memory_space<hbm>>) target(%arg11 : memref<64x128xf32, #tpu.memory_space<vmem>>) offsets(%dma_start3A_665 : memref<64xi32, #tpu.memory_space<vmem>>) semaphore(%arg16 : memref<!tpu.dma_semaphore, #tpu.memory_space<semaphore_mem>>)
      %dma_wait3A_669 = arith.constant 0 : i32
      %dma_wait3A_670 = arith.constant 0 : i32
      %dma_wait3A_671 = tpu.memref_slice %arg8[%dma_wait3A_669, %dma_wait3A_670] : memref<40x64xi32, #tpu.memory_space<vmem>> -> memref<1x64xi32, #tpu.memory_space<vmem>>
      %dma_wait3A_672 = tpu.memref_squeeze %dma_wait3A_671 : memref<1x64xi32, #tpu.memory_space<vmem>> -> memref<64xi32, #tpu.memory_space<vmem>>
      %dma_wait3A_673 = arith.constant 0 : i32
      %dma_wait3A_674 = arith.constant 0 : i32
      %dma_wait3A_675 = tpu.memref_slice %arg13[%dma_wait3A_673, %dma_wait3A_674] : memref<10240x128xf32, #tpu.memory_space<vmem_shared>> -> memref<10240x128xf32, #tpu.memory_space<vmem_shared>>
      tpu.wait_indirect_dma semaphore(%arg21 : memref<!tpu.dma_semaphore, #tpu.memory_space<semaphore_mem>>) src(%arg12 : memref<64x128xf32, #tpu.memory_space<vmem>>) dst(%dma_wait3A_675 : memref<10240x128xf32, #tpu.memory_space<vmem_shared>>)
      %add3A_676 = arith.constant 4 : i32
      %add3A_677 = arith.addi %mul3A_557, %add3A_676 : i32
      %add3A_678 = arith.constant 3 : i32
      %add3A_679 = arith.addi %add3A_677, %add3A_678 : i32
      %dma_start3A_680 = arith.constant 0 : i32
      %dma_start3A_681 = tpu.memref_slice %arg7[%add3A_679, %dma_start3A_680] : memref<40x64xi32, #tpu.memory_space<vmem>> -> memref<1x64xi32, #tpu.memory_space<vmem>>
      %dma_start3A_682 = tpu.memref_squeeze %dma_start3A_681 : memref<1x64xi32, #tpu.memory_space<vmem>> -> memref<64xi32, #tpu.memory_space<vmem>>
      %dma_start3A_683 = arith.constant 0 : i32
      %dma_start3A_684 = arith.constant 0 : i32
      %dma_start3A_685 = tpu.memref_slice %arg2[%dma_start3A_683, %dma_start3A_684] : memref<10000x128xf32, #tpu.memory_space<hbm>> -> memref<10000x128xf32, #tpu.memory_space<hbm>>
      tpu.enqueue_indirect_dma source(%dma_start3A_685 : memref<10000x128xf32, #tpu.memory_space<hbm>>) target(%arg12 : memref<64x128xf32, #tpu.memory_space<vmem>>) offsets(%dma_start3A_682 : memref<64xi32, #tpu.memory_space<vmem>>) semaphore(%arg17 : memref<!tpu.dma_semaphore, #tpu.memory_space<semaphore_mem>>)
    }
    %scan3A_90 = arith.constant 9 : i32
    %dma_wait3A = arith.constant 0 : i32
    %dma_wait3A_91 = arith.constant 0 : i32
    %dma_wait3A_92 = tpu.memref_slice %arg7[%dma_wait3A, %dma_wait3A_91] : memref<40x64xi32, #tpu.memory_space<vmem>> -> memref<1x64xi32, #tpu.memory_space<vmem>>
    %dma_wait3A_93 = tpu.memref_squeeze %dma_wait3A_92 : memref<1x64xi32, #tpu.memory_space<vmem>> -> memref<64xi32, #tpu.memory_space<vmem>>
    %dma_wait3A_94 = arith.constant 0 : i32
    %dma_wait3A_95 = arith.constant 0 : i32
    %dma_wait3A_96 = tpu.memref_slice %arg2[%dma_wait3A_94, %dma_wait3A_95] : memref<10000x128xf32, #tpu.memory_space<hbm>> -> memref<10000x128xf32, #tpu.memory_space<hbm>>
    tpu.wait_indirect_dma semaphore(%arg14 : memref<!tpu.dma_semaphore, #tpu.memory_space<semaphore_mem>>) src(%dma_wait3A_96 : memref<10000x128xf32, #tpu.memory_space<hbm>>) dst(%arg9 : memref<64x128xf32, #tpu.memory_space<vmem>>)
    %dma_start3A_97 = arith.constant 36 : i32
    %dma_start3A_98 = arith.constant 0 : i32
    %dma_start3A_99 = tpu.memref_slice %arg8[%dma_start3A_97, %dma_start3A_98] : memref<40x64xi32, #tpu.memory_space<vmem>> -> memref<1x64xi32, #tpu.memory_space<vmem>>
    %dma_start3A_100 = tpu.memref_squeeze %dma_start3A_99 : memref<1x64xi32, #tpu.memory_space<vmem>> -> memref<64xi32, #tpu.memory_space<vmem>>
    %dma_start3A_101 = arith.constant 0 : i32
    %dma_start3A_102 = arith.constant 0 : i32
    %dma_start3A_103 = tpu.memref_slice %arg13[%dma_start3A_101, %dma_start3A_102] : memref<10240x128xf32, #tpu.memory_space<vmem_shared>> -> memref<10240x128xf32, #tpu.memory_space<vmem_shared>>
    tpu.enqueue_indirect_dma source(%arg9 : memref<64x128xf32, #tpu.memory_space<vmem>>) target(%dma_start3A_103 : memref<10240x128xf32, #tpu.memory_space<vmem_shared>>) offsets(%dma_start3A_100 : memref<64xi32, #tpu.memory_space<vmem>>) semaphore(%arg18 : memref<!tpu.dma_semaphore, #tpu.memory_space<semaphore_mem>>) {add = true}
    %dma_wait3A_104 = arith.constant 0 : i32
    %dma_wait3A_105 = arith.constant 0 : i32
    %dma_wait3A_106 = tpu.memref_slice %arg7[%dma_wait3A_104, %dma_wait3A_105] : memref<40x64xi32, #tpu.memory_space<vmem>> -> memref<1x64xi32, #tpu.memory_space<vmem>>
    %dma_wait3A_107 = tpu.memref_squeeze %dma_wait3A_106 : memref<1x64xi32, #tpu.memory_space<vmem>> -> memref<64xi32, #tpu.memory_space<vmem>>
    %dma_wait3A_108 = arith.constant 0 : i32
    %dma_wait3A_109 = arith.constant 0 : i32
    %dma_wait3A_110 = tpu.memref_slice %arg2[%dma_wait3A_108, %dma_wait3A_109] : memref<10000x128xf32, #tpu.memory_space<hbm>> -> memref<10000x128xf32, #tpu.memory_space<hbm>>
    tpu.wait_indirect_dma semaphore(%arg15 : memref<!tpu.dma_semaphore, #tpu.memory_space<semaphore_mem>>) src(%dma_wait3A_110 : memref<10000x128xf32, #tpu.memory_space<hbm>>) dst(%arg10 : memref<64x128xf32, #tpu.memory_space<vmem>>)
    %dma_start3A_111 = arith.constant 37 : i32
    %dma_start3A_112 = arith.constant 0 : i32
    %dma_start3A_113 = tpu.memref_slice %arg8[%dma_start3A_111, %dma_start3A_112] : memref<40x64xi32, #tpu.memory_space<vmem>> -> memref<1x64xi32, #tpu.memory_space<vmem>>
    %dma_start3A_114 = tpu.memref_squeeze %dma_start3A_113 : memref<1x64xi32, #tpu.memory_space<vmem>> -> memref<64xi32, #tpu.memory_space<vmem>>
    %dma_start3A_115 = arith.constant 0 : i32
    %dma_start3A_116 = arith.constant 0 : i32
    %dma_start3A_117 = tpu.memref_slice %arg13[%dma_start3A_115, %dma_start3A_116] : memref<10240x128xf32, #tpu.memory_space<vmem_shared>> -> memref<10240x128xf32, #tpu.memory_space<vmem_shared>>
    tpu.enqueue_indirect_dma source(%arg10 : memref<64x128xf32, #tpu.memory_space<vmem>>) target(%dma_start3A_117 : memref<10240x128xf32, #tpu.memory_space<vmem_shared>>) offsets(%dma_start3A_114 : memref<64xi32, #tpu.memory_space<vmem>>) semaphore(%arg19 : memref<!tpu.dma_semaphore, #tpu.memory_space<semaphore_mem>>) {add = true}
    %dma_wait3A_118 = arith.constant 0 : i32
    %dma_wait3A_119 = arith.constant 0 : i32
    %dma_wait3A_120 = tpu.memref_slice %arg7[%dma_wait3A_118, %dma_wait3A_119] : memref<40x64xi32, #tpu.memory_space<vmem>> -> memref<1x64xi32, #tpu.memory_space<vmem>>
    %dma_wait3A_121 = tpu.memref_squeeze %dma_wait3A_120 : memref<1x64xi32, #tpu.memory_space<vmem>> -> memref<64xi32, #tpu.memory_space<vmem>>
    %dma_wait3A_122 = arith.constant 0 : i32
    %dma_wait3A_123 = arith.constant 0 : i32
    %dma_wait3A_124 = tpu.memref_slice %arg2[%dma_wait3A_122, %dma_wait3A_123] : memref<10000x128xf32, #tpu.memory_space<hbm>> -> memref<10000x128xf32, #tpu.memory_space<hbm>>
    tpu.wait_indirect_dma semaphore(%arg16 : memref<!tpu.dma_semaphore, #tpu.memory_space<semaphore_mem>>) src(%dma_wait3A_124 : memref<10000x128xf32, #tpu.memory_space<hbm>>) dst(%arg11 : memref<64x128xf32, #tpu.memory_space<vmem>>)
    %dma_start3A_125 = arith.constant 38 : i32
    %dma_start3A_126 = arith.constant 0 : i32
    %dma_start3A_127 = tpu.memref_slice %arg8[%dma_start3A_125, %dma_start3A_126] : memref<40x64xi32, #tpu.memory_space<vmem>> -> memref<1x64xi32, #tpu.memory_space<vmem>>
    %dma_start3A_128 = tpu.memref_squeeze %dma_start3A_127 : memref<1x64xi32, #tpu.memory_space<vmem>> -> memref<64xi32, #tpu.memory_space<vmem>>
    %dma_start3A_129 = arith.constant 0 : i32
    %dma_start3A_130 = arith.constant 0 : i32
    %dma_start3A_131 = tpu.memref_slice %arg13[%dma_start3A_129, %dma_start3A_130] : memref<10240x128xf32, #tpu.memory_space<vmem_shared>> -> memref<10240x128xf32, #tpu.memory_space<vmem_shared>>
    tpu.enqueue_indirect_dma source(%arg11 : memref<64x128xf32, #tpu.memory_space<vmem>>) target(%dma_start3A_131 : memref<10240x128xf32, #tpu.memory_space<vmem_shared>>) offsets(%dma_start3A_128 : memref<64xi32, #tpu.memory_space<vmem>>) semaphore(%arg20 : memref<!tpu.dma_semaphore, #tpu.memory_space<semaphore_mem>>) {add = true}
    %dma_wait3A_132 = arith.constant 0 : i32
    %dma_wait3A_133 = arith.constant 0 : i32
    %dma_wait3A_134 = tpu.memref_slice %arg7[%dma_wait3A_132, %dma_wait3A_133] : memref<40x64xi32, #tpu.memory_space<vmem>> -> memref<1x64xi32, #tpu.memory_space<vmem>>
    %dma_wait3A_135 = tpu.memref_squeeze %dma_wait3A_134 : memref<1x64xi32, #tpu.memory_space<vmem>> -> memref<64xi32, #tpu.memory_space<vmem>>
    %dma_wait3A_136 = arith.constant 0 : i32
    %dma_wait3A_137 = arith.constant 0 : i32
    %dma_wait3A_138 = tpu.memref_slice %arg2[%dma_wait3A_136, %dma_wait3A_137] : memref<10000x128xf32, #tpu.memory_space<hbm>> -> memref<10000x128xf32, #tpu.memory_space<hbm>>
    tpu.wait_indirect_dma semaphore(%arg17 : memref<!tpu.dma_semaphore, #tpu.memory_space<semaphore_mem>>) src(%dma_wait3A_138 : memref<10000x128xf32, #tpu.memory_space<hbm>>) dst(%arg12 : memref<64x128xf32, #tpu.memory_space<vmem>>)
    %dma_start3A_139 = arith.constant 39 : i32
    %dma_start3A_140 = arith.constant 0 : i32
    %dma_start3A_141 = tpu.memref_slice %arg8[%dma_start3A_139, %dma_start3A_140] : memref<40x64xi32, #tpu.memory_space<vmem>> -> memref<1x64xi32, #tpu.memory_space<vmem>>
    %dma_start3A_142 = tpu.memref_squeeze %dma_start3A_141 : memref<1x64xi32, #tpu.memory_space<vmem>> -> memref<64xi32, #tpu.memory_space<vmem>>
    %dma_start3A_143 = arith.constant 0 : i32
    %dma_start3A_144 = arith.constant 0 : i32
    %dma_start3A_145 = tpu.memref_slice %arg13[%dma_start3A_143, %dma_start3A_144] : memref<10240x128xf32, #tpu.memory_space<vmem_shared>> -> memref<10240x128xf32, #tpu.memory_space<vmem_shared>>
    tpu.enqueue_indirect_dma source(%arg12 : memref<64x128xf32, #tpu.memory_space<vmem>>) target(%dma_start3A_145 : memref<10240x128xf32, #tpu.memory_space<vmem_shared>>) offsets(%dma_start3A_142 : memref<64xi32, #tpu.memory_space<vmem>>) semaphore(%arg21 : memref<!tpu.dma_semaphore, #tpu.memory_space<semaphore_mem>>) {add = true}
    %dma_wait3A_146 = arith.constant 0 : i32
    %dma_wait3A_147 = arith.constant 0 : i32
    %dma_wait3A_148 = tpu.memref_slice %arg8[%dma_wait3A_146, %dma_wait3A_147] : memref<40x64xi32, #tpu.memory_space<vmem>> -> memref<1x64xi32, #tpu.memory_space<vmem>>
    %dma_wait3A_149 = tpu.memref_squeeze %dma_wait3A_148 : memref<1x64xi32, #tpu.memory_space<vmem>> -> memref<64xi32, #tpu.memory_space<vmem>>
    %dma_wait3A_150 = arith.constant 0 : i32
    %dma_wait3A_151 = arith.constant 0 : i32
    %dma_wait3A_152 = tpu.memref_slice %arg13[%dma_wait3A_150, %dma_wait3A_151] : memref<10240x128xf32, #tpu.memory_space<vmem_shared>> -> memref<10240x128xf32, #tpu.memory_space<vmem_shared>>
    tpu.wait_indirect_dma semaphore(%arg18 : memref<!tpu.dma_semaphore, #tpu.memory_space<semaphore_mem>>) src(%arg9 : memref<64x128xf32, #tpu.memory_space<vmem>>) dst(%dma_wait3A_152 : memref<10240x128xf32, #tpu.memory_space<vmem_shared>>)
    %dma_wait3A_153 = arith.constant 0 : i32
    %dma_wait3A_154 = arith.constant 0 : i32
    %dma_wait3A_155 = tpu.memref_slice %arg8[%dma_wait3A_153, %dma_wait3A_154] : memref<40x64xi32, #tpu.memory_space<vmem>> -> memref<1x64xi32, #tpu.memory_space<vmem>>
    %dma_wait3A_156 = tpu.memref_squeeze %dma_wait3A_155 : memref<1x64xi32, #tpu.memory_space<vmem>> -> memref<64xi32, #tpu.memory_space<vmem>>
    %dma_wait3A_157 = arith.constant 0 : i32
    %dma_wait3A_158 = arith.constant 0 : i32
    %dma_wait3A_159 = tpu.memref_slice %arg13[%dma_wait3A_157, %dma_wait3A_158] : memref<10240x128xf32, #tpu.memory_space<vmem_shared>> -> memref<10240x128xf32, #tpu.memory_space<vmem_shared>>
    tpu.wait_indirect_dma semaphore(%arg19 : memref<!tpu.dma_semaphore, #tpu.memory_space<semaphore_mem>>) src(%arg10 : memref<64x128xf32, #tpu.memory_space<vmem>>) dst(%dma_wait3A_159 : memref<10240x128xf32, #tpu.memory_space<vmem_shared>>)
    %dma_wait3A_160 = arith.constant 0 : i32
    %dma_wait3A_161 = arith.constant 0 : i32
    %dma_wait3A_162 = tpu.memref_slice %arg8[%dma_wait3A_160, %dma_wait3A_161] : memref<40x64xi32, #tpu.memory_space<vmem>> -> memref<1x64xi32, #tpu.memory_space<vmem>>
    %dma_wait3A_163 = tpu.memref_squeeze %dma_wait3A_162 : memref<1x64xi32, #tpu.memory_space<vmem>> -> memref<64xi32, #tpu.memory_space<vmem>>
    %dma_wait3A_164 = arith.constant 0 : i32
    %dma_wait3A_165 = arith.constant 0 : i32
    %dma_wait3A_166 = tpu.memref_slice %arg13[%dma_wait3A_164, %dma_wait3A_165] : memref<10240x128xf32, #tpu.memory_space<vmem_shared>> -> memref<10240x128xf32, #tpu.memory_space<vmem_shared>>
    tpu.wait_indirect_dma semaphore(%arg20 : memref<!tpu.dma_semaphore, #tpu.memory_space<semaphore_mem>>) src(%arg11 : memref<64x128xf32, #tpu.memory_space<vmem>>) dst(%dma_wait3A_166 : memref<10240x128xf32, #tpu.memory_space<vmem_shared>>)
    %dma_wait3A_167 = arith.constant 0 : i32
    %dma_wait3A_168 = arith.constant 0 : i32
    %dma_wait3A_169 = tpu.memref_slice %arg8[%dma_wait3A_167, %dma_wait3A_168] : memref<40x64xi32, #tpu.memory_space<vmem>> -> memref<1x64xi32, #tpu.memory_space<vmem>>
    %dma_wait3A_170 = tpu.memref_squeeze %dma_wait3A_169 : memref<1x64xi32, #tpu.memory_space<vmem>> -> memref<64xi32, #tpu.memory_space<vmem>>
    %dma_wait3A_171 = arith.constant 0 : i32
    %dma_wait3A_172 = arith.constant 0 : i32
    %dma_wait3A_173 = tpu.memref_slice %arg13[%dma_wait3A_171, %dma_wait3A_172] : memref<10240x128xf32, #tpu.memory_space<vmem_shared>> -> memref<10240x128xf32, #tpu.memory_space<vmem_shared>>
    tpu.wait_indirect_dma semaphore(%arg21 : memref<!tpu.dma_semaphore, #tpu.memory_space<semaphore_mem>>) src(%arg12 : memref<64x128xf32, #tpu.memory_space<vmem>>) dst(%dma_wait3A_173 : memref<10240x128xf32, #tpu.memory_space<vmem_shared>>)
    %mul3A_174 = arith.constant 160 : i32
    %mul3A_175 = arith.muli %add3A, %mul3A_174 : i32
    %add3A_176 = arith.constant 40 : i32
    %add3A_177 = arith.addi %mul3A_175, %add3A_176 : i32
    %multiple_of3A_178 = tpu.assume_multiple %add3A_177, 40 : i32
    "tpu.region"() ({
      %run_scoped3A = tpu.sem_alloc : memref<!tpu.dma_semaphore, #tpu.memory_space<semaphore_mem>>
      %dma_start3A_551 = arith.constant 0 : i32
      %dma_start3A_552 = tpu.memref_slice %arg3[%multiple_of3A_178, %dma_start3A_551] : memref<5120x64xi32, #tpu.memory_space<hbm>> -> memref<40x64xi32, #tpu.memory_space<hbm>>
      %dma_start3A_553 = arith.constant 0 : i32
      %dma_start3A_554 = tpu.memref_slice %arg3[%multiple_of3A_178, %dma_start3A_553] : memref<5120x64xi32, #tpu.memory_space<hbm>> -> memref<40x64xi32, #tpu.memory_space<hbm>>
      tpu.enqueue_dma source(%dma_start3A_554 : memref<40x64xi32, #tpu.memory_space<hbm>>) target(%arg7 : memref<40x64xi32, #tpu.memory_space<vmem>>) target_semaphore(%run_scoped3A : memref<!tpu.dma_semaphore, #tpu.memory_space<semaphore_mem>>)
      %dma_wait3A_555 = arith.constant 0 : i32
      %dma_wait3A_556 = tpu.memref_slice %arg3[%multiple_of3A_178, %dma_wait3A_555] : memref<5120x64xi32, #tpu.memory_space<hbm>> -> memref<40x64xi32, #tpu.memory_space<hbm>>
      %dma_wait3A_557 = arith.constant 0 : i32
      %dma_wait3A_558 = tpu.memref_slice %arg3[%multiple_of3A_178, %dma_wait3A_557] : memref<5120x64xi32, #tpu.memory_space<hbm>> -> memref<40x64xi32, #tpu.memory_space<hbm>>
      tpu.wait_dma2 semaphore(%run_scoped3A : memref<!tpu.dma_semaphore, #tpu.memory_space<semaphore_mem>>) src(%dma_wait3A_558 : memref<40x64xi32, #tpu.memory_space<hbm>>) dst(%arg7 : memref<40x64xi32, #tpu.memory_space<vmem>>)
      tpu.yield
    }) : () -> ()
    "tpu.region"() ({
      %run_scoped3A = tpu.sem_alloc : memref<!tpu.dma_semaphore, #tpu.memory_space<semaphore_mem>>
      %dma_start3A_551 = arith.constant 0 : i32
      %dma_start3A_552 = tpu.memref_slice %arg4[%multiple_of3A_178, %dma_start3A_551] : memref<5120x64xi32, #tpu.memory_space<hbm>> -> memref<40x64xi32, #tpu.memory_space<hbm>>
      %dma_start3A_553 = arith.constant 0 : i32
      %dma_start3A_554 = tpu.memref_slice %arg4[%multiple_of3A_178, %dma_start3A_553] : memref<5120x64xi32, #tpu.memory_space<hbm>> -> memref<40x64xi32, #tpu.memory_space<hbm>>
      tpu.enqueue_dma source(%dma_start3A_554 : memref<40x64xi32, #tpu.memory_space<hbm>>) target(%arg8 : memref<40x64xi32, #tpu.memory_space<vmem>>) target_semaphore(%run_scoped3A : memref<!tpu.dma_semaphore, #tpu.memory_space<semaphore_mem>>)
      %dma_wait3A_555 = arith.constant 0 : i32
      %dma_wait3A_556 = tpu.memref_slice %arg4[%multiple_of3A_178, %dma_wait3A_555] : memref<5120x64xi32, #tpu.memory_space<hbm>> -> memref<40x64xi32, #tpu.memory_space<hbm>>
      %dma_wait3A_557 = arith.constant 0 : i32
      %dma_wait3A_558 = tpu.memref_slice %arg4[%multiple_of3A_178, %dma_wait3A_557] : memref<5120x64xi32, #tpu.memory_space<hbm>> -> memref<40x64xi32, #tpu.memory_space<hbm>>
      tpu.wait_dma2 semaphore(%run_scoped3A : memref<!tpu.dma_semaphore, #tpu.memory_space<semaphore_mem>>) src(%dma_wait3A_558 : memref<40x64xi32, #tpu.memory_space<hbm>>) dst(%arg8 : memref<40x64xi32, #tpu.memory_space<vmem>>)
      tpu.yield
    }) : () -> ()
    %dma_start3A_179 = arith.constant 0 : i32
    %dma_start3A_180 = arith.constant 0 : i32
    %dma_start3A_181 = tpu.memref_slice %arg7[%dma_start3A_179, %dma_start3A_180] : memref<40x64xi32, #tpu.memory_space<vmem>> -> memref<1x64xi32, #tpu.memory_space<vmem>>
    %dma_start3A_182 = tpu.memref_squeeze %dma_start3A_181 : memref<1x64xi32, #tpu.memory_space<vmem>> -> memref<64xi32, #tpu.memory_space<vmem>>
    %dma_start3A_183 = arith.constant 0 : i32
    %dma_start3A_184 = arith.constant 0 : i32
    %dma_start3A_185 = tpu.memref_slice %arg2[%dma_start3A_183, %dma_start3A_184] : memref<10000x128xf32, #tpu.memory_space<hbm>> -> memref<10000x128xf32, #tpu.memory_space<hbm>>
    tpu.enqueue_indirect_dma source(%dma_start3A_185 : memref<10000x128xf32, #tpu.memory_space<hbm>>) target(%arg9 : memref<64x128xf32, #tpu.memory_space<vmem>>) offsets(%dma_start3A_182 : memref<64xi32, #tpu.memory_space<vmem>>) semaphore(%arg14 : memref<!tpu.dma_semaphore, #tpu.memory_space<semaphore_mem>>)
    %dma_start3A_186 = arith.constant 1 : i32
    %dma_start3A_187 = arith.constant 0 : i32
    %dma_start3A_188 = tpu.memref_slice %arg7[%dma_start3A_186, %dma_start3A_187] : memref<40x64xi32, #tpu.memory_space<vmem>> -> memref<1x64xi32, #tpu.memory_space<vmem>>
    %dma_start3A_189 = tpu.memref_squeeze %dma_start3A_188 : memref<1x64xi32, #tpu.memory_space<vmem>> -> memref<64xi32, #tpu.memory_space<vmem>>
    %dma_start3A_190 = arith.constant 0 : i32
    %dma_start3A_191 = arith.constant 0 : i32
    %dma_start3A_192 = tpu.memref_slice %arg2[%dma_start3A_190, %dma_start3A_191] : memref<10000x128xf32, #tpu.memory_space<hbm>> -> memref<10000x128xf32, #tpu.memory_space<hbm>>
    tpu.enqueue_indirect_dma source(%dma_start3A_192 : memref<10000x128xf32, #tpu.memory_space<hbm>>) target(%arg10 : memref<64x128xf32, #tpu.memory_space<vmem>>) offsets(%dma_start3A_189 : memref<64xi32, #tpu.memory_space<vmem>>) semaphore(%arg15 : memref<!tpu.dma_semaphore, #tpu.memory_space<semaphore_mem>>)
    %dma_start3A_193 = arith.constant 2 : i32
    %dma_start3A_194 = arith.constant 0 : i32
    %dma_start3A_195 = tpu.memref_slice %arg7[%dma_start3A_193, %dma_start3A_194] : memref<40x64xi32, #tpu.memory_space<vmem>> -> memref<1x64xi32, #tpu.memory_space<vmem>>
    %dma_start3A_196 = tpu.memref_squeeze %dma_start3A_195 : memref<1x64xi32, #tpu.memory_space<vmem>> -> memref<64xi32, #tpu.memory_space<vmem>>
    %dma_start3A_197 = arith.constant 0 : i32
    %dma_start3A_198 = arith.constant 0 : i32
    %dma_start3A_199 = tpu.memref_slice %arg2[%dma_start3A_197, %dma_start3A_198] : memref<10000x128xf32, #tpu.memory_space<hbm>> -> memref<10000x128xf32, #tpu.memory_space<hbm>>
    tpu.enqueue_indirect_dma source(%dma_start3A_199 : memref<10000x128xf32, #tpu.memory_space<hbm>>) target(%arg11 : memref<64x128xf32, #tpu.memory_space<vmem>>) offsets(%dma_start3A_196 : memref<64xi32, #tpu.memory_space<vmem>>) semaphore(%arg16 : memref<!tpu.dma_semaphore, #tpu.memory_space<semaphore_mem>>)
    %dma_start3A_200 = arith.constant 3 : i32
    %dma_start3A_201 = arith.constant 0 : i32
    %dma_start3A_202 = tpu.memref_slice %arg7[%dma_start3A_200, %dma_start3A_201] : memref<40x64xi32, #tpu.memory_space<vmem>> -> memref<1x64xi32, #tpu.memory_space<vmem>>
    %dma_start3A_203 = tpu.memref_squeeze %dma_start3A_202 : memref<1x64xi32, #tpu.memory_space<vmem>> -> memref<64xi32, #tpu.memory_space<vmem>>
    %dma_start3A_204 = arith.constant 0 : i32
    %dma_start3A_205 = arith.constant 0 : i32
    %dma_start3A_206 = tpu.memref_slice %arg2[%dma_start3A_204, %dma_start3A_205] : memref<10000x128xf32, #tpu.memory_space<hbm>> -> memref<10000x128xf32, #tpu.memory_space<hbm>>
    tpu.enqueue_indirect_dma source(%dma_start3A_206 : memref<10000x128xf32, #tpu.memory_space<hbm>>) target(%arg12 : memref<64x128xf32, #tpu.memory_space<vmem>>) offsets(%dma_start3A_203 : memref<64xi32, #tpu.memory_space<vmem>>) semaphore(%arg17 : memref<!tpu.dma_semaphore, #tpu.memory_space<semaphore_mem>>)
    %scan3A_207 = arith.constant 0 : i32
    %scan3A_208 = arith.constant 9 : i32
    %scan3A_209 = arith.addi %scan3A_207, %scan3A_208 : i32
    %scan3A_210 = arith.constant 1 : i32
    scf.for %scan3A_551 = %scan3A_207 to %scan3A_209 step %scan3A_210  : i32 {
      %mul3A_552 = arith.constant 1 : i32
      %mul3A_553 = arith.muli %scan3A_551, %mul3A_552 : i32
      %add3A_554 = arith.constant 0 : i32
      %add3A_555 = arith.addi %add3A_554, %mul3A_553 : i32
      %mul3A_556 = arith.constant 4 : i32
      %mul3A_557 = arith.muli %add3A_555, %mul3A_556 : i32
      %dma_wait3A_558 = arith.constant 0 : i32
      %dma_wait3A_559 = arith.constant 0 : i32
      %dma_wait3A_560 = tpu.memref_slice %arg7[%dma_wait3A_558, %dma_wait3A_559] : memref<40x64xi32, #tpu.memory_space<vmem>> -> memref<1x64xi32, #tpu.memory_space<vmem>>
      %dma_wait3A_561 = tpu.memref_squeeze %dma_wait3A_560 : memref<1x64xi32, #tpu.memory_space<vmem>> -> memref<64xi32, #tpu.memory_space<vmem>>
      %dma_wait3A_562 = arith.constant 0 : i32
      %dma_wait3A_563 = arith.constant 0 : i32
      %dma_wait3A_564 = tpu.memref_slice %arg2[%dma_wait3A_562, %dma_wait3A_563] : memref<10000x128xf32, #tpu.memory_space<hbm>> -> memref<10000x128xf32, #tpu.memory_space<hbm>>
      tpu.wait_indirect_dma semaphore(%arg14 : memref<!tpu.dma_semaphore, #tpu.memory_space<semaphore_mem>>) src(%dma_wait3A_564 : memref<10000x128xf32, #tpu.memory_space<hbm>>) dst(%arg9 : memref<64x128xf32, #tpu.memory_space<vmem>>)
      %add3A_565 = arith.constant 0 : i32
      %add3A_566 = arith.addi %mul3A_557, %add3A_565 : i32
      %dma_start3A_567 = arith.constant 0 : i32
      %dma_start3A_568 = tpu.memref_slice %arg8[%add3A_566, %dma_start3A_567] : memref<40x64xi32, #tpu.memory_space<vmem>> -> memref<1x64xi32, #tpu.memory_space<vmem>>
      %dma_start3A_569 = tpu.memref_squeeze %dma_start3A_568 : memref<1x64xi32, #tpu.memory_space<vmem>> -> memref<64xi32, #tpu.memory_space<vmem>>
      %dma_start3A_570 = arith.constant 0 : i32
      %dma_start3A_571 = arith.constant 0 : i32
      %dma_start3A_572 = tpu.memref_slice %arg13[%dma_start3A_570, %dma_start3A_571] : memref<10240x128xf32, #tpu.memory_space<vmem_shared>> -> memref<10240x128xf32, #tpu.memory_space<vmem_shared>>
      tpu.enqueue_indirect_dma source(%arg9 : memref<64x128xf32, #tpu.memory_space<vmem>>) target(%dma_start3A_572 : memref<10240x128xf32, #tpu.memory_space<vmem_shared>>) offsets(%dma_start3A_569 : memref<64xi32, #tpu.memory_space<vmem>>) semaphore(%arg18 : memref<!tpu.dma_semaphore, #tpu.memory_space<semaphore_mem>>) {add = true}
      %dma_wait3A_573 = arith.constant 0 : i32
      %dma_wait3A_574 = arith.constant 0 : i32
      %dma_wait3A_575 = tpu.memref_slice %arg7[%dma_wait3A_573, %dma_wait3A_574] : memref<40x64xi32, #tpu.memory_space<vmem>> -> memref<1x64xi32, #tpu.memory_space<vmem>>
      %dma_wait3A_576 = tpu.memref_squeeze %dma_wait3A_575 : memref<1x64xi32, #tpu.memory_space<vmem>> -> memref<64xi32, #tpu.memory_space<vmem>>
      %dma_wait3A_577 = arith.constant 0 : i32
      %dma_wait3A_578 = arith.constant 0 : i32
      %dma_wait3A_579 = tpu.memref_slice %arg2[%dma_wait3A_577, %dma_wait3A_578] : memref<10000x128xf32, #tpu.memory_space<hbm>> -> memref<10000x128xf32, #tpu.memory_space<hbm>>
      tpu.wait_indirect_dma semaphore(%arg15 : memref<!tpu.dma_semaphore, #tpu.memory_space<semaphore_mem>>) src(%dma_wait3A_579 : memref<10000x128xf32, #tpu.memory_space<hbm>>) dst(%arg10 : memref<64x128xf32, #tpu.memory_space<vmem>>)
      %add3A_580 = arith.constant 1 : i32
      %add3A_581 = arith.addi %mul3A_557, %add3A_580 : i32
      %dma_start3A_582 = arith.constant 0 : i32
      %dma_start3A_583 = tpu.memref_slice %arg8[%add3A_581, %dma_start3A_582] : memref<40x64xi32, #tpu.memory_space<vmem>> -> memref<1x64xi32, #tpu.memory_space<vmem>>
      %dma_start3A_584 = tpu.memref_squeeze %dma_start3A_583 : memref<1x64xi32, #tpu.memory_space<vmem>> -> memref<64xi32, #tpu.memory_space<vmem>>
      %dma_start3A_585 = arith.constant 0 : i32
      %dma_start3A_586 = arith.constant 0 : i32
      %dma_start3A_587 = tpu.memref_slice %arg13[%dma_start3A_585, %dma_start3A_586] : memref<10240x128xf32, #tpu.memory_space<vmem_shared>> -> memref<10240x128xf32, #tpu.memory_space<vmem_shared>>
      tpu.enqueue_indirect_dma source(%arg10 : memref<64x128xf32, #tpu.memory_space<vmem>>) target(%dma_start3A_587 : memref<10240x128xf32, #tpu.memory_space<vmem_shared>>) offsets(%dma_start3A_584 : memref<64xi32, #tpu.memory_space<vmem>>) semaphore(%arg19 : memref<!tpu.dma_semaphore, #tpu.memory_space<semaphore_mem>>) {add = true}
      %dma_wait3A_588 = arith.constant 0 : i32
      %dma_wait3A_589 = arith.constant 0 : i32
      %dma_wait3A_590 = tpu.memref_slice %arg7[%dma_wait3A_588, %dma_wait3A_589] : memref<40x64xi32, #tpu.memory_space<vmem>> -> memref<1x64xi32, #tpu.memory_space<vmem>>
      %dma_wait3A_591 = tpu.memref_squeeze %dma_wait3A_590 : memref<1x64xi32, #tpu.memory_space<vmem>> -> memref<64xi32, #tpu.memory_space<vmem>>
      %dma_wait3A_592 = arith.constant 0 : i32
      %dma_wait3A_593 = arith.constant 0 : i32
      %dma_wait3A_594 = tpu.memref_slice %arg2[%dma_wait3A_592, %dma_wait3A_593] : memref<10000x128xf32, #tpu.memory_space<hbm>> -> memref<10000x128xf32, #tpu.memory_space<hbm>>
      tpu.wait_indirect_dma semaphore(%arg16 : memref<!tpu.dma_semaphore, #tpu.memory_space<semaphore_mem>>) src(%dma_wait3A_594 : memref<10000x128xf32, #tpu.memory_space<hbm>>) dst(%arg11 : memref<64x128xf32, #tpu.memory_space<vmem>>)
      %add3A_595 = arith.constant 2 : i32
      %add3A_596 = arith.addi %mul3A_557, %add3A_595 : i32
      %dma_start3A_597 = arith.constant 0 : i32
      %dma_start3A_598 = tpu.memref_slice %arg8[%add3A_596, %dma_start3A_597] : memref<40x64xi32, #tpu.memory_space<vmem>> -> memref<1x64xi32, #tpu.memory_space<vmem>>
      %dma_start3A_599 = tpu.memref_squeeze %dma_start3A_598 : memref<1x64xi32, #tpu.memory_space<vmem>> -> memref<64xi32, #tpu.memory_space<vmem>>
      %dma_start3A_600 = arith.constant 0 : i32
      %dma_start3A_601 = arith.constant 0 : i32
      %dma_start3A_602 = tpu.memref_slice %arg13[%dma_start3A_600, %dma_start3A_601] : memref<10240x128xf32, #tpu.memory_space<vmem_shared>> -> memref<10240x128xf32, #tpu.memory_space<vmem_shared>>
      tpu.enqueue_indirect_dma source(%arg11 : memref<64x128xf32, #tpu.memory_space<vmem>>) target(%dma_start3A_602 : memref<10240x128xf32, #tpu.memory_space<vmem_shared>>) offsets(%dma_start3A_599 : memref<64xi32, #tpu.memory_space<vmem>>) semaphore(%arg20 : memref<!tpu.dma_semaphore, #tpu.memory_space<semaphore_mem>>) {add = true}
      %dma_wait3A_603 = arith.constant 0 : i32
      %dma_wait3A_604 = arith.constant 0 : i32
      %dma_wait3A_605 = tpu.memref_slice %arg7[%dma_wait3A_603, %dma_wait3A_604] : memref<40x64xi32, #tpu.memory_space<vmem>> -> memref<1x64xi32, #tpu.memory_space<vmem>>
      %dma_wait3A_606 = tpu.memref_squeeze %dma_wait3A_605 : memref<1x64xi32, #tpu.memory_space<vmem>> -> memref<64xi32, #tpu.memory_space<vmem>>
      %dma_wait3A_607 = arith.constant 0 : i32
      %dma_wait3A_608 = arith.constant 0 : i32
      %dma_wait3A_609 = tpu.memref_slice %arg2[%dma_wait3A_607, %dma_wait3A_608] : memref<10000x128xf32, #tpu.memory_space<hbm>> -> memref<10000x128xf32, #tpu.memory_space<hbm>>
      tpu.wait_indirect_dma semaphore(%arg17 : memref<!tpu.dma_semaphore, #tpu.memory_space<semaphore_mem>>) src(%dma_wait3A_609 : memref<10000x128xf32, #tpu.memory_space<hbm>>) dst(%arg12 : memref<64x128xf32, #tpu.memory_space<vmem>>)
      %add3A_610 = arith.constant 3 : i32
      %add3A_611 = arith.addi %mul3A_557, %add3A_610 : i32
      %dma_start3A_612 = arith.constant 0 : i32
      %dma_start3A_613 = tpu.memref_slice %arg8[%add3A_611, %dma_start3A_612] : memref<40x64xi32, #tpu.memory_space<vmem>> -> memref<1x64xi32, #tpu.memory_space<vmem>>
      %dma_start3A_614 = tpu.memref_squeeze %dma_start3A_613 : memref<1x64xi32, #tpu.memory_space<vmem>> -> memref<64xi32, #tpu.memory_space<vmem>>
      %dma_start3A_615 = arith.constant 0 : i32
      %dma_start3A_616 = arith.constant 0 : i32
      %dma_start3A_617 = tpu.memref_slice %arg13[%dma_start3A_615, %dma_start3A_616] : memref<10240x128xf32, #tpu.memory_space<vmem_shared>> -> memref<10240x128xf32, #tpu.memory_space<vmem_shared>>
      tpu.enqueue_indirect_dma source(%arg12 : memref<64x128xf32, #tpu.memory_space<vmem>>) target(%dma_start3A_617 : memref<10240x128xf32, #tpu.memory_space<vmem_shared>>) offsets(%dma_start3A_614 : memref<64xi32, #tpu.memory_space<vmem>>) semaphore(%arg21 : memref<!tpu.dma_semaphore, #tpu.memory_space<semaphore_mem>>) {add = true}
      %dma_wait3A_618 = arith.constant 0 : i32
      %dma_wait3A_619 = arith.constant 0 : i32
      %dma_wait3A_620 = tpu.memref_slice %arg8[%dma_wait3A_618, %dma_wait3A_619] : memref<40x64xi32, #tpu.memory_space<vmem>> -> memref<1x64xi32, #tpu.memory_space<vmem>>
      %dma_wait3A_621 = tpu.memref_squeeze %dma_wait3A_620 : memref<1x64xi32, #tpu.memory_space<vmem>> -> memref<64xi32, #tpu.memory_space<vmem>>
      %dma_wait3A_622 = arith.constant 0 : i32
      %dma_wait3A_623 = arith.constant 0 : i32
      %dma_wait3A_624 = tpu.memref_slice %arg13[%dma_wait3A_622, %dma_wait3A_623] : memref<10240x128xf32, #tpu.memory_space<vmem_shared>> -> memref<10240x128xf32, #tpu.memory_space<vmem_shared>>
      tpu.wait_indirect_dma semaphore(%arg18 : memref<!tpu.dma_semaphore, #tpu.memory_space<semaphore_mem>>) src(%arg9 : memref<64x128xf32, #tpu.memory_space<vmem>>) dst(%dma_wait3A_624 : memref<10240x128xf32, #tpu.memory_space<vmem_shared>>)
      %add3A_625 = arith.constant 4 : i32
      %add3A_626 = arith.addi %mul3A_557, %add3A_625 : i32
      %add3A_627 = arith.constant 0 : i32
      %add3A_628 = arith.addi %add3A_626, %add3A_627 : i32
      %dma_start3A_629 = arith.constant 0 : i32
      %dma_start3A_630 = tpu.memref_slice %arg7[%add3A_628, %dma_start3A_629] : memref<40x64xi32, #tpu.memory_space<vmem>> -> memref<1x64xi32, #tpu.memory_space<vmem>>
      %dma_start3A_631 = tpu.memref_squeeze %dma_start3A_630 : memref<1x64xi32, #tpu.memory_space<vmem>> -> memref<64xi32, #tpu.memory_space<vmem>>
      %dma_start3A_632 = arith.constant 0 : i32
      %dma_start3A_633 = arith.constant 0 : i32
      %dma_start3A_634 = tpu.memref_slice %arg2[%dma_start3A_632, %dma_start3A_633] : memref<10000x128xf32, #tpu.memory_space<hbm>> -> memref<10000x128xf32, #tpu.memory_space<hbm>>
      tpu.enqueue_indirect_dma source(%dma_start3A_634 : memref<10000x128xf32, #tpu.memory_space<hbm>>) target(%arg9 : memref<64x128xf32, #tpu.memory_space<vmem>>) offsets(%dma_start3A_631 : memref<64xi32, #tpu.memory_space<vmem>>) semaphore(%arg14 : memref<!tpu.dma_semaphore, #tpu.memory_space<semaphore_mem>>)
      %dma_wait3A_635 = arith.constant 0 : i32
      %dma_wait3A_636 = arith.constant 0 : i32
      %dma_wait3A_637 = tpu.memref_slice %arg8[%dma_wait3A_635, %dma_wait3A_636] : memref<40x64xi32, #tpu.memory_space<vmem>> -> memref<1x64xi32, #tpu.memory_space<vmem>>
      %dma_wait3A_638 = tpu.memref_squeeze %dma_wait3A_637 : memref<1x64xi32, #tpu.memory_space<vmem>> -> memref<64xi32, #tpu.memory_space<vmem>>
      %dma_wait3A_639 = arith.constant 0 : i32
      %dma_wait3A_640 = arith.constant 0 : i32
      %dma_wait3A_641 = tpu.memref_slice %arg13[%dma_wait3A_639, %dma_wait3A_640] : memref<10240x128xf32, #tpu.memory_space<vmem_shared>> -> memref<10240x128xf32, #tpu.memory_space<vmem_shared>>
      tpu.wait_indirect_dma semaphore(%arg19 : memref<!tpu.dma_semaphore, #tpu.memory_space<semaphore_mem>>) src(%arg10 : memref<64x128xf32, #tpu.memory_space<vmem>>) dst(%dma_wait3A_641 : memref<10240x128xf32, #tpu.memory_space<vmem_shared>>)
      %add3A_642 = arith.constant 4 : i32
      %add3A_643 = arith.addi %mul3A_557, %add3A_642 : i32
      %add3A_644 = arith.constant 1 : i32
      %add3A_645 = arith.addi %add3A_643, %add3A_644 : i32
      %dma_start3A_646 = arith.constant 0 : i32
      %dma_start3A_647 = tpu.memref_slice %arg7[%add3A_645, %dma_start3A_646] : memref<40x64xi32, #tpu.memory_space<vmem>> -> memref<1x64xi32, #tpu.memory_space<vmem>>
      %dma_start3A_648 = tpu.memref_squeeze %dma_start3A_647 : memref<1x64xi32, #tpu.memory_space<vmem>> -> memref<64xi32, #tpu.memory_space<vmem>>
      %dma_start3A_649 = arith.constant 0 : i32
      %dma_start3A_650 = arith.constant 0 : i32
      %dma_start3A_651 = tpu.memref_slice %arg2[%dma_start3A_649, %dma_start3A_650] : memref<10000x128xf32, #tpu.memory_space<hbm>> -> memref<10000x128xf32, #tpu.memory_space<hbm>>
      tpu.enqueue_indirect_dma source(%dma_start3A_651 : memref<10000x128xf32, #tpu.memory_space<hbm>>) target(%arg10 : memref<64x128xf32, #tpu.memory_space<vmem>>) offsets(%dma_start3A_648 : memref<64xi32, #tpu.memory_space<vmem>>) semaphore(%arg15 : memref<!tpu.dma_semaphore, #tpu.memory_space<semaphore_mem>>)
      %dma_wait3A_652 = arith.constant 0 : i32
      %dma_wait3A_653 = arith.constant 0 : i32
      %dma_wait3A_654 = tpu.memref_slice %arg8[%dma_wait3A_652, %dma_wait3A_653] : memref<40x64xi32, #tpu.memory_space<vmem>> -> memref<1x64xi32, #tpu.memory_space<vmem>>
      %dma_wait3A_655 = tpu.memref_squeeze %dma_wait3A_654 : memref<1x64xi32, #tpu.memory_space<vmem>> -> memref<64xi32, #tpu.memory_space<vmem>>
      %dma_wait3A_656 = arith.constant 0 : i32
      %dma_wait3A_657 = arith.constant 0 : i32
      %dma_wait3A_658 = tpu.memref_slice %arg13[%dma_wait3A_656, %dma_wait3A_657] : memref<10240x128xf32, #tpu.memory_space<vmem_shared>> -> memref<10240x128xf32, #tpu.memory_space<vmem_shared>>
      tpu.wait_indirect_dma semaphore(%arg20 : memref<!tpu.dma_semaphore, #tpu.memory_space<semaphore_mem>>) src(%arg11 : memref<64x128xf32, #tpu.memory_space<vmem>>) dst(%dma_wait3A_658 : memref<10240x128xf32, #tpu.memory_space<vmem_shared>>)
      %add3A_659 = arith.constant 4 : i32
      %add3A_660 = arith.addi %mul3A_557, %add3A_659 : i32
      %add3A_661 = arith.constant 2 : i32
      %add3A_662 = arith.addi %add3A_660, %add3A_661 : i32
      %dma_start3A_663 = arith.constant 0 : i32
      %dma_start3A_664 = tpu.memref_slice %arg7[%add3A_662, %dma_start3A_663] : memref<40x64xi32, #tpu.memory_space<vmem>> -> memref<1x64xi32, #tpu.memory_space<vmem>>
      %dma_start3A_665 = tpu.memref_squeeze %dma_start3A_664 : memref<1x64xi32, #tpu.memory_space<vmem>> -> memref<64xi32, #tpu.memory_space<vmem>>
      %dma_start3A_666 = arith.constant 0 : i32
      %dma_start3A_667 = arith.constant 0 : i32
      %dma_start3A_668 = tpu.memref_slice %arg2[%dma_start3A_666, %dma_start3A_667] : memref<10000x128xf32, #tpu.memory_space<hbm>> -> memref<10000x128xf32, #tpu.memory_space<hbm>>
      tpu.enqueue_indirect_dma source(%dma_start3A_668 : memref<10000x128xf32, #tpu.memory_space<hbm>>) target(%arg11 : memref<64x128xf32, #tpu.memory_space<vmem>>) offsets(%dma_start3A_665 : memref<64xi32, #tpu.memory_space<vmem>>) semaphore(%arg16 : memref<!tpu.dma_semaphore, #tpu.memory_space<semaphore_mem>>)
      %dma_wait3A_669 = arith.constant 0 : i32
      %dma_wait3A_670 = arith.constant 0 : i32
      %dma_wait3A_671 = tpu.memref_slice %arg8[%dma_wait3A_669, %dma_wait3A_670] : memref<40x64xi32, #tpu.memory_space<vmem>> -> memref<1x64xi32, #tpu.memory_space<vmem>>
      %dma_wait3A_672 = tpu.memref_squeeze %dma_wait3A_671 : memref<1x64xi32, #tpu.memory_space<vmem>> -> memref<64xi32, #tpu.memory_space<vmem>>
      %dma_wait3A_673 = arith.constant 0 : i32
      %dma_wait3A_674 = arith.constant 0 : i32
      %dma_wait3A_675 = tpu.memref_slice %arg13[%dma_wait3A_673, %dma_wait3A_674] : memref<10240x128xf32, #tpu.memory_space<vmem_shared>> -> memref<10240x128xf32, #tpu.memory_space<vmem_shared>>
      tpu.wait_indirect_dma semaphore(%arg21 : memref<!tpu.dma_semaphore, #tpu.memory_space<semaphore_mem>>) src(%arg12 : memref<64x128xf32, #tpu.memory_space<vmem>>) dst(%dma_wait3A_675 : memref<10240x128xf32, #tpu.memory_space<vmem_shared>>)
      %add3A_676 = arith.constant 4 : i32
      %add3A_677 = arith.addi %mul3A_557, %add3A_676 : i32
      %add3A_678 = arith.constant 3 : i32
      %add3A_679 = arith.addi %add3A_677, %add3A_678 : i32
      %dma_start3A_680 = arith.constant 0 : i32
      %dma_start3A_681 = tpu.memref_slice %arg7[%add3A_679, %dma_start3A_680] : memref<40x64xi32, #tpu.memory_space<vmem>> -> memref<1x64xi32, #tpu.memory_space<vmem>>
      %dma_start3A_682 = tpu.memref_squeeze %dma_start3A_681 : memref<1x64xi32, #tpu.memory_space<vmem>> -> memref<64xi32, #tpu.memory_space<vmem>>
      %dma_start3A_683 = arith.constant 0 : i32
      %dma_start3A_684 = arith.constant 0 : i32
      %dma_start3A_685 = tpu.memref_slice %arg2[%dma_start3A_683, %dma_start3A_684] : memref<10000x128xf32, #tpu.memory_space<hbm>> -> memref<10000x128xf32, #tpu.memory_space<hbm>>
      tpu.enqueue_indirect_dma source(%dma_start3A_685 : memref<10000x128xf32, #tpu.memory_space<hbm>>) target(%arg12 : memref<64x128xf32, #tpu.memory_space<vmem>>) offsets(%dma_start3A_682 : memref<64xi32, #tpu.memory_space<vmem>>) semaphore(%arg17 : memref<!tpu.dma_semaphore, #tpu.memory_space<semaphore_mem>>)
    }
    %scan3A_211 = arith.constant 9 : i32
    %dma_wait3A_212 = arith.constant 0 : i32
    %dma_wait3A_213 = arith.constant 0 : i32
    %dma_wait3A_214 = tpu.memref_slice %arg7[%dma_wait3A_212, %dma_wait3A_213] : memref<40x64xi32, #tpu.memory_space<vmem>> -> memref<1x64xi32, #tpu.memory_space<vmem>>
    %dma_wait3A_215 = tpu.memref_squeeze %dma_wait3A_214 : memref<1x64xi32, #tpu.memory_space<vmem>> -> memref<64xi32, #tpu.memory_space<vmem>>
    %dma_wait3A_216 = arith.constant 0 : i32
    %dma_wait3A_217 = arith.constant 0 : i32
    %dma_wait3A_218 = tpu.memref_slice %arg2[%dma_wait3A_216, %dma_wait3A_217] : memref<10000x128xf32, #tpu.memory_space<hbm>> -> memref<10000x128xf32, #tpu.memory_space<hbm>>
    tpu.wait_indirect_dma semaphore(%arg14 : memref<!tpu.dma_semaphore, #tpu.memory_space<semaphore_mem>>) src(%dma_wait3A_218 : memref<10000x128xf32, #tpu.memory_space<hbm>>) dst(%arg9 : memref<64x128xf32, #tpu.memory_space<vmem>>)
    %dma_start3A_219 = arith.constant 36 : i32
    %dma_start3A_220 = arith.constant 0 : i32
    %dma_start3A_221 = tpu.memref_slice %arg8[%dma_start3A_219, %dma_start3A_220] : memref<40x64xi32, #tpu.memory_space<vmem>> -> memref<1x64xi32, #tpu.memory_space<vmem>>
    %dma_start3A_222 = tpu.memref_squeeze %dma_start3A_221 : memref<1x64xi32, #tpu.memory_space<vmem>> -> memref<64xi32, #tpu.memory_space<vmem>>
    %dma_start3A_223 = arith.constant 0 : i32
    %dma_start3A_224 = arith.constant 0 : i32
    %dma_start3A_225 = tpu.memref_slice %arg13[%dma_start3A_223, %dma_start3A_224] : memref<10240x128xf32, #tpu.memory_space<vmem_shared>> -> memref<10240x128xf32, #tpu.memory_space<vmem_shared>>
    tpu.enqueue_indirect_dma source(%arg9 : memref<64x128xf32, #tpu.memory_space<vmem>>) target(%dma_start3A_225 : memref<10240x128xf32, #tpu.memory_space<vmem_shared>>) offsets(%dma_start3A_222 : memref<64xi32, #tpu.memory_space<vmem>>) semaphore(%arg18 : memref<!tpu.dma_semaphore, #tpu.memory_space<semaphore_mem>>) {add = true}
    %dma_wait3A_226 = arith.constant 0 : i32
    %dma_wait3A_227 = arith.constant 0 : i32
    %dma_wait3A_228 = tpu.memref_slice %arg7[%dma_wait3A_226, %dma_wait3A_227] : memref<40x64xi32, #tpu.memory_space<vmem>> -> memref<1x64xi32, #tpu.memory_space<vmem>>
    %dma_wait3A_229 = tpu.memref_squeeze %dma_wait3A_228 : memref<1x64xi32, #tpu.memory_space<vmem>> -> memref<64xi32, #tpu.memory_space<vmem>>
    %dma_wait3A_230 = arith.constant 0 : i32
    %dma_wait3A_231 = arith.constant 0 : i32
    %dma_wait3A_232 = tpu.memref_slice %arg2[%dma_wait3A_230, %dma_wait3A_231] : memref<10000x128xf32, #tpu.memory_space<hbm>> -> memref<10000x128xf32, #tpu.memory_space<hbm>>
    tpu.wait_indirect_dma semaphore(%arg15 : memref<!tpu.dma_semaphore, #tpu.memory_space<semaphore_mem>>) src(%dma_wait3A_232 : memref<10000x128xf32, #tpu.memory_space<hbm>>) dst(%arg10 : memref<64x128xf32, #tpu.memory_space<vmem>>)
    %dma_start3A_233 = arith.constant 37 : i32
    %dma_start3A_234 = arith.constant 0 : i32
    %dma_start3A_235 = tpu.memref_slice %arg8[%dma_start3A_233, %dma_start3A_234] : memref<40x64xi32, #tpu.memory_space<vmem>> -> memref<1x64xi32, #tpu.memory_space<vmem>>
    %dma_start3A_236 = tpu.memref_squeeze %dma_start3A_235 : memref<1x64xi32, #tpu.memory_space<vmem>> -> memref<64xi32, #tpu.memory_space<vmem>>
    %dma_start3A_237 = arith.constant 0 : i32
    %dma_start3A_238 = arith.constant 0 : i32
    %dma_start3A_239 = tpu.memref_slice %arg13[%dma_start3A_237, %dma_start3A_238] : memref<10240x128xf32, #tpu.memory_space<vmem_shared>> -> memref<10240x128xf32, #tpu.memory_space<vmem_shared>>
    tpu.enqueue_indirect_dma source(%arg10 : memref<64x128xf32, #tpu.memory_space<vmem>>) target(%dma_start3A_239 : memref<10240x128xf32, #tpu.memory_space<vmem_shared>>) offsets(%dma_start3A_236 : memref<64xi32, #tpu.memory_space<vmem>>) semaphore(%arg19 : memref<!tpu.dma_semaphore, #tpu.memory_space<semaphore_mem>>) {add = true}
    %dma_wait3A_240 = arith.constant 0 : i32
    %dma_wait3A_241 = arith.constant 0 : i32
    %dma_wait3A_242 = tpu.memref_slice %arg7[%dma_wait3A_240, %dma_wait3A_241] : memref<40x64xi32, #tpu.memory_space<vmem>> -> memref<1x64xi32, #tpu.memory_space<vmem>>
    %dma_wait3A_243 = tpu.memref_squeeze %dma_wait3A_242 : memref<1x64xi32, #tpu.memory_space<vmem>> -> memref<64xi32, #tpu.memory_space<vmem>>
    %dma_wait3A_244 = arith.constant 0 : i32
    %dma_wait3A_245 = arith.constant 0 : i32
    %dma_wait3A_246 = tpu.memref_slice %arg2[%dma_wait3A_244, %dma_wait3A_245] : memref<10000x128xf32, #tpu.memory_space<hbm>> -> memref<10000x128xf32, #tpu.memory_space<hbm>>
    tpu.wait_indirect_dma semaphore(%arg16 : memref<!tpu.dma_semaphore, #tpu.memory_space<semaphore_mem>>) src(%dma_wait3A_246 : memref<10000x128xf32, #tpu.memory_space<hbm>>) dst(%arg11 : memref<64x128xf32, #tpu.memory_space<vmem>>)
    %dma_start3A_247 = arith.constant 38 : i32
    %dma_start3A_248 = arith.constant 0 : i32
    %dma_start3A_249 = tpu.memref_slice %arg8[%dma_start3A_247, %dma_start3A_248] : memref<40x64xi32, #tpu.memory_space<vmem>> -> memref<1x64xi32, #tpu.memory_space<vmem>>
    %dma_start3A_250 = tpu.memref_squeeze %dma_start3A_249 : memref<1x64xi32, #tpu.memory_space<vmem>> -> memref<64xi32, #tpu.memory_space<vmem>>
    %dma_start3A_251 = arith.constant 0 : i32
    %dma_start3A_252 = arith.constant 0 : i32
    %dma_start3A_253 = tpu.memref_slice %arg13[%dma_start3A_251, %dma_start3A_252] : memref<10240x128xf32, #tpu.memory_space<vmem_shared>> -> memref<10240x128xf32, #tpu.memory_space<vmem_shared>>
    tpu.enqueue_indirect_dma source(%arg11 : memref<64x128xf32, #tpu.memory_space<vmem>>) target(%dma_start3A_253 : memref<10240x128xf32, #tpu.memory_space<vmem_shared>>) offsets(%dma_start3A_250 : memref<64xi32, #tpu.memory_space<vmem>>) semaphore(%arg20 : memref<!tpu.dma_semaphore, #tpu.memory_space<semaphore_mem>>) {add = true}
    %dma_wait3A_254 = arith.constant 0 : i32
    %dma_wait3A_255 = arith.constant 0 : i32
    %dma_wait3A_256 = tpu.memref_slice %arg7[%dma_wait3A_254, %dma_wait3A_255] : memref<40x64xi32, #tpu.memory_space<vmem>> -> memref<1x64xi32, #tpu.memory_space<vmem>>
    %dma_wait3A_257 = tpu.memref_squeeze %dma_wait3A_256 : memref<1x64xi32, #tpu.memory_space<vmem>> -> memref<64xi32, #tpu.memory_space<vmem>>
    %dma_wait3A_258 = arith.constant 0 : i32
    %dma_wait3A_259 = arith.constant 0 : i32
    %dma_wait3A_260 = tpu.memref_slice %arg2[%dma_wait3A_258, %dma_wait3A_259] : memref<10000x128xf32, #tpu.memory_space<hbm>> -> memref<10000x128xf32, #tpu.memory_space<hbm>>
    tpu.wait_indirect_dma semaphore(%arg17 : memref<!tpu.dma_semaphore, #tpu.memory_space<semaphore_mem>>) src(%dma_wait3A_260 : memref<10000x128xf32, #tpu.memory_space<hbm>>) dst(%arg12 : memref<64x128xf32, #tpu.memory_space<vmem>>)
    %dma_start3A_261 = arith.constant 39 : i32
    %dma_start3A_262 = arith.constant 0 : i32
    %dma_start3A_263 = tpu.memref_slice %arg8[%dma_start3A_261, %dma_start3A_262] : memref<40x64xi32, #tpu.memory_space<vmem>> -> memref<1x64xi32, #tpu.memory_space<vmem>>
    %dma_start3A_264 = tpu.memref_squeeze %dma_start3A_263 : memref<1x64xi32, #tpu.memory_space<vmem>> -> memref<64xi32, #tpu.memory_space<vmem>>
    %dma_start3A_265 = arith.constant 0 : i32
    %dma_start3A_266 = arith.constant 0 : i32
    %dma_start3A_267 = tpu.memref_slice %arg13[%dma_start3A_265, %dma_start3A_266] : memref<10240x128xf32, #tpu.memory_space<vmem_shared>> -> memref<10240x128xf32, #tpu.memory_space<vmem_shared>>
    tpu.enqueue_indirect_dma source(%arg12 : memref<64x128xf32, #tpu.memory_space<vmem>>) target(%dma_start3A_267 : memref<10240x128xf32, #tpu.memory_space<vmem_shared>>) offsets(%dma_start3A_264 : memref<64xi32, #tpu.memory_space<vmem>>) semaphore(%arg21 : memref<!tpu.dma_semaphore, #tpu.memory_space<semaphore_mem>>) {add = true}
    %dma_wait3A_268 = arith.constant 0 : i32
    %dma_wait3A_269 = arith.constant 0 : i32
    %dma_wait3A_270 = tpu.memref_slice %arg8[%dma_wait3A_268, %dma_wait3A_269] : memref<40x64xi32, #tpu.memory_space<vmem>> -> memref<1x64xi32, #tpu.memory_space<vmem>>
    %dma_wait3A_271 = tpu.memref_squeeze %dma_wait3A_270 : memref<1x64xi32, #tpu.memory_space<vmem>> -> memref<64xi32, #tpu.memory_space<vmem>>
    %dma_wait3A_272 = arith.constant 0 : i32
    %dma_wait3A_273 = arith.constant 0 : i32
    %dma_wait3A_274 = tpu.memref_slice %arg13[%dma_wait3A_272, %dma_wait3A_273] : memref<10240x128xf32, #tpu.memory_space<vmem_shared>> -> memref<10240x128xf32, #tpu.memory_space<vmem_shared>>
    tpu.wait_indirect_dma semaphore(%arg18 : memref<!tpu.dma_semaphore, #tpu.memory_space<semaphore_mem>>) src(%arg9 : memref<64x128xf32, #tpu.memory_space<vmem>>) dst(%dma_wait3A_274 : memref<10240x128xf32, #tpu.memory_space<vmem_shared>>)
    %dma_wait3A_275 = arith.constant 0 : i32
    %dma_wait3A_276 = arith.constant 0 : i32
    %dma_wait3A_277 = tpu.memref_slice %arg8[%dma_wait3A_275, %dma_wait3A_276] : memref<40x64xi32, #tpu.memory_space<vmem>> -> memref<1x64xi32, #tpu.memory_space<vmem>>
    %dma_wait3A_278 = tpu.memref_squeeze %dma_wait3A_277 : memref<1x64xi32, #tpu.memory_space<vmem>> -> memref<64xi32, #tpu.memory_space<vmem>>
    %dma_wait3A_279 = arith.constant 0 : i32
    %dma_wait3A_280 = arith.constant 0 : i32
    %dma_wait3A_281 = tpu.memref_slice %arg13[%dma_wait3A_279, %dma_wait3A_280] : memref<10240x128xf32, #tpu.memory_space<vmem_shared>> -> memref<10240x128xf32, #tpu.memory_space<vmem_shared>>
    tpu.wait_indirect_dma semaphore(%arg19 : memref<!tpu.dma_semaphore, #tpu.memory_space<semaphore_mem>>) src(%arg10 : memref<64x128xf32, #tpu.memory_space<vmem>>) dst(%dma_wait3A_281 : memref<10240x128xf32, #tpu.memory_space<vmem_shared>>)
    %dma_wait3A_282 = arith.constant 0 : i32
    %dma_wait3A_283 = arith.constant 0 : i32
    %dma_wait3A_284 = tpu.memref_slice %arg8[%dma_wait3A_282, %dma_wait3A_283] : memref<40x64xi32, #tpu.memory_space<vmem>> -> memref<1x64xi32, #tpu.memory_space<vmem>>
    %dma_wait3A_285 = tpu.memref_squeeze %dma_wait3A_284 : memref<1x64xi32, #tpu.memory_space<vmem>> -> memref<64xi32, #tpu.memory_space<vmem>>
    %dma_wait3A_286 = arith.constant 0 : i32
    %dma_wait3A_287 = arith.constant 0 : i32
    %dma_wait3A_288 = tpu.memref_slice %arg13[%dma_wait3A_286, %dma_wait3A_287] : memref<10240x128xf32, #tpu.memory_space<vmem_shared>> -> memref<10240x128xf32, #tpu.memory_space<vmem_shared>>
    tpu.wait_indirect_dma semaphore(%arg20 : memref<!tpu.dma_semaphore, #tpu.memory_space<semaphore_mem>>) src(%arg11 : memref<64x128xf32, #tpu.memory_space<vmem>>) dst(%dma_wait3A_288 : memref<10240x128xf32, #tpu.memory_space<vmem_shared>>)
    %dma_wait3A_289 = arith.constant 0 : i32
    %dma_wait3A_290 = arith.constant 0 : i32
    %dma_wait3A_291 = tpu.memref_slice %arg8[%dma_wait3A_289, %dma_wait3A_290] : memref<40x64xi32, #tpu.memory_space<vmem>> -> memref<1x64xi32, #tpu.memory_space<vmem>>
    %dma_wait3A_292 = tpu.memref_squeeze %dma_wait3A_291 : memref<1x64xi32, #tpu.memory_space<vmem>> -> memref<64xi32, #tpu.memory_space<vmem>>
    %dma_wait3A_293 = arith.constant 0 : i32
    %dma_wait3A_294 = arith.constant 0 : i32
    %dma_wait3A_295 = tpu.memref_slice %arg13[%dma_wait3A_293, %dma_wait3A_294] : memref<10240x128xf32, #tpu.memory_space<vmem_shared>> -> memref<10240x128xf32, #tpu.memory_space<vmem_shared>>
    tpu.wait_indirect_dma semaphore(%arg21 : memref<!tpu.dma_semaphore, #tpu.memory_space<semaphore_mem>>) src(%arg12 : memref<64x128xf32, #tpu.memory_space<vmem>>) dst(%dma_wait3A_295 : memref<10240x128xf32, #tpu.memory_space<vmem_shared>>)
    %mul3A_296 = arith.constant 160 : i32
    %mul3A_297 = arith.muli %add3A, %mul3A_296 : i32
    %add3A_298 = arith.constant 80 : i32
    %add3A_299 = arith.addi %mul3A_297, %add3A_298 : i32
    %multiple_of3A_300 = tpu.assume_multiple %add3A_299, 40 : i32
    "tpu.region"() ({
      %run_scoped3A = tpu.sem_alloc : memref<!tpu.dma_semaphore, #tpu.memory_space<semaphore_mem>>
      %dma_start3A_551 = arith.constant 0 : i32
      %dma_start3A_552 = tpu.memref_slice %arg3[%multiple_of3A_300, %dma_start3A_551] : memref<5120x64xi32, #tpu.memory_space<hbm>> -> memref<40x64xi32, #tpu.memory_space<hbm>>
      %dma_start3A_553 = arith.constant 0 : i32
      %dma_start3A_554 = tpu.memref_slice %arg3[%multiple_of3A_300, %dma_start3A_553] : memref<5120x64xi32, #tpu.memory_space<hbm>> -> memref<40x64xi32, #tpu.memory_space<hbm>>
      tpu.enqueue_dma source(%dma_start3A_554 : memref<40x64xi32, #tpu.memory_space<hbm>>) target(%arg7 : memref<40x64xi32, #tpu.memory_space<vmem>>) target_semaphore(%run_scoped3A : memref<!tpu.dma_semaphore, #tpu.memory_space<semaphore_mem>>)
      %dma_wait3A_555 = arith.constant 0 : i32
      %dma_wait3A_556 = tpu.memref_slice %arg3[%multiple_of3A_300, %dma_wait3A_555] : memref<5120x64xi32, #tpu.memory_space<hbm>> -> memref<40x64xi32, #tpu.memory_space<hbm>>
      %dma_wait3A_557 = arith.constant 0 : i32
      %dma_wait3A_558 = tpu.memref_slice %arg3[%multiple_of3A_300, %dma_wait3A_557] : memref<5120x64xi32, #tpu.memory_space<hbm>> -> memref<40x64xi32, #tpu.memory_space<hbm>>
      tpu.wait_dma2 semaphore(%run_scoped3A : memref<!tpu.dma_semaphore, #tpu.memory_space<semaphore_mem>>) src(%dma_wait3A_558 : memref<40x64xi32, #tpu.memory_space<hbm>>) dst(%arg7 : memref<40x64xi32, #tpu.memory_space<vmem>>)
      tpu.yield
    }) : () -> ()
    "tpu.region"() ({
      %run_scoped3A = tpu.sem_alloc : memref<!tpu.dma_semaphore, #tpu.memory_space<semaphore_mem>>
      %dma_start3A_551 = arith.constant 0 : i32
      %dma_start3A_552 = tpu.memref_slice %arg4[%multiple_of3A_300, %dma_start3A_551] : memref<5120x64xi32, #tpu.memory_space<hbm>> -> memref<40x64xi32, #tpu.memory_space<hbm>>
      %dma_start3A_553 = arith.constant 0 : i32
      %dma_start3A_554 = tpu.memref_slice %arg4[%multiple_of3A_300, %dma_start3A_553] : memref<5120x64xi32, #tpu.memory_space<hbm>> -> memref<40x64xi32, #tpu.memory_space<hbm>>
      tpu.enqueue_dma source(%dma_start3A_554 : memref<40x64xi32, #tpu.memory_space<hbm>>) target(%arg8 : memref<40x64xi32, #tpu.memory_space<vmem>>) target_semaphore(%run_scoped3A : memref<!tpu.dma_semaphore, #tpu.memory_space<semaphore_mem>>)
      %dma_wait3A_555 = arith.constant 0 : i32
      %dma_wait3A_556 = tpu.memref_slice %arg4[%multiple_of3A_300, %dma_wait3A_555] : memref<5120x64xi32, #tpu.memory_space<hbm>> -> memref<40x64xi32, #tpu.memory_space<hbm>>
      %dma_wait3A_557 = arith.constant 0 : i32
      %dma_wait3A_558 = tpu.memref_slice %arg4[%multiple_of3A_300, %dma_wait3A_557] : memref<5120x64xi32, #tpu.memory_space<hbm>> -> memref<40x64xi32, #tpu.memory_space<hbm>>
      tpu.wait_dma2 semaphore(%run_scoped3A : memref<!tpu.dma_semaphore, #tpu.memory_space<semaphore_mem>>) src(%dma_wait3A_558 : memref<40x64xi32, #tpu.memory_space<hbm>>) dst(%arg8 : memref<40x64xi32, #tpu.memory_space<vmem>>)
      tpu.yield
    }) : () -> ()
    %dma_start3A_301 = arith.constant 0 : i32
    %dma_start3A_302 = arith.constant 0 : i32
    %dma_start3A_303 = tpu.memref_slice %arg7[%dma_start3A_301, %dma_start3A_302] : memref<40x64xi32, #tpu.memory_space<vmem>> -> memref<1x64xi32, #tpu.memory_space<vmem>>
    %dma_start3A_304 = tpu.memref_squeeze %dma_start3A_303 : memref<1x64xi32, #tpu.memory_space<vmem>> -> memref<64xi32, #tpu.memory_space<vmem>>
    %dma_start3A_305 = arith.constant 0 : i32
    %dma_start3A_306 = arith.constant 0 : i32
    %dma_start3A_307 = tpu.memref_slice %arg2[%dma_start3A_305, %dma_start3A_306] : memref<10000x128xf32, #tpu.memory_space<hbm>> -> memref<10000x128xf32, #tpu.memory_space<hbm>>
    tpu.enqueue_indirect_dma source(%dma_start3A_307 : memref<10000x128xf32, #tpu.memory_space<hbm>>) target(%arg9 : memref<64x128xf32, #tpu.memory_space<vmem>>) offsets(%dma_start3A_304 : memref<64xi32, #tpu.memory_space<vmem>>) semaphore(%arg14 : memref<!tpu.dma_semaphore, #tpu.memory_space<semaphore_mem>>)
    %dma_start3A_308 = arith.constant 1 : i32
    %dma_start3A_309 = arith.constant 0 : i32
    %dma_start3A_310 = tpu.memref_slice %arg7[%dma_start3A_308, %dma_start3A_309] : memref<40x64xi32, #tpu.memory_space<vmem>> -> memref<1x64xi32, #tpu.memory_space<vmem>>
    %dma_start3A_311 = tpu.memref_squeeze %dma_start3A_310 : memref<1x64xi32, #tpu.memory_space<vmem>> -> memref<64xi32, #tpu.memory_space<vmem>>
    %dma_start3A_312 = arith.constant 0 : i32
    %dma_start3A_313 = arith.constant 0 : i32
    %dma_start3A_314 = tpu.memref_slice %arg2[%dma_start3A_312, %dma_start3A_313] : memref<10000x128xf32, #tpu.memory_space<hbm>> -> memref<10000x128xf32, #tpu.memory_space<hbm>>
    tpu.enqueue_indirect_dma source(%dma_start3A_314 : memref<10000x128xf32, #tpu.memory_space<hbm>>) target(%arg10 : memref<64x128xf32, #tpu.memory_space<vmem>>) offsets(%dma_start3A_311 : memref<64xi32, #tpu.memory_space<vmem>>) semaphore(%arg15 : memref<!tpu.dma_semaphore, #tpu.memory_space<semaphore_mem>>)
    %dma_start3A_315 = arith.constant 2 : i32
    %dma_start3A_316 = arith.constant 0 : i32
    %dma_start3A_317 = tpu.memref_slice %arg7[%dma_start3A_315, %dma_start3A_316] : memref<40x64xi32, #tpu.memory_space<vmem>> -> memref<1x64xi32, #tpu.memory_space<vmem>>
    %dma_start3A_318 = tpu.memref_squeeze %dma_start3A_317 : memref<1x64xi32, #tpu.memory_space<vmem>> -> memref<64xi32, #tpu.memory_space<vmem>>
    %dma_start3A_319 = arith.constant 0 : i32
    %dma_start3A_320 = arith.constant 0 : i32
    %dma_start3A_321 = tpu.memref_slice %arg2[%dma_start3A_319, %dma_start3A_320] : memref<10000x128xf32, #tpu.memory_space<hbm>> -> memref<10000x128xf32, #tpu.memory_space<hbm>>
    tpu.enqueue_indirect_dma source(%dma_start3A_321 : memref<10000x128xf32, #tpu.memory_space<hbm>>) target(%arg11 : memref<64x128xf32, #tpu.memory_space<vmem>>) offsets(%dma_start3A_318 : memref<64xi32, #tpu.memory_space<vmem>>) semaphore(%arg16 : memref<!tpu.dma_semaphore, #tpu.memory_space<semaphore_mem>>)
    %dma_start3A_322 = arith.constant 3 : i32
    %dma_start3A_323 = arith.constant 0 : i32
    %dma_start3A_324 = tpu.memref_slice %arg7[%dma_start3A_322, %dma_start3A_323] : memref<40x64xi32, #tpu.memory_space<vmem>> -> memref<1x64xi32, #tpu.memory_space<vmem>>
    %dma_start3A_325 = tpu.memref_squeeze %dma_start3A_324 : memref<1x64xi32, #tpu.memory_space<vmem>> -> memref<64xi32, #tpu.memory_space<vmem>>
    %dma_start3A_326 = arith.constant 0 : i32
    %dma_start3A_327 = arith.constant 0 : i32
    %dma_start3A_328 = tpu.memref_slice %arg2[%dma_start3A_326, %dma_start3A_327] : memref<10000x128xf32, #tpu.memory_space<hbm>> -> memref<10000x128xf32, #tpu.memory_space<hbm>>
    tpu.enqueue_indirect_dma source(%dma_start3A_328 : memref<10000x128xf32, #tpu.memory_space<hbm>>) target(%arg12 : memref<64x128xf32, #tpu.memory_space<vmem>>) offsets(%dma_start3A_325 : memref<64xi32, #tpu.memory_space<vmem>>) semaphore(%arg17 : memref<!tpu.dma_semaphore, #tpu.memory_space<semaphore_mem>>)
    %scan3A_329 = arith.constant 0 : i32
    %scan3A_330 = arith.constant 9 : i32
    %scan3A_331 = arith.addi %scan3A_329, %scan3A_330 : i32
    %scan3A_332 = arith.constant 1 : i32
    scf.for %scan3A_551 = %scan3A_329 to %scan3A_331 step %scan3A_332  : i32 {
      %mul3A_552 = arith.constant 1 : i32
      %mul3A_553 = arith.muli %scan3A_551, %mul3A_552 : i32
      %add3A_554 = arith.constant 0 : i32
      %add3A_555 = arith.addi %add3A_554, %mul3A_553 : i32
      %mul3A_556 = arith.constant 4 : i32
      %mul3A_557 = arith.muli %add3A_555, %mul3A_556 : i32
      %dma_wait3A_558 = arith.constant 0 : i32
      %dma_wait3A_559 = arith.constant 0 : i32
      %dma_wait3A_560 = tpu.memref_slice %arg7[%dma_wait3A_558, %dma_wait3A_559] : memref<40x64xi32, #tpu.memory_space<vmem>> -> memref<1x64xi32, #tpu.memory_space<vmem>>
      %dma_wait3A_561 = tpu.memref_squeeze %dma_wait3A_560 : memref<1x64xi32, #tpu.memory_space<vmem>> -> memref<64xi32, #tpu.memory_space<vmem>>
      %dma_wait3A_562 = arith.constant 0 : i32
      %dma_wait3A_563 = arith.constant 0 : i32
      %dma_wait3A_564 = tpu.memref_slice %arg2[%dma_wait3A_562, %dma_wait3A_563] : memref<10000x128xf32, #tpu.memory_space<hbm>> -> memref<10000x128xf32, #tpu.memory_space<hbm>>
      tpu.wait_indirect_dma semaphore(%arg14 : memref<!tpu.dma_semaphore, #tpu.memory_space<semaphore_mem>>) src(%dma_wait3A_564 : memref<10000x128xf32, #tpu.memory_space<hbm>>) dst(%arg9 : memref<64x128xf32, #tpu.memory_space<vmem>>)
      %add3A_565 = arith.constant 0 : i32
      %add3A_566 = arith.addi %mul3A_557, %add3A_565 : i32
      %dma_start3A_567 = arith.constant 0 : i32
      %dma_start3A_568 = tpu.memref_slice %arg8[%add3A_566, %dma_start3A_567] : memref<40x64xi32, #tpu.memory_space<vmem>> -> memref<1x64xi32, #tpu.memory_space<vmem>>
      %dma_start3A_569 = tpu.memref_squeeze %dma_start3A_568 : memref<1x64xi32, #tpu.memory_space<vmem>> -> memref<64xi32, #tpu.memory_space<vmem>>
      %dma_start3A_570 = arith.constant 0 : i32
      %dma_start3A_571 = arith.constant 0 : i32
      %dma_start3A_572 = tpu.memref_slice %arg13[%dma_start3A_570, %dma_start3A_571] : memref<10240x128xf32, #tpu.memory_space<vmem_shared>> -> memref<10240x128xf32, #tpu.memory_space<vmem_shared>>
      tpu.enqueue_indirect_dma source(%arg9 : memref<64x128xf32, #tpu.memory_space<vmem>>) target(%dma_start3A_572 : memref<10240x128xf32, #tpu.memory_space<vmem_shared>>) offsets(%dma_start3A_569 : memref<64xi32, #tpu.memory_space<vmem>>) semaphore(%arg18 : memref<!tpu.dma_semaphore, #tpu.memory_space<semaphore_mem>>) {add = true}
      %dma_wait3A_573 = arith.constant 0 : i32
      %dma_wait3A_574 = arith.constant 0 : i32
      %dma_wait3A_575 = tpu.memref_slice %arg7[%dma_wait3A_573, %dma_wait3A_574] : memref<40x64xi32, #tpu.memory_space<vmem>> -> memref<1x64xi32, #tpu.memory_space<vmem>>
      %dma_wait3A_576 = tpu.memref_squeeze %dma_wait3A_575 : memref<1x64xi32, #tpu.memory_space<vmem>> -> memref<64xi32, #tpu.memory_space<vmem>>
      %dma_wait3A_577 = arith.constant 0 : i32
      %dma_wait3A_578 = arith.constant 0 : i32
      %dma_wait3A_579 = tpu.memref_slice %arg2[%dma_wait3A_577, %dma_wait3A_578] : memref<10000x128xf32, #tpu.memory_space<hbm>> -> memref<10000x128xf32, #tpu.memory_space<hbm>>
      tpu.wait_indirect_dma semaphore(%arg15 : memref<!tpu.dma_semaphore, #tpu.memory_space<semaphore_mem>>) src(%dma_wait3A_579 : memref<10000x128xf32, #tpu.memory_space<hbm>>) dst(%arg10 : memref<64x128xf32, #tpu.memory_space<vmem>>)
      %add3A_580 = arith.constant 1 : i32
      %add3A_581 = arith.addi %mul3A_557, %add3A_580 : i32
      %dma_start3A_582 = arith.constant 0 : i32
      %dma_start3A_583 = tpu.memref_slice %arg8[%add3A_581, %dma_start3A_582] : memref<40x64xi32, #tpu.memory_space<vmem>> -> memref<1x64xi32, #tpu.memory_space<vmem>>
      %dma_start3A_584 = tpu.memref_squeeze %dma_start3A_583 : memref<1x64xi32, #tpu.memory_space<vmem>> -> memref<64xi32, #tpu.memory_space<vmem>>
      %dma_start3A_585 = arith.constant 0 : i32
      %dma_start3A_586 = arith.constant 0 : i32
      %dma_start3A_587 = tpu.memref_slice %arg13[%dma_start3A_585, %dma_start3A_586] : memref<10240x128xf32, #tpu.memory_space<vmem_shared>> -> memref<10240x128xf32, #tpu.memory_space<vmem_shared>>
      tpu.enqueue_indirect_dma source(%arg10 : memref<64x128xf32, #tpu.memory_space<vmem>>) target(%dma_start3A_587 : memref<10240x128xf32, #tpu.memory_space<vmem_shared>>) offsets(%dma_start3A_584 : memref<64xi32, #tpu.memory_space<vmem>>) semaphore(%arg19 : memref<!tpu.dma_semaphore, #tpu.memory_space<semaphore_mem>>) {add = true}
      %dma_wait3A_588 = arith.constant 0 : i32
      %dma_wait3A_589 = arith.constant 0 : i32
      %dma_wait3A_590 = tpu.memref_slice %arg7[%dma_wait3A_588, %dma_wait3A_589] : memref<40x64xi32, #tpu.memory_space<vmem>> -> memref<1x64xi32, #tpu.memory_space<vmem>>
      %dma_wait3A_591 = tpu.memref_squeeze %dma_wait3A_590 : memref<1x64xi32, #tpu.memory_space<vmem>> -> memref<64xi32, #tpu.memory_space<vmem>>
      %dma_wait3A_592 = arith.constant 0 : i32
      %dma_wait3A_593 = arith.constant 0 : i32
      %dma_wait3A_594 = tpu.memref_slice %arg2[%dma_wait3A_592, %dma_wait3A_593] : memref<10000x128xf32, #tpu.memory_space<hbm>> -> memref<10000x128xf32, #tpu.memory_space<hbm>>
      tpu.wait_indirect_dma semaphore(%arg16 : memref<!tpu.dma_semaphore, #tpu.memory_space<semaphore_mem>>) src(%dma_wait3A_594 : memref<10000x128xf32, #tpu.memory_space<hbm>>) dst(%arg11 : memref<64x128xf32, #tpu.memory_space<vmem>>)
      %add3A_595 = arith.constant 2 : i32
      %add3A_596 = arith.addi %mul3A_557, %add3A_595 : i32
      %dma_start3A_597 = arith.constant 0 : i32
      %dma_start3A_598 = tpu.memref_slice %arg8[%add3A_596, %dma_start3A_597] : memref<40x64xi32, #tpu.memory_space<vmem>> -> memref<1x64xi32, #tpu.memory_space<vmem>>
      %dma_start3A_599 = tpu.memref_squeeze %dma_start3A_598 : memref<1x64xi32, #tpu.memory_space<vmem>> -> memref<64xi32, #tpu.memory_space<vmem>>
      %dma_start3A_600 = arith.constant 0 : i32
      %dma_start3A_601 = arith.constant 0 : i32
      %dma_start3A_602 = tpu.memref_slice %arg13[%dma_start3A_600, %dma_start3A_601] : memref<10240x128xf32, #tpu.memory_space<vmem_shared>> -> memref<10240x128xf32, #tpu.memory_space<vmem_shared>>
      tpu.enqueue_indirect_dma source(%arg11 : memref<64x128xf32, #tpu.memory_space<vmem>>) target(%dma_start3A_602 : memref<10240x128xf32, #tpu.memory_space<vmem_shared>>) offsets(%dma_start3A_599 : memref<64xi32, #tpu.memory_space<vmem>>) semaphore(%arg20 : memref<!tpu.dma_semaphore, #tpu.memory_space<semaphore_mem>>) {add = true}
      %dma_wait3A_603 = arith.constant 0 : i32
      %dma_wait3A_604 = arith.constant 0 : i32
      %dma_wait3A_605 = tpu.memref_slice %arg7[%dma_wait3A_603, %dma_wait3A_604] : memref<40x64xi32, #tpu.memory_space<vmem>> -> memref<1x64xi32, #tpu.memory_space<vmem>>
      %dma_wait3A_606 = tpu.memref_squeeze %dma_wait3A_605 : memref<1x64xi32, #tpu.memory_space<vmem>> -> memref<64xi32, #tpu.memory_space<vmem>>
      %dma_wait3A_607 = arith.constant 0 : i32
      %dma_wait3A_608 = arith.constant 0 : i32
      %dma_wait3A_609 = tpu.memref_slice %arg2[%dma_wait3A_607, %dma_wait3A_608] : memref<10000x128xf32, #tpu.memory_space<hbm>> -> memref<10000x128xf32, #tpu.memory_space<hbm>>
      tpu.wait_indirect_dma semaphore(%arg17 : memref<!tpu.dma_semaphore, #tpu.memory_space<semaphore_mem>>) src(%dma_wait3A_609 : memref<10000x128xf32, #tpu.memory_space<hbm>>) dst(%arg12 : memref<64x128xf32, #tpu.memory_space<vmem>>)
      %add3A_610 = arith.constant 3 : i32
      %add3A_611 = arith.addi %mul3A_557, %add3A_610 : i32
      %dma_start3A_612 = arith.constant 0 : i32
      %dma_start3A_613 = tpu.memref_slice %arg8[%add3A_611, %dma_start3A_612] : memref<40x64xi32, #tpu.memory_space<vmem>> -> memref<1x64xi32, #tpu.memory_space<vmem>>
      %dma_start3A_614 = tpu.memref_squeeze %dma_start3A_613 : memref<1x64xi32, #tpu.memory_space<vmem>> -> memref<64xi32, #tpu.memory_space<vmem>>
      %dma_start3A_615 = arith.constant 0 : i32
      %dma_start3A_616 = arith.constant 0 : i32
      %dma_start3A_617 = tpu.memref_slice %arg13[%dma_start3A_615, %dma_start3A_616] : memref<10240x128xf32, #tpu.memory_space<vmem_shared>> -> memref<10240x128xf32, #tpu.memory_space<vmem_shared>>
      tpu.enqueue_indirect_dma source(%arg12 : memref<64x128xf32, #tpu.memory_space<vmem>>) target(%dma_start3A_617 : memref<10240x128xf32, #tpu.memory_space<vmem_shared>>) offsets(%dma_start3A_614 : memref<64xi32, #tpu.memory_space<vmem>>) semaphore(%arg21 : memref<!tpu.dma_semaphore, #tpu.memory_space<semaphore_mem>>) {add = true}
      %dma_wait3A_618 = arith.constant 0 : i32
      %dma_wait3A_619 = arith.constant 0 : i32
      %dma_wait3A_620 = tpu.memref_slice %arg8[%dma_wait3A_618, %dma_wait3A_619] : memref<40x64xi32, #tpu.memory_space<vmem>> -> memref<1x64xi32, #tpu.memory_space<vmem>>
      %dma_wait3A_621 = tpu.memref_squeeze %dma_wait3A_620 : memref<1x64xi32, #tpu.memory_space<vmem>> -> memref<64xi32, #tpu.memory_space<vmem>>
      %dma_wait3A_622 = arith.constant 0 : i32
      %dma_wait3A_623 = arith.constant 0 : i32
      %dma_wait3A_624 = tpu.memref_slice %arg13[%dma_wait3A_622, %dma_wait3A_623] : memref<10240x128xf32, #tpu.memory_space<vmem_shared>> -> memref<10240x128xf32, #tpu.memory_space<vmem_shared>>
      tpu.wait_indirect_dma semaphore(%arg18 : memref<!tpu.dma_semaphore, #tpu.memory_space<semaphore_mem>>) src(%arg9 : memref<64x128xf32, #tpu.memory_space<vmem>>) dst(%dma_wait3A_624 : memref<10240x128xf32, #tpu.memory_space<vmem_shared>>)
      %add3A_625 = arith.constant 4 : i32
      %add3A_626 = arith.addi %mul3A_557, %add3A_625 : i32
      %add3A_627 = arith.constant 0 : i32
      %add3A_628 = arith.addi %add3A_626, %add3A_627 : i32
      %dma_start3A_629 = arith.constant 0 : i32
      %dma_start3A_630 = tpu.memref_slice %arg7[%add3A_628, %dma_start3A_629] : memref<40x64xi32, #tpu.memory_space<vmem>> -> memref<1x64xi32, #tpu.memory_space<vmem>>
      %dma_start3A_631 = tpu.memref_squeeze %dma_start3A_630 : memref<1x64xi32, #tpu.memory_space<vmem>> -> memref<64xi32, #tpu.memory_space<vmem>>
      %dma_start3A_632 = arith.constant 0 : i32
      %dma_start3A_633 = arith.constant 0 : i32
      %dma_start3A_634 = tpu.memref_slice %arg2[%dma_start3A_632, %dma_start3A_633] : memref<10000x128xf32, #tpu.memory_space<hbm>> -> memref<10000x128xf32, #tpu.memory_space<hbm>>
      tpu.enqueue_indirect_dma source(%dma_start3A_634 : memref<10000x128xf32, #tpu.memory_space<hbm>>) target(%arg9 : memref<64x128xf32, #tpu.memory_space<vmem>>) offsets(%dma_start3A_631 : memref<64xi32, #tpu.memory_space<vmem>>) semaphore(%arg14 : memref<!tpu.dma_semaphore, #tpu.memory_space<semaphore_mem>>)
      %dma_wait3A_635 = arith.constant 0 : i32
      %dma_wait3A_636 = arith.constant 0 : i32
      %dma_wait3A_637 = tpu.memref_slice %arg8[%dma_wait3A_635, %dma_wait3A_636] : memref<40x64xi32, #tpu.memory_space<vmem>> -> memref<1x64xi32, #tpu.memory_space<vmem>>
      %dma_wait3A_638 = tpu.memref_squeeze %dma_wait3A_637 : memref<1x64xi32, #tpu.memory_space<vmem>> -> memref<64xi32, #tpu.memory_space<vmem>>
      %dma_wait3A_639 = arith.constant 0 : i32
      %dma_wait3A_640 = arith.constant 0 : i32
      %dma_wait3A_641 = tpu.memref_slice %arg13[%dma_wait3A_639, %dma_wait3A_640] : memref<10240x128xf32, #tpu.memory_space<vmem_shared>> -> memref<10240x128xf32, #tpu.memory_space<vmem_shared>>
      tpu.wait_indirect_dma semaphore(%arg19 : memref<!tpu.dma_semaphore, #tpu.memory_space<semaphore_mem>>) src(%arg10 : memref<64x128xf32, #tpu.memory_space<vmem>>) dst(%dma_wait3A_641 : memref<10240x128xf32, #tpu.memory_space<vmem_shared>>)
      %add3A_642 = arith.constant 4 : i32
      %add3A_643 = arith.addi %mul3A_557, %add3A_642 : i32
      %add3A_644 = arith.constant 1 : i32
      %add3A_645 = arith.addi %add3A_643, %add3A_644 : i32
      %dma_start3A_646 = arith.constant 0 : i32
      %dma_start3A_647 = tpu.memref_slice %arg7[%add3A_645, %dma_start3A_646] : memref<40x64xi32, #tpu.memory_space<vmem>> -> memref<1x64xi32, #tpu.memory_space<vmem>>
      %dma_start3A_648 = tpu.memref_squeeze %dma_start3A_647 : memref<1x64xi32, #tpu.memory_space<vmem>> -> memref<64xi32, #tpu.memory_space<vmem>>
      %dma_start3A_649 = arith.constant 0 : i32
      %dma_start3A_650 = arith.constant 0 : i32
      %dma_start3A_651 = tpu.memref_slice %arg2[%dma_start3A_649, %dma_start3A_650] : memref<10000x128xf32, #tpu.memory_space<hbm>> -> memref<10000x128xf32, #tpu.memory_space<hbm>>
      tpu.enqueue_indirect_dma source(%dma_start3A_651 : memref<10000x128xf32, #tpu.memory_space<hbm>>) target(%arg10 : memref<64x128xf32, #tpu.memory_space<vmem>>) offsets(%dma_start3A_648 : memref<64xi32, #tpu.memory_space<vmem>>) semaphore(%arg15 : memref<!tpu.dma_semaphore, #tpu.memory_space<semaphore_mem>>)
      %dma_wait3A_652 = arith.constant 0 : i32
      %dma_wait3A_653 = arith.constant 0 : i32
      %dma_wait3A_654 = tpu.memref_slice %arg8[%dma_wait3A_652, %dma_wait3A_653] : memref<40x64xi32, #tpu.memory_space<vmem>> -> memref<1x64xi32, #tpu.memory_space<vmem>>
      %dma_wait3A_655 = tpu.memref_squeeze %dma_wait3A_654 : memref<1x64xi32, #tpu.memory_space<vmem>> -> memref<64xi32, #tpu.memory_space<vmem>>
      %dma_wait3A_656 = arith.constant 0 : i32
      %dma_wait3A_657 = arith.constant 0 : i32
      %dma_wait3A_658 = tpu.memref_slice %arg13[%dma_wait3A_656, %dma_wait3A_657] : memref<10240x128xf32, #tpu.memory_space<vmem_shared>> -> memref<10240x128xf32, #tpu.memory_space<vmem_shared>>
      tpu.wait_indirect_dma semaphore(%arg20 : memref<!tpu.dma_semaphore, #tpu.memory_space<semaphore_mem>>) src(%arg11 : memref<64x128xf32, #tpu.memory_space<vmem>>) dst(%dma_wait3A_658 : memref<10240x128xf32, #tpu.memory_space<vmem_shared>>)
      %add3A_659 = arith.constant 4 : i32
      %add3A_660 = arith.addi %mul3A_557, %add3A_659 : i32
      %add3A_661 = arith.constant 2 : i32
      %add3A_662 = arith.addi %add3A_660, %add3A_661 : i32
      %dma_start3A_663 = arith.constant 0 : i32
      %dma_start3A_664 = tpu.memref_slice %arg7[%add3A_662, %dma_start3A_663] : memref<40x64xi32, #tpu.memory_space<vmem>> -> memref<1x64xi32, #tpu.memory_space<vmem>>
      %dma_start3A_665 = tpu.memref_squeeze %dma_start3A_664 : memref<1x64xi32, #tpu.memory_space<vmem>> -> memref<64xi32, #tpu.memory_space<vmem>>
      %dma_start3A_666 = arith.constant 0 : i32
      %dma_start3A_667 = arith.constant 0 : i32
      %dma_start3A_668 = tpu.memref_slice %arg2[%dma_start3A_666, %dma_start3A_667] : memref<10000x128xf32, #tpu.memory_space<hbm>> -> memref<10000x128xf32, #tpu.memory_space<hbm>>
      tpu.enqueue_indirect_dma source(%dma_start3A_668 : memref<10000x128xf32, #tpu.memory_space<hbm>>) target(%arg11 : memref<64x128xf32, #tpu.memory_space<vmem>>) offsets(%dma_start3A_665 : memref<64xi32, #tpu.memory_space<vmem>>) semaphore(%arg16 : memref<!tpu.dma_semaphore, #tpu.memory_space<semaphore_mem>>)
      %dma_wait3A_669 = arith.constant 0 : i32
      %dma_wait3A_670 = arith.constant 0 : i32
      %dma_wait3A_671 = tpu.memref_slice %arg8[%dma_wait3A_669, %dma_wait3A_670] : memref<40x64xi32, #tpu.memory_space<vmem>> -> memref<1x64xi32, #tpu.memory_space<vmem>>
      %dma_wait3A_672 = tpu.memref_squeeze %dma_wait3A_671 : memref<1x64xi32, #tpu.memory_space<vmem>> -> memref<64xi32, #tpu.memory_space<vmem>>
      %dma_wait3A_673 = arith.constant 0 : i32
      %dma_wait3A_674 = arith.constant 0 : i32
      %dma_wait3A_675 = tpu.memref_slice %arg13[%dma_wait3A_673, %dma_wait3A_674] : memref<10240x128xf32, #tpu.memory_space<vmem_shared>> -> memref<10240x128xf32, #tpu.memory_space<vmem_shared>>
      tpu.wait_indirect_dma semaphore(%arg21 : memref<!tpu.dma_semaphore, #tpu.memory_space<semaphore_mem>>) src(%arg12 : memref<64x128xf32, #tpu.memory_space<vmem>>) dst(%dma_wait3A_675 : memref<10240x128xf32, #tpu.memory_space<vmem_shared>>)
      %add3A_676 = arith.constant 4 : i32
      %add3A_677 = arith.addi %mul3A_557, %add3A_676 : i32
      %add3A_678 = arith.constant 3 : i32
      %add3A_679 = arith.addi %add3A_677, %add3A_678 : i32
      %dma_start3A_680 = arith.constant 0 : i32
      %dma_start3A_681 = tpu.memref_slice %arg7[%add3A_679, %dma_start3A_680] : memref<40x64xi32, #tpu.memory_space<vmem>> -> memref<1x64xi32, #tpu.memory_space<vmem>>
      %dma_start3A_682 = tpu.memref_squeeze %dma_start3A_681 : memref<1x64xi32, #tpu.memory_space<vmem>> -> memref<64xi32, #tpu.memory_space<vmem>>
      %dma_start3A_683 = arith.constant 0 : i32
      %dma_start3A_684 = arith.constant 0 : i32
      %dma_start3A_685 = tpu.memref_slice %arg2[%dma_start3A_683, %dma_start3A_684] : memref<10000x128xf32, #tpu.memory_space<hbm>> -> memref<10000x128xf32, #tpu.memory_space<hbm>>
      tpu.enqueue_indirect_dma source(%dma_start3A_685 : memref<10000x128xf32, #tpu.memory_space<hbm>>) target(%arg12 : memref<64x128xf32, #tpu.memory_space<vmem>>) offsets(%dma_start3A_682 : memref<64xi32, #tpu.memory_space<vmem>>) semaphore(%arg17 : memref<!tpu.dma_semaphore, #tpu.memory_space<semaphore_mem>>)
    }
    %scan3A_333 = arith.constant 9 : i32
    %dma_wait3A_334 = arith.constant 0 : i32
    %dma_wait3A_335 = arith.constant 0 : i32
    %dma_wait3A_336 = tpu.memref_slice %arg7[%dma_wait3A_334, %dma_wait3A_335] : memref<40x64xi32, #tpu.memory_space<vmem>> -> memref<1x64xi32, #tpu.memory_space<vmem>>
    %dma_wait3A_337 = tpu.memref_squeeze %dma_wait3A_336 : memref<1x64xi32, #tpu.memory_space<vmem>> -> memref<64xi32, #tpu.memory_space<vmem>>
    %dma_wait3A_338 = arith.constant 0 : i32
    %dma_wait3A_339 = arith.constant 0 : i32
    %dma_wait3A_340 = tpu.memref_slice %arg2[%dma_wait3A_338, %dma_wait3A_339] : memref<10000x128xf32, #tpu.memory_space<hbm>> -> memref<10000x128xf32, #tpu.memory_space<hbm>>
    tpu.wait_indirect_dma semaphore(%arg14 : memref<!tpu.dma_semaphore, #tpu.memory_space<semaphore_mem>>) src(%dma_wait3A_340 : memref<10000x128xf32, #tpu.memory_space<hbm>>) dst(%arg9 : memref<64x128xf32, #tpu.memory_space<vmem>>)
    %dma_start3A_341 = arith.constant 36 : i32
    %dma_start3A_342 = arith.constant 0 : i32
    %dma_start3A_343 = tpu.memref_slice %arg8[%dma_start3A_341, %dma_start3A_342] : memref<40x64xi32, #tpu.memory_space<vmem>> -> memref<1x64xi32, #tpu.memory_space<vmem>>
    %dma_start3A_344 = tpu.memref_squeeze %dma_start3A_343 : memref<1x64xi32, #tpu.memory_space<vmem>> -> memref<64xi32, #tpu.memory_space<vmem>>
    %dma_start3A_345 = arith.constant 0 : i32
    %dma_start3A_346 = arith.constant 0 : i32
    %dma_start3A_347 = tpu.memref_slice %arg13[%dma_start3A_345, %dma_start3A_346] : memref<10240x128xf32, #tpu.memory_space<vmem_shared>> -> memref<10240x128xf32, #tpu.memory_space<vmem_shared>>
    tpu.enqueue_indirect_dma source(%arg9 : memref<64x128xf32, #tpu.memory_space<vmem>>) target(%dma_start3A_347 : memref<10240x128xf32, #tpu.memory_space<vmem_shared>>) offsets(%dma_start3A_344 : memref<64xi32, #tpu.memory_space<vmem>>) semaphore(%arg18 : memref<!tpu.dma_semaphore, #tpu.memory_space<semaphore_mem>>) {add = true}
    %dma_wait3A_348 = arith.constant 0 : i32
    %dma_wait3A_349 = arith.constant 0 : i32
    %dma_wait3A_350 = tpu.memref_slice %arg7[%dma_wait3A_348, %dma_wait3A_349] : memref<40x64xi32, #tpu.memory_space<vmem>> -> memref<1x64xi32, #tpu.memory_space<vmem>>
    %dma_wait3A_351 = tpu.memref_squeeze %dma_wait3A_350 : memref<1x64xi32, #tpu.memory_space<vmem>> -> memref<64xi32, #tpu.memory_space<vmem>>
    %dma_wait3A_352 = arith.constant 0 : i32
    %dma_wait3A_353 = arith.constant 0 : i32
    %dma_wait3A_354 = tpu.memref_slice %arg2[%dma_wait3A_352, %dma_wait3A_353] : memref<10000x128xf32, #tpu.memory_space<hbm>> -> memref<10000x128xf32, #tpu.memory_space<hbm>>
    tpu.wait_indirect_dma semaphore(%arg15 : memref<!tpu.dma_semaphore, #tpu.memory_space<semaphore_mem>>) src(%dma_wait3A_354 : memref<10000x128xf32, #tpu.memory_space<hbm>>) dst(%arg10 : memref<64x128xf32, #tpu.memory_space<vmem>>)
    %dma_start3A_355 = arith.constant 37 : i32
    %dma_start3A_356 = arith.constant 0 : i32
    %dma_start3A_357 = tpu.memref_slice %arg8[%dma_start3A_355, %dma_start3A_356] : memref<40x64xi32, #tpu.memory_space<vmem>> -> memref<1x64xi32, #tpu.memory_space<vmem>>
    %dma_start3A_358 = tpu.memref_squeeze %dma_start3A_357 : memref<1x64xi32, #tpu.memory_space<vmem>> -> memref<64xi32, #tpu.memory_space<vmem>>
    %dma_start3A_359 = arith.constant 0 : i32
    %dma_start3A_360 = arith.constant 0 : i32
    %dma_start3A_361 = tpu.memref_slice %arg13[%dma_start3A_359, %dma_start3A_360] : memref<10240x128xf32, #tpu.memory_space<vmem_shared>> -> memref<10240x128xf32, #tpu.memory_space<vmem_shared>>
    tpu.enqueue_indirect_dma source(%arg10 : memref<64x128xf32, #tpu.memory_space<vmem>>) target(%dma_start3A_361 : memref<10240x128xf32, #tpu.memory_space<vmem_shared>>) offsets(%dma_start3A_358 : memref<64xi32, #tpu.memory_space<vmem>>) semaphore(%arg19 : memref<!tpu.dma_semaphore, #tpu.memory_space<semaphore_mem>>) {add = true}
    %dma_wait3A_362 = arith.constant 0 : i32
    %dma_wait3A_363 = arith.constant 0 : i32
    %dma_wait3A_364 = tpu.memref_slice %arg7[%dma_wait3A_362, %dma_wait3A_363] : memref<40x64xi32, #tpu.memory_space<vmem>> -> memref<1x64xi32, #tpu.memory_space<vmem>>
    %dma_wait3A_365 = tpu.memref_squeeze %dma_wait3A_364 : memref<1x64xi32, #tpu.memory_space<vmem>> -> memref<64xi32, #tpu.memory_space<vmem>>
    %dma_wait3A_366 = arith.constant 0 : i32
    %dma_wait3A_367 = arith.constant 0 : i32
    %dma_wait3A_368 = tpu.memref_slice %arg2[%dma_wait3A_366, %dma_wait3A_367] : memref<10000x128xf32, #tpu.memory_space<hbm>> -> memref<10000x128xf32, #tpu.memory_space<hbm>>
    tpu.wait_indirect_dma semaphore(%arg16 : memref<!tpu.dma_semaphore, #tpu.memory_space<semaphore_mem>>) src(%dma_wait3A_368 : memref<10000x128xf32, #tpu.memory_space<hbm>>) dst(%arg11 : memref<64x128xf32, #tpu.memory_space<vmem>>)
    %dma_start3A_369 = arith.constant 38 : i32
    %dma_start3A_370 = arith.constant 0 : i32
    %dma_start3A_371 = tpu.memref_slice %arg8[%dma_start3A_369, %dma_start3A_370] : memref<40x64xi32, #tpu.memory_space<vmem>> -> memref<1x64xi32, #tpu.memory_space<vmem>>
    %dma_start3A_372 = tpu.memref_squeeze %dma_start3A_371 : memref<1x64xi32, #tpu.memory_space<vmem>> -> memref<64xi32, #tpu.memory_space<vmem>>
    %dma_start3A_373 = arith.constant 0 : i32
    %dma_start3A_374 = arith.constant 0 : i32
    %dma_start3A_375 = tpu.memref_slice %arg13[%dma_start3A_373, %dma_start3A_374] : memref<10240x128xf32, #tpu.memory_space<vmem_shared>> -> memref<10240x128xf32, #tpu.memory_space<vmem_shared>>
    tpu.enqueue_indirect_dma source(%arg11 : memref<64x128xf32, #tpu.memory_space<vmem>>) target(%dma_start3A_375 : memref<10240x128xf32, #tpu.memory_space<vmem_shared>>) offsets(%dma_start3A_372 : memref<64xi32, #tpu.memory_space<vmem>>) semaphore(%arg20 : memref<!tpu.dma_semaphore, #tpu.memory_space<semaphore_mem>>) {add = true}
    %dma_wait3A_376 = arith.constant 0 : i32
    %dma_wait3A_377 = arith.constant 0 : i32
    %dma_wait3A_378 = tpu.memref_slice %arg7[%dma_wait3A_376, %dma_wait3A_377] : memref<40x64xi32, #tpu.memory_space<vmem>> -> memref<1x64xi32, #tpu.memory_space<vmem>>
    %dma_wait3A_379 = tpu.memref_squeeze %dma_wait3A_378 : memref<1x64xi32, #tpu.memory_space<vmem>> -> memref<64xi32, #tpu.memory_space<vmem>>
    %dma_wait3A_380 = arith.constant 0 : i32
    %dma_wait3A_381 = arith.constant 0 : i32
    %dma_wait3A_382 = tpu.memref_slice %arg2[%dma_wait3A_380, %dma_wait3A_381] : memref<10000x128xf32, #tpu.memory_space<hbm>> -> memref<10000x128xf32, #tpu.memory_space<hbm>>
    tpu.wait_indirect_dma semaphore(%arg17 : memref<!tpu.dma_semaphore, #tpu.memory_space<semaphore_mem>>) src(%dma_wait3A_382 : memref<10000x128xf32, #tpu.memory_space<hbm>>) dst(%arg12 : memref<64x128xf32, #tpu.memory_space<vmem>>)
    %dma_start3A_383 = arith.constant 39 : i32
    %dma_start3A_384 = arith.constant 0 : i32
    %dma_start3A_385 = tpu.memref_slice %arg8[%dma_start3A_383, %dma_start3A_384] : memref<40x64xi32, #tpu.memory_space<vmem>> -> memref<1x64xi32, #tpu.memory_space<vmem>>
    %dma_start3A_386 = tpu.memref_squeeze %dma_start3A_385 : memref<1x64xi32, #tpu.memory_space<vmem>> -> memref<64xi32, #tpu.memory_space<vmem>>
    %dma_start3A_387 = arith.constant 0 : i32
    %dma_start3A_388 = arith.constant 0 : i32
    %dma_start3A_389 = tpu.memref_slice %arg13[%dma_start3A_387, %dma_start3A_388] : memref<10240x128xf32, #tpu.memory_space<vmem_shared>> -> memref<10240x128xf32, #tpu.memory_space<vmem_shared>>
    tpu.enqueue_indirect_dma source(%arg12 : memref<64x128xf32, #tpu.memory_space<vmem>>) target(%dma_start3A_389 : memref<10240x128xf32, #tpu.memory_space<vmem_shared>>) offsets(%dma_start3A_386 : memref<64xi32, #tpu.memory_space<vmem>>) semaphore(%arg21 : memref<!tpu.dma_semaphore, #tpu.memory_space<semaphore_mem>>) {add = true}
    %dma_wait3A_390 = arith.constant 0 : i32
    %dma_wait3A_391 = arith.constant 0 : i32
    %dma_wait3A_392 = tpu.memref_slice %arg8[%dma_wait3A_390, %dma_wait3A_391] : memref<40x64xi32, #tpu.memory_space<vmem>> -> memref<1x64xi32, #tpu.memory_space<vmem>>
    %dma_wait3A_393 = tpu.memref_squeeze %dma_wait3A_392 : memref<1x64xi32, #tpu.memory_space<vmem>> -> memref<64xi32, #tpu.memory_space<vmem>>
    %dma_wait3A_394 = arith.constant 0 : i32
    %dma_wait3A_395 = arith.constant 0 : i32
    %dma_wait3A_396 = tpu.memref_slice %arg13[%dma_wait3A_394, %dma_wait3A_395] : memref<10240x128xf32, #tpu.memory_space<vmem_shared>> -> memref<10240x128xf32, #tpu.memory_space<vmem_shared>>
    tpu.wait_indirect_dma semaphore(%arg18 : memref<!tpu.dma_semaphore, #tpu.memory_space<semaphore_mem>>) src(%arg9 : memref<64x128xf32, #tpu.memory_space<vmem>>) dst(%dma_wait3A_396 : memref<10240x128xf32, #tpu.memory_space<vmem_shared>>)
    %dma_wait3A_397 = arith.constant 0 : i32
    %dma_wait3A_398 = arith.constant 0 : i32
    %dma_wait3A_399 = tpu.memref_slice %arg8[%dma_wait3A_397, %dma_wait3A_398] : memref<40x64xi32, #tpu.memory_space<vmem>> -> memref<1x64xi32, #tpu.memory_space<vmem>>
    %dma_wait3A_400 = tpu.memref_squeeze %dma_wait3A_399 : memref<1x64xi32, #tpu.memory_space<vmem>> -> memref<64xi32, #tpu.memory_space<vmem>>
    %dma_wait3A_401 = arith.constant 0 : i32
    %dma_wait3A_402 = arith.constant 0 : i32
    %dma_wait3A_403 = tpu.memref_slice %arg13[%dma_wait3A_401, %dma_wait3A_402] : memref<10240x128xf32, #tpu.memory_space<vmem_shared>> -> memref<10240x128xf32, #tpu.memory_space<vmem_shared>>
    tpu.wait_indirect_dma semaphore(%arg19 : memref<!tpu.dma_semaphore, #tpu.memory_space<semaphore_mem>>) src(%arg10 : memref<64x128xf32, #tpu.memory_space<vmem>>) dst(%dma_wait3A_403 : memref<10240x128xf32, #tpu.memory_space<vmem_shared>>)
    %dma_wait3A_404 = arith.constant 0 : i32
    %dma_wait3A_405 = arith.constant 0 : i32
    %dma_wait3A_406 = tpu.memref_slice %arg8[%dma_wait3A_404, %dma_wait3A_405] : memref<40x64xi32, #tpu.memory_space<vmem>> -> memref<1x64xi32, #tpu.memory_space<vmem>>
    %dma_wait3A_407 = tpu.memref_squeeze %dma_wait3A_406 : memref<1x64xi32, #tpu.memory_space<vmem>> -> memref<64xi32, #tpu.memory_space<vmem>>
    %dma_wait3A_408 = arith.constant 0 : i32
    %dma_wait3A_409 = arith.constant 0 : i32
    %dma_wait3A_410 = tpu.memref_slice %arg13[%dma_wait3A_408, %dma_wait3A_409] : memref<10240x128xf32, #tpu.memory_space<vmem_shared>> -> memref<10240x128xf32, #tpu.memory_space<vmem_shared>>
    tpu.wait_indirect_dma semaphore(%arg20 : memref<!tpu.dma_semaphore, #tpu.memory_space<semaphore_mem>>) src(%arg11 : memref<64x128xf32, #tpu.memory_space<vmem>>) dst(%dma_wait3A_410 : memref<10240x128xf32, #tpu.memory_space<vmem_shared>>)
    %dma_wait3A_411 = arith.constant 0 : i32
    %dma_wait3A_412 = arith.constant 0 : i32
    %dma_wait3A_413 = tpu.memref_slice %arg8[%dma_wait3A_411, %dma_wait3A_412] : memref<40x64xi32, #tpu.memory_space<vmem>> -> memref<1x64xi32, #tpu.memory_space<vmem>>
    %dma_wait3A_414 = tpu.memref_squeeze %dma_wait3A_413 : memref<1x64xi32, #tpu.memory_space<vmem>> -> memref<64xi32, #tpu.memory_space<vmem>>
    %dma_wait3A_415 = arith.constant 0 : i32
    %dma_wait3A_416 = arith.constant 0 : i32
    %dma_wait3A_417 = tpu.memref_slice %arg13[%dma_wait3A_415, %dma_wait3A_416] : memref<10240x128xf32, #tpu.memory_space<vmem_shared>> -> memref<10240x128xf32, #tpu.memory_space<vmem_shared>>
    tpu.wait_indirect_dma semaphore(%arg21 : memref<!tpu.dma_semaphore, #tpu.memory_space<semaphore_mem>>) src(%arg12 : memref<64x128xf32, #tpu.memory_space<vmem>>) dst(%dma_wait3A_417 : memref<10240x128xf32, #tpu.memory_space<vmem_shared>>)
    %mul3A_418 = arith.constant 160 : i32
    %mul3A_419 = arith.muli %add3A, %mul3A_418 : i32
    %add3A_420 = arith.constant 120 : i32
    %add3A_421 = arith.addi %mul3A_419, %add3A_420 : i32
    %multiple_of3A_422 = tpu.assume_multiple %add3A_421, 40 : i32
    "tpu.region"() ({
      %run_scoped3A = tpu.sem_alloc : memref<!tpu.dma_semaphore, #tpu.memory_space<semaphore_mem>>
      %dma_start3A_551 = arith.constant 0 : i32
      %dma_start3A_552 = tpu.memref_slice %arg3[%multiple_of3A_422, %dma_start3A_551] : memref<5120x64xi32, #tpu.memory_space<hbm>> -> memref<40x64xi32, #tpu.memory_space<hbm>>
      %dma_start3A_553 = arith.constant 0 : i32
      %dma_start3A_554 = tpu.memref_slice %arg3[%multiple_of3A_422, %dma_start3A_553] : memref<5120x64xi32, #tpu.memory_space<hbm>> -> memref<40x64xi32, #tpu.memory_space<hbm>>
      tpu.enqueue_dma source(%dma_start3A_554 : memref<40x64xi32, #tpu.memory_space<hbm>>) target(%arg7 : memref<40x64xi32, #tpu.memory_space<vmem>>) target_semaphore(%run_scoped3A : memref<!tpu.dma_semaphore, #tpu.memory_space<semaphore_mem>>)
      %dma_wait3A_555 = arith.constant 0 : i32
      %dma_wait3A_556 = tpu.memref_slice %arg3[%multiple_of3A_422, %dma_wait3A_555] : memref<5120x64xi32, #tpu.memory_space<hbm>> -> memref<40x64xi32, #tpu.memory_space<hbm>>
      %dma_wait3A_557 = arith.constant 0 : i32
      %dma_wait3A_558 = tpu.memref_slice %arg3[%multiple_of3A_422, %dma_wait3A_557] : memref<5120x64xi32, #tpu.memory_space<hbm>> -> memref<40x64xi32, #tpu.memory_space<hbm>>
      tpu.wait_dma2 semaphore(%run_scoped3A : memref<!tpu.dma_semaphore, #tpu.memory_space<semaphore_mem>>) src(%dma_wait3A_558 : memref<40x64xi32, #tpu.memory_space<hbm>>) dst(%arg7 : memref<40x64xi32, #tpu.memory_space<vmem>>)
      tpu.yield
    }) : () -> ()
    "tpu.region"() ({
      %run_scoped3A = tpu.sem_alloc : memref<!tpu.dma_semaphore, #tpu.memory_space<semaphore_mem>>
      %dma_start3A_551 = arith.constant 0 : i32
      %dma_start3A_552 = tpu.memref_slice %arg4[%multiple_of3A_422, %dma_start3A_551] : memref<5120x64xi32, #tpu.memory_space<hbm>> -> memref<40x64xi32, #tpu.memory_space<hbm>>
      %dma_start3A_553 = arith.constant 0 : i32
      %dma_start3A_554 = tpu.memref_slice %arg4[%multiple_of3A_422, %dma_start3A_553] : memref<5120x64xi32, #tpu.memory_space<hbm>> -> memref<40x64xi32, #tpu.memory_space<hbm>>
      tpu.enqueue_dma source(%dma_start3A_554 : memref<40x64xi32, #tpu.memory_space<hbm>>) target(%arg8 : memref<40x64xi32, #tpu.memory_space<vmem>>) target_semaphore(%run_scoped3A : memref<!tpu.dma_semaphore, #tpu.memory_space<semaphore_mem>>)
      %dma_wait3A_555 = arith.constant 0 : i32
      %dma_wait3A_556 = tpu.memref_slice %arg4[%multiple_of3A_422, %dma_wait3A_555] : memref<5120x64xi32, #tpu.memory_space<hbm>> -> memref<40x64xi32, #tpu.memory_space<hbm>>
      %dma_wait3A_557 = arith.constant 0 : i32
      %dma_wait3A_558 = tpu.memref_slice %arg4[%multiple_of3A_422, %dma_wait3A_557] : memref<5120x64xi32, #tpu.memory_space<hbm>> -> memref<40x64xi32, #tpu.memory_space<hbm>>
      tpu.wait_dma2 semaphore(%run_scoped3A : memref<!tpu.dma_semaphore, #tpu.memory_space<semaphore_mem>>) src(%dma_wait3A_558 : memref<40x64xi32, #tpu.memory_space<hbm>>) dst(%arg8 : memref<40x64xi32, #tpu.memory_space<vmem>>)
      tpu.yield
    }) : () -> ()
    %dma_start3A_423 = arith.constant 0 : i32
    %dma_start3A_424 = arith.constant 0 : i32
    %dma_start3A_425 = tpu.memref_slice %arg7[%dma_start3A_423, %dma_start3A_424] : memref<40x64xi32, #tpu.memory_space<vmem>> -> memref<1x64xi32, #tpu.memory_space<vmem>>
    %dma_start3A_426 = tpu.memref_squeeze %dma_start3A_425 : memref<1x64xi32, #tpu.memory_space<vmem>> -> memref<64xi32, #tpu.memory_space<vmem>>
    %dma_start3A_427 = arith.constant 0 : i32
    %dma_start3A_428 = arith.constant 0 : i32
    %dma_start3A_429 = tpu.memref_slice %arg2[%dma_start3A_427, %dma_start3A_428] : memref<10000x128xf32, #tpu.memory_space<hbm>> -> memref<10000x128xf32, #tpu.memory_space<hbm>>
    tpu.enqueue_indirect_dma source(%dma_start3A_429 : memref<10000x128xf32, #tpu.memory_space<hbm>>) target(%arg9 : memref<64x128xf32, #tpu.memory_space<vmem>>) offsets(%dma_start3A_426 : memref<64xi32, #tpu.memory_space<vmem>>) semaphore(%arg14 : memref<!tpu.dma_semaphore, #tpu.memory_space<semaphore_mem>>)
    %dma_start3A_430 = arith.constant 1 : i32
    %dma_start3A_431 = arith.constant 0 : i32
    %dma_start3A_432 = tpu.memref_slice %arg7[%dma_start3A_430, %dma_start3A_431] : memref<40x64xi32, #tpu.memory_space<vmem>> -> memref<1x64xi32, #tpu.memory_space<vmem>>
    %dma_start3A_433 = tpu.memref_squeeze %dma_start3A_432 : memref<1x64xi32, #tpu.memory_space<vmem>> -> memref<64xi32, #tpu.memory_space<vmem>>
    %dma_start3A_434 = arith.constant 0 : i32
    %dma_start3A_435 = arith.constant 0 : i32
    %dma_start3A_436 = tpu.memref_slice %arg2[%dma_start3A_434, %dma_start3A_435] : memref<10000x128xf32, #tpu.memory_space<hbm>> -> memref<10000x128xf32, #tpu.memory_space<hbm>>
    tpu.enqueue_indirect_dma source(%dma_start3A_436 : memref<10000x128xf32, #tpu.memory_space<hbm>>) target(%arg10 : memref<64x128xf32, #tpu.memory_space<vmem>>) offsets(%dma_start3A_433 : memref<64xi32, #tpu.memory_space<vmem>>) semaphore(%arg15 : memref<!tpu.dma_semaphore, #tpu.memory_space<semaphore_mem>>)
    %dma_start3A_437 = arith.constant 2 : i32
    %dma_start3A_438 = arith.constant 0 : i32
    %dma_start3A_439 = tpu.memref_slice %arg7[%dma_start3A_437, %dma_start3A_438] : memref<40x64xi32, #tpu.memory_space<vmem>> -> memref<1x64xi32, #tpu.memory_space<vmem>>
    %dma_start3A_440 = tpu.memref_squeeze %dma_start3A_439 : memref<1x64xi32, #tpu.memory_space<vmem>> -> memref<64xi32, #tpu.memory_space<vmem>>
    %dma_start3A_441 = arith.constant 0 : i32
    %dma_start3A_442 = arith.constant 0 : i32
    %dma_start3A_443 = tpu.memref_slice %arg2[%dma_start3A_441, %dma_start3A_442] : memref<10000x128xf32, #tpu.memory_space<hbm>> -> memref<10000x128xf32, #tpu.memory_space<hbm>>
    tpu.enqueue_indirect_dma source(%dma_start3A_443 : memref<10000x128xf32, #tpu.memory_space<hbm>>) target(%arg11 : memref<64x128xf32, #tpu.memory_space<vmem>>) offsets(%dma_start3A_440 : memref<64xi32, #tpu.memory_space<vmem>>) semaphore(%arg16 : memref<!tpu.dma_semaphore, #tpu.memory_space<semaphore_mem>>)
    %dma_start3A_444 = arith.constant 3 : i32
    %dma_start3A_445 = arith.constant 0 : i32
    %dma_start3A_446 = tpu.memref_slice %arg7[%dma_start3A_444, %dma_start3A_445] : memref<40x64xi32, #tpu.memory_space<vmem>> -> memref<1x64xi32, #tpu.memory_space<vmem>>
    %dma_start3A_447 = tpu.memref_squeeze %dma_start3A_446 : memref<1x64xi32, #tpu.memory_space<vmem>> -> memref<64xi32, #tpu.memory_space<vmem>>
    %dma_start3A_448 = arith.constant 0 : i32
    %dma_start3A_449 = arith.constant 0 : i32
    %dma_start3A_450 = tpu.memref_slice %arg2[%dma_start3A_448, %dma_start3A_449] : memref<10000x128xf32, #tpu.memory_space<hbm>> -> memref<10000x128xf32, #tpu.memory_space<hbm>>
    tpu.enqueue_indirect_dma source(%dma_start3A_450 : memref<10000x128xf32, #tpu.memory_space<hbm>>) target(%arg12 : memref<64x128xf32, #tpu.memory_space<vmem>>) offsets(%dma_start3A_447 : memref<64xi32, #tpu.memory_space<vmem>>) semaphore(%arg17 : memref<!tpu.dma_semaphore, #tpu.memory_space<semaphore_mem>>)
    %scan3A_451 = arith.constant 0 : i32
    %scan3A_452 = arith.constant 9 : i32
    %scan3A_453 = arith.addi %scan3A_451, %scan3A_452 : i32
    %scan3A_454 = arith.constant 1 : i32
    scf.for %scan3A_551 = %scan3A_451 to %scan3A_453 step %scan3A_454  : i32 {
      %mul3A_552 = arith.constant 1 : i32
      %mul3A_553 = arith.muli %scan3A_551, %mul3A_552 : i32
      %add3A_554 = arith.constant 0 : i32
      %add3A_555 = arith.addi %add3A_554, %mul3A_553 : i32
      %mul3A_556 = arith.constant 4 : i32
      %mul3A_557 = arith.muli %add3A_555, %mul3A_556 : i32
      %dma_wait3A_558 = arith.constant 0 : i32
      %dma_wait3A_559 = arith.constant 0 : i32
      %dma_wait3A_560 = tpu.memref_slice %arg7[%dma_wait3A_558, %dma_wait3A_559] : memref<40x64xi32, #tpu.memory_space<vmem>> -> memref<1x64xi32, #tpu.memory_space<vmem>>
      %dma_wait3A_561 = tpu.memref_squeeze %dma_wait3A_560 : memref<1x64xi32, #tpu.memory_space<vmem>> -> memref<64xi32, #tpu.memory_space<vmem>>
      %dma_wait3A_562 = arith.constant 0 : i32
      %dma_wait3A_563 = arith.constant 0 : i32
      %dma_wait3A_564 = tpu.memref_slice %arg2[%dma_wait3A_562, %dma_wait3A_563] : memref<10000x128xf32, #tpu.memory_space<hbm>> -> memref<10000x128xf32, #tpu.memory_space<hbm>>
      tpu.wait_indirect_dma semaphore(%arg14 : memref<!tpu.dma_semaphore, #tpu.memory_space<semaphore_mem>>) src(%dma_wait3A_564 : memref<10000x128xf32, #tpu.memory_space<hbm>>) dst(%arg9 : memref<64x128xf32, #tpu.memory_space<vmem>>)
      %add3A_565 = arith.constant 0 : i32
      %add3A_566 = arith.addi %mul3A_557, %add3A_565 : i32
      %dma_start3A_567 = arith.constant 0 : i32
      %dma_start3A_568 = tpu.memref_slice %arg8[%add3A_566, %dma_start3A_567] : memref<40x64xi32, #tpu.memory_space<vmem>> -> memref<1x64xi32, #tpu.memory_space<vmem>>
      %dma_start3A_569 = tpu.memref_squeeze %dma_start3A_568 : memref<1x64xi32, #tpu.memory_space<vmem>> -> memref<64xi32, #tpu.memory_space<vmem>>
      %dma_start3A_570 = arith.constant 0 : i32
      %dma_start3A_571 = arith.constant 0 : i32
      %dma_start3A_572 = tpu.memref_slice %arg13[%dma_start3A_570, %dma_start3A_571] : memref<10240x128xf32, #tpu.memory_space<vmem_shared>> -> memref<10240x128xf32, #tpu.memory_space<vmem_shared>>
      tpu.enqueue_indirect_dma source(%arg9 : memref<64x128xf32, #tpu.memory_space<vmem>>) target(%dma_start3A_572 : memref<10240x128xf32, #tpu.memory_space<vmem_shared>>) offsets(%dma_start3A_569 : memref<64xi32, #tpu.memory_space<vmem>>) semaphore(%arg18 : memref<!tpu.dma_semaphore, #tpu.memory_space<semaphore_mem>>) {add = true}
      %dma_wait3A_573 = arith.constant 0 : i32
      %dma_wait3A_574 = arith.constant 0 : i32
      %dma_wait3A_575 = tpu.memref_slice %arg7[%dma_wait3A_573, %dma_wait3A_574] : memref<40x64xi32, #tpu.memory_space<vmem>> -> memref<1x64xi32, #tpu.memory_space<vmem>>
      %dma_wait3A_576 = tpu.memref_squeeze %dma_wait3A_575 : memref<1x64xi32, #tpu.memory_space<vmem>> -> memref<64xi32, #tpu.memory_space<vmem>>
      %dma_wait3A_577 = arith.constant 0 : i32
      %dma_wait3A_578 = arith.constant 0 : i32
      %dma_wait3A_579 = tpu.memref_slice %arg2[%dma_wait3A_577, %dma_wait3A_578] : memref<10000x128xf32, #tpu.memory_space<hbm>> -> memref<10000x128xf32, #tpu.memory_space<hbm>>
      tpu.wait_indirect_dma semaphore(%arg15 : memref<!tpu.dma_semaphore, #tpu.memory_space<semaphore_mem>>) src(%dma_wait3A_579 : memref<10000x128xf32, #tpu.memory_space<hbm>>) dst(%arg10 : memref<64x128xf32, #tpu.memory_space<vmem>>)
      %add3A_580 = arith.constant 1 : i32
      %add3A_581 = arith.addi %mul3A_557, %add3A_580 : i32
      %dma_start3A_582 = arith.constant 0 : i32
      %dma_start3A_583 = tpu.memref_slice %arg8[%add3A_581, %dma_start3A_582] : memref<40x64xi32, #tpu.memory_space<vmem>> -> memref<1x64xi32, #tpu.memory_space<vmem>>
      %dma_start3A_584 = tpu.memref_squeeze %dma_start3A_583 : memref<1x64xi32, #tpu.memory_space<vmem>> -> memref<64xi32, #tpu.memory_space<vmem>>
      %dma_start3A_585 = arith.constant 0 : i32
      %dma_start3A_586 = arith.constant 0 : i32
      %dma_start3A_587 = tpu.memref_slice %arg13[%dma_start3A_585, %dma_start3A_586] : memref<10240x128xf32, #tpu.memory_space<vmem_shared>> -> memref<10240x128xf32, #tpu.memory_space<vmem_shared>>
      tpu.enqueue_indirect_dma source(%arg10 : memref<64x128xf32, #tpu.memory_space<vmem>>) target(%dma_start3A_587 : memref<10240x128xf32, #tpu.memory_space<vmem_shared>>) offsets(%dma_start3A_584 : memref<64xi32, #tpu.memory_space<vmem>>) semaphore(%arg19 : memref<!tpu.dma_semaphore, #tpu.memory_space<semaphore_mem>>) {add = true}
      %dma_wait3A_588 = arith.constant 0 : i32
      %dma_wait3A_589 = arith.constant 0 : i32
      %dma_wait3A_590 = tpu.memref_slice %arg7[%dma_wait3A_588, %dma_wait3A_589] : memref<40x64xi32, #tpu.memory_space<vmem>> -> memref<1x64xi32, #tpu.memory_space<vmem>>
      %dma_wait3A_591 = tpu.memref_squeeze %dma_wait3A_590 : memref<1x64xi32, #tpu.memory_space<vmem>> -> memref<64xi32, #tpu.memory_space<vmem>>
      %dma_wait3A_592 = arith.constant 0 : i32
      %dma_wait3A_593 = arith.constant 0 : i32
      %dma_wait3A_594 = tpu.memref_slice %arg2[%dma_wait3A_592, %dma_wait3A_593] : memref<10000x128xf32, #tpu.memory_space<hbm>> -> memref<10000x128xf32, #tpu.memory_space<hbm>>
      tpu.wait_indirect_dma semaphore(%arg16 : memref<!tpu.dma_semaphore, #tpu.memory_space<semaphore_mem>>) src(%dma_wait3A_594 : memref<10000x128xf32, #tpu.memory_space<hbm>>) dst(%arg11 : memref<64x128xf32, #tpu.memory_space<vmem>>)
      %add3A_595 = arith.constant 2 : i32
      %add3A_596 = arith.addi %mul3A_557, %add3A_595 : i32
      %dma_start3A_597 = arith.constant 0 : i32
      %dma_start3A_598 = tpu.memref_slice %arg8[%add3A_596, %dma_start3A_597] : memref<40x64xi32, #tpu.memory_space<vmem>> -> memref<1x64xi32, #tpu.memory_space<vmem>>
      %dma_start3A_599 = tpu.memref_squeeze %dma_start3A_598 : memref<1x64xi32, #tpu.memory_space<vmem>> -> memref<64xi32, #tpu.memory_space<vmem>>
      %dma_start3A_600 = arith.constant 0 : i32
      %dma_start3A_601 = arith.constant 0 : i32
      %dma_start3A_602 = tpu.memref_slice %arg13[%dma_start3A_600, %dma_start3A_601] : memref<10240x128xf32, #tpu.memory_space<vmem_shared>> -> memref<10240x128xf32, #tpu.memory_space<vmem_shared>>
      tpu.enqueue_indirect_dma source(%arg11 : memref<64x128xf32, #tpu.memory_space<vmem>>) target(%dma_start3A_602 : memref<10240x128xf32, #tpu.memory_space<vmem_shared>>) offsets(%dma_start3A_599 : memref<64xi32, #tpu.memory_space<vmem>>) semaphore(%arg20 : memref<!tpu.dma_semaphore, #tpu.memory_space<semaphore_mem>>) {add = true}
      %dma_wait3A_603 = arith.constant 0 : i32
      %dma_wait3A_604 = arith.constant 0 : i32
      %dma_wait3A_605 = tpu.memref_slice %arg7[%dma_wait3A_603, %dma_wait3A_604] : memref<40x64xi32, #tpu.memory_space<vmem>> -> memref<1x64xi32, #tpu.memory_space<vmem>>
      %dma_wait3A_606 = tpu.memref_squeeze %dma_wait3A_605 : memref<1x64xi32, #tpu.memory_space<vmem>> -> memref<64xi32, #tpu.memory_space<vmem>>
      %dma_wait3A_607 = arith.constant 0 : i32
      %dma_wait3A_608 = arith.constant 0 : i32
      %dma_wait3A_609 = tpu.memref_slice %arg2[%dma_wait3A_607, %dma_wait3A_608] : memref<10000x128xf32, #tpu.memory_space<hbm>> -> memref<10000x128xf32, #tpu.memory_space<hbm>>
      tpu.wait_indirect_dma semaphore(%arg17 : memref<!tpu.dma_semaphore, #tpu.memory_space<semaphore_mem>>) src(%dma_wait3A_609 : memref<10000x128xf32, #tpu.memory_space<hbm>>) dst(%arg12 : memref<64x128xf32, #tpu.memory_space<vmem>>)
      %add3A_610 = arith.constant 3 : i32
      %add3A_611 = arith.addi %mul3A_557, %add3A_610 : i32
      %dma_start3A_612 = arith.constant 0 : i32
      %dma_start3A_613 = tpu.memref_slice %arg8[%add3A_611, %dma_start3A_612] : memref<40x64xi32, #tpu.memory_space<vmem>> -> memref<1x64xi32, #tpu.memory_space<vmem>>
      %dma_start3A_614 = tpu.memref_squeeze %dma_start3A_613 : memref<1x64xi32, #tpu.memory_space<vmem>> -> memref<64xi32, #tpu.memory_space<vmem>>
      %dma_start3A_615 = arith.constant 0 : i32
      %dma_start3A_616 = arith.constant 0 : i32
      %dma_start3A_617 = tpu.memref_slice %arg13[%dma_start3A_615, %dma_start3A_616] : memref<10240x128xf32, #tpu.memory_space<vmem_shared>> -> memref<10240x128xf32, #tpu.memory_space<vmem_shared>>
      tpu.enqueue_indirect_dma source(%arg12 : memref<64x128xf32, #tpu.memory_space<vmem>>) target(%dma_start3A_617 : memref<10240x128xf32, #tpu.memory_space<vmem_shared>>) offsets(%dma_start3A_614 : memref<64xi32, #tpu.memory_space<vmem>>) semaphore(%arg21 : memref<!tpu.dma_semaphore, #tpu.memory_space<semaphore_mem>>) {add = true}
      %dma_wait3A_618 = arith.constant 0 : i32
      %dma_wait3A_619 = arith.constant 0 : i32
      %dma_wait3A_620 = tpu.memref_slice %arg8[%dma_wait3A_618, %dma_wait3A_619] : memref<40x64xi32, #tpu.memory_space<vmem>> -> memref<1x64xi32, #tpu.memory_space<vmem>>
      %dma_wait3A_621 = tpu.memref_squeeze %dma_wait3A_620 : memref<1x64xi32, #tpu.memory_space<vmem>> -> memref<64xi32, #tpu.memory_space<vmem>>
      %dma_wait3A_622 = arith.constant 0 : i32
      %dma_wait3A_623 = arith.constant 0 : i32
      %dma_wait3A_624 = tpu.memref_slice %arg13[%dma_wait3A_622, %dma_wait3A_623] : memref<10240x128xf32, #tpu.memory_space<vmem_shared>> -> memref<10240x128xf32, #tpu.memory_space<vmem_shared>>
      tpu.wait_indirect_dma semaphore(%arg18 : memref<!tpu.dma_semaphore, #tpu.memory_space<semaphore_mem>>) src(%arg9 : memref<64x128xf32, #tpu.memory_space<vmem>>) dst(%dma_wait3A_624 : memref<10240x128xf32, #tpu.memory_space<vmem_shared>>)
      %add3A_625 = arith.constant 4 : i32
      %add3A_626 = arith.addi %mul3A_557, %add3A_625 : i32
      %add3A_627 = arith.constant 0 : i32
      %add3A_628 = arith.addi %add3A_626, %add3A_627 : i32
      %dma_start3A_629 = arith.constant 0 : i32
      %dma_start3A_630 = tpu.memref_slice %arg7[%add3A_628, %dma_start3A_629] : memref<40x64xi32, #tpu.memory_space<vmem>> -> memref<1x64xi32, #tpu.memory_space<vmem>>
      %dma_start3A_631 = tpu.memref_squeeze %dma_start3A_630 : memref<1x64xi32, #tpu.memory_space<vmem>> -> memref<64xi32, #tpu.memory_space<vmem>>
      %dma_start3A_632 = arith.constant 0 : i32
      %dma_start3A_633 = arith.constant 0 : i32
      %dma_start3A_634 = tpu.memref_slice %arg2[%dma_start3A_632, %dma_start3A_633] : memref<10000x128xf32, #tpu.memory_space<hbm>> -> memref<10000x128xf32, #tpu.memory_space<hbm>>
      tpu.enqueue_indirect_dma source(%dma_start3A_634 : memref<10000x128xf32, #tpu.memory_space<hbm>>) target(%arg9 : memref<64x128xf32, #tpu.memory_space<vmem>>) offsets(%dma_start3A_631 : memref<64xi32, #tpu.memory_space<vmem>>) semaphore(%arg14 : memref<!tpu.dma_semaphore, #tpu.memory_space<semaphore_mem>>)
      %dma_wait3A_635 = arith.constant 0 : i32
      %dma_wait3A_636 = arith.constant 0 : i32
      %dma_wait3A_637 = tpu.memref_slice %arg8[%dma_wait3A_635, %dma_wait3A_636] : memref<40x64xi32, #tpu.memory_space<vmem>> -> memref<1x64xi32, #tpu.memory_space<vmem>>
      %dma_wait3A_638 = tpu.memref_squeeze %dma_wait3A_637 : memref<1x64xi32, #tpu.memory_space<vmem>> -> memref<64xi32, #tpu.memory_space<vmem>>
      %dma_wait3A_639 = arith.constant 0 : i32
      %dma_wait3A_640 = arith.constant 0 : i32
      %dma_wait3A_641 = tpu.memref_slice %arg13[%dma_wait3A_639, %dma_wait3A_640] : memref<10240x128xf32, #tpu.memory_space<vmem_shared>> -> memref<10240x128xf32, #tpu.memory_space<vmem_shared>>
      tpu.wait_indirect_dma semaphore(%arg19 : memref<!tpu.dma_semaphore, #tpu.memory_space<semaphore_mem>>) src(%arg10 : memref<64x128xf32, #tpu.memory_space<vmem>>) dst(%dma_wait3A_641 : memref<10240x128xf32, #tpu.memory_space<vmem_shared>>)
      %add3A_642 = arith.constant 4 : i32
      %add3A_643 = arith.addi %mul3A_557, %add3A_642 : i32
      %add3A_644 = arith.constant 1 : i32
      %add3A_645 = arith.addi %add3A_643, %add3A_644 : i32
      %dma_start3A_646 = arith.constant 0 : i32
      %dma_start3A_647 = tpu.memref_slice %arg7[%add3A_645, %dma_start3A_646] : memref<40x64xi32, #tpu.memory_space<vmem>> -> memref<1x64xi32, #tpu.memory_space<vmem>>
      %dma_start3A_648 = tpu.memref_squeeze %dma_start3A_647 : memref<1x64xi32, #tpu.memory_space<vmem>> -> memref<64xi32, #tpu.memory_space<vmem>>
      %dma_start3A_649 = arith.constant 0 : i32
      %dma_start3A_650 = arith.constant 0 : i32
      %dma_start3A_651 = tpu.memref_slice %arg2[%dma_start3A_649, %dma_start3A_650] : memref<10000x128xf32, #tpu.memory_space<hbm>> -> memref<10000x128xf32, #tpu.memory_space<hbm>>
      tpu.enqueue_indirect_dma source(%dma_start3A_651 : memref<10000x128xf32, #tpu.memory_space<hbm>>) target(%arg10 : memref<64x128xf32, #tpu.memory_space<vmem>>) offsets(%dma_start3A_648 : memref<64xi32, #tpu.memory_space<vmem>>) semaphore(%arg15 : memref<!tpu.dma_semaphore, #tpu.memory_space<semaphore_mem>>)
      %dma_wait3A_652 = arith.constant 0 : i32
      %dma_wait3A_653 = arith.constant 0 : i32
      %dma_wait3A_654 = tpu.memref_slice %arg8[%dma_wait3A_652, %dma_wait3A_653] : memref<40x64xi32, #tpu.memory_space<vmem>> -> memref<1x64xi32, #tpu.memory_space<vmem>>
      %dma_wait3A_655 = tpu.memref_squeeze %dma_wait3A_654 : memref<1x64xi32, #tpu.memory_space<vmem>> -> memref<64xi32, #tpu.memory_space<vmem>>
      %dma_wait3A_656 = arith.constant 0 : i32
      %dma_wait3A_657 = arith.constant 0 : i32
      %dma_wait3A_658 = tpu.memref_slice %arg13[%dma_wait3A_656, %dma_wait3A_657] : memref<10240x128xf32, #tpu.memory_space<vmem_shared>> -> memref<10240x128xf32, #tpu.memory_space<vmem_shared>>
      tpu.wait_indirect_dma semaphore(%arg20 : memref<!tpu.dma_semaphore, #tpu.memory_space<semaphore_mem>>) src(%arg11 : memref<64x128xf32, #tpu.memory_space<vmem>>) dst(%dma_wait3A_658 : memref<10240x128xf32, #tpu.memory_space<vmem_shared>>)
      %add3A_659 = arith.constant 4 : i32
      %add3A_660 = arith.addi %mul3A_557, %add3A_659 : i32
      %add3A_661 = arith.constant 2 : i32
      %add3A_662 = arith.addi %add3A_660, %add3A_661 : i32
      %dma_start3A_663 = arith.constant 0 : i32
      %dma_start3A_664 = tpu.memref_slice %arg7[%add3A_662, %dma_start3A_663] : memref<40x64xi32, #tpu.memory_space<vmem>> -> memref<1x64xi32, #tpu.memory_space<vmem>>
      %dma_start3A_665 = tpu.memref_squeeze %dma_start3A_664 : memref<1x64xi32, #tpu.memory_space<vmem>> -> memref<64xi32, #tpu.memory_space<vmem>>
      %dma_start3A_666 = arith.constant 0 : i32
      %dma_start3A_667 = arith.constant 0 : i32
      %dma_start3A_668 = tpu.memref_slice %arg2[%dma_start3A_666, %dma_start3A_667] : memref<10000x128xf32, #tpu.memory_space<hbm>> -> memref<10000x128xf32, #tpu.memory_space<hbm>>
      tpu.enqueue_indirect_dma source(%dma_start3A_668 : memref<10000x128xf32, #tpu.memory_space<hbm>>) target(%arg11 : memref<64x128xf32, #tpu.memory_space<vmem>>) offsets(%dma_start3A_665 : memref<64xi32, #tpu.memory_space<vmem>>) semaphore(%arg16 : memref<!tpu.dma_semaphore, #tpu.memory_space<semaphore_mem>>)
      %dma_wait3A_669 = arith.constant 0 : i32
      %dma_wait3A_670 = arith.constant 0 : i32
      %dma_wait3A_671 = tpu.memref_slice %arg8[%dma_wait3A_669, %dma_wait3A_670] : memref<40x64xi32, #tpu.memory_space<vmem>> -> memref<1x64xi32, #tpu.memory_space<vmem>>
      %dma_wait3A_672 = tpu.memref_squeeze %dma_wait3A_671 : memref<1x64xi32, #tpu.memory_space<vmem>> -> memref<64xi32, #tpu.memory_space<vmem>>
      %dma_wait3A_673 = arith.constant 0 : i32
      %dma_wait3A_674 = arith.constant 0 : i32
      %dma_wait3A_675 = tpu.memref_slice %arg13[%dma_wait3A_673, %dma_wait3A_674] : memref<10240x128xf32, #tpu.memory_space<vmem_shared>> -> memref<10240x128xf32, #tpu.memory_space<vmem_shared>>
      tpu.wait_indirect_dma semaphore(%arg21 : memref<!tpu.dma_semaphore, #tpu.memory_space<semaphore_mem>>) src(%arg12 : memref<64x128xf32, #tpu.memory_space<vmem>>) dst(%dma_wait3A_675 : memref<10240x128xf32, #tpu.memory_space<vmem_shared>>)
      %add3A_676 = arith.constant 4 : i32
      %add3A_677 = arith.addi %mul3A_557, %add3A_676 : i32
      %add3A_678 = arith.constant 3 : i32
      %add3A_679 = arith.addi %add3A_677, %add3A_678 : i32
      %dma_start3A_680 = arith.constant 0 : i32
      %dma_start3A_681 = tpu.memref_slice %arg7[%add3A_679, %dma_start3A_680] : memref<40x64xi32, #tpu.memory_space<vmem>> -> memref<1x64xi32, #tpu.memory_space<vmem>>
      %dma_start3A_682 = tpu.memref_squeeze %dma_start3A_681 : memref<1x64xi32, #tpu.memory_space<vmem>> -> memref<64xi32, #tpu.memory_space<vmem>>
      %dma_start3A_683 = arith.constant 0 : i32
      %dma_start3A_684 = arith.constant 0 : i32
      %dma_start3A_685 = tpu.memref_slice %arg2[%dma_start3A_683, %dma_start3A_684] : memref<10000x128xf32, #tpu.memory_space<hbm>> -> memref<10000x128xf32, #tpu.memory_space<hbm>>
      tpu.enqueue_indirect_dma source(%dma_start3A_685 : memref<10000x128xf32, #tpu.memory_space<hbm>>) target(%arg12 : memref<64x128xf32, #tpu.memory_space<vmem>>) offsets(%dma_start3A_682 : memref<64xi32, #tpu.memory_space<vmem>>) semaphore(%arg17 : memref<!tpu.dma_semaphore, #tpu.memory_space<semaphore_mem>>)
    }
    %scan3A_455 = arith.constant 9 : i32
    %dma_wait3A_456 = arith.constant 0 : i32
    %dma_wait3A_457 = arith.constant 0 : i32
    %dma_wait3A_458 = tpu.memref_slice %arg7[%dma_wait3A_456, %dma_wait3A_457] : memref<40x64xi32, #tpu.memory_space<vmem>> -> memref<1x64xi32, #tpu.memory_space<vmem>>
    %dma_wait3A_459 = tpu.memref_squeeze %dma_wait3A_458 : memref<1x64xi32, #tpu.memory_space<vmem>> -> memref<64xi32, #tpu.memory_space<vmem>>
    %dma_wait3A_460 = arith.constant 0 : i32
    %dma_wait3A_461 = arith.constant 0 : i32
    %dma_wait3A_462 = tpu.memref_slice %arg2[%dma_wait3A_460, %dma_wait3A_461] : memref<10000x128xf32, #tpu.memory_space<hbm>> -> memref<10000x128xf32, #tpu.memory_space<hbm>>
    tpu.wait_indirect_dma semaphore(%arg14 : memref<!tpu.dma_semaphore, #tpu.memory_space<semaphore_mem>>) src(%dma_wait3A_462 : memref<10000x128xf32, #tpu.memory_space<hbm>>) dst(%arg9 : memref<64x128xf32, #tpu.memory_space<vmem>>)
    %dma_start3A_463 = arith.constant 36 : i32
    %dma_start3A_464 = arith.constant 0 : i32
    %dma_start3A_465 = tpu.memref_slice %arg8[%dma_start3A_463, %dma_start3A_464] : memref<40x64xi32, #tpu.memory_space<vmem>> -> memref<1x64xi32, #tpu.memory_space<vmem>>
    %dma_start3A_466 = tpu.memref_squeeze %dma_start3A_465 : memref<1x64xi32, #tpu.memory_space<vmem>> -> memref<64xi32, #tpu.memory_space<vmem>>
    %dma_start3A_467 = arith.constant 0 : i32
    %dma_start3A_468 = arith.constant 0 : i32
    %dma_start3A_469 = tpu.memref_slice %arg13[%dma_start3A_467, %dma_start3A_468] : memref<10240x128xf32, #tpu.memory_space<vmem_shared>> -> memref<10240x128xf32, #tpu.memory_space<vmem_shared>>
    tpu.enqueue_indirect_dma source(%arg9 : memref<64x128xf32, #tpu.memory_space<vmem>>) target(%dma_start3A_469 : memref<10240x128xf32, #tpu.memory_space<vmem_shared>>) offsets(%dma_start3A_466 : memref<64xi32, #tpu.memory_space<vmem>>) semaphore(%arg18 : memref<!tpu.dma_semaphore, #tpu.memory_space<semaphore_mem>>) {add = true}
    %dma_wait3A_470 = arith.constant 0 : i32
    %dma_wait3A_471 = arith.constant 0 : i32
    %dma_wait3A_472 = tpu.memref_slice %arg7[%dma_wait3A_470, %dma_wait3A_471] : memref<40x64xi32, #tpu.memory_space<vmem>> -> memref<1x64xi32, #tpu.memory_space<vmem>>
    %dma_wait3A_473 = tpu.memref_squeeze %dma_wait3A_472 : memref<1x64xi32, #tpu.memory_space<vmem>> -> memref<64xi32, #tpu.memory_space<vmem>>
    %dma_wait3A_474 = arith.constant 0 : i32
    %dma_wait3A_475 = arith.constant 0 : i32
    %dma_wait3A_476 = tpu.memref_slice %arg2[%dma_wait3A_474, %dma_wait3A_475] : memref<10000x128xf32, #tpu.memory_space<hbm>> -> memref<10000x128xf32, #tpu.memory_space<hbm>>
    tpu.wait_indirect_dma semaphore(%arg15 : memref<!tpu.dma_semaphore, #tpu.memory_space<semaphore_mem>>) src(%dma_wait3A_476 : memref<10000x128xf32, #tpu.memory_space<hbm>>) dst(%arg10 : memref<64x128xf32, #tpu.memory_space<vmem>>)
    %dma_start3A_477 = arith.constant 37 : i32
    %dma_start3A_478 = arith.constant 0 : i32
    %dma_start3A_479 = tpu.memref_slice %arg8[%dma_start3A_477, %dma_start3A_478] : memref<40x64xi32, #tpu.memory_space<vmem>> -> memref<1x64xi32, #tpu.memory_space<vmem>>
    %dma_start3A_480 = tpu.memref_squeeze %dma_start3A_479 : memref<1x64xi32, #tpu.memory_space<vmem>> -> memref<64xi32, #tpu.memory_space<vmem>>
    %dma_start3A_481 = arith.constant 0 : i32
    %dma_start3A_482 = arith.constant 0 : i32
    %dma_start3A_483 = tpu.memref_slice %arg13[%dma_start3A_481, %dma_start3A_482] : memref<10240x128xf32, #tpu.memory_space<vmem_shared>> -> memref<10240x128xf32, #tpu.memory_space<vmem_shared>>
    tpu.enqueue_indirect_dma source(%arg10 : memref<64x128xf32, #tpu.memory_space<vmem>>) target(%dma_start3A_483 : memref<10240x128xf32, #tpu.memory_space<vmem_shared>>) offsets(%dma_start3A_480 : memref<64xi32, #tpu.memory_space<vmem>>) semaphore(%arg19 : memref<!tpu.dma_semaphore, #tpu.memory_space<semaphore_mem>>) {add = true}
    %dma_wait3A_484 = arith.constant 0 : i32
    %dma_wait3A_485 = arith.constant 0 : i32
    %dma_wait3A_486 = tpu.memref_slice %arg7[%dma_wait3A_484, %dma_wait3A_485] : memref<40x64xi32, #tpu.memory_space<vmem>> -> memref<1x64xi32, #tpu.memory_space<vmem>>
    %dma_wait3A_487 = tpu.memref_squeeze %dma_wait3A_486 : memref<1x64xi32, #tpu.memory_space<vmem>> -> memref<64xi32, #tpu.memory_space<vmem>>
    %dma_wait3A_488 = arith.constant 0 : i32
    %dma_wait3A_489 = arith.constant 0 : i32
    %dma_wait3A_490 = tpu.memref_slice %arg2[%dma_wait3A_488, %dma_wait3A_489] : memref<10000x128xf32, #tpu.memory_space<hbm>> -> memref<10000x128xf32, #tpu.memory_space<hbm>>
    tpu.wait_indirect_dma semaphore(%arg16 : memref<!tpu.dma_semaphore, #tpu.memory_space<semaphore_mem>>) src(%dma_wait3A_490 : memref<10000x128xf32, #tpu.memory_space<hbm>>) dst(%arg11 : memref<64x128xf32, #tpu.memory_space<vmem>>)
    %dma_start3A_491 = arith.constant 38 : i32
    %dma_start3A_492 = arith.constant 0 : i32
    %dma_start3A_493 = tpu.memref_slice %arg8[%dma_start3A_491, %dma_start3A_492] : memref<40x64xi32, #tpu.memory_space<vmem>> -> memref<1x64xi32, #tpu.memory_space<vmem>>
    %dma_start3A_494 = tpu.memref_squeeze %dma_start3A_493 : memref<1x64xi32, #tpu.memory_space<vmem>> -> memref<64xi32, #tpu.memory_space<vmem>>
    %dma_start3A_495 = arith.constant 0 : i32
    %dma_start3A_496 = arith.constant 0 : i32
    %dma_start3A_497 = tpu.memref_slice %arg13[%dma_start3A_495, %dma_start3A_496] : memref<10240x128xf32, #tpu.memory_space<vmem_shared>> -> memref<10240x128xf32, #tpu.memory_space<vmem_shared>>
    tpu.enqueue_indirect_dma source(%arg11 : memref<64x128xf32, #tpu.memory_space<vmem>>) target(%dma_start3A_497 : memref<10240x128xf32, #tpu.memory_space<vmem_shared>>) offsets(%dma_start3A_494 : memref<64xi32, #tpu.memory_space<vmem>>) semaphore(%arg20 : memref<!tpu.dma_semaphore, #tpu.memory_space<semaphore_mem>>) {add = true}
    %dma_wait3A_498 = arith.constant 0 : i32
    %dma_wait3A_499 = arith.constant 0 : i32
    %dma_wait3A_500 = tpu.memref_slice %arg7[%dma_wait3A_498, %dma_wait3A_499] : memref<40x64xi32, #tpu.memory_space<vmem>> -> memref<1x64xi32, #tpu.memory_space<vmem>>
    %dma_wait3A_501 = tpu.memref_squeeze %dma_wait3A_500 : memref<1x64xi32, #tpu.memory_space<vmem>> -> memref<64xi32, #tpu.memory_space<vmem>>
    %dma_wait3A_502 = arith.constant 0 : i32
    %dma_wait3A_503 = arith.constant 0 : i32
    %dma_wait3A_504 = tpu.memref_slice %arg2[%dma_wait3A_502, %dma_wait3A_503] : memref<10000x128xf32, #tpu.memory_space<hbm>> -> memref<10000x128xf32, #tpu.memory_space<hbm>>
    tpu.wait_indirect_dma semaphore(%arg17 : memref<!tpu.dma_semaphore, #tpu.memory_space<semaphore_mem>>) src(%dma_wait3A_504 : memref<10000x128xf32, #tpu.memory_space<hbm>>) dst(%arg12 : memref<64x128xf32, #tpu.memory_space<vmem>>)
    %dma_start3A_505 = arith.constant 39 : i32
    %dma_start3A_506 = arith.constant 0 : i32
    %dma_start3A_507 = tpu.memref_slice %arg8[%dma_start3A_505, %dma_start3A_506] : memref<40x64xi32, #tpu.memory_space<vmem>> -> memref<1x64xi32, #tpu.memory_space<vmem>>
    %dma_start3A_508 = tpu.memref_squeeze %dma_start3A_507 : memref<1x64xi32, #tpu.memory_space<vmem>> -> memref<64xi32, #tpu.memory_space<vmem>>
    %dma_start3A_509 = arith.constant 0 : i32
    %dma_start3A_510 = arith.constant 0 : i32
    %dma_start3A_511 = tpu.memref_slice %arg13[%dma_start3A_509, %dma_start3A_510] : memref<10240x128xf32, #tpu.memory_space<vmem_shared>> -> memref<10240x128xf32, #tpu.memory_space<vmem_shared>>
    tpu.enqueue_indirect_dma source(%arg12 : memref<64x128xf32, #tpu.memory_space<vmem>>) target(%dma_start3A_511 : memref<10240x128xf32, #tpu.memory_space<vmem_shared>>) offsets(%dma_start3A_508 : memref<64xi32, #tpu.memory_space<vmem>>) semaphore(%arg21 : memref<!tpu.dma_semaphore, #tpu.memory_space<semaphore_mem>>) {add = true}
    %dma_wait3A_512 = arith.constant 0 : i32
    %dma_wait3A_513 = arith.constant 0 : i32
    %dma_wait3A_514 = tpu.memref_slice %arg8[%dma_wait3A_512, %dma_wait3A_513] : memref<40x64xi32, #tpu.memory_space<vmem>> -> memref<1x64xi32, #tpu.memory_space<vmem>>
    %dma_wait3A_515 = tpu.memref_squeeze %dma_wait3A_514 : memref<1x64xi32, #tpu.memory_space<vmem>> -> memref<64xi32, #tpu.memory_space<vmem>>
    %dma_wait3A_516 = arith.constant 0 : i32
    %dma_wait3A_517 = arith.constant 0 : i32
    %dma_wait3A_518 = tpu.memref_slice %arg13[%dma_wait3A_516, %dma_wait3A_517] : memref<10240x128xf32, #tpu.memory_space<vmem_shared>> -> memref<10240x128xf32, #tpu.memory_space<vmem_shared>>
    tpu.wait_indirect_dma semaphore(%arg18 : memref<!tpu.dma_semaphore, #tpu.memory_space<semaphore_mem>>) src(%arg9 : memref<64x128xf32, #tpu.memory_space<vmem>>) dst(%dma_wait3A_518 : memref<10240x128xf32, #tpu.memory_space<vmem_shared>>)
    %dma_wait3A_519 = arith.constant 0 : i32
    %dma_wait3A_520 = arith.constant 0 : i32
    %dma_wait3A_521 = tpu.memref_slice %arg8[%dma_wait3A_519, %dma_wait3A_520] : memref<40x64xi32, #tpu.memory_space<vmem>> -> memref<1x64xi32, #tpu.memory_space<vmem>>
    %dma_wait3A_522 = tpu.memref_squeeze %dma_wait3A_521 : memref<1x64xi32, #tpu.memory_space<vmem>> -> memref<64xi32, #tpu.memory_space<vmem>>
    %dma_wait3A_523 = arith.constant 0 : i32
    %dma_wait3A_524 = arith.constant 0 : i32
    %dma_wait3A_525 = tpu.memref_slice %arg13[%dma_wait3A_523, %dma_wait3A_524] : memref<10240x128xf32, #tpu.memory_space<vmem_shared>> -> memref<10240x128xf32, #tpu.memory_space<vmem_shared>>
    tpu.wait_indirect_dma semaphore(%arg19 : memref<!tpu.dma_semaphore, #tpu.memory_space<semaphore_mem>>) src(%arg10 : memref<64x128xf32, #tpu.memory_space<vmem>>) dst(%dma_wait3A_525 : memref<10240x128xf32, #tpu.memory_space<vmem_shared>>)
    %dma_wait3A_526 = arith.constant 0 : i32
    %dma_wait3A_527 = arith.constant 0 : i32
    %dma_wait3A_528 = tpu.memref_slice %arg8[%dma_wait3A_526, %dma_wait3A_527] : memref<40x64xi32, #tpu.memory_space<vmem>> -> memref<1x64xi32, #tpu.memory_space<vmem>>
    %dma_wait3A_529 = tpu.memref_squeeze %dma_wait3A_528 : memref<1x64xi32, #tpu.memory_space<vmem>> -> memref<64xi32, #tpu.memory_space<vmem>>
    %dma_wait3A_530 = arith.constant 0 : i32
    %dma_wait3A_531 = arith.constant 0 : i32
    %dma_wait3A_532 = tpu.memref_slice %arg13[%dma_wait3A_530, %dma_wait3A_531] : memref<10240x128xf32, #tpu.memory_space<vmem_shared>> -> memref<10240x128xf32, #tpu.memory_space<vmem_shared>>
    tpu.wait_indirect_dma semaphore(%arg20 : memref<!tpu.dma_semaphore, #tpu.memory_space<semaphore_mem>>) src(%arg11 : memref<64x128xf32, #tpu.memory_space<vmem>>) dst(%dma_wait3A_532 : memref<10240x128xf32, #tpu.memory_space<vmem_shared>>)
    %dma_wait3A_533 = arith.constant 0 : i32
    %dma_wait3A_534 = arith.constant 0 : i32
    %dma_wait3A_535 = tpu.memref_slice %arg8[%dma_wait3A_533, %dma_wait3A_534] : memref<40x64xi32, #tpu.memory_space<vmem>> -> memref<1x64xi32, #tpu.memory_space<vmem>>
    %dma_wait3A_536 = tpu.memref_squeeze %dma_wait3A_535 : memref<1x64xi32, #tpu.memory_space<vmem>> -> memref<64xi32, #tpu.memory_space<vmem>>
    %dma_wait3A_537 = arith.constant 0 : i32
    %dma_wait3A_538 = arith.constant 0 : i32
    %dma_wait3A_539 = tpu.memref_slice %arg13[%dma_wait3A_537, %dma_wait3A_538] : memref<10240x128xf32, #tpu.memory_space<vmem_shared>> -> memref<10240x128xf32, #tpu.memory_space<vmem_shared>>
    tpu.wait_indirect_dma semaphore(%arg21 : memref<!tpu.dma_semaphore, #tpu.memory_space<semaphore_mem>>) src(%arg12 : memref<64x128xf32, #tpu.memory_space<vmem>>) dst(%dma_wait3A_539 : memref<10240x128xf32, #tpu.memory_space<vmem_shared>>)
    %barrier3A_540 = arith.constant 0 : index
    tpu.barrier barrier_id(%barrier3A_540)
    %mul3A_541 = arith.constant 640 : i32
    %mul3A_542 = arith.muli %arg1, %mul3A_541 : i32
    %multiple_of3A_543 = tpu.assume_multiple %mul3A_542, 640 : i32
    %eq3A = arith.constant 0 : i32
    %eq3A_544 = arith.cmpi eq, %arg0, %eq3A : i32
    %convert_element_type3A = arith.extui %eq3A_544 : i1 to i32
    %cond3A = arith.constant 0 : i32
    %cond3A_545 = arith.cmpi ne, %convert_element_type3A, %cond3A : i32
    scf.if %cond3A_545 {
      "tpu.region"() ({
        %run_scoped3A = tpu.sem_alloc : memref<!tpu.dma_semaphore, #tpu.memory_space<semaphore_mem>>
        %dma_start3A_551 = arith.constant 0 : i32
        %dma_start3A_552 = tpu.memref_slice %arg5[%multiple_of3A_543, %dma_start3A_551] : memref<10240x128xf32, #tpu.memory_space<hbm>> -> memref<640x128xf32, #tpu.memory_space<hbm>>
        %dma_start3A_553 = arith.constant 0 : i32
        %dma_start3A_554 = tpu.memref_slice %arg13[%multiple_of3A_543, %dma_start3A_553] : memref<10240x128xf32, #tpu.memory_space<vmem_shared>> -> memref<640x128xf32, #tpu.memory_space<vmem_shared>>
        tpu.enqueue_dma source(%dma_start3A_554 : memref<640x128xf32, #tpu.memory_space<vmem_shared>>) target(%dma_start3A_552 : memref<640x128xf32, #tpu.memory_space<hbm>>) target_semaphore(%run_scoped3A : memref<!tpu.dma_semaphore, #tpu.memory_space<semaphore_mem>>)
        %dma_wait3A_555 = arith.constant 0 : i32
        %dma_wait3A_556 = tpu.memref_slice %arg5[%multiple_of3A_543, %dma_wait3A_555] : memref<10240x128xf32, #tpu.memory_space<hbm>> -> memref<640x128xf32, #tpu.memory_space<hbm>>
        %dma_wait3A_557 = arith.constant 0 : i32
        %dma_wait3A_558 = tpu.memref_slice %arg13[%multiple_of3A_543, %dma_wait3A_557] : memref<10240x128xf32, #tpu.memory_space<vmem_shared>> -> memref<640x128xf32, #tpu.memory_space<vmem_shared>>
        tpu.wait_dma2 semaphore(%run_scoped3A : memref<!tpu.dma_semaphore, #tpu.memory_space<semaphore_mem>>) src(%dma_wait3A_558 : memref<640x128xf32, #tpu.memory_space<vmem_shared>>) dst(%dma_wait3A_556 : memref<640x128xf32, #tpu.memory_space<hbm>>)
        tpu.yield
      }) : () -> ()
    } else {
    }
    %eq3A_546 = arith.constant 1 : i32
    %eq3A_547 = arith.cmpi eq, %arg0, %eq3A_546 : i32
    %convert_element_type3A_548 = arith.extui %eq3A_547 : i1 to i32
    %cond3A_549 = arith.constant 0 : i32
    %cond3A_550 = arith.cmpi ne, %convert_element_type3A_548, %cond3A_549 : i32
    scf.if %cond3A_550 {
      "tpu.region"() ({
        %run_scoped3A = tpu.sem_alloc : memref<!tpu.dma_semaphore, #tpu.memory_space<semaphore_mem>>
        %dma_start3A_551 = arith.constant 0 : i32
        %dma_start3A_552 = tpu.memref_slice %arg6[%multiple_of3A_543, %dma_start3A_551] : memref<10240x128xf32, #tpu.memory_space<hbm>> -> memref<640x128xf32, #tpu.memory_space<hbm>>
        %dma_start3A_553 = arith.constant 0 : i32
        %dma_start3A_554 = tpu.memref_slice %arg13[%multiple_of3A_543, %dma_start3A_553] : memref<10240x128xf32, #tpu.memory_space<vmem_shared>> -> memref<640x128xf32, #tpu.memory_space<vmem_shared>>
        tpu.enqueue_dma source(%dma_start3A_554 : memref<640x128xf32, #tpu.memory_space<vmem_shared>>) target(%dma_start3A_552 : memref<640x128xf32, #tpu.memory_space<hbm>>) target_semaphore(%run_scoped3A : memref<!tpu.dma_semaphore, #tpu.memory_space<semaphore_mem>>)
        %dma_wait3A_555 = arith.constant 0 : i32
        %dma_wait3A_556 = tpu.memref_slice %arg6[%multiple_of3A_543, %dma_wait3A_555] : memref<10240x128xf32, #tpu.memory_space<hbm>> -> memref<640x128xf32, #tpu.memory_space<hbm>>
        %dma_wait3A_557 = arith.constant 0 : i32
        %dma_wait3A_558 = tpu.memref_slice %arg13[%multiple_of3A_543, %dma_wait3A_557] : memref<10240x128xf32, #tpu.memory_space<vmem_shared>> -> memref<640x128xf32, #tpu.memory_space<vmem_shared>>
        tpu.wait_dma2 semaphore(%run_scoped3A : memref<!tpu.dma_semaphore, #tpu.memory_space<semaphore_mem>>) src(%dma_wait3A_558 : memref<640x128xf32, #tpu.memory_space<vmem_shared>>) dst(%dma_wait3A_556 : memref<640x128xf32, #tpu.memory_space<hbm>>)
        tpu.yield
      }) : () -> ()
    } else {
    }
    return
  }
}

#map = affine_map<(d0, d1) -> (0, 0)>
module attributes {stable_mosaic.version = 14 : i64} {
  func.func @_scatter_body(%arg0: i32, %arg1: i32, %arg2: memref<10000x128xf32, #tpu.memory_space<hbm>>, %arg3: memref<5120x64xi32, #tpu.memory_space<hbm>>, %arg4: memref<5120x64xi32, #tpu.memory_space<hbm>>, %arg5: memref<10240x128xf32, #tpu.memory_space<hbm>>, %arg6: memref<10240x128xf32, #tpu.memory_space<hbm>>, %arg7: memref<40x64xi32, #tpu.memory_space<vmem>>, %arg8: memref<40x64xi32, #tpu.memory_space<vmem>>, %arg9: memref<64x128xf32, #tpu.memory_space<vmem>>, %arg10: memref<64x128xf32, #tpu.memory_space<vmem>>, %arg11: memref<64x128xf32, #tpu.memory_space<vmem>>, %arg12: memref<64x128xf32, #tpu.memory_space<vmem>>, %arg13: memref<10240x128xf32, #tpu.memory_space<vmem_shared>>, %arg14: memref<!tpu.dma_semaphore, #tpu.memory_space<semaphore_mem>>, %arg15: memref<!tpu.dma_semaphore, #tpu.memory_space<semaphore_mem>>, %arg16: memref<!tpu.dma_semaphore, #tpu.memory_space<semaphore_mem>>, %arg17: memref<!tpu.dma_semaphore, #tpu.memory_space<semaphore_mem>>, %arg18: memref<!tpu.dma_semaphore, #tpu.memory_space<semaphore_mem>>, %arg19: memref<!tpu.dma_semaphore, #tpu.memory_space<semaphore_mem>>, %arg20: memref<!tpu.dma_semaphore, #tpu.memory_space<semaphore_mem>>, %arg21: memref<!tpu.dma_semaphore, #tpu.memory_space<semaphore_mem>>) attributes {dimension_semantics = [#tpu.dimension_semantics<core_parallel>, #tpu.dimension_semantics<subcore_parallel>], iteration_bounds = array<i64: 2, 16>, scalar_prefetch = 0 : i64, scratch_operands = 15 : i64, tpu.core_type = #tpu.core_type<sc_vector_subcore>, window_params = [{transform_indices = #map}, {transform_indices = #map}, {transform_indices = #map}, {transform_indices = #map}, {transform_indices = #map}]} {
    %mul3A = arith.constant 2 : i32
    %mul3A_0 = arith.muli %arg1, %mul3A : i32
    %add3A = arith.addi %mul3A_0, %arg0 : i32
    %scan3A = arith.constant 0 : i32
    %scan3A_1 = arith.constant 64 : i32
    %scan3A_2 = arith.addi %scan3A, %scan3A_1 : i32
    %scan3A_3 = arith.constant 1 : i32
    scf.for %scan3A_551 = %scan3A to %scan3A_2 step %scan3A_3  : i32 {
      %mul3A_552 = arith.constant 1 : i32
      %mul3A_553 = arith.muli %scan3A_551, %mul3A_552 : i32
      %add3A_554 = arith.constant 0 : i32
      %add3A_555 = arith.addi %add3A_554, %mul3A_553 : i32
      %broadcast_in_dim3A = arith.constant 0.000000e+00 : f32
      %broadcast_in_dim3A_556 = vector.broadcast %broadcast_in_dim3A : f32 to vector<16xf32>
      %swap3A = arith.index_cast %add3A_555 : i32 to index
      %swap3A_557 = arith.constant 0 : index
      %swap3A_558 = tpu.vector_load %arg9[%swap3A, %swap3A_557] {strides = array<i32>} : memref<64x128xf32, #tpu.memory_space<vmem>>, vector<1x16xf32>,
      %swap3A_559 = vector.shape_cast %swap3A_558 : vector<1x16xf32> to vector<16xf32>
      %swap3A_560 = vector.shape_cast %broadcast_in_dim3A_556 : vector<16xf32> to vector<1x16xf32>
      tpu.vector_store %arg9[%swap3A, %swap3A_557], %swap3A_560 {strides = array<i32>} : memref<64x128xf32, #tpu.memory_space<vmem>>, vector<1x16xf32>,
      %broadcast_in_dim3A_561 = arith.constant 0.000000e+00 : f32
      %broadcast_in_dim3A_562 = vector.broadcast %broadcast_in_dim3A_561 : f32 to vector<16xf32>
      %swap3A_563 = arith.index_cast %add3A_555 : i32 to index
      %swap3A_564 = arith.constant 16 : index
      %swap3A_565 = tpu.vector_load %arg9[%swap3A_563, %swap3A_564] {strides = array<i32>} : memref<64x128xf32, #tpu.memory_space<vmem>>, vector<1x16xf32>,
      %swap3A_566 = vector.shape_cast %swap3A_565 : vector<1x16xf32> to vector<16xf32>
      %swap3A_567 = vector.shape_cast %broadcast_in_dim3A_562 : vector<16xf32> to vector<1x16xf32>
      tpu.vector_store %arg9[%swap3A_563, %swap3A_564], %swap3A_567 {strides = array<i32>} : memref<64x128xf32, #tpu.memory_space<vmem>>, vector<1x16xf32>,
      %broadcast_in_dim3A_568 = arith.constant 0.000000e+00 : f32
      %broadcast_in_dim3A_569 = vector.broadcast %broadcast_in_dim3A_568 : f32 to vector<16xf32>
      %swap3A_570 = arith.index_cast %add3A_555 : i32 to index
      %swap3A_571 = arith.constant 32 : index
      %swap3A_572 = tpu.vector_load %arg9[%swap3A_570, %swap3A_571] {strides = array<i32>} : memref<64x128xf32, #tpu.memory_space<vmem>>, vector<1x16xf32>,
      %swap3A_573 = vector.shape_cast %swap3A_572 : vector<1x16xf32> to vector<16xf32>
      %swap3A_574 = vector.shape_cast %broadcast_in_dim3A_569 : vector<16xf32> to vector<1x16xf32>
      tpu.vector_store %arg9[%swap3A_570, %swap3A_571], %swap3A_574 {strides = array<i32>} : memref<64x128xf32, #tpu.memory_space<vmem>>, vector<1x16xf32>,
      %broadcast_in_dim3A_575 = arith.constant 0.000000e+00 : f32
      %broadcast_in_dim3A_576 = vector.broadcast %broadcast_in_dim3A_575 : f32 to vector<16xf32>
      %swap3A_577 = arith.index_cast %add3A_555 : i32 to index
      %swap3A_578 = arith.constant 48 : index
      %swap3A_579 = tpu.vector_load %arg9[%swap3A_577, %swap3A_578] {strides = array<i32>} : memref<64x128xf32, #tpu.memory_space<vmem>>, vector<1x16xf32>,
      %swap3A_580 = vector.shape_cast %swap3A_579 : vector<1x16xf32> to vector<16xf32>
      %swap3A_581 = vector.shape_cast %broadcast_in_dim3A_576 : vector<16xf32> to vector<1x16xf32>
      tpu.vector_store %arg9[%swap3A_577, %swap3A_578], %swap3A_581 {strides = array<i32>} : memref<64x128xf32, #tpu.memory_space<vmem>>, vector<1x16xf32>,
      %broadcast_in_dim3A_582 = arith.constant 0.000000e+00 : f32
      %broadcast_in_dim3A_583 = vector.broadcast %broadcast_in_dim3A_582 : f32 to vector<16xf32>
      %swap3A_584 = arith.index_cast %add3A_555 : i32 to index
      %swap3A_585 = arith.constant 64 : index
      %swap3A_586 = tpu.vector_load %arg9[%swap3A_584, %swap3A_585] {strides = array<i32>} : memref<64x128xf32, #tpu.memory_space<vmem>>, vector<1x16xf32>,
      %swap3A_587 = vector.shape_cast %swap3A_586 : vector<1x16xf32> to vector<16xf32>
      %swap3A_588 = vector.shape_cast %broadcast_in_dim3A_583 : vector<16xf32> to vector<1x16xf32>
      tpu.vector_store %arg9[%swap3A_584, %swap3A_585], %swap3A_588 {strides = array<i32>} : memref<64x128xf32, #tpu.memory_space<vmem>>, vector<1x16xf32>,
      %broadcast_in_dim3A_589 = arith.constant 0.000000e+00 : f32
      %broadcast_in_dim3A_590 = vector.broadcast %broadcast_in_dim3A_589 : f32 to vector<16xf32>
      %swap3A_591 = arith.index_cast %add3A_555 : i32 to index
      %swap3A_592 = arith.constant 80 : index
      %swap3A_593 = tpu.vector_load %arg9[%swap3A_591, %swap3A_592] {strides = array<i32>} : memref<64x128xf32, #tpu.memory_space<vmem>>, vector<1x16xf32>,
      %swap3A_594 = vector.shape_cast %swap3A_593 : vector<1x16xf32> to vector<16xf32>
      %swap3A_595 = vector.shape_cast %broadcast_in_dim3A_590 : vector<16xf32> to vector<1x16xf32>
      tpu.vector_store %arg9[%swap3A_591, %swap3A_592], %swap3A_595 {strides = array<i32>} : memref<64x128xf32, #tpu.memory_space<vmem>>, vector<1x16xf32>,
      %broadcast_in_dim3A_596 = arith.constant 0.000000e+00 : f32
      %broadcast_in_dim3A_597 = vector.broadcast %broadcast_in_dim3A_596 : f32 to vector<16xf32>
      %swap3A_598 = arith.index_cast %add3A_555 : i32 to index
      %swap3A_599 = arith.constant 96 : index
      %swap3A_600 = tpu.vector_load %arg9[%swap3A_598, %swap3A_599] {strides = array<i32>} : memref<64x128xf32, #tpu.memory_space<vmem>>, vector<1x16xf32>,
      %swap3A_601 = vector.shape_cast %swap3A_600 : vector<1x16xf32> to vector<16xf32>
      %swap3A_602 = vector.shape_cast %broadcast_in_dim3A_597 : vector<16xf32> to vector<1x16xf32>
      tpu.vector_store %arg9[%swap3A_598, %swap3A_599], %swap3A_602 {strides = array<i32>} : memref<64x128xf32, #tpu.memory_space<vmem>>, vector<1x16xf32>,
      %broadcast_in_dim3A_603 = arith.constant 0.000000e+00 : f32
      %broadcast_in_dim3A_604 = vector.broadcast %broadcast_in_dim3A_603 : f32 to vector<16xf32>
      %swap3A_605 = arith.index_cast %add3A_555 : i32 to index
      %swap3A_606 = arith.constant 112 : index
      %swap3A_607 = tpu.vector_load %arg9[%swap3A_605, %swap3A_606] {strides = array<i32>} : memref<64x128xf32, #tpu.memory_space<vmem>>, vector<1x16xf32>,
      %swap3A_608 = vector.shape_cast %swap3A_607 : vector<1x16xf32> to vector<16xf32>
      %swap3A_609 = vector.shape_cast %broadcast_in_dim3A_604 : vector<16xf32> to vector<1x16xf32>
      tpu.vector_store %arg9[%swap3A_605, %swap3A_606], %swap3A_609 {strides = array<i32>} : memref<64x128xf32, #tpu.memory_space<vmem>>, vector<1x16xf32>,
    }
    %scan3A_4 = arith.constant 64 : i32
    %mul3A_5 = arith.constant 640 : i32
    %mul3A_6 = arith.muli %arg1, %mul3A_5 : i32
    %add3A_7 = arith.constant 0 : i32
    %add3A_8 = arith.addi %mul3A_6, %add3A_7 : i32
    %multiple_of3A = tpu.assume_multiple %add3A_8, 64 : i32
    "tpu.region"() ({
      %run_scoped3A = tpu.sem_alloc : memref<!tpu.dma_semaphore, #tpu.memory_space<semaphore_mem>>
      %dma_start3A_551 = arith.constant 0 : i32
      %dma_start3A_552 = tpu.memref_slice %arg13[%multiple_of3A, %dma_start3A_551] : memref<10240x128xf32, #tpu.memory_space<vmem_shared>> -> memref<64x128xf32, #tpu.memory_space<vmem_shared>>
      %dma_start3A_553 = arith.constant 0 : i32
      %dma_start3A_554 = tpu.memref_slice %arg13[%multiple_of3A, %dma_start3A_553] : memref<10240x128xf32, #tpu.memory_space<vmem_shared>> -> memref<64x128xf32, #tpu.memory_space<vmem_shared>>
      tpu.enqueue_dma source(%arg9 : memref<64x128xf32, #tpu.memory_space<vmem>>) target(%dma_start3A_554 : memref<64x128xf32, #tpu.memory_space<vmem_shared>>) target_semaphore(%run_scoped3A : memref<!tpu.dma_semaphore, #tpu.memory_space<semaphore_mem>>)
      %dma_wait3A_555 = arith.constant 0 : i32
      %dma_wait3A_556 = tpu.memref_slice %arg13[%multiple_of3A, %dma_wait3A_555] : memref<10240x128xf32, #tpu.memory_space<vmem_shared>> -> memref<64x128xf32, #tpu.memory_space<vmem_shared>>
      %dma_wait3A_557 = arith.constant 0 : i32
      %dma_wait3A_558 = tpu.memref_slice %arg13[%multiple_of3A, %dma_wait3A_557] : memref<10240x128xf32, #tpu.memory_space<vmem_shared>> -> memref<64x128xf32, #tpu.memory_space<vmem_shared>>
      tpu.wait_dma2 semaphore(%run_scoped3A : memref<!tpu.dma_semaphore, #tpu.memory_space<semaphore_mem>>) src(%arg9 : memref<64x128xf32, #tpu.memory_space<vmem>>) dst(%dma_wait3A_558 : memref<64x128xf32, #tpu.memory_space<vmem_shared>>)
      tpu.yield
    }) : () -> ()
    %mul3A_9 = arith.constant 640 : i32
    %mul3A_10 = arith.muli %arg1, %mul3A_9 : i32
    %add3A_11 = arith.constant 64 : i32
    %add3A_12 = arith.addi %mul3A_10, %add3A_11 : i32
    %multiple_of3A_13 = tpu.assume_multiple %add3A_12, 64 : i32
    "tpu.region"() ({
      %run_scoped3A = tpu.sem_alloc : memref<!tpu.dma_semaphore, #tpu.memory_space<semaphore_mem>>
      %dma_start3A_551 = arith.constant 0 : i32
      %dma_start3A_552 = tpu.memref_slice %arg13[%multiple_of3A_13, %dma_start3A_551] : memref<10240x128xf32, #tpu.memory_space<vmem_shared>> -> memref<64x128xf32, #tpu.memory_space<vmem_shared>>
      %dma_start3A_553 = arith.constant 0 : i32
      %dma_start3A_554 = tpu.memref_slice %arg13[%multiple_of3A_13, %dma_start3A_553] : memref<10240x128xf32, #tpu.memory_space<vmem_shared>> -> memref<64x128xf32, #tpu.memory_space<vmem_shared>>
      tpu.enqueue_dma source(%arg9 : memref<64x128xf32, #tpu.memory_space<vmem>>) target(%dma_start3A_554 : memref<64x128xf32, #tpu.memory_space<vmem_shared>>) target_semaphore(%run_scoped3A : memref<!tpu.dma_semaphore, #tpu.memory_space<semaphore_mem>>)
      %dma_wait3A_555 = arith.constant 0 : i32
      %dma_wait3A_556 = tpu.memref_slice %arg13[%multiple_of3A_13, %dma_wait3A_555] : memref<10240x128xf32, #tpu.memory_space<vmem_shared>> -> memref<64x128xf32, #tpu.memory_space<vmem_shared>>
      %dma_wait3A_557 = arith.constant 0 : i32
      %dma_wait3A_558 = tpu.memref_slice %arg13[%multiple_of3A_13, %dma_wait3A_557] : memref<10240x128xf32, #tpu.memory_space<vmem_shared>> -> memref<64x128xf32, #tpu.memory_space<vmem_shared>>
      tpu.wait_dma2 semaphore(%run_scoped3A : memref<!tpu.dma_semaphore, #tpu.memory_space<semaphore_mem>>) src(%arg9 : memref<64x128xf32, #tpu.memory_space<vmem>>) dst(%dma_wait3A_558 : memref<64x128xf32, #tpu.memory_space<vmem_shared>>)
      tpu.yield
    }) : () -> ()
    %mul3A_14 = arith.constant 640 : i32
    %mul3A_15 = arith.muli %arg1, %mul3A_14 : i32
    %add3A_16 = arith.constant 128 : i32
    %add3A_17 = arith.addi %mul3A_15, %add3A_16 : i32
    %multiple_of3A_18 = tpu.assume_multiple %add3A_17, 64 : i32
    "tpu.region"() ({
      %run_scoped3A = tpu.sem_alloc : memref<!tpu.dma_semaphore, #tpu.memory_space<semaphore_mem>>
      %dma_start3A_551 = arith.constant 0 : i32
      %dma_start3A_552 = tpu.memref_slice %arg13[%multiple_of3A_18, %dma_start3A_551] : memref<10240x128xf32, #tpu.memory_space<vmem_shared>> -> memref<64x128xf32, #tpu.memory_space<vmem_shared>>
      %dma_start3A_553 = arith.constant 0 : i32
      %dma_start3A_554 = tpu.memref_slice %arg13[%multiple_of3A_18, %dma_start3A_553] : memref<10240x128xf32, #tpu.memory_space<vmem_shared>> -> memref<64x128xf32, #tpu.memory_space<vmem_shared>>
      tpu.enqueue_dma source(%arg9 : memref<64x128xf32, #tpu.memory_space<vmem>>) target(%dma_start3A_554 : memref<64x128xf32, #tpu.memory_space<vmem_shared>>) target_semaphore(%run_scoped3A : memref<!tpu.dma_semaphore, #tpu.memory_space<semaphore_mem>>)
      %dma_wait3A_555 = arith.constant 0 : i32
      %dma_wait3A_556 = tpu.memref_slice %arg13[%multiple_of3A_18, %dma_wait3A_555] : memref<10240x128xf32, #tpu.memory_space<vmem_shared>> -> memref<64x128xf32, #tpu.memory_space<vmem_shared>>
      %dma_wait3A_557 = arith.constant 0 : i32
      %dma_wait3A_558 = tpu.memref_slice %arg13[%multiple_of3A_18, %dma_wait3A_557] : memref<10240x128xf32, #tpu.memory_space<vmem_shared>> -> memref<64x128xf32, #tpu.memory_space<vmem_shared>>
      tpu.wait_dma2 semaphore(%run_scoped3A : memref<!tpu.dma_semaphore, #tpu.memory_space<semaphore_mem>>) src(%arg9 : memref<64x128xf32, #tpu.memory_space<vmem>>) dst(%dma_wait3A_558 : memref<64x128xf32, #tpu.memory_space<vmem_shared>>)
      tpu.yield
    }) : () -> ()
    %mul3A_19 = arith.constant 640 : i32
    %mul3A_20 = arith.muli %arg1, %mul3A_19 : i32
    %add3A_21 = arith.constant 192 : i32
    %add3A_22 = arith.addi %mul3A_20, %add3A_21 : i32
    %multiple_of3A_23 = tpu.assume_multiple %add3A_22, 64 : i32
    "tpu.region"() ({
      %run_scoped3A = tpu.sem_alloc : memref<!tpu.dma_semaphore, #tpu.memory_space<semaphore_mem>>
      %dma_start3A_551 = arith.constant 0 : i32
      %dma_start3A_552 = tpu.memref_slice %arg13[%multiple_of3A_23, %dma_start3A_551] : memref<10240x128xf32, #tpu.memory_space<vmem_shared>> -> memref<64x128xf32, #tpu.memory_space<vmem_shared>>
      %dma_start3A_553 = arith.constant 0 : i32
      %dma_start3A_554 = tpu.memref_slice %arg13[%multiple_of3A_23, %dma_start3A_553] : memref<10240x128xf32, #tpu.memory_space<vmem_shared>> -> memref<64x128xf32, #tpu.memory_space<vmem_shared>>
      tpu.enqueue_dma source(%arg9 : memref<64x128xf32, #tpu.memory_space<vmem>>) target(%dma_start3A_554 : memref<64x128xf32, #tpu.memory_space<vmem_shared>>) target_semaphore(%run_scoped3A : memref<!tpu.dma_semaphore, #tpu.memory_space<semaphore_mem>>)
      %dma_wait3A_555 = arith.constant 0 : i32
      %dma_wait3A_556 = tpu.memref_slice %arg13[%multiple_of3A_23, %dma_wait3A_555] : memref<10240x128xf32, #tpu.memory_space<vmem_shared>> -> memref<64x128xf32, #tpu.memory_space<vmem_shared>>
      %dma_wait3A_557 = arith.constant 0 : i32
      %dma_wait3A_558 = tpu.memref_slice %arg13[%multiple_of3A_23, %dma_wait3A_557] : memref<10240x128xf32, #tpu.memory_space<vmem_shared>> -> memref<64x128xf32, #tpu.memory_space<vmem_shared>>
      tpu.wait_dma2 semaphore(%run_scoped3A : memref<!tpu.dma_semaphore, #tpu.memory_space<semaphore_mem>>) src(%arg9 : memref<64x128xf32, #tpu.memory_space<vmem>>) dst(%dma_wait3A_558 : memref<64x128xf32, #tpu.memory_space<vmem_shared>>)
      tpu.yield
    }) : () -> ()
    %mul3A_24 = arith.constant 640 : i32
    %mul3A_25 = arith.muli %arg1, %mul3A_24 : i32
    %add3A_26 = arith.constant 256 : i32
    %add3A_27 = arith.addi %mul3A_25, %add3A_26 : i32
    %multiple_of3A_28 = tpu.assume_multiple %add3A_27, 64 : i32
    "tpu.region"() ({
      %run_scoped3A = tpu.sem_alloc : memref<!tpu.dma_semaphore, #tpu.memory_space<semaphore_mem>>
      %dma_start3A_551 = arith.constant 0 : i32
      %dma_start3A_552 = tpu.memref_slice %arg13[%multiple_of3A_28, %dma_start3A_551] : memref<10240x128xf32, #tpu.memory_space<vmem_shared>> -> memref<64x128xf32, #tpu.memory_space<vmem_shared>>
      %dma_start3A_553 = arith.constant 0 : i32
      %dma_start3A_554 = tpu.memref_slice %arg13[%multiple_of3A_28, %dma_start3A_553] : memref<10240x128xf32, #tpu.memory_space<vmem_shared>> -> memref<64x128xf32, #tpu.memory_space<vmem_shared>>
      tpu.enqueue_dma source(%arg9 : memref<64x128xf32, #tpu.memory_space<vmem>>) target(%dma_start3A_554 : memref<64x128xf32, #tpu.memory_space<vmem_shared>>) target_semaphore(%run_scoped3A : memref<!tpu.dma_semaphore, #tpu.memory_space<semaphore_mem>>)
      %dma_wait3A_555 = arith.constant 0 : i32
      %dma_wait3A_556 = tpu.memref_slice %arg13[%multiple_of3A_28, %dma_wait3A_555] : memref<10240x128xf32, #tpu.memory_space<vmem_shared>> -> memref<64x128xf32, #tpu.memory_space<vmem_shared>>
      %dma_wait3A_557 = arith.constant 0 : i32
      %dma_wait3A_558 = tpu.memref_slice %arg13[%multiple_of3A_28, %dma_wait3A_557] : memref<10240x128xf32, #tpu.memory_space<vmem_shared>> -> memref<64x128xf32, #tpu.memory_space<vmem_shared>>
      tpu.wait_dma2 semaphore(%run_scoped3A : memref<!tpu.dma_semaphore, #tpu.memory_space<semaphore_mem>>) src(%arg9 : memref<64x128xf32, #tpu.memory_space<vmem>>) dst(%dma_wait3A_558 : memref<64x128xf32, #tpu.memory_space<vmem_shared>>)
      tpu.yield
    }) : () -> ()
    %mul3A_29 = arith.constant 640 : i32
    %mul3A_30 = arith.muli %arg1, %mul3A_29 : i32
    %add3A_31 = arith.constant 320 : i32
    %add3A_32 = arith.addi %mul3A_30, %add3A_31 : i32
    %multiple_of3A_33 = tpu.assume_multiple %add3A_32, 64 : i32
    "tpu.region"() ({
      %run_scoped3A = tpu.sem_alloc : memref<!tpu.dma_semaphore, #tpu.memory_space<semaphore_mem>>
      %dma_start3A_551 = arith.constant 0 : i32
      %dma_start3A_552 = tpu.memref_slice %arg13[%multiple_of3A_33, %dma_start3A_551] : memref<10240x128xf32, #tpu.memory_space<vmem_shared>> -> memref<64x128xf32, #tpu.memory_space<vmem_shared>>
      %dma_start3A_553 = arith.constant 0 : i32
      %dma_start3A_554 = tpu.memref_slice %arg13[%multiple_of3A_33, %dma_start3A_553] : memref<10240x128xf32, #tpu.memory_space<vmem_shared>> -> memref<64x128xf32, #tpu.memory_space<vmem_shared>>
      tpu.enqueue_dma source(%arg9 : memref<64x128xf32, #tpu.memory_space<vmem>>) target(%dma_start3A_554 : memref<64x128xf32, #tpu.memory_space<vmem_shared>>) target_semaphore(%run_scoped3A : memref<!tpu.dma_semaphore, #tpu.memory_space<semaphore_mem>>)
      %dma_wait3A_555 = arith.constant 0 : i32
      %dma_wait3A_556 = tpu.memref_slice %arg13[%multiple_of3A_33, %dma_wait3A_555] : memref<10240x128xf32, #tpu.memory_space<vmem_shared>> -> memref<64x128xf32, #tpu.memory_space<vmem_shared>>
      %dma_wait3A_557 = arith.constant 0 : i32
      %dma_wait3A_558 = tpu.memref_slice %arg13[%multiple_of3A_33, %dma_wait3A_557] : memref<10240x128xf32, #tpu.memory_space<vmem_shared>> -> memref<64x128xf32, #tpu.memory_space<vmem_shared>>
      tpu.wait_dma2 semaphore(%run_scoped3A : memref<!tpu.dma_semaphore, #tpu.memory_space<semaphore_mem>>) src(%arg9 : memref<64x128xf32, #tpu.memory_space<vmem>>) dst(%dma_wait3A_558 : memref<64x128xf32, #tpu.memory_space<vmem_shared>>)
      tpu.yield
    }) : () -> ()
    %mul3A_34 = arith.constant 640 : i32
    %mul3A_35 = arith.muli %arg1, %mul3A_34 : i32
    %add3A_36 = arith.constant 384 : i32
    %add3A_37 = arith.addi %mul3A_35, %add3A_36 : i32
    %multiple_of3A_38 = tpu.assume_multiple %add3A_37, 64 : i32
    "tpu.region"() ({
      %run_scoped3A = tpu.sem_alloc : memref<!tpu.dma_semaphore, #tpu.memory_space<semaphore_mem>>
      %dma_start3A_551 = arith.constant 0 : i32
      %dma_start3A_552 = tpu.memref_slice %arg13[%multiple_of3A_38, %dma_start3A_551] : memref<10240x128xf32, #tpu.memory_space<vmem_shared>> -> memref<64x128xf32, #tpu.memory_space<vmem_shared>>
      %dma_start3A_553 = arith.constant 0 : i32
      %dma_start3A_554 = tpu.memref_slice %arg13[%multiple_of3A_38, %dma_start3A_553] : memref<10240x128xf32, #tpu.memory_space<vmem_shared>> -> memref<64x128xf32, #tpu.memory_space<vmem_shared>>
      tpu.enqueue_dma source(%arg9 : memref<64x128xf32, #tpu.memory_space<vmem>>) target(%dma_start3A_554 : memref<64x128xf32, #tpu.memory_space<vmem_shared>>) target_semaphore(%run_scoped3A : memref<!tpu.dma_semaphore, #tpu.memory_space<semaphore_mem>>)
      %dma_wait3A_555 = arith.constant 0 : i32
      %dma_wait3A_556 = tpu.memref_slice %arg13[%multiple_of3A_38, %dma_wait3A_555] : memref<10240x128xf32, #tpu.memory_space<vmem_shared>> -> memref<64x128xf32, #tpu.memory_space<vmem_shared>>
      %dma_wait3A_557 = arith.constant 0 : i32
      %dma_wait3A_558 = tpu.memref_slice %arg13[%multiple_of3A_38, %dma_wait3A_557] : memref<10240x128xf32, #tpu.memory_space<vmem_shared>> -> memref<64x128xf32, #tpu.memory_space<vmem_shared>>
      tpu.wait_dma2 semaphore(%run_scoped3A : memref<!tpu.dma_semaphore, #tpu.memory_space<semaphore_mem>>) src(%arg9 : memref<64x128xf32, #tpu.memory_space<vmem>>) dst(%dma_wait3A_558 : memref<64x128xf32, #tpu.memory_space<vmem_shared>>)
      tpu.yield
    }) : () -> ()
    %mul3A_39 = arith.constant 640 : i32
    %mul3A_40 = arith.muli %arg1, %mul3A_39 : i32
    %add3A_41 = arith.constant 448 : i32
    %add3A_42 = arith.addi %mul3A_40, %add3A_41 : i32
    %multiple_of3A_43 = tpu.assume_multiple %add3A_42, 64 : i32
    "tpu.region"() ({
      %run_scoped3A = tpu.sem_alloc : memref<!tpu.dma_semaphore, #tpu.memory_space<semaphore_mem>>
      %dma_start3A_551 = arith.constant 0 : i32
      %dma_start3A_552 = tpu.memref_slice %arg13[%multiple_of3A_43, %dma_start3A_551] : memref<10240x128xf32, #tpu.memory_space<vmem_shared>> -> memref<64x128xf32, #tpu.memory_space<vmem_shared>>
      %dma_start3A_553 = arith.constant 0 : i32
      %dma_start3A_554 = tpu.memref_slice %arg13[%multiple_of3A_43, %dma_start3A_553] : memref<10240x128xf32, #tpu.memory_space<vmem_shared>> -> memref<64x128xf32, #tpu.memory_space<vmem_shared>>
      tpu.enqueue_dma source(%arg9 : memref<64x128xf32, #tpu.memory_space<vmem>>) target(%dma_start3A_554 : memref<64x128xf32, #tpu.memory_space<vmem_shared>>) target_semaphore(%run_scoped3A : memref<!tpu.dma_semaphore, #tpu.memory_space<semaphore_mem>>)
      %dma_wait3A_555 = arith.constant 0 : i32
      %dma_wait3A_556 = tpu.memref_slice %arg13[%multiple_of3A_43, %dma_wait3A_555] : memref<10240x128xf32, #tpu.memory_space<vmem_shared>> -> memref<64x128xf32, #tpu.memory_space<vmem_shared>>
      %dma_wait3A_557 = arith.constant 0 : i32
      %dma_wait3A_558 = tpu.memref_slice %arg13[%multiple_of3A_43, %dma_wait3A_557] : memref<10240x128xf32, #tpu.memory_space<vmem_shared>> -> memref<64x128xf32, #tpu.memory_space<vmem_shared>>
      tpu.wait_dma2 semaphore(%run_scoped3A : memref<!tpu.dma_semaphore, #tpu.memory_space<semaphore_mem>>) src(%arg9 : memref<64x128xf32, #tpu.memory_space<vmem>>) dst(%dma_wait3A_558 : memref<64x128xf32, #tpu.memory_space<vmem_shared>>)
      tpu.yield
    }) : () -> ()
    %mul3A_44 = arith.constant 640 : i32
    %mul3A_45 = arith.muli %arg1, %mul3A_44 : i32
    %add3A_46 = arith.constant 512 : i32
    %add3A_47 = arith.addi %mul3A_45, %add3A_46 : i32
    %multiple_of3A_48 = tpu.assume_multiple %add3A_47, 64 : i32
    "tpu.region"() ({
      %run_scoped3A = tpu.sem_alloc : memref<!tpu.dma_semaphore, #tpu.memory_space<semaphore_mem>>
      %dma_start3A_551 = arith.constant 0 : i32
      %dma_start3A_552 = tpu.memref_slice %arg13[%multiple_of3A_48, %dma_start3A_551] : memref<10240x128xf32, #tpu.memory_space<vmem_shared>> -> memref<64x128xf32, #tpu.memory_space<vmem_shared>>
      %dma_start3A_553 = arith.constant 0 : i32
      %dma_start3A_554 = tpu.memref_slice %arg13[%multiple_of3A_48, %dma_start3A_553] : memref<10240x128xf32, #tpu.memory_space<vmem_shared>> -> memref<64x128xf32, #tpu.memory_space<vmem_shared>>
      tpu.enqueue_dma source(%arg9 : memref<64x128xf32, #tpu.memory_space<vmem>>) target(%dma_start3A_554 : memref<64x128xf32, #tpu.memory_space<vmem_shared>>) target_semaphore(%run_scoped3A : memref<!tpu.dma_semaphore, #tpu.memory_space<semaphore_mem>>)
      %dma_wait3A_555 = arith.constant 0 : i32
      %dma_wait3A_556 = tpu.memref_slice %arg13[%multiple_of3A_48, %dma_wait3A_555] : memref<10240x128xf32, #tpu.memory_space<vmem_shared>> -> memref<64x128xf32, #tpu.memory_space<vmem_shared>>
      %dma_wait3A_557 = arith.constant 0 : i32
      %dma_wait3A_558 = tpu.memref_slice %arg13[%multiple_of3A_48, %dma_wait3A_557] : memref<10240x128xf32, #tpu.memory_space<vmem_shared>> -> memref<64x128xf32, #tpu.memory_space<vmem_shared>>
      tpu.wait_dma2 semaphore(%run_scoped3A : memref<!tpu.dma_semaphore, #tpu.memory_space<semaphore_mem>>) src(%arg9 : memref<64x128xf32, #tpu.memory_space<vmem>>) dst(%dma_wait3A_558 : memref<64x128xf32, #tpu.memory_space<vmem_shared>>)
      tpu.yield
    }) : () -> ()
    %mul3A_49 = arith.constant 640 : i32
    %mul3A_50 = arith.muli %arg1, %mul3A_49 : i32
    %add3A_51 = arith.constant 576 : i32
    %add3A_52 = arith.addi %mul3A_50, %add3A_51 : i32
    %multiple_of3A_53 = tpu.assume_multiple %add3A_52, 64 : i32
    "tpu.region"() ({
      %run_scoped3A = tpu.sem_alloc : memref<!tpu.dma_semaphore, #tpu.memory_space<semaphore_mem>>
      %dma_start3A_551 = arith.constant 0 : i32
      %dma_start3A_552 = tpu.memref_slice %arg13[%multiple_of3A_53, %dma_start3A_551] : memref<10240x128xf32, #tpu.memory_space<vmem_shared>> -> memref<64x128xf32, #tpu.memory_space<vmem_shared>>
      %dma_start3A_553 = arith.constant 0 : i32
      %dma_start3A_554 = tpu.memref_slice %arg13[%multiple_of3A_53, %dma_start3A_553] : memref<10240x128xf32, #tpu.memory_space<vmem_shared>> -> memref<64x128xf32, #tpu.memory_space<vmem_shared>>
      tpu.enqueue_dma source(%arg9 : memref<64x128xf32, #tpu.memory_space<vmem>>) target(%dma_start3A_554 : memref<64x128xf32, #tpu.memory_space<vmem_shared>>) target_semaphore(%run_scoped3A : memref<!tpu.dma_semaphore, #tpu.memory_space<semaphore_mem>>)
      %dma_wait3A_555 = arith.constant 0 : i32
      %dma_wait3A_556 = tpu.memref_slice %arg13[%multiple_of3A_53, %dma_wait3A_555] : memref<10240x128xf32, #tpu.memory_space<vmem_shared>> -> memref<64x128xf32, #tpu.memory_space<vmem_shared>>
      %dma_wait3A_557 = arith.constant 0 : i32
      %dma_wait3A_558 = tpu.memref_slice %arg13[%multiple_of3A_53, %dma_wait3A_557] : memref<10240x128xf32, #tpu.memory_space<vmem_shared>> -> memref<64x128xf32, #tpu.memory_space<vmem_shared>>
      tpu.wait_dma2 semaphore(%run_scoped3A : memref<!tpu.dma_semaphore, #tpu.memory_space<semaphore_mem>>) src(%arg9 : memref<64x128xf32, #tpu.memory_space<vmem>>) dst(%dma_wait3A_558 : memref<64x128xf32, #tpu.memory_space<vmem_shared>>)
      tpu.yield
    }) : () -> ()
    %barrier3A = arith.constant 0 : index
    tpu.barrier barrier_id(%barrier3A)
    %mul3A_54 = arith.constant 160 : i32
    %mul3A_55 = arith.muli %add3A, %mul3A_54 : i32
    %add3A_56 = arith.constant 0 : i32
    %add3A_57 = arith.addi %mul3A_55, %add3A_56 : i32
    %multiple_of3A_58 = tpu.assume_multiple %add3A_57, 40 : i32
    "tpu.region"() ({
      %run_scoped3A = tpu.sem_alloc : memref<!tpu.dma_semaphore, #tpu.memory_space<semaphore_mem>>
      %dma_start3A_551 = arith.constant 0 : i32
      %dma_start3A_552 = tpu.memref_slice %arg3[%multiple_of3A_58, %dma_start3A_551] : memref<5120x64xi32, #tpu.memory_space<hbm>> -> memref<40x64xi32, #tpu.memory_space<hbm>>
      %dma_start3A_553 = arith.constant 0 : i32
      %dma_start3A_554 = tpu.memref_slice %arg3[%multiple_of3A_58, %dma_start3A_553] : memref<5120x64xi32, #tpu.memory_space<hbm>> -> memref<40x64xi32, #tpu.memory_space<hbm>>
      tpu.enqueue_dma source(%dma_start3A_554 : memref<40x64xi32, #tpu.memory_space<hbm>>) target(%arg7 : memref<40x64xi32, #tpu.memory_space<vmem>>) target_semaphore(%run_scoped3A : memref<!tpu.dma_semaphore, #tpu.memory_space<semaphore_mem>>)
      %dma_wait3A_555 = arith.constant 0 : i32
      %dma_wait3A_556 = tpu.memref_slice %arg3[%multiple_of3A_58, %dma_wait3A_555] : memref<5120x64xi32, #tpu.memory_space<hbm>> -> memref<40x64xi32, #tpu.memory_space<hbm>>
      %dma_wait3A_557 = arith.constant 0 : i32
      %dma_wait3A_558 = tpu.memref_slice %arg3[%multiple_of3A_58, %dma_wait3A_557] : memref<5120x64xi32, #tpu.memory_space<hbm>> -> memref<40x64xi32, #tpu.memory_space<hbm>>
      tpu.wait_dma2 semaphore(%run_scoped3A : memref<!tpu.dma_semaphore, #tpu.memory_space<semaphore_mem>>) src(%dma_wait3A_558 : memref<40x64xi32, #tpu.memory_space<hbm>>) dst(%arg7 : memref<40x64xi32, #tpu.memory_space<vmem>>)
      tpu.yield
    }) : () -> ()
    "tpu.region"() ({
      %run_scoped3A = tpu.sem_alloc : memref<!tpu.dma_semaphore, #tpu.memory_space<semaphore_mem>>
      %dma_start3A_551 = arith.constant 0 : i32
      %dma_start3A_552 = tpu.memref_slice %arg4[%multiple_of3A_58, %dma_start3A_551] : memref<5120x64xi32, #tpu.memory_space<hbm>> -> memref<40x64xi32, #tpu.memory_space<hbm>>
      %dma_start3A_553 = arith.constant 0 : i32
      %dma_start3A_554 = tpu.memref_slice %arg4[%multiple_of3A_58, %dma_start3A_553] : memref<5120x64xi32, #tpu.memory_space<hbm>> -> memref<40x64xi32, #tpu.memory_space<hbm>>
      tpu.enqueue_dma source(%dma_start3A_554 : memref<40x64xi32, #tpu.memory_space<hbm>>) target(%arg8 : memref<40x64xi32, #tpu.memory_space<vmem>>) target_semaphore(%run_scoped3A : memref<!tpu.dma_semaphore, #tpu.memory_space<semaphore_mem>>)
      %dma_wait3A_555 = arith.constant 0 : i32
      %dma_wait3A_556 = tpu.memref_slice %arg4[%multiple_of3A_58, %dma_wait3A_555] : memref<5120x64xi32, #tpu.memory_space<hbm>> -> memref<40x64xi32, #tpu.memory_space<hbm>>
      %dma_wait3A_557 = arith.constant 0 : i32
      %dma_wait3A_558 = tpu.memref_slice %arg4[%multiple_of3A_58, %dma_wait3A_557] : memref<5120x64xi32, #tpu.memory_space<hbm>> -> memref<40x64xi32, #tpu.memory_space<hbm>>
      tpu.wait_dma2 semaphore(%run_scoped3A : memref<!tpu.dma_semaphore, #tpu.memory_space<semaphore_mem>>) src(%dma_wait3A_558 : memref<40x64xi32, #tpu.memory_space<hbm>>) dst(%arg8 : memref<40x64xi32, #tpu.memory_space<vmem>>)
      tpu.yield
    }) : () -> ()
    %dma_start3A = arith.constant 0 : i32
    %dma_start3A_59 = arith.constant 0 : i32
    %dma_start3A_60 = tpu.memref_slice %arg7[%dma_start3A, %dma_start3A_59] : memref<40x64xi32, #tpu.memory_space<vmem>> -> memref<1x64xi32, #tpu.memory_space<vmem>>
    %dma_start3A_61 = tpu.memref_squeeze %dma_start3A_60 : memref<1x64xi32, #tpu.memory_space<vmem>> -> memref<64xi32, #tpu.memory_space<vmem>>
    %dma_start3A_62 = arith.constant 0 : i32
    %dma_start3A_63 = arith.constant 0 : i32
    %dma_start3A_64 = tpu.memref_slice %arg2[%dma_start3A_62, %dma_start3A_63] : memref<10000x128xf32, #tpu.memory_space<hbm>> -> memref<10000x128xf32, #tpu.memory_space<hbm>>
    tpu.enqueue_indirect_dma source(%dma_start3A_64 : memref<10000x128xf32, #tpu.memory_space<hbm>>) target(%arg9 : memref<64x128xf32, #tpu.memory_space<vmem>>) offsets(%dma_start3A_61 : memref<64xi32, #tpu.memory_space<vmem>>) semaphore(%arg14 : memref<!tpu.dma_semaphore, #tpu.memory_space<semaphore_mem>>)
    %dma_start3A_65 = arith.constant 1 : i32
    %dma_start3A_66 = arith.constant 0 : i32
    %dma_start3A_67 = tpu.memref_slice %arg7[%dma_start3A_65, %dma_start3A_66] : memref<40x64xi32, #tpu.memory_space<vmem>> -> memref<1x64xi32, #tpu.memory_space<vmem>>
    %dma_start3A_68 = tpu.memref_squeeze %dma_start3A_67 : memref<1x64xi32, #tpu.memory_space<vmem>> -> memref<64xi32, #tpu.memory_space<vmem>>
    %dma_start3A_69 = arith.constant 0 : i32
    %dma_start3A_70 = arith.constant 0 : i32
    %dma_start3A_71 = tpu.memref_slice %arg2[%dma_start3A_69, %dma_start3A_70] : memref<10000x128xf32, #tpu.memory_space<hbm>> -> memref<10000x128xf32, #tpu.memory_space<hbm>>
    tpu.enqueue_indirect_dma source(%dma_start3A_71 : memref<10000x128xf32, #tpu.memory_space<hbm>>) target(%arg10 : memref<64x128xf32, #tpu.memory_space<vmem>>) offsets(%dma_start3A_68 : memref<64xi32, #tpu.memory_space<vmem>>) semaphore(%arg15 : memref<!tpu.dma_semaphore, #tpu.memory_space<semaphore_mem>>)
    %dma_start3A_72 = arith.constant 2 : i32
    %dma_start3A_73 = arith.constant 0 : i32
    %dma_start3A_74 = tpu.memref_slice %arg7[%dma_start3A_72, %dma_start3A_73] : memref<40x64xi32, #tpu.memory_space<vmem>> -> memref<1x64xi32, #tpu.memory_space<vmem>>
    %dma_start3A_75 = tpu.memref_squeeze %dma_start3A_74 : memref<1x64xi32, #tpu.memory_space<vmem>> -> memref<64xi32, #tpu.memory_space<vmem>>
    %dma_start3A_76 = arith.constant 0 : i32
    %dma_start3A_77 = arith.constant 0 : i32
    %dma_start3A_78 = tpu.memref_slice %arg2[%dma_start3A_76, %dma_start3A_77] : memref<10000x128xf32, #tpu.memory_space<hbm>> -> memref<10000x128xf32, #tpu.memory_space<hbm>>
    tpu.enqueue_indirect_dma source(%dma_start3A_78 : memref<10000x128xf32, #tpu.memory_space<hbm>>) target(%arg11 : memref<64x128xf32, #tpu.memory_space<vmem>>) offsets(%dma_start3A_75 : memref<64xi32, #tpu.memory_space<vmem>>) semaphore(%arg16 : memref<!tpu.dma_semaphore, #tpu.memory_space<semaphore_mem>>)
    %dma_start3A_79 = arith.constant 3 : i32
    %dma_start3A_80 = arith.constant 0 : i32
    %dma_start3A_81 = tpu.memref_slice %arg7[%dma_start3A_79, %dma_start3A_80] : memref<40x64xi32, #tpu.memory_space<vmem>> -> memref<1x64xi32, #tpu.memory_space<vmem>>
    %dma_start3A_82 = tpu.memref_squeeze %dma_start3A_81 : memref<1x64xi32, #tpu.memory_space<vmem>> -> memref<64xi32, #tpu.memory_space<vmem>>
    %dma_start3A_83 = arith.constant 0 : i32
    %dma_start3A_84 = arith.constant 0 : i32
    %dma_start3A_85 = tpu.memref_slice %arg2[%dma_start3A_83, %dma_start3A_84] : memref<10000x128xf32, #tpu.memory_space<hbm>> -> memref<10000x128xf32, #tpu.memory_space<hbm>>
    tpu.enqueue_indirect_dma source(%dma_start3A_85 : memref<10000x128xf32, #tpu.memory_space<hbm>>) target(%arg12 : memref<64x128xf32, #tpu.memory_space<vmem>>) offsets(%dma_start3A_82 : memref<64xi32, #tpu.memory_space<vmem>>) semaphore(%arg17 : memref<!tpu.dma_semaphore, #tpu.memory_space<semaphore_mem>>)
    %scan3A_86 = arith.constant 0 : i32
    %scan3A_87 = arith.constant 9 : i32
    %scan3A_88 = arith.addi %scan3A_86, %scan3A_87 : i32
    %scan3A_89 = arith.constant 1 : i32
    scf.for %scan3A_551 = %scan3A_86 to %scan3A_88 step %scan3A_89  : i32 {
      %mul3A_552 = arith.constant 1 : i32
      %mul3A_553 = arith.muli %scan3A_551, %mul3A_552 : i32
      %add3A_554 = arith.constant 0 : i32
      %add3A_555 = arith.addi %add3A_554, %mul3A_553 : i32
      %mul3A_556 = arith.constant 4 : i32
      %mul3A_557 = arith.muli %add3A_555, %mul3A_556 : i32
      %dma_wait3A_558 = arith.constant 0 : i32
      %dma_wait3A_559 = arith.constant 0 : i32
      %dma_wait3A_560 = tpu.memref_slice %arg7[%dma_wait3A_558, %dma_wait3A_559] : memref<40x64xi32, #tpu.memory_space<vmem>> -> memref<1x64xi32, #tpu.memory_space<vmem>>
      %dma_wait3A_561 = tpu.memref_squeeze %dma_wait3A_560 : memref<1x64xi32, #tpu.memory_space<vmem>> -> memref<64xi32, #tpu.memory_space<vmem>>
      %dma_wait3A_562 = arith.constant 0 : i32
      %dma_wait3A_563 = arith.constant 0 : i32
      %dma_wait3A_564 = tpu.memref_slice %arg2[%dma_wait3A_562, %dma_wait3A_563] : memref<10000x128xf32, #tpu.memory_space<hbm>> -> memref<10000x128xf32, #tpu.memory_space<hbm>>
      tpu.wait_indirect_dma semaphore(%arg14 : memref<!tpu.dma_semaphore, #tpu.memory_space<semaphore_mem>>) src(%dma_wait3A_564 : memref<10000x128xf32, #tpu.memory_space<hbm>>) dst(%arg9 : memref<64x128xf32, #tpu.memory_space<vmem>>)
      %add3A_565 = arith.constant 0 : i32
      %add3A_566 = arith.addi %mul3A_557, %add3A_565 : i32
      %dma_start3A_567 = arith.constant 0 : i32
      %dma_start3A_568 = tpu.memref_slice %arg8[%add3A_566, %dma_start3A_567] : memref<40x64xi32, #tpu.memory_space<vmem>> -> memref<1x64xi32, #tpu.memory_space<vmem>>
      %dma_start3A_569 = tpu.memref_squeeze %dma_start3A_568 : memref<1x64xi32, #tpu.memory_space<vmem>> -> memref<64xi32, #tpu.memory_space<vmem>>
      %dma_start3A_570 = arith.constant 0 : i32
      %dma_start3A_571 = arith.constant 0 : i32
      %dma_start3A_572 = tpu.memref_slice %arg13[%dma_start3A_570, %dma_start3A_571] : memref<10240x128xf32, #tpu.memory_space<vmem_shared>> -> memref<10240x128xf32, #tpu.memory_space<vmem_shared>>
      tpu.enqueue_indirect_dma source(%arg9 : memref<64x128xf32, #tpu.memory_space<vmem>>) target(%dma_start3A_572 : memref<10240x128xf32, #tpu.memory_space<vmem_shared>>) offsets(%dma_start3A_569 : memref<64xi32, #tpu.memory_space<vmem>>) semaphore(%arg18 : memref<!tpu.dma_semaphore, #tpu.memory_space<semaphore_mem>>) {add = true}
      %dma_wait3A_573 = arith.constant 0 : i32
      %dma_wait3A_574 = arith.constant 0 : i32
      %dma_wait3A_575 = tpu.memref_slice %arg7[%dma_wait3A_573, %dma_wait3A_574] : memref<40x64xi32, #tpu.memory_space<vmem>> -> memref<1x64xi32, #tpu.memory_space<vmem>>
      %dma_wait3A_576 = tpu.memref_squeeze %dma_wait3A_575 : memref<1x64xi32, #tpu.memory_space<vmem>> -> memref<64xi32, #tpu.memory_space<vmem>>
      %dma_wait3A_577 = arith.constant 0 : i32
      %dma_wait3A_578 = arith.constant 0 : i32
      %dma_wait3A_579 = tpu.memref_slice %arg2[%dma_wait3A_577, %dma_wait3A_578] : memref<10000x128xf32, #tpu.memory_space<hbm>> -> memref<10000x128xf32, #tpu.memory_space<hbm>>
      tpu.wait_indirect_dma semaphore(%arg15 : memref<!tpu.dma_semaphore, #tpu.memory_space<semaphore_mem>>) src(%dma_wait3A_579 : memref<10000x128xf32, #tpu.memory_space<hbm>>) dst(%arg10 : memref<64x128xf32, #tpu.memory_space<vmem>>)
      %add3A_580 = arith.constant 1 : i32
      %add3A_581 = arith.addi %mul3A_557, %add3A_580 : i32
      %dma_start3A_582 = arith.constant 0 : i32
      %dma_start3A_583 = tpu.memref_slice %arg8[%add3A_581, %dma_start3A_582] : memref<40x64xi32, #tpu.memory_space<vmem>> -> memref<1x64xi32, #tpu.memory_space<vmem>>
      %dma_start3A_584 = tpu.memref_squeeze %dma_start3A_583 : memref<1x64xi32, #tpu.memory_space<vmem>> -> memref<64xi32, #tpu.memory_space<vmem>>
      %dma_start3A_585 = arith.constant 0 : i32
      %dma_start3A_586 = arith.constant 0 : i32
      %dma_start3A_587 = tpu.memref_slice %arg13[%dma_start3A_585, %dma_start3A_586] : memref<10240x128xf32, #tpu.memory_space<vmem_shared>> -> memref<10240x128xf32, #tpu.memory_space<vmem_shared>>
      tpu.enqueue_indirect_dma source(%arg10 : memref<64x128xf32, #tpu.memory_space<vmem>>) target(%dma_start3A_587 : memref<10240x128xf32, #tpu.memory_space<vmem_shared>>) offsets(%dma_start3A_584 : memref<64xi32, #tpu.memory_space<vmem>>) semaphore(%arg19 : memref<!tpu.dma_semaphore, #tpu.memory_space<semaphore_mem>>) {add = true}
      %dma_wait3A_588 = arith.constant 0 : i32
      %dma_wait3A_589 = arith.constant 0 : i32
      %dma_wait3A_590 = tpu.memref_slice %arg7[%dma_wait3A_588, %dma_wait3A_589] : memref<40x64xi32, #tpu.memory_space<vmem>> -> memref<1x64xi32, #tpu.memory_space<vmem>>
      %dma_wait3A_591 = tpu.memref_squeeze %dma_wait3A_590 : memref<1x64xi32, #tpu.memory_space<vmem>> -> memref<64xi32, #tpu.memory_space<vmem>>
      %dma_wait3A_592 = arith.constant 0 : i32
      %dma_wait3A_593 = arith.constant 0 : i32
      %dma_wait3A_594 = tpu.memref_slice %arg2[%dma_wait3A_592, %dma_wait3A_593] : memref<10000x128xf32, #tpu.memory_space<hbm>> -> memref<10000x128xf32, #tpu.memory_space<hbm>>
      tpu.wait_indirect_dma semaphore(%arg16 : memref<!tpu.dma_semaphore, #tpu.memory_space<semaphore_mem>>) src(%dma_wait3A_594 : memref<10000x128xf32, #tpu.memory_space<hbm>>) dst(%arg11 : memref<64x128xf32, #tpu.memory_space<vmem>>)
      %add3A_595 = arith.constant 2 : i32
      %add3A_596 = arith.addi %mul3A_557, %add3A_595 : i32
      %dma_start3A_597 = arith.constant 0 : i32
      %dma_start3A_598 = tpu.memref_slice %arg8[%add3A_596, %dma_start3A_597] : memref<40x64xi32, #tpu.memory_space<vmem>> -> memref<1x64xi32, #tpu.memory_space<vmem>>
      %dma_start3A_599 = tpu.memref_squeeze %dma_start3A_598 : memref<1x64xi32, #tpu.memory_space<vmem>> -> memref<64xi32, #tpu.memory_space<vmem>>
      %dma_start3A_600 = arith.constant 0 : i32
      %dma_start3A_601 = arith.constant 0 : i32
      %dma_start3A_602 = tpu.memref_slice %arg13[%dma_start3A_600, %dma_start3A_601] : memref<10240x128xf32, #tpu.memory_space<vmem_shared>> -> memref<10240x128xf32, #tpu.memory_space<vmem_shared>>
      tpu.enqueue_indirect_dma source(%arg11 : memref<64x128xf32, #tpu.memory_space<vmem>>) target(%dma_start3A_602 : memref<10240x128xf32, #tpu.memory_space<vmem_shared>>) offsets(%dma_start3A_599 : memref<64xi32, #tpu.memory_space<vmem>>) semaphore(%arg20 : memref<!tpu.dma_semaphore, #tpu.memory_space<semaphore_mem>>) {add = true}
      %dma_wait3A_603 = arith.constant 0 : i32
      %dma_wait3A_604 = arith.constant 0 : i32
      %dma_wait3A_605 = tpu.memref_slice %arg7[%dma_wait3A_603, %dma_wait3A_604] : memref<40x64xi32, #tpu.memory_space<vmem>> -> memref<1x64xi32, #tpu.memory_space<vmem>>
      %dma_wait3A_606 = tpu.memref_squeeze %dma_wait3A_605 : memref<1x64xi32, #tpu.memory_space<vmem>> -> memref<64xi32, #tpu.memory_space<vmem>>
      %dma_wait3A_607 = arith.constant 0 : i32
      %dma_wait3A_608 = arith.constant 0 : i32
      %dma_wait3A_609 = tpu.memref_slice %arg2[%dma_wait3A_607, %dma_wait3A_608] : memref<10000x128xf32, #tpu.memory_space<hbm>> -> memref<10000x128xf32, #tpu.memory_space<hbm>>
      tpu.wait_indirect_dma semaphore(%arg17 : memref<!tpu.dma_semaphore, #tpu.memory_space<semaphore_mem>>) src(%dma_wait3A_609 : memref<10000x128xf32, #tpu.memory_space<hbm>>) dst(%arg12 : memref<64x128xf32, #tpu.memory_space<vmem>>)
      %add3A_610 = arith.constant 3 : i32
      %add3A_611 = arith.addi %mul3A_557, %add3A_610 : i32
      %dma_start3A_612 = arith.constant 0 : i32
      %dma_start3A_613 = tpu.memref_slice %arg8[%add3A_611, %dma_start3A_612] : memref<40x64xi32, #tpu.memory_space<vmem>> -> memref<1x64xi32, #tpu.memory_space<vmem>>
      %dma_start3A_614 = tpu.memref_squeeze %dma_start3A_613 : memref<1x64xi32, #tpu.memory_space<vmem>> -> memref<64xi32, #tpu.memory_space<vmem>>
      %dma_start3A_615 = arith.constant 0 : i32
      %dma_start3A_616 = arith.constant 0 : i32
      %dma_start3A_617 = tpu.memref_slice %arg13[%dma_start3A_615, %dma_start3A_616] : memref<10240x128xf32, #tpu.memory_space<vmem_shared>> -> memref<10240x128xf32, #tpu.memory_space<vmem_shared>>
      tpu.enqueue_indirect_dma source(%arg12 : memref<64x128xf32, #tpu.memory_space<vmem>>) target(%dma_start3A_617 : memref<10240x128xf32, #tpu.memory_space<vmem_shared>>) offsets(%dma_start3A_614 : memref<64xi32, #tpu.memory_space<vmem>>) semaphore(%arg21 : memref<!tpu.dma_semaphore, #tpu.memory_space<semaphore_mem>>) {add = true}
      %dma_wait3A_618 = arith.constant 0 : i32
      %dma_wait3A_619 = arith.constant 0 : i32
      %dma_wait3A_620 = tpu.memref_slice %arg8[%dma_wait3A_618, %dma_wait3A_619] : memref<40x64xi32, #tpu.memory_space<vmem>> -> memref<1x64xi32, #tpu.memory_space<vmem>>
      %dma_wait3A_621 = tpu.memref_squeeze %dma_wait3A_620 : memref<1x64xi32, #tpu.memory_space<vmem>> -> memref<64xi32, #tpu.memory_space<vmem>>
      %dma_wait3A_622 = arith.constant 0 : i32
      %dma_wait3A_623 = arith.constant 0 : i32
      %dma_wait3A_624 = tpu.memref_slice %arg13[%dma_wait3A_622, %dma_wait3A_623] : memref<10240x128xf32, #tpu.memory_space<vmem_shared>> -> memref<10240x128xf32, #tpu.memory_space<vmem_shared>>
      tpu.wait_indirect_dma semaphore(%arg18 : memref<!tpu.dma_semaphore, #tpu.memory_space<semaphore_mem>>) src(%arg9 : memref<64x128xf32, #tpu.memory_space<vmem>>) dst(%dma_wait3A_624 : memref<10240x128xf32, #tpu.memory_space<vmem_shared>>)
      %add3A_625 = arith.constant 4 : i32
      %add3A_626 = arith.addi %mul3A_557, %add3A_625 : i32
      %add3A_627 = arith.constant 0 : i32
      %add3A_628 = arith.addi %add3A_626, %add3A_627 : i32
      %dma_start3A_629 = arith.constant 0 : i32
      %dma_start3A_630 = tpu.memref_slice %arg7[%add3A_628, %dma_start3A_629] : memref<40x64xi32, #tpu.memory_space<vmem>> -> memref<1x64xi32, #tpu.memory_space<vmem>>
      %dma_start3A_631 = tpu.memref_squeeze %dma_start3A_630 : memref<1x64xi32, #tpu.memory_space<vmem>> -> memref<64xi32, #tpu.memory_space<vmem>>
      %dma_start3A_632 = arith.constant 0 : i32
      %dma_start3A_633 = arith.constant 0 : i32
      %dma_start3A_634 = tpu.memref_slice %arg2[%dma_start3A_632, %dma_start3A_633] : memref<10000x128xf32, #tpu.memory_space<hbm>> -> memref<10000x128xf32, #tpu.memory_space<hbm>>
      tpu.enqueue_indirect_dma source(%dma_start3A_634 : memref<10000x128xf32, #tpu.memory_space<hbm>>) target(%arg9 : memref<64x128xf32, #tpu.memory_space<vmem>>) offsets(%dma_start3A_631 : memref<64xi32, #tpu.memory_space<vmem>>) semaphore(%arg14 : memref<!tpu.dma_semaphore, #tpu.memory_space<semaphore_mem>>)
      %dma_wait3A_635 = arith.constant 0 : i32
      %dma_wait3A_636 = arith.constant 0 : i32
      %dma_wait3A_637 = tpu.memref_slice %arg8[%dma_wait3A_635, %dma_wait3A_636] : memref<40x64xi32, #tpu.memory_space<vmem>> -> memref<1x64xi32, #tpu.memory_space<vmem>>
      %dma_wait3A_638 = tpu.memref_squeeze %dma_wait3A_637 : memref<1x64xi32, #tpu.memory_space<vmem>> -> memref<64xi32, #tpu.memory_space<vmem>>
      %dma_wait3A_639 = arith.constant 0 : i32
      %dma_wait3A_640 = arith.constant 0 : i32
      %dma_wait3A_641 = tpu.memref_slice %arg13[%dma_wait3A_639, %dma_wait3A_640] : memref<10240x128xf32, #tpu.memory_space<vmem_shared>> -> memref<10240x128xf32, #tpu.memory_space<vmem_shared>>
      tpu.wait_indirect_dma semaphore(%arg19 : memref<!tpu.dma_semaphore, #tpu.memory_space<semaphore_mem>>) src(%arg10 : memref<64x128xf32, #tpu.memory_space<vmem>>) dst(%dma_wait3A_641 : memref<10240x128xf32, #tpu.memory_space<vmem_shared>>)
      %add3A_642 = arith.constant 4 : i32
      %add3A_643 = arith.addi %mul3A_557, %add3A_642 : i32
      %add3A_644 = arith.constant 1 : i32
      %add3A_645 = arith.addi %add3A_643, %add3A_644 : i32
      %dma_start3A_646 = arith.constant 0 : i32
      %dma_start3A_647 = tpu.memref_slice %arg7[%add3A_645, %dma_start3A_646] : memref<40x64xi32, #tpu.memory_space<vmem>> -> memref<1x64xi32, #tpu.memory_space<vmem>>
      %dma_start3A_648 = tpu.memref_squeeze %dma_start3A_647 : memref<1x64xi32, #tpu.memory_space<vmem>> -> memref<64xi32, #tpu.memory_space<vmem>>
      %dma_start3A_649 = arith.constant 0 : i32
      %dma_start3A_650 = arith.constant 0 : i32
      %dma_start3A_651 = tpu.memref_slice %arg2[%dma_start3A_649, %dma_start3A_650] : memref<10000x128xf32, #tpu.memory_space<hbm>> -> memref<10000x128xf32, #tpu.memory_space<hbm>>
      tpu.enqueue_indirect_dma source(%dma_start3A_651 : memref<10000x128xf32, #tpu.memory_space<hbm>>) target(%arg10 : memref<64x128xf32, #tpu.memory_space<vmem>>) offsets(%dma_start3A_648 : memref<64xi32, #tpu.memory_space<vmem>>) semaphore(%arg15 : memref<!tpu.dma_semaphore, #tpu.memory_space<semaphore_mem>>)
      %dma_wait3A_652 = arith.constant 0 : i32
      %dma_wait3A_653 = arith.constant 0 : i32
      %dma_wait3A_654 = tpu.memref_slice %arg8[%dma_wait3A_652, %dma_wait3A_653] : memref<40x64xi32, #tpu.memory_space<vmem>> -> memref<1x64xi32, #tpu.memory_space<vmem>>
      %dma_wait3A_655 = tpu.memref_squeeze %dma_wait3A_654 : memref<1x64xi32, #tpu.memory_space<vmem>> -> memref<64xi32, #tpu.memory_space<vmem>>
      %dma_wait3A_656 = arith.constant 0 : i32
      %dma_wait3A_657 = arith.constant 0 : i32
      %dma_wait3A_658 = tpu.memref_slice %arg13[%dma_wait3A_656, %dma_wait3A_657] : memref<10240x128xf32, #tpu.memory_space<vmem_shared>> -> memref<10240x128xf32, #tpu.memory_space<vmem_shared>>
      tpu.wait_indirect_dma semaphore(%arg20 : memref<!tpu.dma_semaphore, #tpu.memory_space<semaphore_mem>>) src(%arg11 : memref<64x128xf32, #tpu.memory_space<vmem>>) dst(%dma_wait3A_658 : memref<10240x128xf32, #tpu.memory_space<vmem_shared>>)
      %add3A_659 = arith.constant 4 : i32
      %add3A_660 = arith.addi %mul3A_557, %add3A_659 : i32
      %add3A_661 = arith.constant 2 : i32
      %add3A_662 = arith.addi %add3A_660, %add3A_661 : i32
      %dma_start3A_663 = arith.constant 0 : i32
      %dma_start3A_664 = tpu.memref_slice %arg7[%add3A_662, %dma_start3A_663] : memref<40x64xi32, #tpu.memory_space<vmem>> -> memref<1x64xi32, #tpu.memory_space<vmem>>
      %dma_start3A_665 = tpu.memref_squeeze %dma_start3A_664 : memref<1x64xi32, #tpu.memory_space<vmem>> -> memref<64xi32, #tpu.memory_space<vmem>>
      %dma_start3A_666 = arith.constant 0 : i32
      %dma_start3A_667 = arith.constant 0 : i32
      %dma_start3A_668 = tpu.memref_slice %arg2[%dma_start3A_666, %dma_start3A_667] : memref<10000x128xf32, #tpu.memory_space<hbm>> -> memref<10000x128xf32, #tpu.memory_space<hbm>>
      tpu.enqueue_indirect_dma source(%dma_start3A_668 : memref<10000x128xf32, #tpu.memory_space<hbm>>) target(%arg11 : memref<64x128xf32, #tpu.memory_space<vmem>>) offsets(%dma_start3A_665 : memref<64xi32, #tpu.memory_space<vmem>>) semaphore(%arg16 : memref<!tpu.dma_semaphore, #tpu.memory_space<semaphore_mem>>)
      %dma_wait3A_669 = arith.constant 0 : i32
      %dma_wait3A_670 = arith.constant 0 : i32
      %dma_wait3A_671 = tpu.memref_slice %arg8[%dma_wait3A_669, %dma_wait3A_670] : memref<40x64xi32, #tpu.memory_space<vmem>> -> memref<1x64xi32, #tpu.memory_space<vmem>>
      %dma_wait3A_672 = tpu.memref_squeeze %dma_wait3A_671 : memref<1x64xi32, #tpu.memory_space<vmem>> -> memref<64xi32, #tpu.memory_space<vmem>>
      %dma_wait3A_673 = arith.constant 0 : i32
      %dma_wait3A_674 = arith.constant 0 : i32
      %dma_wait3A_675 = tpu.memref_slice %arg13[%dma_wait3A_673, %dma_wait3A_674] : memref<10240x128xf32, #tpu.memory_space<vmem_shared>> -> memref<10240x128xf32, #tpu.memory_space<vmem_shared>>
      tpu.wait_indirect_dma semaphore(%arg21 : memref<!tpu.dma_semaphore, #tpu.memory_space<semaphore_mem>>) src(%arg12 : memref<64x128xf32, #tpu.memory_space<vmem>>) dst(%dma_wait3A_675 : memref<10240x128xf32, #tpu.memory_space<vmem_shared>>)
      %add3A_676 = arith.constant 4 : i32
      %add3A_677 = arith.addi %mul3A_557, %add3A_676 : i32
      %add3A_678 = arith.constant 3 : i32
      %add3A_679 = arith.addi %add3A_677, %add3A_678 : i32
      %dma_start3A_680 = arith.constant 0 : i32
      %dma_start3A_681 = tpu.memref_slice %arg7[%add3A_679, %dma_start3A_680] : memref<40x64xi32, #tpu.memory_space<vmem>> -> memref<1x64xi32, #tpu.memory_space<vmem>>
      %dma_start3A_682 = tpu.memref_squeeze %dma_start3A_681 : memref<1x64xi32, #tpu.memory_space<vmem>> -> memref<64xi32, #tpu.memory_space<vmem>>
      %dma_start3A_683 = arith.constant 0 : i32
      %dma_start3A_684 = arith.constant 0 : i32
      %dma_start3A_685 = tpu.memref_slice %arg2[%dma_start3A_683, %dma_start3A_684] : memref<10000x128xf32, #tpu.memory_space<hbm>> -> memref<10000x128xf32, #tpu.memory_space<hbm>>
      tpu.enqueue_indirect_dma source(%dma_start3A_685 : memref<10000x128xf32, #tpu.memory_space<hbm>>) target(%arg12 : memref<64x128xf32, #tpu.memory_space<vmem>>) offsets(%dma_start3A_682 : memref<64xi32, #tpu.memory_space<vmem>>) semaphore(%arg17 : memref<!tpu.dma_semaphore, #tpu.memory_space<semaphore_mem>>)
    }
    %scan3A_90 = arith.constant 9 : i32
    %dma_wait3A = arith.constant 0 : i32
    %dma_wait3A_91 = arith.constant 0 : i32
    %dma_wait3A_92 = tpu.memref_slice %arg7[%dma_wait3A, %dma_wait3A_91] : memref<40x64xi32, #tpu.memory_space<vmem>> -> memref<1x64xi32, #tpu.memory_space<vmem>>
    %dma_wait3A_93 = tpu.memref_squeeze %dma_wait3A_92 : memref<1x64xi32, #tpu.memory_space<vmem>> -> memref<64xi32, #tpu.memory_space<vmem>>
    %dma_wait3A_94 = arith.constant 0 : i32
    %dma_wait3A_95 = arith.constant 0 : i32
    %dma_wait3A_96 = tpu.memref_slice %arg2[%dma_wait3A_94, %dma_wait3A_95] : memref<10000x128xf32, #tpu.memory_space<hbm>> -> memref<10000x128xf32, #tpu.memory_space<hbm>>
    tpu.wait_indirect_dma semaphore(%arg14 : memref<!tpu.dma_semaphore, #tpu.memory_space<semaphore_mem>>) src(%dma_wait3A_96 : memref<10000x128xf32, #tpu.memory_space<hbm>>) dst(%arg9 : memref<64x128xf32, #tpu.memory_space<vmem>>)
    %dma_start3A_97 = arith.constant 36 : i32
    %dma_start3A_98 = arith.constant 0 : i32
    %dma_start3A_99 = tpu.memref_slice %arg8[%dma_start3A_97, %dma_start3A_98] : memref<40x64xi32, #tpu.memory_space<vmem>> -> memref<1x64xi32, #tpu.memory_space<vmem>>
    %dma_start3A_100 = tpu.memref_squeeze %dma_start3A_99 : memref<1x64xi32, #tpu.memory_space<vmem>> -> memref<64xi32, #tpu.memory_space<vmem>>
    %dma_start3A_101 = arith.constant 0 : i32
    %dma_start3A_102 = arith.constant 0 : i32
    %dma_start3A_103 = tpu.memref_slice %arg13[%dma_start3A_101, %dma_start3A_102] : memref<10240x128xf32, #tpu.memory_space<vmem_shared>> -> memref<10240x128xf32, #tpu.memory_space<vmem_shared>>
    tpu.enqueue_indirect_dma source(%arg9 : memref<64x128xf32, #tpu.memory_space<vmem>>) target(%dma_start3A_103 : memref<10240x128xf32, #tpu.memory_space<vmem_shared>>) offsets(%dma_start3A_100 : memref<64xi32, #tpu.memory_space<vmem>>) semaphore(%arg18 : memref<!tpu.dma_semaphore, #tpu.memory_space<semaphore_mem>>) {add = true}
    %dma_wait3A_104 = arith.constant 0 : i32
    %dma_wait3A_105 = arith.constant 0 : i32
    %dma_wait3A_106 = tpu.memref_slice %arg7[%dma_wait3A_104, %dma_wait3A_105] : memref<40x64xi32, #tpu.memory_space<vmem>> -> memref<1x64xi32, #tpu.memory_space<vmem>>
    %dma_wait3A_107 = tpu.memref_squeeze %dma_wait3A_106 : memref<1x64xi32, #tpu.memory_space<vmem>> -> memref<64xi32, #tpu.memory_space<vmem>>
    %dma_wait3A_108 = arith.constant 0 : i32
    %dma_wait3A_109 = arith.constant 0 : i32
    %dma_wait3A_110 = tpu.memref_slice %arg2[%dma_wait3A_108, %dma_wait3A_109] : memref<10000x128xf32, #tpu.memory_space<hbm>> -> memref<10000x128xf32, #tpu.memory_space<hbm>>
    tpu.wait_indirect_dma semaphore(%arg15 : memref<!tpu.dma_semaphore, #tpu.memory_space<semaphore_mem>>) src(%dma_wait3A_110 : memref<10000x128xf32, #tpu.memory_space<hbm>>) dst(%arg10 : memref<64x128xf32, #tpu.memory_space<vmem>>)
    %dma_start3A_111 = arith.constant 37 : i32
    %dma_start3A_112 = arith.constant 0 : i32
    %dma_start3A_113 = tpu.memref_slice %arg8[%dma_start3A_111, %dma_start3A_112] : memref<40x64xi32, #tpu.memory_space<vmem>> -> memref<1x64xi32, #tpu.memory_space<vmem>>
    %dma_start3A_114 = tpu.memref_squeeze %dma_start3A_113 : memref<1x64xi32, #tpu.memory_space<vmem>> -> memref<64xi32, #tpu.memory_space<vmem>>
    %dma_start3A_115 = arith.constant 0 : i32
    %dma_start3A_116 = arith.constant 0 : i32
    %dma_start3A_117 = tpu.memref_slice %arg13[%dma_start3A_115, %dma_start3A_116] : memref<10240x128xf32, #tpu.memory_space<vmem_shared>> -> memref<10240x128xf32, #tpu.memory_space<vmem_shared>>
    tpu.enqueue_indirect_dma source(%arg10 : memref<64x128xf32, #tpu.memory_space<vmem>>) target(%dma_start3A_117 : memref<10240x128xf32, #tpu.memory_space<vmem_shared>>) offsets(%dma_start3A_114 : memref<64xi32, #tpu.memory_space<vmem>>) semaphore(%arg19 : memref<!tpu.dma_semaphore, #tpu.memory_space<semaphore_mem>>) {add = true}
    %dma_wait3A_118 = arith.constant 0 : i32
    %dma_wait3A_119 = arith.constant 0 : i32
    %dma_wait3A_120 = tpu.memref_slice %arg7[%dma_wait3A_118, %dma_wait3A_119] : memref<40x64xi32, #tpu.memory_space<vmem>> -> memref<1x64xi32, #tpu.memory_space<vmem>>
    %dma_wait3A_121 = tpu.memref_squeeze %dma_wait3A_120 : memref<1x64xi32, #tpu.memory_space<vmem>> -> memref<64xi32, #tpu.memory_space<vmem>>
    %dma_wait3A_122 = arith.constant 0 : i32
    %dma_wait3A_123 = arith.constant 0 : i32
    %dma_wait3A_124 = tpu.memref_slice %arg2[%dma_wait3A_122, %dma_wait3A_123] : memref<10000x128xf32, #tpu.memory_space<hbm>> -> memref<10000x128xf32, #tpu.memory_space<hbm>>
    tpu.wait_indirect_dma semaphore(%arg16 : memref<!tpu.dma_semaphore, #tpu.memory_space<semaphore_mem>>) src(%dma_wait3A_124 : memref<10000x128xf32, #tpu.memory_space<hbm>>) dst(%arg11 : memref<64x128xf32, #tpu.memory_space<vmem>>)
    %dma_start3A_125 = arith.constant 38 : i32
    %dma_start3A_126 = arith.constant 0 : i32
    %dma_start3A_127 = tpu.memref_slice %arg8[%dma_start3A_125, %dma_start3A_126] : memref<40x64xi32, #tpu.memory_space<vmem>> -> memref<1x64xi32, #tpu.memory_space<vmem>>
    %dma_start3A_128 = tpu.memref_squeeze %dma_start3A_127 : memref<1x64xi32, #tpu.memory_space<vmem>> -> memref<64xi32, #tpu.memory_space<vmem>>
    %dma_start3A_129 = arith.constant 0 : i32
    %dma_start3A_130 = arith.constant 0 : i32
    %dma_start3A_131 = tpu.memref_slice %arg13[%dma_start3A_129, %dma_start3A_130] : memref<10240x128xf32, #tpu.memory_space<vmem_shared>> -> memref<10240x128xf32, #tpu.memory_space<vmem_shared>>
    tpu.enqueue_indirect_dma source(%arg11 : memref<64x128xf32, #tpu.memory_space<vmem>>) target(%dma_start3A_131 : memref<10240x128xf32, #tpu.memory_space<vmem_shared>>) offsets(%dma_start3A_128 : memref<64xi32, #tpu.memory_space<vmem>>) semaphore(%arg20 : memref<!tpu.dma_semaphore, #tpu.memory_space<semaphore_mem>>) {add = true}
    %dma_wait3A_132 = arith.constant 0 : i32
    %dma_wait3A_133 = arith.constant 0 : i32
    %dma_wait3A_134 = tpu.memref_slice %arg7[%dma_wait3A_132, %dma_wait3A_133] : memref<40x64xi32, #tpu.memory_space<vmem>> -> memref<1x64xi32, #tpu.memory_space<vmem>>
    %dma_wait3A_135 = tpu.memref_squeeze %dma_wait3A_134 : memref<1x64xi32, #tpu.memory_space<vmem>> -> memref<64xi32, #tpu.memory_space<vmem>>
    %dma_wait3A_136 = arith.constant 0 : i32
    %dma_wait3A_137 = arith.constant 0 : i32
    %dma_wait3A_138 = tpu.memref_slice %arg2[%dma_wait3A_136, %dma_wait3A_137] : memref<10000x128xf32, #tpu.memory_space<hbm>> -> memref<10000x128xf32, #tpu.memory_space<hbm>>
    tpu.wait_indirect_dma semaphore(%arg17 : memref<!tpu.dma_semaphore, #tpu.memory_space<semaphore_mem>>) src(%dma_wait3A_138 : memref<10000x128xf32, #tpu.memory_space<hbm>>) dst(%arg12 : memref<64x128xf32, #tpu.memory_space<vmem>>)
    %dma_start3A_139 = arith.constant 39 : i32
    %dma_start3A_140 = arith.constant 0 : i32
    %dma_start3A_141 = tpu.memref_slice %arg8[%dma_start3A_139, %dma_start3A_140] : memref<40x64xi32, #tpu.memory_space<vmem>> -> memref<1x64xi32, #tpu.memory_space<vmem>>
    %dma_start3A_142 = tpu.memref_squeeze %dma_start3A_141 : memref<1x64xi32, #tpu.memory_space<vmem>> -> memref<64xi32, #tpu.memory_space<vmem>>
    %dma_start3A_143 = arith.constant 0 : i32
    %dma_start3A_144 = arith.constant 0 : i32
    %dma_start3A_145 = tpu.memref_slice %arg13[%dma_start3A_143, %dma_start3A_144] : memref<10240x128xf32, #tpu.memory_space<vmem_shared>> -> memref<10240x128xf32, #tpu.memory_space<vmem_shared>>
    tpu.enqueue_indirect_dma source(%arg12 : memref<64x128xf32, #tpu.memory_space<vmem>>) target(%dma_start3A_145 : memref<10240x128xf32, #tpu.memory_space<vmem_shared>>) offsets(%dma_start3A_142 : memref<64xi32, #tpu.memory_space<vmem>>) semaphore(%arg21 : memref<!tpu.dma_semaphore, #tpu.memory_space<semaphore_mem>>) {add = true}
    %dma_wait3A_146 = arith.constant 0 : i32
    %dma_wait3A_147 = arith.constant 0 : i32
    %dma_wait3A_148 = tpu.memref_slice %arg8[%dma_wait3A_146, %dma_wait3A_147] : memref<40x64xi32, #tpu.memory_space<vmem>> -> memref<1x64xi32, #tpu.memory_space<vmem>>
    %dma_wait3A_149 = tpu.memref_squeeze %dma_wait3A_148 : memref<1x64xi32, #tpu.memory_space<vmem>> -> memref<64xi32, #tpu.memory_space<vmem>>
    %dma_wait3A_150 = arith.constant 0 : i32
    %dma_wait3A_151 = arith.constant 0 : i32
    %dma_wait3A_152 = tpu.memref_slice %arg13[%dma_wait3A_150, %dma_wait3A_151] : memref<10240x128xf32, #tpu.memory_space<vmem_shared>> -> memref<10240x128xf32, #tpu.memory_space<vmem_shared>>
    tpu.wait_indirect_dma semaphore(%arg18 : memref<!tpu.dma_semaphore, #tpu.memory_space<semaphore_mem>>) src(%arg9 : memref<64x128xf32, #tpu.memory_space<vmem>>) dst(%dma_wait3A_152 : memref<10240x128xf32, #tpu.memory_space<vmem_shared>>)
    %dma_wait3A_153 = arith.constant 0 : i32
    %dma_wait3A_154 = arith.constant 0 : i32
    %dma_wait3A_155 = tpu.memref_slice %arg8[%dma_wait3A_153, %dma_wait3A_154] : memref<40x64xi32, #tpu.memory_space<vmem>> -> memref<1x64xi32, #tpu.memory_space<vmem>>
    %dma_wait3A_156 = tpu.memref_squeeze %dma_wait3A_155 : memref<1x64xi32, #tpu.memory_space<vmem>> -> memref<64xi32, #tpu.memory_space<vmem>>
    %dma_wait3A_157 = arith.constant 0 : i32
    %dma_wait3A_158 = arith.constant 0 : i32
    %dma_wait3A_159 = tpu.memref_slice %arg13[%dma_wait3A_157, %dma_wait3A_158] : memref<10240x128xf32, #tpu.memory_space<vmem_shared>> -> memref<10240x128xf32, #tpu.memory_space<vmem_shared>>
    tpu.wait_indirect_dma semaphore(%arg19 : memref<!tpu.dma_semaphore, #tpu.memory_space<semaphore_mem>>) src(%arg10 : memref<64x128xf32, #tpu.memory_space<vmem>>) dst(%dma_wait3A_159 : memref<10240x128xf32, #tpu.memory_space<vmem_shared>>)
    %dma_wait3A_160 = arith.constant 0 : i32
    %dma_wait3A_161 = arith.constant 0 : i32
    %dma_wait3A_162 = tpu.memref_slice %arg8[%dma_wait3A_160, %dma_wait3A_161] : memref<40x64xi32, #tpu.memory_space<vmem>> -> memref<1x64xi32, #tpu.memory_space<vmem>>
    %dma_wait3A_163 = tpu.memref_squeeze %dma_wait3A_162 : memref<1x64xi32, #tpu.memory_space<vmem>> -> memref<64xi32, #tpu.memory_space<vmem>>
    %dma_wait3A_164 = arith.constant 0 : i32
    %dma_wait3A_165 = arith.constant 0 : i32
    %dma_wait3A_166 = tpu.memref_slice %arg13[%dma_wait3A_164, %dma_wait3A_165] : memref<10240x128xf32, #tpu.memory_space<vmem_shared>> -> memref<10240x128xf32, #tpu.memory_space<vmem_shared>>
    tpu.wait_indirect_dma semaphore(%arg20 : memref<!tpu.dma_semaphore, #tpu.memory_space<semaphore_mem>>) src(%arg11 : memref<64x128xf32, #tpu.memory_space<vmem>>) dst(%dma_wait3A_166 : memref<10240x128xf32, #tpu.memory_space<vmem_shared>>)
    %dma_wait3A_167 = arith.constant 0 : i32
    %dma_wait3A_168 = arith.constant 0 : i32
    %dma_wait3A_169 = tpu.memref_slice %arg8[%dma_wait3A_167, %dma_wait3A_168] : memref<40x64xi32, #tpu.memory_space<vmem>> -> memref<1x64xi32, #tpu.memory_space<vmem>>
    %dma_wait3A_170 = tpu.memref_squeeze %dma_wait3A_169 : memref<1x64xi32, #tpu.memory_space<vmem>> -> memref<64xi32, #tpu.memory_space<vmem>>
    %dma_wait3A_171 = arith.constant 0 : i32
    %dma_wait3A_172 = arith.constant 0 : i32
    %dma_wait3A_173 = tpu.memref_slice %arg13[%dma_wait3A_171, %dma_wait3A_172] : memref<10240x128xf32, #tpu.memory_space<vmem_shared>> -> memref<10240x128xf32, #tpu.memory_space<vmem_shared>>
    tpu.wait_indirect_dma semaphore(%arg21 : memref<!tpu.dma_semaphore, #tpu.memory_space<semaphore_mem>>) src(%arg12 : memref<64x128xf32, #tpu.memory_space<vmem>>) dst(%dma_wait3A_173 : memref<10240x128xf32, #tpu.memory_space<vmem_shared>>)
    %mul3A_174 = arith.constant 160 : i32
    %mul3A_175 = arith.muli %add3A, %mul3A_174 : i32
    %add3A_176 = arith.constant 40 : i32
    %add3A_177 = arith.addi %mul3A_175, %add3A_176 : i32
    %multiple_of3A_178 = tpu.assume_multiple %add3A_177, 40 : i32
    "tpu.region"() ({
      %run_scoped3A = tpu.sem_alloc : memref<!tpu.dma_semaphore, #tpu.memory_space<semaphore_mem>>
      %dma_start3A_551 = arith.constant 0 : i32
      %dma_start3A_552 = tpu.memref_slice %arg3[%multiple_of3A_178, %dma_start3A_551] : memref<5120x64xi32, #tpu.memory_space<hbm>> -> memref<40x64xi32, #tpu.memory_space<hbm>>
      %dma_start3A_553 = arith.constant 0 : i32
      %dma_start3A_554 = tpu.memref_slice %arg3[%multiple_of3A_178, %dma_start3A_553] : memref<5120x64xi32, #tpu.memory_space<hbm>> -> memref<40x64xi32, #tpu.memory_space<hbm>>
      tpu.enqueue_dma source(%dma_start3A_554 : memref<40x64xi32, #tpu.memory_space<hbm>>) target(%arg7 : memref<40x64xi32, #tpu.memory_space<vmem>>) target_semaphore(%run_scoped3A : memref<!tpu.dma_semaphore, #tpu.memory_space<semaphore_mem>>)
      %dma_wait3A_555 = arith.constant 0 : i32
      %dma_wait3A_556 = tpu.memref_slice %arg3[%multiple_of3A_178, %dma_wait3A_555] : memref<5120x64xi32, #tpu.memory_space<hbm>> -> memref<40x64xi32, #tpu.memory_space<hbm>>
      %dma_wait3A_557 = arith.constant 0 : i32
      %dma_wait3A_558 = tpu.memref_slice %arg3[%multiple_of3A_178, %dma_wait3A_557] : memref<5120x64xi32, #tpu.memory_space<hbm>> -> memref<40x64xi32, #tpu.memory_space<hbm>>
      tpu.wait_dma2 semaphore(%run_scoped3A : memref<!tpu.dma_semaphore, #tpu.memory_space<semaphore_mem>>) src(%dma_wait3A_558 : memref<40x64xi32, #tpu.memory_space<hbm>>) dst(%arg7 : memref<40x64xi32, #tpu.memory_space<vmem>>)
      tpu.yield
    }) : () -> ()
    "tpu.region"() ({
      %run_scoped3A = tpu.sem_alloc : memref<!tpu.dma_semaphore, #tpu.memory_space<semaphore_mem>>
      %dma_start3A_551 = arith.constant 0 : i32
      %dma_start3A_552 = tpu.memref_slice %arg4[%multiple_of3A_178, %dma_start3A_551] : memref<5120x64xi32, #tpu.memory_space<hbm>> -> memref<40x64xi32, #tpu.memory_space<hbm>>
      %dma_start3A_553 = arith.constant 0 : i32
      %dma_start3A_554 = tpu.memref_slice %arg4[%multiple_of3A_178, %dma_start3A_553] : memref<5120x64xi32, #tpu.memory_space<hbm>> -> memref<40x64xi32, #tpu.memory_space<hbm>>
      tpu.enqueue_dma source(%dma_start3A_554 : memref<40x64xi32, #tpu.memory_space<hbm>>) target(%arg8 : memref<40x64xi32, #tpu.memory_space<vmem>>) target_semaphore(%run_scoped3A : memref<!tpu.dma_semaphore, #tpu.memory_space<semaphore_mem>>)
      %dma_wait3A_555 = arith.constant 0 : i32
      %dma_wait3A_556 = tpu.memref_slice %arg4[%multiple_of3A_178, %dma_wait3A_555] : memref<5120x64xi32, #tpu.memory_space<hbm>> -> memref<40x64xi32, #tpu.memory_space<hbm>>
      %dma_wait3A_557 = arith.constant 0 : i32
      %dma_wait3A_558 = tpu.memref_slice %arg4[%multiple_of3A_178, %dma_wait3A_557] : memref<5120x64xi32, #tpu.memory_space<hbm>> -> memref<40x64xi32, #tpu.memory_space<hbm>>
      tpu.wait_dma2 semaphore(%run_scoped3A : memref<!tpu.dma_semaphore, #tpu.memory_space<semaphore_mem>>) src(%dma_wait3A_558 : memref<40x64xi32, #tpu.memory_space<hbm>>) dst(%arg8 : memref<40x64xi32, #tpu.memory_space<vmem>>)
      tpu.yield
    }) : () -> ()
    %dma_start3A_179 = arith.constant 0 : i32
    %dma_start3A_180 = arith.constant 0 : i32
    %dma_start3A_181 = tpu.memref_slice %arg7[%dma_start3A_179, %dma_start3A_180] : memref<40x64xi32, #tpu.memory_space<vmem>> -> memref<1x64xi32, #tpu.memory_space<vmem>>
    %dma_start3A_182 = tpu.memref_squeeze %dma_start3A_181 : memref<1x64xi32, #tpu.memory_space<vmem>> -> memref<64xi32, #tpu.memory_space<vmem>>
    %dma_start3A_183 = arith.constant 0 : i32
    %dma_start3A_184 = arith.constant 0 : i32
    %dma_start3A_185 = tpu.memref_slice %arg2[%dma_start3A_183, %dma_start3A_184] : memref<10000x128xf32, #tpu.memory_space<hbm>> -> memref<10000x128xf32, #tpu.memory_space<hbm>>
    tpu.enqueue_indirect_dma source(%dma_start3A_185 : memref<10000x128xf32, #tpu.memory_space<hbm>>) target(%arg9 : memref<64x128xf32, #tpu.memory_space<vmem>>) offsets(%dma_start3A_182 : memref<64xi32, #tpu.memory_space<vmem>>) semaphore(%arg14 : memref<!tpu.dma_semaphore, #tpu.memory_space<semaphore_mem>>)
    %dma_start3A_186 = arith.constant 1 : i32
    %dma_start3A_187 = arith.constant 0 : i32
    %dma_start3A_188 = tpu.memref_slice %arg7[%dma_start3A_186, %dma_start3A_187] : memref<40x64xi32, #tpu.memory_space<vmem>> -> memref<1x64xi32, #tpu.memory_space<vmem>>
    %dma_start3A_189 = tpu.memref_squeeze %dma_start3A_188 : memref<1x64xi32, #tpu.memory_space<vmem>> -> memref<64xi32, #tpu.memory_space<vmem>>
    %dma_start3A_190 = arith.constant 0 : i32
    %dma_start3A_191 = arith.constant 0 : i32
    %dma_start3A_192 = tpu.memref_slice %arg2[%dma_start3A_190, %dma_start3A_191] : memref<10000x128xf32, #tpu.memory_space<hbm>> -> memref<10000x128xf32, #tpu.memory_space<hbm>>
    tpu.enqueue_indirect_dma source(%dma_start3A_192 : memref<10000x128xf32, #tpu.memory_space<hbm>>) target(%arg10 : memref<64x128xf32, #tpu.memory_space<vmem>>) offsets(%dma_start3A_189 : memref<64xi32, #tpu.memory_space<vmem>>) semaphore(%arg15 : memref<!tpu.dma_semaphore, #tpu.memory_space<semaphore_mem>>)
    %dma_start3A_193 = arith.constant 2 : i32
    %dma_start3A_194 = arith.constant 0 : i32
    %dma_start3A_195 = tpu.memref_slice %arg7[%dma_start3A_193, %dma_start3A_194] : memref<40x64xi32, #tpu.memory_space<vmem>> -> memref<1x64xi32, #tpu.memory_space<vmem>>
    %dma_start3A_196 = tpu.memref_squeeze %dma_start3A_195 : memref<1x64xi32, #tpu.memory_space<vmem>> -> memref<64xi32, #tpu.memory_space<vmem>>
    %dma_start3A_197 = arith.constant 0 : i32
    %dma_start3A_198 = arith.constant 0 : i32
    %dma_start3A_199 = tpu.memref_slice %arg2[%dma_start3A_197, %dma_start3A_198] : memref<10000x128xf32, #tpu.memory_space<hbm>> -> memref<10000x128xf32, #tpu.memory_space<hbm>>
    tpu.enqueue_indirect_dma source(%dma_start3A_199 : memref<10000x128xf32, #tpu.memory_space<hbm>>) target(%arg11 : memref<64x128xf32, #tpu.memory_space<vmem>>) offsets(%dma_start3A_196 : memref<64xi32, #tpu.memory_space<vmem>>) semaphore(%arg16 : memref<!tpu.dma_semaphore, #tpu.memory_space<semaphore_mem>>)
    %dma_start3A_200 = arith.constant 3 : i32
    %dma_start3A_201 = arith.constant 0 : i32
    %dma_start3A_202 = tpu.memref_slice %arg7[%dma_start3A_200, %dma_start3A_201] : memref<40x64xi32, #tpu.memory_space<vmem>> -> memref<1x64xi32, #tpu.memory_space<vmem>>
    %dma_start3A_203 = tpu.memref_squeeze %dma_start3A_202 : memref<1x64xi32, #tpu.memory_space<vmem>> -> memref<64xi32, #tpu.memory_space<vmem>>
    %dma_start3A_204 = arith.constant 0 : i32
    %dma_start3A_205 = arith.constant 0 : i32
    %dma_start3A_206 = tpu.memref_slice %arg2[%dma_start3A_204, %dma_start3A_205] : memref<10000x128xf32, #tpu.memory_space<hbm>> -> memref<10000x128xf32, #tpu.memory_space<hbm>>
    tpu.enqueue_indirect_dma source(%dma_start3A_206 : memref<10000x128xf32, #tpu.memory_space<hbm>>) target(%arg12 : memref<64x128xf32, #tpu.memory_space<vmem>>) offsets(%dma_start3A_203 : memref<64xi32, #tpu.memory_space<vmem>>) semaphore(%arg17 : memref<!tpu.dma_semaphore, #tpu.memory_space<semaphore_mem>>)
    %scan3A_207 = arith.constant 0 : i32
    %scan3A_208 = arith.constant 9 : i32
    %scan3A_209 = arith.addi %scan3A_207, %scan3A_208 : i32
    %scan3A_210 = arith.constant 1 : i32
    scf.for %scan3A_551 = %scan3A_207 to %scan3A_209 step %scan3A_210  : i32 {
      %mul3A_552 = arith.constant 1 : i32
      %mul3A_553 = arith.muli %scan3A_551, %mul3A_552 : i32
      %add3A_554 = arith.constant 0 : i32
      %add3A_555 = arith.addi %add3A_554, %mul3A_553 : i32
      %mul3A_556 = arith.constant 4 : i32
      %mul3A_557 = arith.muli %add3A_555, %mul3A_556 : i32
      %dma_wait3A_558 = arith.constant 0 : i32
      %dma_wait3A_559 = arith.constant 0 : i32
      %dma_wait3A_560 = tpu.memref_slice %arg7[%dma_wait3A_558, %dma_wait3A_559] : memref<40x64xi32, #tpu.memory_space<vmem>> -> memref<1x64xi32, #tpu.memory_space<vmem>>
      %dma_wait3A_561 = tpu.memref_squeeze %dma_wait3A_560 : memref<1x64xi32, #tpu.memory_space<vmem>> -> memref<64xi32, #tpu.memory_space<vmem>>
      %dma_wait3A_562 = arith.constant 0 : i32
      %dma_wait3A_563 = arith.constant 0 : i32
      %dma_wait3A_564 = tpu.memref_slice %arg2[%dma_wait3A_562, %dma_wait3A_563] : memref<10000x128xf32, #tpu.memory_space<hbm>> -> memref<10000x128xf32, #tpu.memory_space<hbm>>
      tpu.wait_indirect_dma semaphore(%arg14 : memref<!tpu.dma_semaphore, #tpu.memory_space<semaphore_mem>>) src(%dma_wait3A_564 : memref<10000x128xf32, #tpu.memory_space<hbm>>) dst(%arg9 : memref<64x128xf32, #tpu.memory_space<vmem>>)
      %add3A_565 = arith.constant 0 : i32
      %add3A_566 = arith.addi %mul3A_557, %add3A_565 : i32
      %dma_start3A_567 = arith.constant 0 : i32
      %dma_start3A_568 = tpu.memref_slice %arg8[%add3A_566, %dma_start3A_567] : memref<40x64xi32, #tpu.memory_space<vmem>> -> memref<1x64xi32, #tpu.memory_space<vmem>>
      %dma_start3A_569 = tpu.memref_squeeze %dma_start3A_568 : memref<1x64xi32, #tpu.memory_space<vmem>> -> memref<64xi32, #tpu.memory_space<vmem>>
      %dma_start3A_570 = arith.constant 0 : i32
      %dma_start3A_571 = arith.constant 0 : i32
      %dma_start3A_572 = tpu.memref_slice %arg13[%dma_start3A_570, %dma_start3A_571] : memref<10240x128xf32, #tpu.memory_space<vmem_shared>> -> memref<10240x128xf32, #tpu.memory_space<vmem_shared>>
      tpu.enqueue_indirect_dma source(%arg9 : memref<64x128xf32, #tpu.memory_space<vmem>>) target(%dma_start3A_572 : memref<10240x128xf32, #tpu.memory_space<vmem_shared>>) offsets(%dma_start3A_569 : memref<64xi32, #tpu.memory_space<vmem>>) semaphore(%arg18 : memref<!tpu.dma_semaphore, #tpu.memory_space<semaphore_mem>>) {add = true}
      %dma_wait3A_573 = arith.constant 0 : i32
      %dma_wait3A_574 = arith.constant 0 : i32
      %dma_wait3A_575 = tpu.memref_slice %arg7[%dma_wait3A_573, %dma_wait3A_574] : memref<40x64xi32, #tpu.memory_space<vmem>> -> memref<1x64xi32, #tpu.memory_space<vmem>>
      %dma_wait3A_576 = tpu.memref_squeeze %dma_wait3A_575 : memref<1x64xi32, #tpu.memory_space<vmem>> -> memref<64xi32, #tpu.memory_space<vmem>>
      %dma_wait3A_577 = arith.constant 0 : i32
      %dma_wait3A_578 = arith.constant 0 : i32
      %dma_wait3A_579 = tpu.memref_slice %arg2[%dma_wait3A_577, %dma_wait3A_578] : memref<10000x128xf32, #tpu.memory_space<hbm>> -> memref<10000x128xf32, #tpu.memory_space<hbm>>
      tpu.wait_indirect_dma semaphore(%arg15 : memref<!tpu.dma_semaphore, #tpu.memory_space<semaphore_mem>>) src(%dma_wait3A_579 : memref<10000x128xf32, #tpu.memory_space<hbm>>) dst(%arg10 : memref<64x128xf32, #tpu.memory_space<vmem>>)
      %add3A_580 = arith.constant 1 : i32
      %add3A_581 = arith.addi %mul3A_557, %add3A_580 : i32
      %dma_start3A_582 = arith.constant 0 : i32
      %dma_start3A_583 = tpu.memref_slice %arg8[%add3A_581, %dma_start3A_582] : memref<40x64xi32, #tpu.memory_space<vmem>> -> memref<1x64xi32, #tpu.memory_space<vmem>>
      %dma_start3A_584 = tpu.memref_squeeze %dma_start3A_583 : memref<1x64xi32, #tpu.memory_space<vmem>> -> memref<64xi32, #tpu.memory_space<vmem>>
      %dma_start3A_585 = arith.constant 0 : i32
      %dma_start3A_586 = arith.constant 0 : i32
      %dma_start3A_587 = tpu.memref_slice %arg13[%dma_start3A_585, %dma_start3A_586] : memref<10240x128xf32, #tpu.memory_space<vmem_shared>> -> memref<10240x128xf32, #tpu.memory_space<vmem_shared>>
      tpu.enqueue_indirect_dma source(%arg10 : memref<64x128xf32, #tpu.memory_space<vmem>>) target(%dma_start3A_587 : memref<10240x128xf32, #tpu.memory_space<vmem_shared>>) offsets(%dma_start3A_584 : memref<64xi32, #tpu.memory_space<vmem>>) semaphore(%arg19 : memref<!tpu.dma_semaphore, #tpu.memory_space<semaphore_mem>>) {add = true}
      %dma_wait3A_588 = arith.constant 0 : i32
      %dma_wait3A_589 = arith.constant 0 : i32
      %dma_wait3A_590 = tpu.memref_slice %arg7[%dma_wait3A_588, %dma_wait3A_589] : memref<40x64xi32, #tpu.memory_space<vmem>> -> memref<1x64xi32, #tpu.memory_space<vmem>>
      %dma_wait3A_591 = tpu.memref_squeeze %dma_wait3A_590 : memref<1x64xi32, #tpu.memory_space<vmem>> -> memref<64xi32, #tpu.memory_space<vmem>>
      %dma_wait3A_592 = arith.constant 0 : i32
      %dma_wait3A_593 = arith.constant 0 : i32
      %dma_wait3A_594 = tpu.memref_slice %arg2[%dma_wait3A_592, %dma_wait3A_593] : memref<10000x128xf32, #tpu.memory_space<hbm>> -> memref<10000x128xf32, #tpu.memory_space<hbm>>
      tpu.wait_indirect_dma semaphore(%arg16 : memref<!tpu.dma_semaphore, #tpu.memory_space<semaphore_mem>>) src(%dma_wait3A_594 : memref<10000x128xf32, #tpu.memory_space<hbm>>) dst(%arg11 : memref<64x128xf32, #tpu.memory_space<vmem>>)
      %add3A_595 = arith.constant 2 : i32
      %add3A_596 = arith.addi %mul3A_557, %add3A_595 : i32
      %dma_start3A_597 = arith.constant 0 : i32
      %dma_start3A_598 = tpu.memref_slice %arg8[%add3A_596, %dma_start3A_597] : memref<40x64xi32, #tpu.memory_space<vmem>> -> memref<1x64xi32, #tpu.memory_space<vmem>>
      %dma_start3A_599 = tpu.memref_squeeze %dma_start3A_598 : memref<1x64xi32, #tpu.memory_space<vmem>> -> memref<64xi32, #tpu.memory_space<vmem>>
      %dma_start3A_600 = arith.constant 0 : i32
      %dma_start3A_601 = arith.constant 0 : i32
      %dma_start3A_602 = tpu.memref_slice %arg13[%dma_start3A_600, %dma_start3A_601] : memref<10240x128xf32, #tpu.memory_space<vmem_shared>> -> memref<10240x128xf32, #tpu.memory_space<vmem_shared>>
      tpu.enqueue_indirect_dma source(%arg11 : memref<64x128xf32, #tpu.memory_space<vmem>>) target(%dma_start3A_602 : memref<10240x128xf32, #tpu.memory_space<vmem_shared>>) offsets(%dma_start3A_599 : memref<64xi32, #tpu.memory_space<vmem>>) semaphore(%arg20 : memref<!tpu.dma_semaphore, #tpu.memory_space<semaphore_mem>>) {add = true}
      %dma_wait3A_603 = arith.constant 0 : i32
      %dma_wait3A_604 = arith.constant 0 : i32
      %dma_wait3A_605 = tpu.memref_slice %arg7[%dma_wait3A_603, %dma_wait3A_604] : memref<40x64xi32, #tpu.memory_space<vmem>> -> memref<1x64xi32, #tpu.memory_space<vmem>>
      %dma_wait3A_606 = tpu.memref_squeeze %dma_wait3A_605 : memref<1x64xi32, #tpu.memory_space<vmem>> -> memref<64xi32, #tpu.memory_space<vmem>>
      %dma_wait3A_607 = arith.constant 0 : i32
      %dma_wait3A_608 = arith.constant 0 : i32
      %dma_wait3A_609 = tpu.memref_slice %arg2[%dma_wait3A_607, %dma_wait3A_608] : memref<10000x128xf32, #tpu.memory_space<hbm>> -> memref<10000x128xf32, #tpu.memory_space<hbm>>
      tpu.wait_indirect_dma semaphore(%arg17 : memref<!tpu.dma_semaphore, #tpu.memory_space<semaphore_mem>>) src(%dma_wait3A_609 : memref<10000x128xf32, #tpu.memory_space<hbm>>) dst(%arg12 : memref<64x128xf32, #tpu.memory_space<vmem>>)
      %add3A_610 = arith.constant 3 : i32
      %add3A_611 = arith.addi %mul3A_557, %add3A_610 : i32
      %dma_start3A_612 = arith.constant 0 : i32
      %dma_start3A_613 = tpu.memref_slice %arg8[%add3A_611, %dma_start3A_612] : memref<40x64xi32, #tpu.memory_space<vmem>> -> memref<1x64xi32, #tpu.memory_space<vmem>>
      %dma_start3A_614 = tpu.memref_squeeze %dma_start3A_613 : memref<1x64xi32, #tpu.memory_space<vmem>> -> memref<64xi32, #tpu.memory_space<vmem>>
      %dma_start3A_615 = arith.constant 0 : i32
      %dma_start3A_616 = arith.constant 0 : i32
      %dma_start3A_617 = tpu.memref_slice %arg13[%dma_start3A_615, %dma_start3A_616] : memref<10240x128xf32, #tpu.memory_space<vmem_shared>> -> memref<10240x128xf32, #tpu.memory_space<vmem_shared>>
      tpu.enqueue_indirect_dma source(%arg12 : memref<64x128xf32, #tpu.memory_space<vmem>>) target(%dma_start3A_617 : memref<10240x128xf32, #tpu.memory_space<vmem_shared>>) offsets(%dma_start3A_614 : memref<64xi32, #tpu.memory_space<vmem>>) semaphore(%arg21 : memref<!tpu.dma_semaphore, #tpu.memory_space<semaphore_mem>>) {add = true}
      %dma_wait3A_618 = arith.constant 0 : i32
      %dma_wait3A_619 = arith.constant 0 : i32
      %dma_wait3A_620 = tpu.memref_slice %arg8[%dma_wait3A_618, %dma_wait3A_619] : memref<40x64xi32, #tpu.memory_space<vmem>> -> memref<1x64xi32, #tpu.memory_space<vmem>>
      %dma_wait3A_621 = tpu.memref_squeeze %dma_wait3A_620 : memref<1x64xi32, #tpu.memory_space<vmem>> -> memref<64xi32, #tpu.memory_space<vmem>>
      %dma_wait3A_622 = arith.constant 0 : i32
      %dma_wait3A_623 = arith.constant 0 : i32
      %dma_wait3A_624 = tpu.memref_slice %arg13[%dma_wait3A_622, %dma_wait3A_623] : memref<10240x128xf32, #tpu.memory_space<vmem_shared>> -> memref<10240x128xf32, #tpu.memory_space<vmem_shared>>
      tpu.wait_indirect_dma semaphore(%arg18 : memref<!tpu.dma_semaphore, #tpu.memory_space<semaphore_mem>>) src(%arg9 : memref<64x128xf32, #tpu.memory_space<vmem>>) dst(%dma_wait3A_624 : memref<10240x128xf32, #tpu.memory_space<vmem_shared>>)
      %add3A_625 = arith.constant 4 : i32
      %add3A_626 = arith.addi %mul3A_557, %add3A_625 : i32
      %add3A_627 = arith.constant 0 : i32
      %add3A_628 = arith.addi %add3A_626, %add3A_627 : i32
      %dma_start3A_629 = arith.constant 0 : i32
      %dma_start3A_630 = tpu.memref_slice %arg7[%add3A_628, %dma_start3A_629] : memref<40x64xi32, #tpu.memory_space<vmem>> -> memref<1x64xi32, #tpu.memory_space<vmem>>
      %dma_start3A_631 = tpu.memref_squeeze %dma_start3A_630 : memref<1x64xi32, #tpu.memory_space<vmem>> -> memref<64xi32, #tpu.memory_space<vmem>>
      %dma_start3A_632 = arith.constant 0 : i32
      %dma_start3A_633 = arith.constant 0 : i32
      %dma_start3A_634 = tpu.memref_slice %arg2[%dma_start3A_632, %dma_start3A_633] : memref<10000x128xf32, #tpu.memory_space<hbm>> -> memref<10000x128xf32, #tpu.memory_space<hbm>>
      tpu.enqueue_indirect_dma source(%dma_start3A_634 : memref<10000x128xf32, #tpu.memory_space<hbm>>) target(%arg9 : memref<64x128xf32, #tpu.memory_space<vmem>>) offsets(%dma_start3A_631 : memref<64xi32, #tpu.memory_space<vmem>>) semaphore(%arg14 : memref<!tpu.dma_semaphore, #tpu.memory_space<semaphore_mem>>)
      %dma_wait3A_635 = arith.constant 0 : i32
      %dma_wait3A_636 = arith.constant 0 : i32
      %dma_wait3A_637 = tpu.memref_slice %arg8[%dma_wait3A_635, %dma_wait3A_636] : memref<40x64xi32, #tpu.memory_space<vmem>> -> memref<1x64xi32, #tpu.memory_space<vmem>>
      %dma_wait3A_638 = tpu.memref_squeeze %dma_wait3A_637 : memref<1x64xi32, #tpu.memory_space<vmem>> -> memref<64xi32, #tpu.memory_space<vmem>>
      %dma_wait3A_639 = arith.constant 0 : i32
      %dma_wait3A_640 = arith.constant 0 : i32
      %dma_wait3A_641 = tpu.memref_slice %arg13[%dma_wait3A_639, %dma_wait3A_640] : memref<10240x128xf32, #tpu.memory_space<vmem_shared>> -> memref<10240x128xf32, #tpu.memory_space<vmem_shared>>
      tpu.wait_indirect_dma semaphore(%arg19 : memref<!tpu.dma_semaphore, #tpu.memory_space<semaphore_mem>>) src(%arg10 : memref<64x128xf32, #tpu.memory_space<vmem>>) dst(%dma_wait3A_641 : memref<10240x128xf32, #tpu.memory_space<vmem_shared>>)
      %add3A_642 = arith.constant 4 : i32
      %add3A_643 = arith.addi %mul3A_557, %add3A_642 : i32
      %add3A_644 = arith.constant 1 : i32
      %add3A_645 = arith.addi %add3A_643, %add3A_644 : i32
      %dma_start3A_646 = arith.constant 0 : i32
      %dma_start3A_647 = tpu.memref_slice %arg7[%add3A_645, %dma_start3A_646] : memref<40x64xi32, #tpu.memory_space<vmem>> -> memref<1x64xi32, #tpu.memory_space<vmem>>
      %dma_start3A_648 = tpu.memref_squeeze %dma_start3A_647 : memref<1x64xi32, #tpu.memory_space<vmem>> -> memref<64xi32, #tpu.memory_space<vmem>>
      %dma_start3A_649 = arith.constant 0 : i32
      %dma_start3A_650 = arith.constant 0 : i32
      %dma_start3A_651 = tpu.memref_slice %arg2[%dma_start3A_649, %dma_start3A_650] : memref<10000x128xf32, #tpu.memory_space<hbm>> -> memref<10000x128xf32, #tpu.memory_space<hbm>>
      tpu.enqueue_indirect_dma source(%dma_start3A_651 : memref<10000x128xf32, #tpu.memory_space<hbm>>) target(%arg10 : memref<64x128xf32, #tpu.memory_space<vmem>>) offsets(%dma_start3A_648 : memref<64xi32, #tpu.memory_space<vmem>>) semaphore(%arg15 : memref<!tpu.dma_semaphore, #tpu.memory_space<semaphore_mem>>)
      %dma_wait3A_652 = arith.constant 0 : i32
      %dma_wait3A_653 = arith.constant 0 : i32
      %dma_wait3A_654 = tpu.memref_slice %arg8[%dma_wait3A_652, %dma_wait3A_653] : memref<40x64xi32, #tpu.memory_space<vmem>> -> memref<1x64xi32, #tpu.memory_space<vmem>>
      %dma_wait3A_655 = tpu.memref_squeeze %dma_wait3A_654 : memref<1x64xi32, #tpu.memory_space<vmem>> -> memref<64xi32, #tpu.memory_space<vmem>>
      %dma_wait3A_656 = arith.constant 0 : i32
      %dma_wait3A_657 = arith.constant 0 : i32
      %dma_wait3A_658 = tpu.memref_slice %arg13[%dma_wait3A_656, %dma_wait3A_657] : memref<10240x128xf32, #tpu.memory_space<vmem_shared>> -> memref<10240x128xf32, #tpu.memory_space<vmem_shared>>
      tpu.wait_indirect_dma semaphore(%arg20 : memref<!tpu.dma_semaphore, #tpu.memory_space<semaphore_mem>>) src(%arg11 : memref<64x128xf32, #tpu.memory_space<vmem>>) dst(%dma_wait3A_658 : memref<10240x128xf32, #tpu.memory_space<vmem_shared>>)
      %add3A_659 = arith.constant 4 : i32
      %add3A_660 = arith.addi %mul3A_557, %add3A_659 : i32
      %add3A_661 = arith.constant 2 : i32
      %add3A_662 = arith.addi %add3A_660, %add3A_661 : i32
      %dma_start3A_663 = arith.constant 0 : i32
      %dma_start3A_664 = tpu.memref_slice %arg7[%add3A_662, %dma_start3A_663] : memref<40x64xi32, #tpu.memory_space<vmem>> -> memref<1x64xi32, #tpu.memory_space<vmem>>
      %dma_start3A_665 = tpu.memref_squeeze %dma_start3A_664 : memref<1x64xi32, #tpu.memory_space<vmem>> -> memref<64xi32, #tpu.memory_space<vmem>>
      %dma_start3A_666 = arith.constant 0 : i32
      %dma_start3A_667 = arith.constant 0 : i32
      %dma_start3A_668 = tpu.memref_slice %arg2[%dma_start3A_666, %dma_start3A_667] : memref<10000x128xf32, #tpu.memory_space<hbm>> -> memref<10000x128xf32, #tpu.memory_space<hbm>>
      tpu.enqueue_indirect_dma source(%dma_start3A_668 : memref<10000x128xf32, #tpu.memory_space<hbm>>) target(%arg11 : memref<64x128xf32, #tpu.memory_space<vmem>>) offsets(%dma_start3A_665 : memref<64xi32, #tpu.memory_space<vmem>>) semaphore(%arg16 : memref<!tpu.dma_semaphore, #tpu.memory_space<semaphore_mem>>)
      %dma_wait3A_669 = arith.constant 0 : i32
      %dma_wait3A_670 = arith.constant 0 : i32
      %dma_wait3A_671 = tpu.memref_slice %arg8[%dma_wait3A_669, %dma_wait3A_670] : memref<40x64xi32, #tpu.memory_space<vmem>> -> memref<1x64xi32, #tpu.memory_space<vmem>>
      %dma_wait3A_672 = tpu.memref_squeeze %dma_wait3A_671 : memref<1x64xi32, #tpu.memory_space<vmem>> -> memref<64xi32, #tpu.memory_space<vmem>>
      %dma_wait3A_673 = arith.constant 0 : i32
      %dma_wait3A_674 = arith.constant 0 : i32
      %dma_wait3A_675 = tpu.memref_slice %arg13[%dma_wait3A_673, %dma_wait3A_674] : memref<10240x128xf32, #tpu.memory_space<vmem_shared>> -> memref<10240x128xf32, #tpu.memory_space<vmem_shared>>
      tpu.wait_indirect_dma semaphore(%arg21 : memref<!tpu.dma_semaphore, #tpu.memory_space<semaphore_mem>>) src(%arg12 : memref<64x128xf32, #tpu.memory_space<vmem>>) dst(%dma_wait3A_675 : memref<10240x128xf32, #tpu.memory_space<vmem_shared>>)
      %add3A_676 = arith.constant 4 : i32
      %add3A_677 = arith.addi %mul3A_557, %add3A_676 : i32
      %add3A_678 = arith.constant 3 : i32
      %add3A_679 = arith.addi %add3A_677, %add3A_678 : i32
      %dma_start3A_680 = arith.constant 0 : i32
      %dma_start3A_681 = tpu.memref_slice %arg7[%add3A_679, %dma_start3A_680] : memref<40x64xi32, #tpu.memory_space<vmem>> -> memref<1x64xi32, #tpu.memory_space<vmem>>
      %dma_start3A_682 = tpu.memref_squeeze %dma_start3A_681 : memref<1x64xi32, #tpu.memory_space<vmem>> -> memref<64xi32, #tpu.memory_space<vmem>>
      %dma_start3A_683 = arith.constant 0 : i32
      %dma_start3A_684 = arith.constant 0 : i32
      %dma_start3A_685 = tpu.memref_slice %arg2[%dma_start3A_683, %dma_start3A_684] : memref<10000x128xf32, #tpu.memory_space<hbm>> -> memref<10000x128xf32, #tpu.memory_space<hbm>>
      tpu.enqueue_indirect_dma source(%dma_start3A_685 : memref<10000x128xf32, #tpu.memory_space<hbm>>) target(%arg12 : memref<64x128xf32, #tpu.memory_space<vmem>>) offsets(%dma_start3A_682 : memref<64xi32, #tpu.memory_space<vmem>>) semaphore(%arg17 : memref<!tpu.dma_semaphore, #tpu.memory_space<semaphore_mem>>)
    }
    %scan3A_211 = arith.constant 9 : i32
    %dma_wait3A_212 = arith.constant 0 : i32
    %dma_wait3A_213 = arith.constant 0 : i32
    %dma_wait3A_214 = tpu.memref_slice %arg7[%dma_wait3A_212, %dma_wait3A_213] : memref<40x64xi32, #tpu.memory_space<vmem>> -> memref<1x64xi32, #tpu.memory_space<vmem>>
    %dma_wait3A_215 = tpu.memref_squeeze %dma_wait3A_214 : memref<1x64xi32, #tpu.memory_space<vmem>> -> memref<64xi32, #tpu.memory_space<vmem>>
    %dma_wait3A_216 = arith.constant 0 : i32
    %dma_wait3A_217 = arith.constant 0 : i32
    %dma_wait3A_218 = tpu.memref_slice %arg2[%dma_wait3A_216, %dma_wait3A_217] : memref<10000x128xf32, #tpu.memory_space<hbm>> -> memref<10000x128xf32, #tpu.memory_space<hbm>>
    tpu.wait_indirect_dma semaphore(%arg14 : memref<!tpu.dma_semaphore, #tpu.memory_space<semaphore_mem>>) src(%dma_wait3A_218 : memref<10000x128xf32, #tpu.memory_space<hbm>>) dst(%arg9 : memref<64x128xf32, #tpu.memory_space<vmem>>)
    %dma_start3A_219 = arith.constant 36 : i32
    %dma_start3A_220 = arith.constant 0 : i32
    %dma_start3A_221 = tpu.memref_slice %arg8[%dma_start3A_219, %dma_start3A_220] : memref<40x64xi32, #tpu.memory_space<vmem>> -> memref<1x64xi32, #tpu.memory_space<vmem>>
    %dma_start3A_222 = tpu.memref_squeeze %dma_start3A_221 : memref<1x64xi32, #tpu.memory_space<vmem>> -> memref<64xi32, #tpu.memory_space<vmem>>
    %dma_start3A_223 = arith.constant 0 : i32
    %dma_start3A_224 = arith.constant 0 : i32
    %dma_start3A_225 = tpu.memref_slice %arg13[%dma_start3A_223, %dma_start3A_224] : memref<10240x128xf32, #tpu.memory_space<vmem_shared>> -> memref<10240x128xf32, #tpu.memory_space<vmem_shared>>
    tpu.enqueue_indirect_dma source(%arg9 : memref<64x128xf32, #tpu.memory_space<vmem>>) target(%dma_start3A_225 : memref<10240x128xf32, #tpu.memory_space<vmem_shared>>) offsets(%dma_start3A_222 : memref<64xi32, #tpu.memory_space<vmem>>) semaphore(%arg18 : memref<!tpu.dma_semaphore, #tpu.memory_space<semaphore_mem>>) {add = true}
    %dma_wait3A_226 = arith.constant 0 : i32
    %dma_wait3A_227 = arith.constant 0 : i32
    %dma_wait3A_228 = tpu.memref_slice %arg7[%dma_wait3A_226, %dma_wait3A_227] : memref<40x64xi32, #tpu.memory_space<vmem>> -> memref<1x64xi32, #tpu.memory_space<vmem>>
    %dma_wait3A_229 = tpu.memref_squeeze %dma_wait3A_228 : memref<1x64xi32, #tpu.memory_space<vmem>> -> memref<64xi32, #tpu.memory_space<vmem>>
    %dma_wait3A_230 = arith.constant 0 : i32
    %dma_wait3A_231 = arith.constant 0 : i32
    %dma_wait3A_232 = tpu.memref_slice %arg2[%dma_wait3A_230, %dma_wait3A_231] : memref<10000x128xf32, #tpu.memory_space<hbm>> -> memref<10000x128xf32, #tpu.memory_space<hbm>>
    tpu.wait_indirect_dma semaphore(%arg15 : memref<!tpu.dma_semaphore, #tpu.memory_space<semaphore_mem>>) src(%dma_wait3A_232 : memref<10000x128xf32, #tpu.memory_space<hbm>>) dst(%arg10 : memref<64x128xf32, #tpu.memory_space<vmem>>)
    %dma_start3A_233 = arith.constant 37 : i32
    %dma_start3A_234 = arith.constant 0 : i32
    %dma_start3A_235 = tpu.memref_slice %arg8[%dma_start3A_233, %dma_start3A_234] : memref<40x64xi32, #tpu.memory_space<vmem>> -> memref<1x64xi32, #tpu.memory_space<vmem>>
    %dma_start3A_236 = tpu.memref_squeeze %dma_start3A_235 : memref<1x64xi32, #tpu.memory_space<vmem>> -> memref<64xi32, #tpu.memory_space<vmem>>
    %dma_start3A_237 = arith.constant 0 : i32
    %dma_start3A_238 = arith.constant 0 : i32
    %dma_start3A_239 = tpu.memref_slice %arg13[%dma_start3A_237, %dma_start3A_238] : memref<10240x128xf32, #tpu.memory_space<vmem_shared>> -> memref<10240x128xf32, #tpu.memory_space<vmem_shared>>
    tpu.enqueue_indirect_dma source(%arg10 : memref<64x128xf32, #tpu.memory_space<vmem>>) target(%dma_start3A_239 : memref<10240x128xf32, #tpu.memory_space<vmem_shared>>) offsets(%dma_start3A_236 : memref<64xi32, #tpu.memory_space<vmem>>) semaphore(%arg19 : memref<!tpu.dma_semaphore, #tpu.memory_space<semaphore_mem>>) {add = true}
    %dma_wait3A_240 = arith.constant 0 : i32
    %dma_wait3A_241 = arith.constant 0 : i32
    %dma_wait3A_242 = tpu.memref_slice %arg7[%dma_wait3A_240, %dma_wait3A_241] : memref<40x64xi32, #tpu.memory_space<vmem>> -> memref<1x64xi32, #tpu.memory_space<vmem>>
    %dma_wait3A_243 = tpu.memref_squeeze %dma_wait3A_242 : memref<1x64xi32, #tpu.memory_space<vmem>> -> memref<64xi32, #tpu.memory_space<vmem>>
    %dma_wait3A_244 = arith.constant 0 : i32
    %dma_wait3A_245 = arith.constant 0 : i32
    %dma_wait3A_246 = tpu.memref_slice %arg2[%dma_wait3A_244, %dma_wait3A_245] : memref<10000x128xf32, #tpu.memory_space<hbm>> -> memref<10000x128xf32, #tpu.memory_space<hbm>>
    tpu.wait_indirect_dma semaphore(%arg16 : memref<!tpu.dma_semaphore, #tpu.memory_space<semaphore_mem>>) src(%dma_wait3A_246 : memref<10000x128xf32, #tpu.memory_space<hbm>>) dst(%arg11 : memref<64x128xf32, #tpu.memory_space<vmem>>)
    %dma_start3A_247 = arith.constant 38 : i32
    %dma_start3A_248 = arith.constant 0 : i32
    %dma_start3A_249 = tpu.memref_slice %arg8[%dma_start3A_247, %dma_start3A_248] : memref<40x64xi32, #tpu.memory_space<vmem>> -> memref<1x64xi32, #tpu.memory_space<vmem>>
    %dma_start3A_250 = tpu.memref_squeeze %dma_start3A_249 : memref<1x64xi32, #tpu.memory_space<vmem>> -> memref<64xi32, #tpu.memory_space<vmem>>
    %dma_start3A_251 = arith.constant 0 : i32
    %dma_start3A_252 = arith.constant 0 : i32
    %dma_start3A_253 = tpu.memref_slice %arg13[%dma_start3A_251, %dma_start3A_252] : memref<10240x128xf32, #tpu.memory_space<vmem_shared>> -> memref<10240x128xf32, #tpu.memory_space<vmem_shared>>
    tpu.enqueue_indirect_dma source(%arg11 : memref<64x128xf32, #tpu.memory_space<vmem>>) target(%dma_start3A_253 : memref<10240x128xf32, #tpu.memory_space<vmem_shared>>) offsets(%dma_start3A_250 : memref<64xi32, #tpu.memory_space<vmem>>) semaphore(%arg20 : memref<!tpu.dma_semaphore, #tpu.memory_space<semaphore_mem>>) {add = true}
    %dma_wait3A_254 = arith.constant 0 : i32
    %dma_wait3A_255 = arith.constant 0 : i32
    %dma_wait3A_256 = tpu.memref_slice %arg7[%dma_wait3A_254, %dma_wait3A_255] : memref<40x64xi32, #tpu.memory_space<vmem>> -> memref<1x64xi32, #tpu.memory_space<vmem>>
    %dma_wait3A_257 = tpu.memref_squeeze %dma_wait3A_256 : memref<1x64xi32, #tpu.memory_space<vmem>> -> memref<64xi32, #tpu.memory_space<vmem>>
    %dma_wait3A_258 = arith.constant 0 : i32
    %dma_wait3A_259 = arith.constant 0 : i32
    %dma_wait3A_260 = tpu.memref_slice %arg2[%dma_wait3A_258, %dma_wait3A_259] : memref<10000x128xf32, #tpu.memory_space<hbm>> -> memref<10000x128xf32, #tpu.memory_space<hbm>>
    tpu.wait_indirect_dma semaphore(%arg17 : memref<!tpu.dma_semaphore, #tpu.memory_space<semaphore_mem>>) src(%dma_wait3A_260 : memref<10000x128xf32, #tpu.memory_space<hbm>>) dst(%arg12 : memref<64x128xf32, #tpu.memory_space<vmem>>)
    %dma_start3A_261 = arith.constant 39 : i32
    %dma_start3A_262 = arith.constant 0 : i32
    %dma_start3A_263 = tpu.memref_slice %arg8[%dma_start3A_261, %dma_start3A_262] : memref<40x64xi32, #tpu.memory_space<vmem>> -> memref<1x64xi32, #tpu.memory_space<vmem>>
    %dma_start3A_264 = tpu.memref_squeeze %dma_start3A_263 : memref<1x64xi32, #tpu.memory_space<vmem>> -> memref<64xi32, #tpu.memory_space<vmem>>
    %dma_start3A_265 = arith.constant 0 : i32
    %dma_start3A_266 = arith.constant 0 : i32
    %dma_start3A_267 = tpu.memref_slice %arg13[%dma_start3A_265, %dma_start3A_266] : memref<10240x128xf32, #tpu.memory_space<vmem_shared>> -> memref<10240x128xf32, #tpu.memory_space<vmem_shared>>
    tpu.enqueue_indirect_dma source(%arg12 : memref<64x128xf32, #tpu.memory_space<vmem>>) target(%dma_start3A_267 : memref<10240x128xf32, #tpu.memory_space<vmem_shared>>) offsets(%dma_start3A_264 : memref<64xi32, #tpu.memory_space<vmem>>) semaphore(%arg21 : memref<!tpu.dma_semaphore, #tpu.memory_space<semaphore_mem>>) {add = true}
    %dma_wait3A_268 = arith.constant 0 : i32
    %dma_wait3A_269 = arith.constant 0 : i32
    %dma_wait3A_270 = tpu.memref_slice %arg8[%dma_wait3A_268, %dma_wait3A_269] : memref<40x64xi32, #tpu.memory_space<vmem>> -> memref<1x64xi32, #tpu.memory_space<vmem>>
    %dma_wait3A_271 = tpu.memref_squeeze %dma_wait3A_270 : memref<1x64xi32, #tpu.memory_space<vmem>> -> memref<64xi32, #tpu.memory_space<vmem>>
    %dma_wait3A_272 = arith.constant 0 : i32
    %dma_wait3A_273 = arith.constant 0 : i32
    %dma_wait3A_274 = tpu.memref_slice %arg13[%dma_wait3A_272, %dma_wait3A_273] : memref<10240x128xf32, #tpu.memory_space<vmem_shared>> -> memref<10240x128xf32, #tpu.memory_space<vmem_shared>>
    tpu.wait_indirect_dma semaphore(%arg18 : memref<!tpu.dma_semaphore, #tpu.memory_space<semaphore_mem>>) src(%arg9 : memref<64x128xf32, #tpu.memory_space<vmem>>) dst(%dma_wait3A_274 : memref<10240x128xf32, #tpu.memory_space<vmem_shared>>)
    %dma_wait3A_275 = arith.constant 0 : i32
    %dma_wait3A_276 = arith.constant 0 : i32
    %dma_wait3A_277 = tpu.memref_slice %arg8[%dma_wait3A_275, %dma_wait3A_276] : memref<40x64xi32, #tpu.memory_space<vmem>> -> memref<1x64xi32, #tpu.memory_space<vmem>>
    %dma_wait3A_278 = tpu.memref_squeeze %dma_wait3A_277 : memref<1x64xi32, #tpu.memory_space<vmem>> -> memref<64xi32, #tpu.memory_space<vmem>>
    %dma_wait3A_279 = arith.constant 0 : i32
    %dma_wait3A_280 = arith.constant 0 : i32
    %dma_wait3A_281 = tpu.memref_slice %arg13[%dma_wait3A_279, %dma_wait3A_280] : memref<10240x128xf32, #tpu.memory_space<vmem_shared>> -> memref<10240x128xf32, #tpu.memory_space<vmem_shared>>
    tpu.wait_indirect_dma semaphore(%arg19 : memref<!tpu.dma_semaphore, #tpu.memory_space<semaphore_mem>>) src(%arg10 : memref<64x128xf32, #tpu.memory_space<vmem>>) dst(%dma_wait3A_281 : memref<10240x128xf32, #tpu.memory_space<vmem_shared>>)
    %dma_wait3A_282 = arith.constant 0 : i32
    %dma_wait3A_283 = arith.constant 0 : i32
    %dma_wait3A_284 = tpu.memref_slice %arg8[%dma_wait3A_282, %dma_wait3A_283] : memref<40x64xi32, #tpu.memory_space<vmem>> -> memref<1x64xi32, #tpu.memory_space<vmem>>
    %dma_wait3A_285 = tpu.memref_squeeze %dma_wait3A_284 : memref<1x64xi32, #tpu.memory_space<vmem>> -> memref<64xi32, #tpu.memory_space<vmem>>
    %dma_wait3A_286 = arith.constant 0 : i32
    %dma_wait3A_287 = arith.constant 0 : i32
    %dma_wait3A_288 = tpu.memref_slice %arg13[%dma_wait3A_286, %dma_wait3A_287] : memref<10240x128xf32, #tpu.memory_space<vmem_shared>> -> memref<10240x128xf32, #tpu.memory_space<vmem_shared>>
    tpu.wait_indirect_dma semaphore(%arg20 : memref<!tpu.dma_semaphore, #tpu.memory_space<semaphore_mem>>) src(%arg11 : memref<64x128xf32, #tpu.memory_space<vmem>>) dst(%dma_wait3A_288 : memref<10240x128xf32, #tpu.memory_space<vmem_shared>>)
    %dma_wait3A_289 = arith.constant 0 : i32
    %dma_wait3A_290 = arith.constant 0 : i32
    %dma_wait3A_291 = tpu.memref_slice %arg8[%dma_wait3A_289, %dma_wait3A_290] : memref<40x64xi32, #tpu.memory_space<vmem>> -> memref<1x64xi32, #tpu.memory_space<vmem>>
    %dma_wait3A_292 = tpu.memref_squeeze %dma_wait3A_291 : memref<1x64xi32, #tpu.memory_space<vmem>> -> memref<64xi32, #tpu.memory_space<vmem>>
    %dma_wait3A_293 = arith.constant 0 : i32
    %dma_wait3A_294 = arith.constant 0 : i32
    %dma_wait3A_295 = tpu.memref_slice %arg13[%dma_wait3A_293, %dma_wait3A_294] : memref<10240x128xf32, #tpu.memory_space<vmem_shared>> -> memref<10240x128xf32, #tpu.memory_space<vmem_shared>>
    tpu.wait_indirect_dma semaphore(%arg21 : memref<!tpu.dma_semaphore, #tpu.memory_space<semaphore_mem>>) src(%arg12 : memref<64x128xf32, #tpu.memory_space<vmem>>) dst(%dma_wait3A_295 : memref<10240x128xf32, #tpu.memory_space<vmem_shared>>)
    %mul3A_296 = arith.constant 160 : i32
    %mul3A_297 = arith.muli %add3A, %mul3A_296 : i32
    %add3A_298 = arith.constant 80 : i32
    %add3A_299 = arith.addi %mul3A_297, %add3A_298 : i32
    %multiple_of3A_300 = tpu.assume_multiple %add3A_299, 40 : i32
    "tpu.region"() ({
      %run_scoped3A = tpu.sem_alloc : memref<!tpu.dma_semaphore, #tpu.memory_space<semaphore_mem>>
      %dma_start3A_551 = arith.constant 0 : i32
      %dma_start3A_552 = tpu.memref_slice %arg3[%multiple_of3A_300, %dma_start3A_551] : memref<5120x64xi32, #tpu.memory_space<hbm>> -> memref<40x64xi32, #tpu.memory_space<hbm>>
      %dma_start3A_553 = arith.constant 0 : i32
      %dma_start3A_554 = tpu.memref_slice %arg3[%multiple_of3A_300, %dma_start3A_553] : memref<5120x64xi32, #tpu.memory_space<hbm>> -> memref<40x64xi32, #tpu.memory_space<hbm>>
      tpu.enqueue_dma source(%dma_start3A_554 : memref<40x64xi32, #tpu.memory_space<hbm>>) target(%arg7 : memref<40x64xi32, #tpu.memory_space<vmem>>) target_semaphore(%run_scoped3A : memref<!tpu.dma_semaphore, #tpu.memory_space<semaphore_mem>>)
      %dma_wait3A_555 = arith.constant 0 : i32
      %dma_wait3A_556 = tpu.memref_slice %arg3[%multiple_of3A_300, %dma_wait3A_555] : memref<5120x64xi32, #tpu.memory_space<hbm>> -> memref<40x64xi32, #tpu.memory_space<hbm>>
      %dma_wait3A_557 = arith.constant 0 : i32
      %dma_wait3A_558 = tpu.memref_slice %arg3[%multiple_of3A_300, %dma_wait3A_557] : memref<5120x64xi32, #tpu.memory_space<hbm>> -> memref<40x64xi32, #tpu.memory_space<hbm>>
      tpu.wait_dma2 semaphore(%run_scoped3A : memref<!tpu.dma_semaphore, #tpu.memory_space<semaphore_mem>>) src(%dma_wait3A_558 : memref<40x64xi32, #tpu.memory_space<hbm>>) dst(%arg7 : memref<40x64xi32, #tpu.memory_space<vmem>>)
      tpu.yield
    }) : () -> ()
    "tpu.region"() ({
      %run_scoped3A = tpu.sem_alloc : memref<!tpu.dma_semaphore, #tpu.memory_space<semaphore_mem>>
      %dma_start3A_551 = arith.constant 0 : i32
      %dma_start3A_552 = tpu.memref_slice %arg4[%multiple_of3A_300, %dma_start3A_551] : memref<5120x64xi32, #tpu.memory_space<hbm>> -> memref<40x64xi32, #tpu.memory_space<hbm>>
      %dma_start3A_553 = arith.constant 0 : i32
      %dma_start3A_554 = tpu.memref_slice %arg4[%multiple_of3A_300, %dma_start3A_553] : memref<5120x64xi32, #tpu.memory_space<hbm>> -> memref<40x64xi32, #tpu.memory_space<hbm>>
      tpu.enqueue_dma source(%dma_start3A_554 : memref<40x64xi32, #tpu.memory_space<hbm>>) target(%arg8 : memref<40x64xi32, #tpu.memory_space<vmem>>) target_semaphore(%run_scoped3A : memref<!tpu.dma_semaphore, #tpu.memory_space<semaphore_mem>>)
      %dma_wait3A_555 = arith.constant 0 : i32
      %dma_wait3A_556 = tpu.memref_slice %arg4[%multiple_of3A_300, %dma_wait3A_555] : memref<5120x64xi32, #tpu.memory_space<hbm>> -> memref<40x64xi32, #tpu.memory_space<hbm>>
      %dma_wait3A_557 = arith.constant 0 : i32
      %dma_wait3A_558 = tpu.memref_slice %arg4[%multiple_of3A_300, %dma_wait3A_557] : memref<5120x64xi32, #tpu.memory_space<hbm>> -> memref<40x64xi32, #tpu.memory_space<hbm>>
      tpu.wait_dma2 semaphore(%run_scoped3A : memref<!tpu.dma_semaphore, #tpu.memory_space<semaphore_mem>>) src(%dma_wait3A_558 : memref<40x64xi32, #tpu.memory_space<hbm>>) dst(%arg8 : memref<40x64xi32, #tpu.memory_space<vmem>>)
      tpu.yield
    }) : () -> ()
    %dma_start3A_301 = arith.constant 0 : i32
    %dma_start3A_302 = arith.constant 0 : i32
    %dma_start3A_303 = tpu.memref_slice %arg7[%dma_start3A_301, %dma_start3A_302] : memref<40x64xi32, #tpu.memory_space<vmem>> -> memref<1x64xi32, #tpu.memory_space<vmem>>
    %dma_start3A_304 = tpu.memref_squeeze %dma_start3A_303 : memref<1x64xi32, #tpu.memory_space<vmem>> -> memref<64xi32, #tpu.memory_space<vmem>>
    %dma_start3A_305 = arith.constant 0 : i32
    %dma_start3A_306 = arith.constant 0 : i32
    %dma_start3A_307 = tpu.memref_slice %arg2[%dma_start3A_305, %dma_start3A_306] : memref<10000x128xf32, #tpu.memory_space<hbm>> -> memref<10000x128xf32, #tpu.memory_space<hbm>>
    tpu.enqueue_indirect_dma source(%dma_start3A_307 : memref<10000x128xf32, #tpu.memory_space<hbm>>) target(%arg9 : memref<64x128xf32, #tpu.memory_space<vmem>>) offsets(%dma_start3A_304 : memref<64xi32, #tpu.memory_space<vmem>>) semaphore(%arg14 : memref<!tpu.dma_semaphore, #tpu.memory_space<semaphore_mem>>)
    %dma_start3A_308 = arith.constant 1 : i32
    %dma_start3A_309 = arith.constant 0 : i32
    %dma_start3A_310 = tpu.memref_slice %arg7[%dma_start3A_308, %dma_start3A_309] : memref<40x64xi32, #tpu.memory_space<vmem>> -> memref<1x64xi32, #tpu.memory_space<vmem>>
    %dma_start3A_311 = tpu.memref_squeeze %dma_start3A_310 : memref<1x64xi32, #tpu.memory_space<vmem>> -> memref<64xi32, #tpu.memory_space<vmem>>
    %dma_start3A_312 = arith.constant 0 : i32
    %dma_start3A_313 = arith.constant 0 : i32
    %dma_start3A_314 = tpu.memref_slice %arg2[%dma_start3A_312, %dma_start3A_313] : memref<10000x128xf32, #tpu.memory_space<hbm>> -> memref<10000x128xf32, #tpu.memory_space<hbm>>
    tpu.enqueue_indirect_dma source(%dma_start3A_314 : memref<10000x128xf32, #tpu.memory_space<hbm>>) target(%arg10 : memref<64x128xf32, #tpu.memory_space<vmem>>) offsets(%dma_start3A_311 : memref<64xi32, #tpu.memory_space<vmem>>) semaphore(%arg15 : memref<!tpu.dma_semaphore, #tpu.memory_space<semaphore_mem>>)
    %dma_start3A_315 = arith.constant 2 : i32
    %dma_start3A_316 = arith.constant 0 : i32
    %dma_start3A_317 = tpu.memref_slice %arg7[%dma_start3A_315, %dma_start3A_316] : memref<40x64xi32, #tpu.memory_space<vmem>> -> memref<1x64xi32, #tpu.memory_space<vmem>>
    %dma_start3A_318 = tpu.memref_squeeze %dma_start3A_317 : memref<1x64xi32, #tpu.memory_space<vmem>> -> memref<64xi32, #tpu.memory_space<vmem>>
    %dma_start3A_319 = arith.constant 0 : i32
    %dma_start3A_320 = arith.constant 0 : i32
    %dma_start3A_321 = tpu.memref_slice %arg2[%dma_start3A_319, %dma_start3A_320] : memref<10000x128xf32, #tpu.memory_space<hbm>> -> memref<10000x128xf32, #tpu.memory_space<hbm>>
    tpu.enqueue_indirect_dma source(%dma_start3A_321 : memref<10000x128xf32, #tpu.memory_space<hbm>>) target(%arg11 : memref<64x128xf32, #tpu.memory_space<vmem>>) offsets(%dma_start3A_318 : memref<64xi32, #tpu.memory_space<vmem>>) semaphore(%arg16 : memref<!tpu.dma_semaphore, #tpu.memory_space<semaphore_mem>>)
    %dma_start3A_322 = arith.constant 3 : i32
    %dma_start3A_323 = arith.constant 0 : i32
    %dma_start3A_324 = tpu.memref_slice %arg7[%dma_start3A_322, %dma_start3A_323] : memref<40x64xi32, #tpu.memory_space<vmem>> -> memref<1x64xi32, #tpu.memory_space<vmem>>
    %dma_start3A_325 = tpu.memref_squeeze %dma_start3A_324 : memref<1x64xi32, #tpu.memory_space<vmem>> -> memref<64xi32, #tpu.memory_space<vmem>>
    %dma_start3A_326 = arith.constant 0 : i32
    %dma_start3A_327 = arith.constant 0 : i32
    %dma_start3A_328 = tpu.memref_slice %arg2[%dma_start3A_326, %dma_start3A_327] : memref<10000x128xf32, #tpu.memory_space<hbm>> -> memref<10000x128xf32, #tpu.memory_space<hbm>>
    tpu.enqueue_indirect_dma source(%dma_start3A_328 : memref<10000x128xf32, #tpu.memory_space<hbm>>) target(%arg12 : memref<64x128xf32, #tpu.memory_space<vmem>>) offsets(%dma_start3A_325 : memref<64xi32, #tpu.memory_space<vmem>>) semaphore(%arg17 : memref<!tpu.dma_semaphore, #tpu.memory_space<semaphore_mem>>)
    %scan3A_329 = arith.constant 0 : i32
    %scan3A_330 = arith.constant 9 : i32
    %scan3A_331 = arith.addi %scan3A_329, %scan3A_330 : i32
    %scan3A_332 = arith.constant 1 : i32
    scf.for %scan3A_551 = %scan3A_329 to %scan3A_331 step %scan3A_332  : i32 {
      %mul3A_552 = arith.constant 1 : i32
      %mul3A_553 = arith.muli %scan3A_551, %mul3A_552 : i32
      %add3A_554 = arith.constant 0 : i32
      %add3A_555 = arith.addi %add3A_554, %mul3A_553 : i32
      %mul3A_556 = arith.constant 4 : i32
      %mul3A_557 = arith.muli %add3A_555, %mul3A_556 : i32
      %dma_wait3A_558 = arith.constant 0 : i32
      %dma_wait3A_559 = arith.constant 0 : i32
      %dma_wait3A_560 = tpu.memref_slice %arg7[%dma_wait3A_558, %dma_wait3A_559] : memref<40x64xi32, #tpu.memory_space<vmem>> -> memref<1x64xi32, #tpu.memory_space<vmem>>
      %dma_wait3A_561 = tpu.memref_squeeze %dma_wait3A_560 : memref<1x64xi32, #tpu.memory_space<vmem>> -> memref<64xi32, #tpu.memory_space<vmem>>
      %dma_wait3A_562 = arith.constant 0 : i32
      %dma_wait3A_563 = arith.constant 0 : i32
      %dma_wait3A_564 = tpu.memref_slice %arg2[%dma_wait3A_562, %dma_wait3A_563] : memref<10000x128xf32, #tpu.memory_space<hbm>> -> memref<10000x128xf32, #tpu.memory_space<hbm>>
      tpu.wait_indirect_dma semaphore(%arg14 : memref<!tpu.dma_semaphore, #tpu.memory_space<semaphore_mem>>) src(%dma_wait3A_564 : memref<10000x128xf32, #tpu.memory_space<hbm>>) dst(%arg9 : memref<64x128xf32, #tpu.memory_space<vmem>>)
      %add3A_565 = arith.constant 0 : i32
      %add3A_566 = arith.addi %mul3A_557, %add3A_565 : i32
      %dma_start3A_567 = arith.constant 0 : i32
      %dma_start3A_568 = tpu.memref_slice %arg8[%add3A_566, %dma_start3A_567] : memref<40x64xi32, #tpu.memory_space<vmem>> -> memref<1x64xi32, #tpu.memory_space<vmem>>
      %dma_start3A_569 = tpu.memref_squeeze %dma_start3A_568 : memref<1x64xi32, #tpu.memory_space<vmem>> -> memref<64xi32, #tpu.memory_space<vmem>>
      %dma_start3A_570 = arith.constant 0 : i32
      %dma_start3A_571 = arith.constant 0 : i32
      %dma_start3A_572 = tpu.memref_slice %arg13[%dma_start3A_570, %dma_start3A_571] : memref<10240x128xf32, #tpu.memory_space<vmem_shared>> -> memref<10240x128xf32, #tpu.memory_space<vmem_shared>>
      tpu.enqueue_indirect_dma source(%arg9 : memref<64x128xf32, #tpu.memory_space<vmem>>) target(%dma_start3A_572 : memref<10240x128xf32, #tpu.memory_space<vmem_shared>>) offsets(%dma_start3A_569 : memref<64xi32, #tpu.memory_space<vmem>>) semaphore(%arg18 : memref<!tpu.dma_semaphore, #tpu.memory_space<semaphore_mem>>) {add = true}
      %dma_wait3A_573 = arith.constant 0 : i32
      %dma_wait3A_574 = arith.constant 0 : i32
      %dma_wait3A_575 = tpu.memref_slice %arg7[%dma_wait3A_573, %dma_wait3A_574] : memref<40x64xi32, #tpu.memory_space<vmem>> -> memref<1x64xi32, #tpu.memory_space<vmem>>
      %dma_wait3A_576 = tpu.memref_squeeze %dma_wait3A_575 : memref<1x64xi32, #tpu.memory_space<vmem>> -> memref<64xi32, #tpu.memory_space<vmem>>
      %dma_wait3A_577 = arith.constant 0 : i32
      %dma_wait3A_578 = arith.constant 0 : i32
      %dma_wait3A_579 = tpu.memref_slice %arg2[%dma_wait3A_577, %dma_wait3A_578] : memref<10000x128xf32, #tpu.memory_space<hbm>> -> memref<10000x128xf32, #tpu.memory_space<hbm>>
      tpu.wait_indirect_dma semaphore(%arg15 : memref<!tpu.dma_semaphore, #tpu.memory_space<semaphore_mem>>) src(%dma_wait3A_579 : memref<10000x128xf32, #tpu.memory_space<hbm>>) dst(%arg10 : memref<64x128xf32, #tpu.memory_space<vmem>>)
      %add3A_580 = arith.constant 1 : i32
      %add3A_581 = arith.addi %mul3A_557, %add3A_580 : i32
      %dma_start3A_582 = arith.constant 0 : i32
      %dma_start3A_583 = tpu.memref_slice %arg8[%add3A_581, %dma_start3A_582] : memref<40x64xi32, #tpu.memory_space<vmem>> -> memref<1x64xi32, #tpu.memory_space<vmem>>
      %dma_start3A_584 = tpu.memref_squeeze %dma_start3A_583 : memref<1x64xi32, #tpu.memory_space<vmem>> -> memref<64xi32, #tpu.memory_space<vmem>>
      %dma_start3A_585 = arith.constant 0 : i32
      %dma_start3A_586 = arith.constant 0 : i32
      %dma_start3A_587 = tpu.memref_slice %arg13[%dma_start3A_585, %dma_start3A_586] : memref<10240x128xf32, #tpu.memory_space<vmem_shared>> -> memref<10240x128xf32, #tpu.memory_space<vmem_shared>>
      tpu.enqueue_indirect_dma source(%arg10 : memref<64x128xf32, #tpu.memory_space<vmem>>) target(%dma_start3A_587 : memref<10240x128xf32, #tpu.memory_space<vmem_shared>>) offsets(%dma_start3A_584 : memref<64xi32, #tpu.memory_space<vmem>>) semaphore(%arg19 : memref<!tpu.dma_semaphore, #tpu.memory_space<semaphore_mem>>) {add = true}
      %dma_wait3A_588 = arith.constant 0 : i32
      %dma_wait3A_589 = arith.constant 0 : i32
      %dma_wait3A_590 = tpu.memref_slice %arg7[%dma_wait3A_588, %dma_wait3A_589] : memref<40x64xi32, #tpu.memory_space<vmem>> -> memref<1x64xi32, #tpu.memory_space<vmem>>
      %dma_wait3A_591 = tpu.memref_squeeze %dma_wait3A_590 : memref<1x64xi32, #tpu.memory_space<vmem>> -> memref<64xi32, #tpu.memory_space<vmem>>
      %dma_wait3A_592 = arith.constant 0 : i32
      %dma_wait3A_593 = arith.constant 0 : i32
      %dma_wait3A_594 = tpu.memref_slice %arg2[%dma_wait3A_592, %dma_wait3A_593] : memref<10000x128xf32, #tpu.memory_space<hbm>> -> memref<10000x128xf32, #tpu.memory_space<hbm>>
      tpu.wait_indirect_dma semaphore(%arg16 : memref<!tpu.dma_semaphore, #tpu.memory_space<semaphore_mem>>) src(%dma_wait3A_594 : memref<10000x128xf32, #tpu.memory_space<hbm>>) dst(%arg11 : memref<64x128xf32, #tpu.memory_space<vmem>>)
      %add3A_595 = arith.constant 2 : i32
      %add3A_596 = arith.addi %mul3A_557, %add3A_595 : i32
      %dma_start3A_597 = arith.constant 0 : i32
      %dma_start3A_598 = tpu.memref_slice %arg8[%add3A_596, %dma_start3A_597] : memref<40x64xi32, #tpu.memory_space<vmem>> -> memref<1x64xi32, #tpu.memory_space<vmem>>
      %dma_start3A_599 = tpu.memref_squeeze %dma_start3A_598 : memref<1x64xi32, #tpu.memory_space<vmem>> -> memref<64xi32, #tpu.memory_space<vmem>>
      %dma_start3A_600 = arith.constant 0 : i32
      %dma_start3A_601 = arith.constant 0 : i32
      %dma_start3A_602 = tpu.memref_slice %arg13[%dma_start3A_600, %dma_start3A_601] : memref<10240x128xf32, #tpu.memory_space<vmem_shared>> -> memref<10240x128xf32, #tpu.memory_space<vmem_shared>>
      tpu.enqueue_indirect_dma source(%arg11 : memref<64x128xf32, #tpu.memory_space<vmem>>) target(%dma_start3A_602 : memref<10240x128xf32, #tpu.memory_space<vmem_shared>>) offsets(%dma_start3A_599 : memref<64xi32, #tpu.memory_space<vmem>>) semaphore(%arg20 : memref<!tpu.dma_semaphore, #tpu.memory_space<semaphore_mem>>) {add = true}
      %dma_wait3A_603 = arith.constant 0 : i32
      %dma_wait3A_604 = arith.constant 0 : i32
      %dma_wait3A_605 = tpu.memref_slice %arg7[%dma_wait3A_603, %dma_wait3A_604] : memref<40x64xi32, #tpu.memory_space<vmem>> -> memref<1x64xi32, #tpu.memory_space<vmem>>
      %dma_wait3A_606 = tpu.memref_squeeze %dma_wait3A_605 : memref<1x64xi32, #tpu.memory_space<vmem>> -> memref<64xi32, #tpu.memory_space<vmem>>
      %dma_wait3A_607 = arith.constant 0 : i32
      %dma_wait3A_608 = arith.constant 0 : i32
      %dma_wait3A_609 = tpu.memref_slice %arg2[%dma_wait3A_607, %dma_wait3A_608] : memref<10000x128xf32, #tpu.memory_space<hbm>> -> memref<10000x128xf32, #tpu.memory_space<hbm>>
      tpu.wait_indirect_dma semaphore(%arg17 : memref<!tpu.dma_semaphore, #tpu.memory_space<semaphore_mem>>) src(%dma_wait3A_609 : memref<10000x128xf32, #tpu.memory_space<hbm>>) dst(%arg12 : memref<64x128xf32, #tpu.memory_space<vmem>>)
      %add3A_610 = arith.constant 3 : i32
      %add3A_611 = arith.addi %mul3A_557, %add3A_610 : i32
      %dma_start3A_612 = arith.constant 0 : i32
      %dma_start3A_613 = tpu.memref_slice %arg8[%add3A_611, %dma_start3A_612] : memref<40x64xi32, #tpu.memory_space<vmem>> -> memref<1x64xi32, #tpu.memory_space<vmem>>
      %dma_start3A_614 = tpu.memref_squeeze %dma_start3A_613 : memref<1x64xi32, #tpu.memory_space<vmem>> -> memref<64xi32, #tpu.memory_space<vmem>>
      %dma_start3A_615 = arith.constant 0 : i32
      %dma_start3A_616 = arith.constant 0 : i32
      %dma_start3A_617 = tpu.memref_slice %arg13[%dma_start3A_615, %dma_start3A_616] : memref<10240x128xf32, #tpu.memory_space<vmem_shared>> -> memref<10240x128xf32, #tpu.memory_space<vmem_shared>>
      tpu.enqueue_indirect_dma source(%arg12 : memref<64x128xf32, #tpu.memory_space<vmem>>) target(%dma_start3A_617 : memref<10240x128xf32, #tpu.memory_space<vmem_shared>>) offsets(%dma_start3A_614 : memref<64xi32, #tpu.memory_space<vmem>>) semaphore(%arg21 : memref<!tpu.dma_semaphore, #tpu.memory_space<semaphore_mem>>) {add = true}
      %dma_wait3A_618 = arith.constant 0 : i32
      %dma_wait3A_619 = arith.constant 0 : i32
      %dma_wait3A_620 = tpu.memref_slice %arg8[%dma_wait3A_618, %dma_wait3A_619] : memref<40x64xi32, #tpu.memory_space<vmem>> -> memref<1x64xi32, #tpu.memory_space<vmem>>
      %dma_wait3A_621 = tpu.memref_squeeze %dma_wait3A_620 : memref<1x64xi32, #tpu.memory_space<vmem>> -> memref<64xi32, #tpu.memory_space<vmem>>
      %dma_wait3A_622 = arith.constant 0 : i32
      %dma_wait3A_623 = arith.constant 0 : i32
      %dma_wait3A_624 = tpu.memref_slice %arg13[%dma_wait3A_622, %dma_wait3A_623] : memref<10240x128xf32, #tpu.memory_space<vmem_shared>> -> memref<10240x128xf32, #tpu.memory_space<vmem_shared>>
      tpu.wait_indirect_dma semaphore(%arg18 : memref<!tpu.dma_semaphore, #tpu.memory_space<semaphore_mem>>) src(%arg9 : memref<64x128xf32, #tpu.memory_space<vmem>>) dst(%dma_wait3A_624 : memref<10240x128xf32, #tpu.memory_space<vmem_shared>>)
      %add3A_625 = arith.constant 4 : i32
      %add3A_626 = arith.addi %mul3A_557, %add3A_625 : i32
      %add3A_627 = arith.constant 0 : i32
      %add3A_628 = arith.addi %add3A_626, %add3A_627 : i32
      %dma_start3A_629 = arith.constant 0 : i32
      %dma_start3A_630 = tpu.memref_slice %arg7[%add3A_628, %dma_start3A_629] : memref<40x64xi32, #tpu.memory_space<vmem>> -> memref<1x64xi32, #tpu.memory_space<vmem>>
      %dma_start3A_631 = tpu.memref_squeeze %dma_start3A_630 : memref<1x64xi32, #tpu.memory_space<vmem>> -> memref<64xi32, #tpu.memory_space<vmem>>
      %dma_start3A_632 = arith.constant 0 : i32
      %dma_start3A_633 = arith.constant 0 : i32
      %dma_start3A_634 = tpu.memref_slice %arg2[%dma_start3A_632, %dma_start3A_633] : memref<10000x128xf32, #tpu.memory_space<hbm>> -> memref<10000x128xf32, #tpu.memory_space<hbm>>
      tpu.enqueue_indirect_dma source(%dma_start3A_634 : memref<10000x128xf32, #tpu.memory_space<hbm>>) target(%arg9 : memref<64x128xf32, #tpu.memory_space<vmem>>) offsets(%dma_start3A_631 : memref<64xi32, #tpu.memory_space<vmem>>) semaphore(%arg14 : memref<!tpu.dma_semaphore, #tpu.memory_space<semaphore_mem>>)
      %dma_wait3A_635 = arith.constant 0 : i32
      %dma_wait3A_636 = arith.constant 0 : i32
      %dma_wait3A_637 = tpu.memref_slice %arg8[%dma_wait3A_635, %dma_wait3A_636] : memref<40x64xi32, #tpu.memory_space<vmem>> -> memref<1x64xi32, #tpu.memory_space<vmem>>
      %dma_wait3A_638 = tpu.memref_squeeze %dma_wait3A_637 : memref<1x64xi32, #tpu.memory_space<vmem>> -> memref<64xi32, #tpu.memory_space<vmem>>
      %dma_wait3A_639 = arith.constant 0 : i32
      %dma_wait3A_640 = arith.constant 0 : i32
      %dma_wait3A_641 = tpu.memref_slice %arg13[%dma_wait3A_639, %dma_wait3A_640] : memref<10240x128xf32, #tpu.memory_space<vmem_shared>> -> memref<10240x128xf32, #tpu.memory_space<vmem_shared>>
      tpu.wait_indirect_dma semaphore(%arg19 : memref<!tpu.dma_semaphore, #tpu.memory_space<semaphore_mem>>) src(%arg10 : memref<64x128xf32, #tpu.memory_space<vmem>>) dst(%dma_wait3A_641 : memref<10240x128xf32, #tpu.memory_space<vmem_shared>>)
      %add3A_642 = arith.constant 4 : i32
      %add3A_643 = arith.addi %mul3A_557, %add3A_642 : i32
      %add3A_644 = arith.constant 1 : i32
      %add3A_645 = arith.addi %add3A_643, %add3A_644 : i32
      %dma_start3A_646 = arith.constant 0 : i32
      %dma_start3A_647 = tpu.memref_slice %arg7[%add3A_645, %dma_start3A_646] : memref<40x64xi32, #tpu.memory_space<vmem>> -> memref<1x64xi32, #tpu.memory_space<vmem>>
      %dma_start3A_648 = tpu.memref_squeeze %dma_start3A_647 : memref<1x64xi32, #tpu.memory_space<vmem>> -> memref<64xi32, #tpu.memory_space<vmem>>
      %dma_start3A_649 = arith.constant 0 : i32
      %dma_start3A_650 = arith.constant 0 : i32
      %dma_start3A_651 = tpu.memref_slice %arg2[%dma_start3A_649, %dma_start3A_650] : memref<10000x128xf32, #tpu.memory_space<hbm>> -> memref<10000x128xf32, #tpu.memory_space<hbm>>
      tpu.enqueue_indirect_dma source(%dma_start3A_651 : memref<10000x128xf32, #tpu.memory_space<hbm>>) target(%arg10 : memref<64x128xf32, #tpu.memory_space<vmem>>) offsets(%dma_start3A_648 : memref<64xi32, #tpu.memory_space<vmem>>) semaphore(%arg15 : memref<!tpu.dma_semaphore, #tpu.memory_space<semaphore_mem>>)
      %dma_wait3A_652 = arith.constant 0 : i32
      %dma_wait3A_653 = arith.constant 0 : i32
      %dma_wait3A_654 = tpu.memref_slice %arg8[%dma_wait3A_652, %dma_wait3A_653] : memref<40x64xi32, #tpu.memory_space<vmem>> -> memref<1x64xi32, #tpu.memory_space<vmem>>
      %dma_wait3A_655 = tpu.memref_squeeze %dma_wait3A_654 : memref<1x64xi32, #tpu.memory_space<vmem>> -> memref<64xi32, #tpu.memory_space<vmem>>
      %dma_wait3A_656 = arith.constant 0 : i32
      %dma_wait3A_657 = arith.constant 0 : i32
      %dma_wait3A_658 = tpu.memref_slice %arg13[%dma_wait3A_656, %dma_wait3A_657] : memref<10240x128xf32, #tpu.memory_space<vmem_shared>> -> memref<10240x128xf32, #tpu.memory_space<vmem_shared>>
      tpu.wait_indirect_dma semaphore(%arg20 : memref<!tpu.dma_semaphore, #tpu.memory_space<semaphore_mem>>) src(%arg11 : memref<64x128xf32, #tpu.memory_space<vmem>>) dst(%dma_wait3A_658 : memref<10240x128xf32, #tpu.memory_space<vmem_shared>>)
      %add3A_659 = arith.constant 4 : i32
      %add3A_660 = arith.addi %mul3A_557, %add3A_659 : i32
      %add3A_661 = arith.constant 2 : i32
      %add3A_662 = arith.addi %add3A_660, %add3A_661 : i32
      %dma_start3A_663 = arith.constant 0 : i32
      %dma_start3A_664 = tpu.memref_slice %arg7[%add3A_662, %dma_start3A_663] : memref<40x64xi32, #tpu.memory_space<vmem>> -> memref<1x64xi32, #tpu.memory_space<vmem>>
      %dma_start3A_665 = tpu.memref_squeeze %dma_start3A_664 : memref<1x64xi32, #tpu.memory_space<vmem>> -> memref<64xi32, #tpu.memory_space<vmem>>
      %dma_start3A_666 = arith.constant 0 : i32
      %dma_start3A_667 = arith.constant 0 : i32
      %dma_start3A_668 = tpu.memref_slice %arg2[%dma_start3A_666, %dma_start3A_667] : memref<10000x128xf32, #tpu.memory_space<hbm>> -> memref<10000x128xf32, #tpu.memory_space<hbm>>
      tpu.enqueue_indirect_dma source(%dma_start3A_668 : memref<10000x128xf32, #tpu.memory_space<hbm>>) target(%arg11 : memref<64x128xf32, #tpu.memory_space<vmem>>) offsets(%dma_start3A_665 : memref<64xi32, #tpu.memory_space<vmem>>) semaphore(%arg16 : memref<!tpu.dma_semaphore, #tpu.memory_space<semaphore_mem>>)
      %dma_wait3A_669 = arith.constant 0 : i32
      %dma_wait3A_670 = arith.constant 0 : i32
      %dma_wait3A_671 = tpu.memref_slice %arg8[%dma_wait3A_669, %dma_wait3A_670] : memref<40x64xi32, #tpu.memory_space<vmem>> -> memref<1x64xi32, #tpu.memory_space<vmem>>
      %dma_wait3A_672 = tpu.memref_squeeze %dma_wait3A_671 : memref<1x64xi32, #tpu.memory_space<vmem>> -> memref<64xi32, #tpu.memory_space<vmem>>
      %dma_wait3A_673 = arith.constant 0 : i32
      %dma_wait3A_674 = arith.constant 0 : i32
      %dma_wait3A_675 = tpu.memref_slice %arg13[%dma_wait3A_673, %dma_wait3A_674] : memref<10240x128xf32, #tpu.memory_space<vmem_shared>> -> memref<10240x128xf32, #tpu.memory_space<vmem_shared>>
      tpu.wait_indirect_dma semaphore(%arg21 : memref<!tpu.dma_semaphore, #tpu.memory_space<semaphore_mem>>) src(%arg12 : memref<64x128xf32, #tpu.memory_space<vmem>>) dst(%dma_wait3A_675 : memref<10240x128xf32, #tpu.memory_space<vmem_shared>>)
      %add3A_676 = arith.constant 4 : i32
      %add3A_677 = arith.addi %mul3A_557, %add3A_676 : i32
      %add3A_678 = arith.constant 3 : i32
      %add3A_679 = arith.addi %add3A_677, %add3A_678 : i32
      %dma_start3A_680 = arith.constant 0 : i32
      %dma_start3A_681 = tpu.memref_slice %arg7[%add3A_679, %dma_start3A_680] : memref<40x64xi32, #tpu.memory_space<vmem>> -> memref<1x64xi32, #tpu.memory_space<vmem>>
      %dma_start3A_682 = tpu.memref_squeeze %dma_start3A_681 : memref<1x64xi32, #tpu.memory_space<vmem>> -> memref<64xi32, #tpu.memory_space<vmem>>
      %dma_start3A_683 = arith.constant 0 : i32
      %dma_start3A_684 = arith.constant 0 : i32
      %dma_start3A_685 = tpu.memref_slice %arg2[%dma_start3A_683, %dma_start3A_684] : memref<10000x128xf32, #tpu.memory_space<hbm>> -> memref<10000x128xf32, #tpu.memory_space<hbm>>
      tpu.enqueue_indirect_dma source(%dma_start3A_685 : memref<10000x128xf32, #tpu.memory_space<hbm>>) target(%arg12 : memref<64x128xf32, #tpu.memory_space<vmem>>) offsets(%dma_start3A_682 : memref<64xi32, #tpu.memory_space<vmem>>) semaphore(%arg17 : memref<!tpu.dma_semaphore, #tpu.memory_space<semaphore_mem>>)
    }
    %scan3A_333 = arith.constant 9 : i32
    %dma_wait3A_334 = arith.constant 0 : i32
    %dma_wait3A_335 = arith.constant 0 : i32
    %dma_wait3A_336 = tpu.memref_slice %arg7[%dma_wait3A_334, %dma_wait3A_335] : memref<40x64xi32, #tpu.memory_space<vmem>> -> memref<1x64xi32, #tpu.memory_space<vmem>>
    %dma_wait3A_337 = tpu.memref_squeeze %dma_wait3A_336 : memref<1x64xi32, #tpu.memory_space<vmem>> -> memref<64xi32, #tpu.memory_space<vmem>>
    %dma_wait3A_338 = arith.constant 0 : i32
    %dma_wait3A_339 = arith.constant 0 : i32
    %dma_wait3A_340 = tpu.memref_slice %arg2[%dma_wait3A_338, %dma_wait3A_339] : memref<10000x128xf32, #tpu.memory_space<hbm>> -> memref<10000x128xf32, #tpu.memory_space<hbm>>
    tpu.wait_indirect_dma semaphore(%arg14 : memref<!tpu.dma_semaphore, #tpu.memory_space<semaphore_mem>>) src(%dma_wait3A_340 : memref<10000x128xf32, #tpu.memory_space<hbm>>) dst(%arg9 : memref<64x128xf32, #tpu.memory_space<vmem>>)
    %dma_start3A_341 = arith.constant 36 : i32
    %dma_start3A_342 = arith.constant 0 : i32
    %dma_start3A_343 = tpu.memref_slice %arg8[%dma_start3A_341, %dma_start3A_342] : memref<40x64xi32, #tpu.memory_space<vmem>> -> memref<1x64xi32, #tpu.memory_space<vmem>>
    %dma_start3A_344 = tpu.memref_squeeze %dma_start3A_343 : memref<1x64xi32, #tpu.memory_space<vmem>> -> memref<64xi32, #tpu.memory_space<vmem>>
    %dma_start3A_345 = arith.constant 0 : i32
    %dma_start3A_346 = arith.constant 0 : i32
    %dma_start3A_347 = tpu.memref_slice %arg13[%dma_start3A_345, %dma_start3A_346] : memref<10240x128xf32, #tpu.memory_space<vmem_shared>> -> memref<10240x128xf32, #tpu.memory_space<vmem_shared>>
    tpu.enqueue_indirect_dma source(%arg9 : memref<64x128xf32, #tpu.memory_space<vmem>>) target(%dma_start3A_347 : memref<10240x128xf32, #tpu.memory_space<vmem_shared>>) offsets(%dma_start3A_344 : memref<64xi32, #tpu.memory_space<vmem>>) semaphore(%arg18 : memref<!tpu.dma_semaphore, #tpu.memory_space<semaphore_mem>>) {add = true}
    %dma_wait3A_348 = arith.constant 0 : i32
    %dma_wait3A_349 = arith.constant 0 : i32
    %dma_wait3A_350 = tpu.memref_slice %arg7[%dma_wait3A_348, %dma_wait3A_349] : memref<40x64xi32, #tpu.memory_space<vmem>> -> memref<1x64xi32, #tpu.memory_space<vmem>>
    %dma_wait3A_351 = tpu.memref_squeeze %dma_wait3A_350 : memref<1x64xi32, #tpu.memory_space<vmem>> -> memref<64xi32, #tpu.memory_space<vmem>>
    %dma_wait3A_352 = arith.constant 0 : i32
    %dma_wait3A_353 = arith.constant 0 : i32
    %dma_wait3A_354 = tpu.memref_slice %arg2[%dma_wait3A_352, %dma_wait3A_353] : memref<10000x128xf32, #tpu.memory_space<hbm>> -> memref<10000x128xf32, #tpu.memory_space<hbm>>
    tpu.wait_indirect_dma semaphore(%arg15 : memref<!tpu.dma_semaphore, #tpu.memory_space<semaphore_mem>>) src(%dma_wait3A_354 : memref<10000x128xf32, #tpu.memory_space<hbm>>) dst(%arg10 : memref<64x128xf32, #tpu.memory_space<vmem>>)
    %dma_start3A_355 = arith.constant 37 : i32
    %dma_start3A_356 = arith.constant 0 : i32
    %dma_start3A_357 = tpu.memref_slice %arg8[%dma_start3A_355, %dma_start3A_356] : memref<40x64xi32, #tpu.memory_space<vmem>> -> memref<1x64xi32, #tpu.memory_space<vmem>>
    %dma_start3A_358 = tpu.memref_squeeze %dma_start3A_357 : memref<1x64xi32, #tpu.memory_space<vmem>> -> memref<64xi32, #tpu.memory_space<vmem>>
    %dma_start3A_359 = arith.constant 0 : i32
    %dma_start3A_360 = arith.constant 0 : i32
    %dma_start3A_361 = tpu.memref_slice %arg13[%dma_start3A_359, %dma_start3A_360] : memref<10240x128xf32, #tpu.memory_space<vmem_shared>> -> memref<10240x128xf32, #tpu.memory_space<vmem_shared>>
    tpu.enqueue_indirect_dma source(%arg10 : memref<64x128xf32, #tpu.memory_space<vmem>>) target(%dma_start3A_361 : memref<10240x128xf32, #tpu.memory_space<vmem_shared>>) offsets(%dma_start3A_358 : memref<64xi32, #tpu.memory_space<vmem>>) semaphore(%arg19 : memref<!tpu.dma_semaphore, #tpu.memory_space<semaphore_mem>>) {add = true}
    %dma_wait3A_362 = arith.constant 0 : i32
    %dma_wait3A_363 = arith.constant 0 : i32
    %dma_wait3A_364 = tpu.memref_slice %arg7[%dma_wait3A_362, %dma_wait3A_363] : memref<40x64xi32, #tpu.memory_space<vmem>> -> memref<1x64xi32, #tpu.memory_space<vmem>>
    %dma_wait3A_365 = tpu.memref_squeeze %dma_wait3A_364 : memref<1x64xi32, #tpu.memory_space<vmem>> -> memref<64xi32, #tpu.memory_space<vmem>>
    %dma_wait3A_366 = arith.constant 0 : i32
    %dma_wait3A_367 = arith.constant 0 : i32
    %dma_wait3A_368 = tpu.memref_slice %arg2[%dma_wait3A_366, %dma_wait3A_367] : memref<10000x128xf32, #tpu.memory_space<hbm>> -> memref<10000x128xf32, #tpu.memory_space<hbm>>
    tpu.wait_indirect_dma semaphore(%arg16 : memref<!tpu.dma_semaphore, #tpu.memory_space<semaphore_mem>>) src(%dma_wait3A_368 : memref<10000x128xf32, #tpu.memory_space<hbm>>) dst(%arg11 : memref<64x128xf32, #tpu.memory_space<vmem>>)
    %dma_start3A_369 = arith.constant 38 : i32
    %dma_start3A_370 = arith.constant 0 : i32
    %dma_start3A_371 = tpu.memref_slice %arg8[%dma_start3A_369, %dma_start3A_370] : memref<40x64xi32, #tpu.memory_space<vmem>> -> memref<1x64xi32, #tpu.memory_space<vmem>>
    %dma_start3A_372 = tpu.memref_squeeze %dma_start3A_371 : memref<1x64xi32, #tpu.memory_space<vmem>> -> memref<64xi32, #tpu.memory_space<vmem>>
    %dma_start3A_373 = arith.constant 0 : i32
    %dma_start3A_374 = arith.constant 0 : i32
    %dma_start3A_375 = tpu.memref_slice %arg13[%dma_start3A_373, %dma_start3A_374] : memref<10240x128xf32, #tpu.memory_space<vmem_shared>> -> memref<10240x128xf32, #tpu.memory_space<vmem_shared>>
    tpu.enqueue_indirect_dma source(%arg11 : memref<64x128xf32, #tpu.memory_space<vmem>>) target(%dma_start3A_375 : memref<10240x128xf32, #tpu.memory_space<vmem_shared>>) offsets(%dma_start3A_372 : memref<64xi32, #tpu.memory_space<vmem>>) semaphore(%arg20 : memref<!tpu.dma_semaphore, #tpu.memory_space<semaphore_mem>>) {add = true}
    %dma_wait3A_376 = arith.constant 0 : i32
    %dma_wait3A_377 = arith.constant 0 : i32
    %dma_wait3A_378 = tpu.memref_slice %arg7[%dma_wait3A_376, %dma_wait3A_377] : memref<40x64xi32, #tpu.memory_space<vmem>> -> memref<1x64xi32, #tpu.memory_space<vmem>>
    %dma_wait3A_379 = tpu.memref_squeeze %dma_wait3A_378 : memref<1x64xi32, #tpu.memory_space<vmem>> -> memref<64xi32, #tpu.memory_space<vmem>>
    %dma_wait3A_380 = arith.constant 0 : i32
    %dma_wait3A_381 = arith.constant 0 : i32
    %dma_wait3A_382 = tpu.memref_slice %arg2[%dma_wait3A_380, %dma_wait3A_381] : memref<10000x128xf32, #tpu.memory_space<hbm>> -> memref<10000x128xf32, #tpu.memory_space<hbm>>
    tpu.wait_indirect_dma semaphore(%arg17 : memref<!tpu.dma_semaphore, #tpu.memory_space<semaphore_mem>>) src(%dma_wait3A_382 : memref<10000x128xf32, #tpu.memory_space<hbm>>) dst(%arg12 : memref<64x128xf32, #tpu.memory_space<vmem>>)
    %dma_start3A_383 = arith.constant 39 : i32
    %dma_start3A_384 = arith.constant 0 : i32
    %dma_start3A_385 = tpu.memref_slice %arg8[%dma_start3A_383, %dma_start3A_384] : memref<40x64xi32, #tpu.memory_space<vmem>> -> memref<1x64xi32, #tpu.memory_space<vmem>>
    %dma_start3A_386 = tpu.memref_squeeze %dma_start3A_385 : memref<1x64xi32, #tpu.memory_space<vmem>> -> memref<64xi32, #tpu.memory_space<vmem>>
    %dma_start3A_387 = arith.constant 0 : i32
    %dma_start3A_388 = arith.constant 0 : i32
    %dma_start3A_389 = tpu.memref_slice %arg13[%dma_start3A_387, %dma_start3A_388] : memref<10240x128xf32, #tpu.memory_space<vmem_shared>> -> memref<10240x128xf32, #tpu.memory_space<vmem_shared>>
    tpu.enqueue_indirect_dma source(%arg12 : memref<64x128xf32, #tpu.memory_space<vmem>>) target(%dma_start3A_389 : memref<10240x128xf32, #tpu.memory_space<vmem_shared>>) offsets(%dma_start3A_386 : memref<64xi32, #tpu.memory_space<vmem>>) semaphore(%arg21 : memref<!tpu.dma_semaphore, #tpu.memory_space<semaphore_mem>>) {add = true}
    %dma_wait3A_390 = arith.constant 0 : i32
    %dma_wait3A_391 = arith.constant 0 : i32
    %dma_wait3A_392 = tpu.memref_slice %arg8[%dma_wait3A_390, %dma_wait3A_391] : memref<40x64xi32, #tpu.memory_space<vmem>> -> memref<1x64xi32, #tpu.memory_space<vmem>>
    %dma_wait3A_393 = tpu.memref_squeeze %dma_wait3A_392 : memref<1x64xi32, #tpu.memory_space<vmem>> -> memref<64xi32, #tpu.memory_space<vmem>>
    %dma_wait3A_394 = arith.constant 0 : i32
    %dma_wait3A_395 = arith.constant 0 : i32
    %dma_wait3A_396 = tpu.memref_slice %arg13[%dma_wait3A_394, %dma_wait3A_395] : memref<10240x128xf32, #tpu.memory_space<vmem_shared>> -> memref<10240x128xf32, #tpu.memory_space<vmem_shared>>
    tpu.wait_indirect_dma semaphore(%arg18 : memref<!tpu.dma_semaphore, #tpu.memory_space<semaphore_mem>>) src(%arg9 : memref<64x128xf32, #tpu.memory_space<vmem>>) dst(%dma_wait3A_396 : memref<10240x128xf32, #tpu.memory_space<vmem_shared>>)
    %dma_wait3A_397 = arith.constant 0 : i32
    %dma_wait3A_398 = arith.constant 0 : i32
    %dma_wait3A_399 = tpu.memref_slice %arg8[%dma_wait3A_397, %dma_wait3A_398] : memref<40x64xi32, #tpu.memory_space<vmem>> -> memref<1x64xi32, #tpu.memory_space<vmem>>
    %dma_wait3A_400 = tpu.memref_squeeze %dma_wait3A_399 : memref<1x64xi32, #tpu.memory_space<vmem>> -> memref<64xi32, #tpu.memory_space<vmem>>
    %dma_wait3A_401 = arith.constant 0 : i32
    %dma_wait3A_402 = arith.constant 0 : i32
    %dma_wait3A_403 = tpu.memref_slice %arg13[%dma_wait3A_401, %dma_wait3A_402] : memref<10240x128xf32, #tpu.memory_space<vmem_shared>> -> memref<10240x128xf32, #tpu.memory_space<vmem_shared>>
    tpu.wait_indirect_dma semaphore(%arg19 : memref<!tpu.dma_semaphore, #tpu.memory_space<semaphore_mem>>) src(%arg10 : memref<64x128xf32, #tpu.memory_space<vmem>>) dst(%dma_wait3A_403 : memref<10240x128xf32, #tpu.memory_space<vmem_shared>>)
    %dma_wait3A_404 = arith.constant 0 : i32
    %dma_wait3A_405 = arith.constant 0 : i32
    %dma_wait3A_406 = tpu.memref_slice %arg8[%dma_wait3A_404, %dma_wait3A_405] : memref<40x64xi32, #tpu.memory_space<vmem>> -> memref<1x64xi32, #tpu.memory_space<vmem>>
    %dma_wait3A_407 = tpu.memref_squeeze %dma_wait3A_406 : memref<1x64xi32, #tpu.memory_space<vmem>> -> memref<64xi32, #tpu.memory_space<vmem>>
    %dma_wait3A_408 = arith.constant 0 : i32
    %dma_wait3A_409 = arith.constant 0 : i32
    %dma_wait3A_410 = tpu.memref_slice %arg13[%dma_wait3A_408, %dma_wait3A_409] : memref<10240x128xf32, #tpu.memory_space<vmem_shared>> -> memref<10240x128xf32, #tpu.memory_space<vmem_shared>>
    tpu.wait_indirect_dma semaphore(%arg20 : memref<!tpu.dma_semaphore, #tpu.memory_space<semaphore_mem>>) src(%arg11 : memref<64x128xf32, #tpu.memory_space<vmem>>) dst(%dma_wait3A_410 : memref<10240x128xf32, #tpu.memory_space<vmem_shared>>)
    %dma_wait3A_411 = arith.constant 0 : i32
    %dma_wait3A_412 = arith.constant 0 : i32
    %dma_wait3A_413 = tpu.memref_slice %arg8[%dma_wait3A_411, %dma_wait3A_412] : memref<40x64xi32, #tpu.memory_space<vmem>> -> memref<1x64xi32, #tpu.memory_space<vmem>>
    %dma_wait3A_414 = tpu.memref_squeeze %dma_wait3A_413 : memref<1x64xi32, #tpu.memory_space<vmem>> -> memref<64xi32, #tpu.memory_space<vmem>>
    %dma_wait3A_415 = arith.constant 0 : i32
    %dma_wait3A_416 = arith.constant 0 : i32
    %dma_wait3A_417 = tpu.memref_slice %arg13[%dma_wait3A_415, %dma_wait3A_416] : memref<10240x128xf32, #tpu.memory_space<vmem_shared>> -> memref<10240x128xf32, #tpu.memory_space<vmem_shared>>
    tpu.wait_indirect_dma semaphore(%arg21 : memref<!tpu.dma_semaphore, #tpu.memory_space<semaphore_mem>>) src(%arg12 : memref<64x128xf32, #tpu.memory_space<vmem>>) dst(%dma_wait3A_417 : memref<10240x128xf32, #tpu.memory_space<vmem_shared>>)
    %mul3A_418 = arith.constant 160 : i32
    %mul3A_419 = arith.muli %add3A, %mul3A_418 : i32
    %add3A_420 = arith.constant 120 : i32
    %add3A_421 = arith.addi %mul3A_419, %add3A_420 : i32
    %multiple_of3A_422 = tpu.assume_multiple %add3A_421, 40 : i32
    "tpu.region"() ({
      %run_scoped3A = tpu.sem_alloc : memref<!tpu.dma_semaphore, #tpu.memory_space<semaphore_mem>>
      %dma_start3A_551 = arith.constant 0 : i32
      %dma_start3A_552 = tpu.memref_slice %arg3[%multiple_of3A_422, %dma_start3A_551] : memref<5120x64xi32, #tpu.memory_space<hbm>> -> memref<40x64xi32, #tpu.memory_space<hbm>>
      %dma_start3A_553 = arith.constant 0 : i32
      %dma_start3A_554 = tpu.memref_slice %arg3[%multiple_of3A_422, %dma_start3A_553] : memref<5120x64xi32, #tpu.memory_space<hbm>> -> memref<40x64xi32, #tpu.memory_space<hbm>>
      tpu.enqueue_dma source(%dma_start3A_554 : memref<40x64xi32, #tpu.memory_space<hbm>>) target(%arg7 : memref<40x64xi32, #tpu.memory_space<vmem>>) target_semaphore(%run_scoped3A : memref<!tpu.dma_semaphore, #tpu.memory_space<semaphore_mem>>)
      %dma_wait3A_555 = arith.constant 0 : i32
      %dma_wait3A_556 = tpu.memref_slice %arg3[%multiple_of3A_422, %dma_wait3A_555] : memref<5120x64xi32, #tpu.memory_space<hbm>> -> memref<40x64xi32, #tpu.memory_space<hbm>>
      %dma_wait3A_557 = arith.constant 0 : i32
      %dma_wait3A_558 = tpu.memref_slice %arg3[%multiple_of3A_422, %dma_wait3A_557] : memref<5120x64xi32, #tpu.memory_space<hbm>> -> memref<40x64xi32, #tpu.memory_space<hbm>>
      tpu.wait_dma2 semaphore(%run_scoped3A : memref<!tpu.dma_semaphore, #tpu.memory_space<semaphore_mem>>) src(%dma_wait3A_558 : memref<40x64xi32, #tpu.memory_space<hbm>>) dst(%arg7 : memref<40x64xi32, #tpu.memory_space<vmem>>)
      tpu.yield
    }) : () -> ()
    "tpu.region"() ({
      %run_scoped3A = tpu.sem_alloc : memref<!tpu.dma_semaphore, #tpu.memory_space<semaphore_mem>>
      %dma_start3A_551 = arith.constant 0 : i32
      %dma_start3A_552 = tpu.memref_slice %arg4[%multiple_of3A_422, %dma_start3A_551] : memref<5120x64xi32, #tpu.memory_space<hbm>> -> memref<40x64xi32, #tpu.memory_space<hbm>>
      %dma_start3A_553 = arith.constant 0 : i32
      %dma_start3A_554 = tpu.memref_slice %arg4[%multiple_of3A_422, %dma_start3A_553] : memref<5120x64xi32, #tpu.memory_space<hbm>> -> memref<40x64xi32, #tpu.memory_space<hbm>>
      tpu.enqueue_dma source(%dma_start3A_554 : memref<40x64xi32, #tpu.memory_space<hbm>>) target(%arg8 : memref<40x64xi32, #tpu.memory_space<vmem>>) target_semaphore(%run_scoped3A : memref<!tpu.dma_semaphore, #tpu.memory_space<semaphore_mem>>)
      %dma_wait3A_555 = arith.constant 0 : i32
      %dma_wait3A_556 = tpu.memref_slice %arg4[%multiple_of3A_422, %dma_wait3A_555] : memref<5120x64xi32, #tpu.memory_space<hbm>> -> memref<40x64xi32, #tpu.memory_space<hbm>>
      %dma_wait3A_557 = arith.constant 0 : i32
      %dma_wait3A_558 = tpu.memref_slice %arg4[%multiple_of3A_422, %dma_wait3A_557] : memref<5120x64xi32, #tpu.memory_space<hbm>> -> memref<40x64xi32, #tpu.memory_space<hbm>>
      tpu.wait_dma2 semaphore(%run_scoped3A : memref<!tpu.dma_semaphore, #tpu.memory_space<semaphore_mem>>) src(%dma_wait3A_558 : memref<40x64xi32, #tpu.memory_space<hbm>>) dst(%arg8 : memref<40x64xi32, #tpu.memory_space<vmem>>)
      tpu.yield
    }) : () -> ()
    %dma_start3A_423 = arith.constant 0 : i32
    %dma_start3A_424 = arith.constant 0 : i32
    %dma_start3A_425 = tpu.memref_slice %arg7[%dma_start3A_423, %dma_start3A_424] : memref<40x64xi32, #tpu.memory_space<vmem>> -> memref<1x64xi32, #tpu.memory_space<vmem>>
    %dma_start3A_426 = tpu.memref_squeeze %dma_start3A_425 : memref<1x64xi32, #tpu.memory_space<vmem>> -> memref<64xi32, #tpu.memory_space<vmem>>
    %dma_start3A_427 = arith.constant 0 : i32
    %dma_start3A_428 = arith.constant 0 : i32
    %dma_start3A_429 = tpu.memref_slice %arg2[%dma_start3A_427, %dma_start3A_428] : memref<10000x128xf32, #tpu.memory_space<hbm>> -> memref<10000x128xf32, #tpu.memory_space<hbm>>
    tpu.enqueue_indirect_dma source(%dma_start3A_429 : memref<10000x128xf32, #tpu.memory_space<hbm>>) target(%arg9 : memref<64x128xf32, #tpu.memory_space<vmem>>) offsets(%dma_start3A_426 : memref<64xi32, #tpu.memory_space<vmem>>) semaphore(%arg14 : memref<!tpu.dma_semaphore, #tpu.memory_space<semaphore_mem>>)
    %dma_start3A_430 = arith.constant 1 : i32
    %dma_start3A_431 = arith.constant 0 : i32
    %dma_start3A_432 = tpu.memref_slice %arg7[%dma_start3A_430, %dma_start3A_431] : memref<40x64xi32, #tpu.memory_space<vmem>> -> memref<1x64xi32, #tpu.memory_space<vmem>>
    %dma_start3A_433 = tpu.memref_squeeze %dma_start3A_432 : memref<1x64xi32, #tpu.memory_space<vmem>> -> memref<64xi32, #tpu.memory_space<vmem>>
    %dma_start3A_434 = arith.constant 0 : i32
    %dma_start3A_435 = arith.constant 0 : i32
    %dma_start3A_436 = tpu.memref_slice %arg2[%dma_start3A_434, %dma_start3A_435] : memref<10000x128xf32, #tpu.memory_space<hbm>> -> memref<10000x128xf32, #tpu.memory_space<hbm>>
    tpu.enqueue_indirect_dma source(%dma_start3A_436 : memref<10000x128xf32, #tpu.memory_space<hbm>>) target(%arg10 : memref<64x128xf32, #tpu.memory_space<vmem>>) offsets(%dma_start3A_433 : memref<64xi32, #tpu.memory_space<vmem>>) semaphore(%arg15 : memref<!tpu.dma_semaphore, #tpu.memory_space<semaphore_mem>>)
    %dma_start3A_437 = arith.constant 2 : i32
    %dma_start3A_438 = arith.constant 0 : i32
    %dma_start3A_439 = tpu.memref_slice %arg7[%dma_start3A_437, %dma_start3A_438] : memref<40x64xi32, #tpu.memory_space<vmem>> -> memref<1x64xi32, #tpu.memory_space<vmem>>
    %dma_start3A_440 = tpu.memref_squeeze %dma_start3A_439 : memref<1x64xi32, #tpu.memory_space<vmem>> -> memref<64xi32, #tpu.memory_space<vmem>>
    %dma_start3A_441 = arith.constant 0 : i32
    %dma_start3A_442 = arith.constant 0 : i32
    %dma_start3A_443 = tpu.memref_slice %arg2[%dma_start3A_441, %dma_start3A_442] : memref<10000x128xf32, #tpu.memory_space<hbm>> -> memref<10000x128xf32, #tpu.memory_space<hbm>>
    tpu.enqueue_indirect_dma source(%dma_start3A_443 : memref<10000x128xf32, #tpu.memory_space<hbm>>) target(%arg11 : memref<64x128xf32, #tpu.memory_space<vmem>>) offsets(%dma_start3A_440 : memref<64xi32, #tpu.memory_space<vmem>>) semaphore(%arg16 : memref<!tpu.dma_semaphore, #tpu.memory_space<semaphore_mem>>)
    %dma_start3A_444 = arith.constant 3 : i32
    %dma_start3A_445 = arith.constant 0 : i32
    %dma_start3A_446 = tpu.memref_slice %arg7[%dma_start3A_444, %dma_start3A_445] : memref<40x64xi32, #tpu.memory_space<vmem>> -> memref<1x64xi32, #tpu.memory_space<vmem>>
    %dma_start3A_447 = tpu.memref_squeeze %dma_start3A_446 : memref<1x64xi32, #tpu.memory_space<vmem>> -> memref<64xi32, #tpu.memory_space<vmem>>
    %dma_start3A_448 = arith.constant 0 : i32
    %dma_start3A_449 = arith.constant 0 : i32
    %dma_start3A_450 = tpu.memref_slice %arg2[%dma_start3A_448, %dma_start3A_449] : memref<10000x128xf32, #tpu.memory_space<hbm>> -> memref<10000x128xf32, #tpu.memory_space<hbm>>
    tpu.enqueue_indirect_dma source(%dma_start3A_450 : memref<10000x128xf32, #tpu.memory_space<hbm>>) target(%arg12 : memref<64x128xf32, #tpu.memory_space<vmem>>) offsets(%dma_start3A_447 : memref<64xi32, #tpu.memory_space<vmem>>) semaphore(%arg17 : memref<!tpu.dma_semaphore, #tpu.memory_space<semaphore_mem>>)
    %scan3A_451 = arith.constant 0 : i32
    %scan3A_452 = arith.constant 9 : i32
    %scan3A_453 = arith.addi %scan3A_451, %scan3A_452 : i32
    %scan3A_454 = arith.constant 1 : i32
    scf.for %scan3A_551 = %scan3A_451 to %scan3A_453 step %scan3A_454  : i32 {
      %mul3A_552 = arith.constant 1 : i32
      %mul3A_553 = arith.muli %scan3A_551, %mul3A_552 : i32
      %add3A_554 = arith.constant 0 : i32
      %add3A_555 = arith.addi %add3A_554, %mul3A_553 : i32
      %mul3A_556 = arith.constant 4 : i32
      %mul3A_557 = arith.muli %add3A_555, %mul3A_556 : i32
      %dma_wait3A_558 = arith.constant 0 : i32
      %dma_wait3A_559 = arith.constant 0 : i32
      %dma_wait3A_560 = tpu.memref_slice %arg7[%dma_wait3A_558, %dma_wait3A_559] : memref<40x64xi32, #tpu.memory_space<vmem>> -> memref<1x64xi32, #tpu.memory_space<vmem>>
      %dma_wait3A_561 = tpu.memref_squeeze %dma_wait3A_560 : memref<1x64xi32, #tpu.memory_space<vmem>> -> memref<64xi32, #tpu.memory_space<vmem>>
      %dma_wait3A_562 = arith.constant 0 : i32
      %dma_wait3A_563 = arith.constant 0 : i32
      %dma_wait3A_564 = tpu.memref_slice %arg2[%dma_wait3A_562, %dma_wait3A_563] : memref<10000x128xf32, #tpu.memory_space<hbm>> -> memref<10000x128xf32, #tpu.memory_space<hbm>>
      tpu.wait_indirect_dma semaphore(%arg14 : memref<!tpu.dma_semaphore, #tpu.memory_space<semaphore_mem>>) src(%dma_wait3A_564 : memref<10000x128xf32, #tpu.memory_space<hbm>>) dst(%arg9 : memref<64x128xf32, #tpu.memory_space<vmem>>)
      %add3A_565 = arith.constant 0 : i32
      %add3A_566 = arith.addi %mul3A_557, %add3A_565 : i32
      %dma_start3A_567 = arith.constant 0 : i32
      %dma_start3A_568 = tpu.memref_slice %arg8[%add3A_566, %dma_start3A_567] : memref<40x64xi32, #tpu.memory_space<vmem>> -> memref<1x64xi32, #tpu.memory_space<vmem>>
      %dma_start3A_569 = tpu.memref_squeeze %dma_start3A_568 : memref<1x64xi32, #tpu.memory_space<vmem>> -> memref<64xi32, #tpu.memory_space<vmem>>
      %dma_start3A_570 = arith.constant 0 : i32
      %dma_start3A_571 = arith.constant 0 : i32
      %dma_start3A_572 = tpu.memref_slice %arg13[%dma_start3A_570, %dma_start3A_571] : memref<10240x128xf32, #tpu.memory_space<vmem_shared>> -> memref<10240x128xf32, #tpu.memory_space<vmem_shared>>
      tpu.enqueue_indirect_dma source(%arg9 : memref<64x128xf32, #tpu.memory_space<vmem>>) target(%dma_start3A_572 : memref<10240x128xf32, #tpu.memory_space<vmem_shared>>) offsets(%dma_start3A_569 : memref<64xi32, #tpu.memory_space<vmem>>) semaphore(%arg18 : memref<!tpu.dma_semaphore, #tpu.memory_space<semaphore_mem>>) {add = true}
      %dma_wait3A_573 = arith.constant 0 : i32
      %dma_wait3A_574 = arith.constant 0 : i32
      %dma_wait3A_575 = tpu.memref_slice %arg7[%dma_wait3A_573, %dma_wait3A_574] : memref<40x64xi32, #tpu.memory_space<vmem>> -> memref<1x64xi32, #tpu.memory_space<vmem>>
      %dma_wait3A_576 = tpu.memref_squeeze %dma_wait3A_575 : memref<1x64xi32, #tpu.memory_space<vmem>> -> memref<64xi32, #tpu.memory_space<vmem>>
      %dma_wait3A_577 = arith.constant 0 : i32
      %dma_wait3A_578 = arith.constant 0 : i32
      %dma_wait3A_579 = tpu.memref_slice %arg2[%dma_wait3A_577, %dma_wait3A_578] : memref<10000x128xf32, #tpu.memory_space<hbm>> -> memref<10000x128xf32, #tpu.memory_space<hbm>>
      tpu.wait_indirect_dma semaphore(%arg15 : memref<!tpu.dma_semaphore, #tpu.memory_space<semaphore_mem>>) src(%dma_wait3A_579 : memref<10000x128xf32, #tpu.memory_space<hbm>>) dst(%arg10 : memref<64x128xf32, #tpu.memory_space<vmem>>)
      %add3A_580 = arith.constant 1 : i32
      %add3A_581 = arith.addi %mul3A_557, %add3A_580 : i32
      %dma_start3A_582 = arith.constant 0 : i32
      %dma_start3A_583 = tpu.memref_slice %arg8[%add3A_581, %dma_start3A_582] : memref<40x64xi32, #tpu.memory_space<vmem>> -> memref<1x64xi32, #tpu.memory_space<vmem>>
      %dma_start3A_584 = tpu.memref_squeeze %dma_start3A_583 : memref<1x64xi32, #tpu.memory_space<vmem>> -> memref<64xi32, #tpu.memory_space<vmem>>
      %dma_start3A_585 = arith.constant 0 : i32
      %dma_start3A_586 = arith.constant 0 : i32
      %dma_start3A_587 = tpu.memref_slice %arg13[%dma_start3A_585, %dma_start3A_586] : memref<10240x128xf32, #tpu.memory_space<vmem_shared>> -> memref<10240x128xf32, #tpu.memory_space<vmem_shared>>
      tpu.enqueue_indirect_dma source(%arg10 : memref<64x128xf32, #tpu.memory_space<vmem>>) target(%dma_start3A_587 : memref<10240x128xf32, #tpu.memory_space<vmem_shared>>) offsets(%dma_start3A_584 : memref<64xi32, #tpu.memory_space<vmem>>) semaphore(%arg19 : memref<!tpu.dma_semaphore, #tpu.memory_space<semaphore_mem>>) {add = true}
      %dma_wait3A_588 = arith.constant 0 : i32
      %dma_wait3A_589 = arith.constant 0 : i32
      %dma_wait3A_590 = tpu.memref_slice %arg7[%dma_wait3A_588, %dma_wait3A_589] : memref<40x64xi32, #tpu.memory_space<vmem>> -> memref<1x64xi32, #tpu.memory_space<vmem>>
      %dma_wait3A_591 = tpu.memref_squeeze %dma_wait3A_590 : memref<1x64xi32, #tpu.memory_space<vmem>> -> memref<64xi32, #tpu.memory_space<vmem>>
      %dma_wait3A_592 = arith.constant 0 : i32
      %dma_wait3A_593 = arith.constant 0 : i32
      %dma_wait3A_594 = tpu.memref_slice %arg2[%dma_wait3A_592, %dma_wait3A_593] : memref<10000x128xf32, #tpu.memory_space<hbm>> -> memref<10000x128xf32, #tpu.memory_space<hbm>>
      tpu.wait_indirect_dma semaphore(%arg16 : memref<!tpu.dma_semaphore, #tpu.memory_space<semaphore_mem>>) src(%dma_wait3A_594 : memref<10000x128xf32, #tpu.memory_space<hbm>>) dst(%arg11 : memref<64x128xf32, #tpu.memory_space<vmem>>)
      %add3A_595 = arith.constant 2 : i32
      %add3A_596 = arith.addi %mul3A_557, %add3A_595 : i32
      %dma_start3A_597 = arith.constant 0 : i32
      %dma_start3A_598 = tpu.memref_slice %arg8[%add3A_596, %dma_start3A_597] : memref<40x64xi32, #tpu.memory_space<vmem>> -> memref<1x64xi32, #tpu.memory_space<vmem>>
      %dma_start3A_599 = tpu.memref_squeeze %dma_start3A_598 : memref<1x64xi32, #tpu.memory_space<vmem>> -> memref<64xi32, #tpu.memory_space<vmem>>
      %dma_start3A_600 = arith.constant 0 : i32
      %dma_start3A_601 = arith.constant 0 : i32
      %dma_start3A_602 = tpu.memref_slice %arg13[%dma_start3A_600, %dma_start3A_601] : memref<10240x128xf32, #tpu.memory_space<vmem_shared>> -> memref<10240x128xf32, #tpu.memory_space<vmem_shared>>
      tpu.enqueue_indirect_dma source(%arg11 : memref<64x128xf32, #tpu.memory_space<vmem>>) target(%dma_start3A_602 : memref<10240x128xf32, #tpu.memory_space<vmem_shared>>) offsets(%dma_start3A_599 : memref<64xi32, #tpu.memory_space<vmem>>) semaphore(%arg20 : memref<!tpu.dma_semaphore, #tpu.memory_space<semaphore_mem>>) {add = true}
      %dma_wait3A_603 = arith.constant 0 : i32
      %dma_wait3A_604 = arith.constant 0 : i32
      %dma_wait3A_605 = tpu.memref_slice %arg7[%dma_wait3A_603, %dma_wait3A_604] : memref<40x64xi32, #tpu.memory_space<vmem>> -> memref<1x64xi32, #tpu.memory_space<vmem>>
      %dma_wait3A_606 = tpu.memref_squeeze %dma_wait3A_605 : memref<1x64xi32, #tpu.memory_space<vmem>> -> memref<64xi32, #tpu.memory_space<vmem>>
      %dma_wait3A_607 = arith.constant 0 : i32
      %dma_wait3A_608 = arith.constant 0 : i32
      %dma_wait3A_609 = tpu.memref_slice %arg2[%dma_wait3A_607, %dma_wait3A_608] : memref<10000x128xf32, #tpu.memory_space<hbm>> -> memref<10000x128xf32, #tpu.memory_space<hbm>>
      tpu.wait_indirect_dma semaphore(%arg17 : memref<!tpu.dma_semaphore, #tpu.memory_space<semaphore_mem>>) src(%dma_wait3A_609 : memref<10000x128xf32, #tpu.memory_space<hbm>>) dst(%arg12 : memref<64x128xf32, #tpu.memory_space<vmem>>)
      %add3A_610 = arith.constant 3 : i32
      %add3A_611 = arith.addi %mul3A_557, %add3A_610 : i32
      %dma_start3A_612 = arith.constant 0 : i32
      %dma_start3A_613 = tpu.memref_slice %arg8[%add3A_611, %dma_start3A_612] : memref<40x64xi32, #tpu.memory_space<vmem>> -> memref<1x64xi32, #tpu.memory_space<vmem>>
      %dma_start3A_614 = tpu.memref_squeeze %dma_start3A_613 : memref<1x64xi32, #tpu.memory_space<vmem>> -> memref<64xi32, #tpu.memory_space<vmem>>
      %dma_start3A_615 = arith.constant 0 : i32
      %dma_start3A_616 = arith.constant 0 : i32
      %dma_start3A_617 = tpu.memref_slice %arg13[%dma_start3A_615, %dma_start3A_616] : memref<10240x128xf32, #tpu.memory_space<vmem_shared>> -> memref<10240x128xf32, #tpu.memory_space<vmem_shared>>
      tpu.enqueue_indirect_dma source(%arg12 : memref<64x128xf32, #tpu.memory_space<vmem>>) target(%dma_start3A_617 : memref<10240x128xf32, #tpu.memory_space<vmem_shared>>) offsets(%dma_start3A_614 : memref<64xi32, #tpu.memory_space<vmem>>) semaphore(%arg21 : memref<!tpu.dma_semaphore, #tpu.memory_space<semaphore_mem>>) {add = true}
      %dma_wait3A_618 = arith.constant 0 : i32
      %dma_wait3A_619 = arith.constant 0 : i32
      %dma_wait3A_620 = tpu.memref_slice %arg8[%dma_wait3A_618, %dma_wait3A_619] : memref<40x64xi32, #tpu.memory_space<vmem>> -> memref<1x64xi32, #tpu.memory_space<vmem>>
      %dma_wait3A_621 = tpu.memref_squeeze %dma_wait3A_620 : memref<1x64xi32, #tpu.memory_space<vmem>> -> memref<64xi32, #tpu.memory_space<vmem>>
      %dma_wait3A_622 = arith.constant 0 : i32
      %dma_wait3A_623 = arith.constant 0 : i32
      %dma_wait3A_624 = tpu.memref_slice %arg13[%dma_wait3A_622, %dma_wait3A_623] : memref<10240x128xf32, #tpu.memory_space<vmem_shared>> -> memref<10240x128xf32, #tpu.memory_space<vmem_shared>>
      tpu.wait_indirect_dma semaphore(%arg18 : memref<!tpu.dma_semaphore, #tpu.memory_space<semaphore_mem>>) src(%arg9 : memref<64x128xf32, #tpu.memory_space<vmem>>) dst(%dma_wait3A_624 : memref<10240x128xf32, #tpu.memory_space<vmem_shared>>)
      %add3A_625 = arith.constant 4 : i32
      %add3A_626 = arith.addi %mul3A_557, %add3A_625 : i32
      %add3A_627 = arith.constant 0 : i32
      %add3A_628 = arith.addi %add3A_626, %add3A_627 : i32
      %dma_start3A_629 = arith.constant 0 : i32
      %dma_start3A_630 = tpu.memref_slice %arg7[%add3A_628, %dma_start3A_629] : memref<40x64xi32, #tpu.memory_space<vmem>> -> memref<1x64xi32, #tpu.memory_space<vmem>>
      %dma_start3A_631 = tpu.memref_squeeze %dma_start3A_630 : memref<1x64xi32, #tpu.memory_space<vmem>> -> memref<64xi32, #tpu.memory_space<vmem>>
      %dma_start3A_632 = arith.constant 0 : i32
      %dma_start3A_633 = arith.constant 0 : i32
      %dma_start3A_634 = tpu.memref_slice %arg2[%dma_start3A_632, %dma_start3A_633] : memref<10000x128xf32, #tpu.memory_space<hbm>> -> memref<10000x128xf32, #tpu.memory_space<hbm>>
      tpu.enqueue_indirect_dma source(%dma_start3A_634 : memref<10000x128xf32, #tpu.memory_space<hbm>>) target(%arg9 : memref<64x128xf32, #tpu.memory_space<vmem>>) offsets(%dma_start3A_631 : memref<64xi32, #tpu.memory_space<vmem>>) semaphore(%arg14 : memref<!tpu.dma_semaphore, #tpu.memory_space<semaphore_mem>>)
      %dma_wait3A_635 = arith.constant 0 : i32
      %dma_wait3A_636 = arith.constant 0 : i32
      %dma_wait3A_637 = tpu.memref_slice %arg8[%dma_wait3A_635, %dma_wait3A_636] : memref<40x64xi32, #tpu.memory_space<vmem>> -> memref<1x64xi32, #tpu.memory_space<vmem>>
      %dma_wait3A_638 = tpu.memref_squeeze %dma_wait3A_637 : memref<1x64xi32, #tpu.memory_space<vmem>> -> memref<64xi32, #tpu.memory_space<vmem>>
      %dma_wait3A_639 = arith.constant 0 : i32
      %dma_wait3A_640 = arith.constant 0 : i32
      %dma_wait3A_641 = tpu.memref_slice %arg13[%dma_wait3A_639, %dma_wait3A_640] : memref<10240x128xf32, #tpu.memory_space<vmem_shared>> -> memref<10240x128xf32, #tpu.memory_space<vmem_shared>>
      tpu.wait_indirect_dma semaphore(%arg19 : memref<!tpu.dma_semaphore, #tpu.memory_space<semaphore_mem>>) src(%arg10 : memref<64x128xf32, #tpu.memory_space<vmem>>) dst(%dma_wait3A_641 : memref<10240x128xf32, #tpu.memory_space<vmem_shared>>)
      %add3A_642 = arith.constant 4 : i32
      %add3A_643 = arith.addi %mul3A_557, %add3A_642 : i32
      %add3A_644 = arith.constant 1 : i32
      %add3A_645 = arith.addi %add3A_643, %add3A_644 : i32
      %dma_start3A_646 = arith.constant 0 : i32
      %dma_start3A_647 = tpu.memref_slice %arg7[%add3A_645, %dma_start3A_646] : memref<40x64xi32, #tpu.memory_space<vmem>> -> memref<1x64xi32, #tpu.memory_space<vmem>>
      %dma_start3A_648 = tpu.memref_squeeze %dma_start3A_647 : memref<1x64xi32, #tpu.memory_space<vmem>> -> memref<64xi32, #tpu.memory_space<vmem>>
      %dma_start3A_649 = arith.constant 0 : i32
      %dma_start3A_650 = arith.constant 0 : i32
      %dma_start3A_651 = tpu.memref_slice %arg2[%dma_start3A_649, %dma_start3A_650] : memref<10000x128xf32, #tpu.memory_space<hbm>> -> memref<10000x128xf32, #tpu.memory_space<hbm>>
      tpu.enqueue_indirect_dma source(%dma_start3A_651 : memref<10000x128xf32, #tpu.memory_space<hbm>>) target(%arg10 : memref<64x128xf32, #tpu.memory_space<vmem>>) offsets(%dma_start3A_648 : memref<64xi32, #tpu.memory_space<vmem>>) semaphore(%arg15 : memref<!tpu.dma_semaphore, #tpu.memory_space<semaphore_mem>>)
      %dma_wait3A_652 = arith.constant 0 : i32
      %dma_wait3A_653 = arith.constant 0 : i32
      %dma_wait3A_654 = tpu.memref_slice %arg8[%dma_wait3A_652, %dma_wait3A_653] : memref<40x64xi32, #tpu.memory_space<vmem>> -> memref<1x64xi32, #tpu.memory_space<vmem>>
      %dma_wait3A_655 = tpu.memref_squeeze %dma_wait3A_654 : memref<1x64xi32, #tpu.memory_space<vmem>> -> memref<64xi32, #tpu.memory_space<vmem>>
      %dma_wait3A_656 = arith.constant 0 : i32
      %dma_wait3A_657 = arith.constant 0 : i32
      %dma_wait3A_658 = tpu.memref_slice %arg13[%dma_wait3A_656, %dma_wait3A_657] : memref<10240x128xf32, #tpu.memory_space<vmem_shared>> -> memref<10240x128xf32, #tpu.memory_space<vmem_shared>>
      tpu.wait_indirect_dma semaphore(%arg20 : memref<!tpu.dma_semaphore, #tpu.memory_space<semaphore_mem>>) src(%arg11 : memref<64x128xf32, #tpu.memory_space<vmem>>) dst(%dma_wait3A_658 : memref<10240x128xf32, #tpu.memory_space<vmem_shared>>)
      %add3A_659 = arith.constant 4 : i32
      %add3A_660 = arith.addi %mul3A_557, %add3A_659 : i32
      %add3A_661 = arith.constant 2 : i32
      %add3A_662 = arith.addi %add3A_660, %add3A_661 : i32
      %dma_start3A_663 = arith.constant 0 : i32
      %dma_start3A_664 = tpu.memref_slice %arg7[%add3A_662, %dma_start3A_663] : memref<40x64xi32, #tpu.memory_space<vmem>> -> memref<1x64xi32, #tpu.memory_space<vmem>>
      %dma_start3A_665 = tpu.memref_squeeze %dma_start3A_664 : memref<1x64xi32, #tpu.memory_space<vmem>> -> memref<64xi32, #tpu.memory_space<vmem>>
      %dma_start3A_666 = arith.constant 0 : i32
      %dma_start3A_667 = arith.constant 0 : i32
      %dma_start3A_668 = tpu.memref_slice %arg2[%dma_start3A_666, %dma_start3A_667] : memref<10000x128xf32, #tpu.memory_space<hbm>> -> memref<10000x128xf32, #tpu.memory_space<hbm>>
      tpu.enqueue_indirect_dma source(%dma_start3A_668 : memref<10000x128xf32, #tpu.memory_space<hbm>>) target(%arg11 : memref<64x128xf32, #tpu.memory_space<vmem>>) offsets(%dma_start3A_665 : memref<64xi32, #tpu.memory_space<vmem>>) semaphore(%arg16 : memref<!tpu.dma_semaphore, #tpu.memory_space<semaphore_mem>>)
      %dma_wait3A_669 = arith.constant 0 : i32
      %dma_wait3A_670 = arith.constant 0 : i32
      %dma_wait3A_671 = tpu.memref_slice %arg8[%dma_wait3A_669, %dma_wait3A_670] : memref<40x64xi32, #tpu.memory_space<vmem>> -> memref<1x64xi32, #tpu.memory_space<vmem>>
      %dma_wait3A_672 = tpu.memref_squeeze %dma_wait3A_671 : memref<1x64xi32, #tpu.memory_space<vmem>> -> memref<64xi32, #tpu.memory_space<vmem>>
      %dma_wait3A_673 = arith.constant 0 : i32
      %dma_wait3A_674 = arith.constant 0 : i32
      %dma_wait3A_675 = tpu.memref_slice %arg13[%dma_wait3A_673, %dma_wait3A_674] : memref<10240x128xf32, #tpu.memory_space<vmem_shared>> -> memref<10240x128xf32, #tpu.memory_space<vmem_shared>>
      tpu.wait_indirect_dma semaphore(%arg21 : memref<!tpu.dma_semaphore, #tpu.memory_space<semaphore_mem>>) src(%arg12 : memref<64x128xf32, #tpu.memory_space<vmem>>) dst(%dma_wait3A_675 : memref<10240x128xf32, #tpu.memory_space<vmem_shared>>)
      %add3A_676 = arith.constant 4 : i32
      %add3A_677 = arith.addi %mul3A_557, %add3A_676 : i32
      %add3A_678 = arith.constant 3 : i32
      %add3A_679 = arith.addi %add3A_677, %add3A_678 : i32
      %dma_start3A_680 = arith.constant 0 : i32
      %dma_start3A_681 = tpu.memref_slice %arg7[%add3A_679, %dma_start3A_680] : memref<40x64xi32, #tpu.memory_space<vmem>> -> memref<1x64xi32, #tpu.memory_space<vmem>>
      %dma_start3A_682 = tpu.memref_squeeze %dma_start3A_681 : memref<1x64xi32, #tpu.memory_space<vmem>> -> memref<64xi32, #tpu.memory_space<vmem>>
      %dma_start3A_683 = arith.constant 0 : i32
      %dma_start3A_684 = arith.constant 0 : i32
      %dma_start3A_685 = tpu.memref_slice %arg2[%dma_start3A_683, %dma_start3A_684] : memref<10000x128xf32, #tpu.memory_space<hbm>> -> memref<10000x128xf32, #tpu.memory_space<hbm>>
      tpu.enqueue_indirect_dma source(%dma_start3A_685 : memref<10000x128xf32, #tpu.memory_space<hbm>>) target(%arg12 : memref<64x128xf32, #tpu.memory_space<vmem>>) offsets(%dma_start3A_682 : memref<64xi32, #tpu.memory_space<vmem>>) semaphore(%arg17 : memref<!tpu.dma_semaphore, #tpu.memory_space<semaphore_mem>>)
    }
    %scan3A_455 = arith.constant 9 : i32
    %dma_wait3A_456 = arith.constant 0 : i32
    %dma_wait3A_457 = arith.constant 0 : i32
    %dma_wait3A_458 = tpu.memref_slice %arg7[%dma_wait3A_456, %dma_wait3A_457] : memref<40x64xi32, #tpu.memory_space<vmem>> -> memref<1x64xi32, #tpu.memory_space<vmem>>
    %dma_wait3A_459 = tpu.memref_squeeze %dma_wait3A_458 : memref<1x64xi32, #tpu.memory_space<vmem>> -> memref<64xi32, #tpu.memory_space<vmem>>
    %dma_wait3A_460 = arith.constant 0 : i32
    %dma_wait3A_461 = arith.constant 0 : i32
    %dma_wait3A_462 = tpu.memref_slice %arg2[%dma_wait3A_460, %dma_wait3A_461] : memref<10000x128xf32, #tpu.memory_space<hbm>> -> memref<10000x128xf32, #tpu.memory_space<hbm>>
    tpu.wait_indirect_dma semaphore(%arg14 : memref<!tpu.dma_semaphore, #tpu.memory_space<semaphore_mem>>) src(%dma_wait3A_462 : memref<10000x128xf32, #tpu.memory_space<hbm>>) dst(%arg9 : memref<64x128xf32, #tpu.memory_space<vmem>>)
    %dma_start3A_463 = arith.constant 36 : i32
    %dma_start3A_464 = arith.constant 0 : i32
    %dma_start3A_465 = tpu.memref_slice %arg8[%dma_start3A_463, %dma_start3A_464] : memref<40x64xi32, #tpu.memory_space<vmem>> -> memref<1x64xi32, #tpu.memory_space<vmem>>
    %dma_start3A_466 = tpu.memref_squeeze %dma_start3A_465 : memref<1x64xi32, #tpu.memory_space<vmem>> -> memref<64xi32, #tpu.memory_space<vmem>>
    %dma_start3A_467 = arith.constant 0 : i32
    %dma_start3A_468 = arith.constant 0 : i32
    %dma_start3A_469 = tpu.memref_slice %arg13[%dma_start3A_467, %dma_start3A_468] : memref<10240x128xf32, #tpu.memory_space<vmem_shared>> -> memref<10240x128xf32, #tpu.memory_space<vmem_shared>>
    tpu.enqueue_indirect_dma source(%arg9 : memref<64x128xf32, #tpu.memory_space<vmem>>) target(%dma_start3A_469 : memref<10240x128xf32, #tpu.memory_space<vmem_shared>>) offsets(%dma_start3A_466 : memref<64xi32, #tpu.memory_space<vmem>>) semaphore(%arg18 : memref<!tpu.dma_semaphore, #tpu.memory_space<semaphore_mem>>) {add = true}
    %dma_wait3A_470 = arith.constant 0 : i32
    %dma_wait3A_471 = arith.constant 0 : i32
    %dma_wait3A_472 = tpu.memref_slice %arg7[%dma_wait3A_470, %dma_wait3A_471] : memref<40x64xi32, #tpu.memory_space<vmem>> -> memref<1x64xi32, #tpu.memory_space<vmem>>
    %dma_wait3A_473 = tpu.memref_squeeze %dma_wait3A_472 : memref<1x64xi32, #tpu.memory_space<vmem>> -> memref<64xi32, #tpu.memory_space<vmem>>
    %dma_wait3A_474 = arith.constant 0 : i32
    %dma_wait3A_475 = arith.constant 0 : i32
    %dma_wait3A_476 = tpu.memref_slice %arg2[%dma_wait3A_474, %dma_wait3A_475] : memref<10000x128xf32, #tpu.memory_space<hbm>> -> memref<10000x128xf32, #tpu.memory_space<hbm>>
    tpu.wait_indirect_dma semaphore(%arg15 : memref<!tpu.dma_semaphore, #tpu.memory_space<semaphore_mem>>) src(%dma_wait3A_476 : memref<10000x128xf32, #tpu.memory_space<hbm>>) dst(%arg10 : memref<64x128xf32, #tpu.memory_space<vmem>>)
    %dma_start3A_477 = arith.constant 37 : i32
    %dma_start3A_478 = arith.constant 0 : i32
    %dma_start3A_479 = tpu.memref_slice %arg8[%dma_start3A_477, %dma_start3A_478] : memref<40x64xi32, #tpu.memory_space<vmem>> -> memref<1x64xi32, #tpu.memory_space<vmem>>
    %dma_start3A_480 = tpu.memref_squeeze %dma_start3A_479 : memref<1x64xi32, #tpu.memory_space<vmem>> -> memref<64xi32, #tpu.memory_space<vmem>>
    %dma_start3A_481 = arith.constant 0 : i32
    %dma_start3A_482 = arith.constant 0 : i32
    %dma_start3A_483 = tpu.memref_slice %arg13[%dma_start3A_481, %dma_start3A_482] : memref<10240x128xf32, #tpu.memory_space<vmem_shared>> -> memref<10240x128xf32, #tpu.memory_space<vmem_shared>>
    tpu.enqueue_indirect_dma source(%arg10 : memref<64x128xf32, #tpu.memory_space<vmem>>) target(%dma_start3A_483 : memref<10240x128xf32, #tpu.memory_space<vmem_shared>>) offsets(%dma_start3A_480 : memref<64xi32, #tpu.memory_space<vmem>>) semaphore(%arg19 : memref<!tpu.dma_semaphore, #tpu.memory_space<semaphore_mem>>) {add = true}
    %dma_wait3A_484 = arith.constant 0 : i32
    %dma_wait3A_485 = arith.constant 0 : i32
    %dma_wait3A_486 = tpu.memref_slice %arg7[%dma_wait3A_484, %dma_wait3A_485] : memref<40x64xi32, #tpu.memory_space<vmem>> -> memref<1x64xi32, #tpu.memory_space<vmem>>
    %dma_wait3A_487 = tpu.memref_squeeze %dma_wait3A_486 : memref<1x64xi32, #tpu.memory_space<vmem>> -> memref<64xi32, #tpu.memory_space<vmem>>
    %dma_wait3A_488 = arith.constant 0 : i32
    %dma_wait3A_489 = arith.constant 0 : i32
    %dma_wait3A_490 = tpu.memref_slice %arg2[%dma_wait3A_488, %dma_wait3A_489] : memref<10000x128xf32, #tpu.memory_space<hbm>> -> memref<10000x128xf32, #tpu.memory_space<hbm>>
    tpu.wait_indirect_dma semaphore(%arg16 : memref<!tpu.dma_semaphore, #tpu.memory_space<semaphore_mem>>) src(%dma_wait3A_490 : memref<10000x128xf32, #tpu.memory_space<hbm>>) dst(%arg11 : memref<64x128xf32, #tpu.memory_space<vmem>>)
    %dma_start3A_491 = arith.constant 38 : i32
    %dma_start3A_492 = arith.constant 0 : i32
    %dma_start3A_493 = tpu.memref_slice %arg8[%dma_start3A_491, %dma_start3A_492] : memref<40x64xi32, #tpu.memory_space<vmem>> -> memref<1x64xi32, #tpu.memory_space<vmem>>
    %dma_start3A_494 = tpu.memref_squeeze %dma_start3A_493 : memref<1x64xi32, #tpu.memory_space<vmem>> -> memref<64xi32, #tpu.memory_space<vmem>>
    %dma_start3A_495 = arith.constant 0 : i32
    %dma_start3A_496 = arith.constant 0 : i32
    %dma_start3A_497 = tpu.memref_slice %arg13[%dma_start3A_495, %dma_start3A_496] : memref<10240x128xf32, #tpu.memory_space<vmem_shared>> -> memref<10240x128xf32, #tpu.memory_space<vmem_shared>>
    tpu.enqueue_indirect_dma source(%arg11 : memref<64x128xf32, #tpu.memory_space<vmem>>) target(%dma_start3A_497 : memref<10240x128xf32, #tpu.memory_space<vmem_shared>>) offsets(%dma_start3A_494 : memref<64xi32, #tpu.memory_space<vmem>>) semaphore(%arg20 : memref<!tpu.dma_semaphore, #tpu.memory_space<semaphore_mem>>) {add = true}
    %dma_wait3A_498 = arith.constant 0 : i32
    %dma_wait3A_499 = arith.constant 0 : i32
    %dma_wait3A_500 = tpu.memref_slice %arg7[%dma_wait3A_498, %dma_wait3A_499] : memref<40x64xi32, #tpu.memory_space<vmem>> -> memref<1x64xi32, #tpu.memory_space<vmem>>
    %dma_wait3A_501 = tpu.memref_squeeze %dma_wait3A_500 : memref<1x64xi32, #tpu.memory_space<vmem>> -> memref<64xi32, #tpu.memory_space<vmem>>
    %dma_wait3A_502 = arith.constant 0 : i32
    %dma_wait3A_503 = arith.constant 0 : i32
    %dma_wait3A_504 = tpu.memref_slice %arg2[%dma_wait3A_502, %dma_wait3A_503] : memref<10000x128xf32, #tpu.memory_space<hbm>> -> memref<10000x128xf32, #tpu.memory_space<hbm>>
    tpu.wait_indirect_dma semaphore(%arg17 : memref<!tpu.dma_semaphore, #tpu.memory_space<semaphore_mem>>) src(%dma_wait3A_504 : memref<10000x128xf32, #tpu.memory_space<hbm>>) dst(%arg12 : memref<64x128xf32, #tpu.memory_space<vmem>>)
    %dma_start3A_505 = arith.constant 39 : i32
    %dma_start3A_506 = arith.constant 0 : i32
    %dma_start3A_507 = tpu.memref_slice %arg8[%dma_start3A_505, %dma_start3A_506] : memref<40x64xi32, #tpu.memory_space<vmem>> -> memref<1x64xi32, #tpu.memory_space<vmem>>
    %dma_start3A_508 = tpu.memref_squeeze %dma_start3A_507 : memref<1x64xi32, #tpu.memory_space<vmem>> -> memref<64xi32, #tpu.memory_space<vmem>>
    %dma_start3A_509 = arith.constant 0 : i32
    %dma_start3A_510 = arith.constant 0 : i32
    %dma_start3A_511 = tpu.memref_slice %arg13[%dma_start3A_509, %dma_start3A_510] : memref<10240x128xf32, #tpu.memory_space<vmem_shared>> -> memref<10240x128xf32, #tpu.memory_space<vmem_shared>>
    tpu.enqueue_indirect_dma source(%arg12 : memref<64x128xf32, #tpu.memory_space<vmem>>) target(%dma_start3A_511 : memref<10240x128xf32, #tpu.memory_space<vmem_shared>>) offsets(%dma_start3A_508 : memref<64xi32, #tpu.memory_space<vmem>>) semaphore(%arg21 : memref<!tpu.dma_semaphore, #tpu.memory_space<semaphore_mem>>) {add = true}
    %dma_wait3A_512 = arith.constant 0 : i32
    %dma_wait3A_513 = arith.constant 0 : i32
    %dma_wait3A_514 = tpu.memref_slice %arg8[%dma_wait3A_512, %dma_wait3A_513] : memref<40x64xi32, #tpu.memory_space<vmem>> -> memref<1x64xi32, #tpu.memory_space<vmem>>
    %dma_wait3A_515 = tpu.memref_squeeze %dma_wait3A_514 : memref<1x64xi32, #tpu.memory_space<vmem>> -> memref<64xi32, #tpu.memory_space<vmem>>
    %dma_wait3A_516 = arith.constant 0 : i32
    %dma_wait3A_517 = arith.constant 0 : i32
    %dma_wait3A_518 = tpu.memref_slice %arg13[%dma_wait3A_516, %dma_wait3A_517] : memref<10240x128xf32, #tpu.memory_space<vmem_shared>> -> memref<10240x128xf32, #tpu.memory_space<vmem_shared>>
    tpu.wait_indirect_dma semaphore(%arg18 : memref<!tpu.dma_semaphore, #tpu.memory_space<semaphore_mem>>) src(%arg9 : memref<64x128xf32, #tpu.memory_space<vmem>>) dst(%dma_wait3A_518 : memref<10240x128xf32, #tpu.memory_space<vmem_shared>>)
    %dma_wait3A_519 = arith.constant 0 : i32
    %dma_wait3A_520 = arith.constant 0 : i32
    %dma_wait3A_521 = tpu.memref_slice %arg8[%dma_wait3A_519, %dma_wait3A_520] : memref<40x64xi32, #tpu.memory_space<vmem>> -> memref<1x64xi32, #tpu.memory_space<vmem>>
    %dma_wait3A_522 = tpu.memref_squeeze %dma_wait3A_521 : memref<1x64xi32, #tpu.memory_space<vmem>> -> memref<64xi32, #tpu.memory_space<vmem>>
    %dma_wait3A_523 = arith.constant 0 : i32
    %dma_wait3A_524 = arith.constant 0 : i32
    %dma_wait3A_525 = tpu.memref_slice %arg13[%dma_wait3A_523, %dma_wait3A_524] : memref<10240x128xf32, #tpu.memory_space<vmem_shared>> -> memref<10240x128xf32, #tpu.memory_space<vmem_shared>>
    tpu.wait_indirect_dma semaphore(%arg19 : memref<!tpu.dma_semaphore, #tpu.memory_space<semaphore_mem>>) src(%arg10 : memref<64x128xf32, #tpu.memory_space<vmem>>) dst(%dma_wait3A_525 : memref<10240x128xf32, #tpu.memory_space<vmem_shared>>)
    %dma_wait3A_526 = arith.constant 0 : i32
    %dma_wait3A_527 = arith.constant 0 : i32
    %dma_wait3A_528 = tpu.memref_slice %arg8[%dma_wait3A_526, %dma_wait3A_527] : memref<40x64xi32, #tpu.memory_space<vmem>> -> memref<1x64xi32, #tpu.memory_space<vmem>>
    %dma_wait3A_529 = tpu.memref_squeeze %dma_wait3A_528 : memref<1x64xi32, #tpu.memory_space<vmem>> -> memref<64xi32, #tpu.memory_space<vmem>>
    %dma_wait3A_530 = arith.constant 0 : i32
    %dma_wait3A_531 = arith.constant 0 : i32
    %dma_wait3A_532 = tpu.memref_slice %arg13[%dma_wait3A_530, %dma_wait3A_531] : memref<10240x128xf32, #tpu.memory_space<vmem_shared>> -> memref<10240x128xf32, #tpu.memory_space<vmem_shared>>
    tpu.wait_indirect_dma semaphore(%arg20 : memref<!tpu.dma_semaphore, #tpu.memory_space<semaphore_mem>>) src(%arg11 : memref<64x128xf32, #tpu.memory_space<vmem>>) dst(%dma_wait3A_532 : memref<10240x128xf32, #tpu.memory_space<vmem_shared>>)
    %dma_wait3A_533 = arith.constant 0 : i32
    %dma_wait3A_534 = arith.constant 0 : i32
    %dma_wait3A_535 = tpu.memref_slice %arg8[%dma_wait3A_533, %dma_wait3A_534] : memref<40x64xi32, #tpu.memory_space<vmem>> -> memref<1x64xi32, #tpu.memory_space<vmem>>
    %dma_wait3A_536 = tpu.memref_squeeze %dma_wait3A_535 : memref<1x64xi32, #tpu.memory_space<vmem>> -> memref<64xi32, #tpu.memory_space<vmem>>
    %dma_wait3A_537 = arith.constant 0 : i32
    %dma_wait3A_538 = arith.constant 0 : i32
    %dma_wait3A_539 = tpu.memref_slice %arg13[%dma_wait3A_537, %dma_wait3A_538] : memref<10240x128xf32, #tpu.memory_space<vmem_shared>> -> memref<10240x128xf32, #tpu.memory_space<vmem_shared>>
    tpu.wait_indirect_dma semaphore(%arg21 : memref<!tpu.dma_semaphore, #tpu.memory_space<semaphore_mem>>) src(%arg12 : memref<64x128xf32, #tpu.memory_space<vmem>>) dst(%dma_wait3A_539 : memref<10240x128xf32, #tpu.memory_space<vmem_shared>>)
    %barrier3A_540 = arith.constant 0 : index
    tpu.barrier barrier_id(%barrier3A_540)
    %mul3A_541 = arith.constant 640 : i32
    %mul3A_542 = arith.muli %arg1, %mul3A_541 : i32
    %multiple_of3A_543 = tpu.assume_multiple %mul3A_542, 640 : i32
    %eq3A = arith.constant 0 : i32
    %eq3A_544 = arith.cmpi eq, %arg0, %eq3A : i32
    %convert_element_type3A = arith.extui %eq3A_544 : i1 to i32
    %cond3A = arith.constant 0 : i32
    %cond3A_545 = arith.cmpi ne, %convert_element_type3A, %cond3A : i32
    scf.if %cond3A_545 {
      "tpu.region"() ({
        %run_scoped3A = tpu.sem_alloc : memref<!tpu.dma_semaphore, #tpu.memory_space<semaphore_mem>>
        %dma_start3A_551 = arith.constant 0 : i32
        %dma_start3A_552 = tpu.memref_slice %arg5[%multiple_of3A_543, %dma_start3A_551] : memref<10240x128xf32, #tpu.memory_space<hbm>> -> memref<640x128xf32, #tpu.memory_space<hbm>>
        %dma_start3A_553 = arith.constant 0 : i32
        %dma_start3A_554 = tpu.memref_slice %arg13[%multiple_of3A_543, %dma_start3A_553] : memref<10240x128xf32, #tpu.memory_space<vmem_shared>> -> memref<640x128xf32, #tpu.memory_space<vmem_shared>>
        tpu.enqueue_dma source(%dma_start3A_554 : memref<640x128xf32, #tpu.memory_space<vmem_shared>>) target(%dma_start3A_552 : memref<640x128xf32, #tpu.memory_space<hbm>>) target_semaphore(%run_scoped3A : memref<!tpu.dma_semaphore, #tpu.memory_space<semaphore_mem>>)
        %dma_wait3A_555 = arith.constant 0 : i32
        %dma_wait3A_556 = tpu.memref_slice %arg5[%multiple_of3A_543, %dma_wait3A_555] : memref<10240x128xf32, #tpu.memory_space<hbm>> -> memref<640x128xf32, #tpu.memory_space<hbm>>
        %dma_wait3A_557 = arith.constant 0 : i32
        %dma_wait3A_558 = tpu.memref_slice %arg13[%multiple_of3A_543, %dma_wait3A_557] : memref<10240x128xf32, #tpu.memory_space<vmem_shared>> -> memref<640x128xf32, #tpu.memory_space<vmem_shared>>
        tpu.wait_dma2 semaphore(%run_scoped3A : memref<!tpu.dma_semaphore, #tpu.memory_space<semaphore_mem>>) src(%dma_wait3A_558 : memref<640x128xf32, #tpu.memory_space<vmem_shared>>) dst(%dma_wait3A_556 : memref<640x128xf32, #tpu.memory_space<hbm>>)
        tpu.yield
      }) : () -> ()
    } else {
    }
    %eq3A_546 = arith.constant 1 : i32
    %eq3A_547 = arith.cmpi eq, %arg0, %eq3A_546 : i32
    %convert_element_type3A_548 = arith.extui %eq3A_547 : i1 to i32
    %cond3A_549 = arith.constant 0 : i32
    %cond3A_550 = arith.cmpi ne, %convert_element_type3A_548, %cond3A_549 : i32
    scf.if %cond3A_550 {
      "tpu.region"() ({
        %run_scoped3A = tpu.sem_alloc : memref<!tpu.dma_semaphore, #tpu.memory_space<semaphore_mem>>
        %dma_start3A_551 = arith.constant 0 : i32
        %dma_start3A_552 = tpu.memref_slice %arg6[%multiple_of3A_543, %dma_start3A_551] : memref<10240x128xf32, #tpu.memory_space<hbm>> -> memref<640x128xf32, #tpu.memory_space<hbm>>
        %dma_start3A_553 = arith.constant 0 : i32
        %dma_start3A_554 = tpu.memref_slice %arg13[%multiple_of3A_543, %dma_start3A_553] : memref<10240x128xf32, #tpu.memory_space<vmem_shared>> -> memref<640x128xf32, #tpu.memory_space<vmem_shared>>
        tpu.enqueue_dma source(%dma_start3A_554 : memref<640x128xf32, #tpu.memory_space<vmem_shared>>) target(%dma_start3A_552 : memref<640x128xf32, #tpu.memory_space<hbm>>) target_semaphore(%run_scoped3A : memref<!tpu.dma_semaphore, #tpu.memory_space<semaphore_mem>>)
        %dma_wait3A_555 = arith.constant 0 : i32
        %dma_wait3A_556 = tpu.memref_slice %arg6[%multiple_of3A_543, %dma_wait3A_555] : memref<10240x128xf32, #tpu.memory_space<hbm>> -> memref<640x128xf32, #tpu.memory_space<hbm>>
        %dma_wait3A_557 = arith.constant 0 : i32
        %dma_wait3A_558 = tpu.memref_slice %arg13[%multiple_of3A_543, %dma_wait3A_557] : memref<10240x128xf32, #tpu.memory_space<vmem_shared>> -> memref<640x128xf32, #tpu.memory_space<vmem_shared>>
        tpu.wait_dma2 semaphore(%run_scoped3A : memref<!tpu.dma_semaphore, #tpu.memory_space<semaphore_mem>>) src(%dma_wait3A_558 : memref<640x128xf32, #tpu.memory_space<vmem_shared>>) dst(%dma_wait3A_556 : memref<640x128xf32, #tpu.memory_space<hbm>>)
        tpu.yield
      }) : () -> ()
    } else {
    }
    return
  }
}

module attributes {stable_mosaic.version = 14 : i64} {
  func.func @_t1_body(%arg0: i32, %arg1: memref<1000x128xf32, #tpu.memory_space<vmem>>, %arg2: memref<128x128xf32, #tpu.memory_space<vmem>>, %arg3: memref<1000x1xf32, #tpu.memory_space<vmem>>, %arg4: memref<1000x1xf32, #tpu.memory_space<vmem>>, %arg5: memref<1000x128xf32, #tpu.memory_space<vmem>>, %arg6: memref<1000x1xf32, #tpu.memory_space<vmem>>) attributes {dimension_semantics = [#tpu.dimension_semantics<arbitrary>], iteration_bounds = array<i64: 10>, scalar_prefetch = 0 : i64, scratch_operands = 0 : i64, tpu.core_type = #tpu.core_type<tc>, window_params = [{transform_indices = @transform_0, window_bounds = array<i64: 1000, 128>}, {pipeline_mode = #tpu.pipeline_mode<synchronous>, transform_indices = @transform_1, window_bounds = array<i64: 128, 128>}, {transform_indices = @transform_2, window_bounds = array<i64: 1000, 1>}, {transform_indices = @transform_3, window_bounds = array<i64: 1000, 1>}, {transform_indices = @transform_4, window_bounds = array<i64: 1000, 128>}, {transform_indices = @transform_5, window_bounds = array<i64: 1000, 1>}]} {
    %get3A = arith.constant 0 : index
    %get3A_0 = arith.constant 0 : index
    %get3A_1 = vector.load %arg3[%get3A, %get3A_0] : memref<1000x1xf32, #tpu.memory_space<vmem>>, vector<1000x1xf32>
    %get3A_2 = arith.constant 0 : index
    %get3A_3 = arith.constant 0 : index
    %get3A_4 = vector.load %arg4[%get3A_2, %get3A_3] : memref<1000x1xf32, #tpu.memory_space<vmem>>, vector<1000x1xf32>
    %add3A = arith.addf %get3A_1, %get3A_4 : vector<1000x1xf32>
    %add3A_5 = arith.constant 1.000000e+00 : f32
    %add3A_6 = vector.broadcast %add3A_5 : f32 to vector<1000x1xf32>
    %add3A_7 = arith.addf %add3A, %add3A_6 : vector<1000x1xf32>
    %rsqrt3A = math.rsqrt %add3A_7 : vector<1000x1xf32>
    %swap3A = arith.constant 0 : index
    %swap3A_8 = arith.constant 0 : index
    %swap3A_9 = vector.load %arg6[%swap3A, %swap3A_8] : memref<1000x1xf32, #tpu.memory_space<vmem>>, vector<1000x1xf32>
    tpu.vector_store %arg6[%swap3A, %swap3A_8], %rsqrt3A {strides = array<i32>} : memref<1000x1xf32, #tpu.memory_space<vmem>>, vector<1000x1xf32>,
    %get3A_10 = arith.constant 0 : index
    %get3A_11 = arith.constant 0 : index
    %get3A_12 = vector.load %arg1[%get3A_10, %get3A_11] : memref<1000x128xf32, #tpu.memory_space<vmem>>, vector<1000x128xf32>
    %get3A_13 = arith.constant 0 : index
    %get3A_14 = arith.constant 0 : index
    %get3A_15 = vector.load %arg2[%get3A_13, %get3A_14] : memref<128x128xf32, #tpu.memory_space<vmem>>, vector<128x128xf32>
    %dot_general3A = arith.constant dense<0.000000e+00> : vector<1000x128xf32>
    %dot_general3A_16 = tpu.matmul %get3A_12, %get3A_15, %dot_general3A {dimension_numbers = #tpu.dot_dimension_numbers<[1], [0], [0], [1], [0, 0, 1, 1], [], []>, transpose_lhs_hint = false} : vector<1000x128xf32>, vector<128x128xf32>, vector<1000x128xf32> -> vector<1000x128xf32>
    %mul3A = vector.broadcast %rsqrt3A : vector<1000x1xf32> to vector<1000x128xf32>
    %mul3A_17 = arith.mulf %dot_general3A_16, %mul3A : vector<1000x128xf32>
    %swap3A_18 = arith.constant 0 : index
    %swap3A_19 = arith.constant 0 : index
    %swap3A_20 = vector.load %arg5[%swap3A_18, %swap3A_19] : memref<1000x128xf32, #tpu.memory_space<vmem>>, vector<1000x128xf32>
    tpu.vector_store %arg5[%swap3A_18, %swap3A_19], %mul3A_17 {strides = array<i32>} : memref<1000x128xf32, #tpu.memory_space<vmem>>, vector<1000x128xf32>,
    return
  }
  func.func @transform_0(%arg0: i32) -> (i32, i32) {
    %c0_i32 = arith.constant 0 : i32
    %c0_i32_0 = arith.constant 0 : i32
    return %arg0, %c0_i32 : i32, i32
  }
  func.func @transform_1(%arg0: i32) -> (i32, i32) {
    %c0_i32 = arith.constant 0 : i32
    %c0_i32_0 = arith.constant 0 : i32
    %c0_i32_1 = arith.constant 0 : i32
    return %c0_i32, %c0_i32_0 : i32, i32
  }
  func.func @transform_2(%arg0: i32) -> (i32, i32) {
    %c0_i32 = arith.constant 0 : i32
    %c0_i32_0 = arith.constant 0 : i32
    return %arg0, %c0_i32 : i32, i32
  }
  func.func @transform_3(%arg0: i32) -> (i32, i32) {
    %c0_i32 = arith.constant 0 : i32
    %c0_i32_0 = arith.constant 0 : i32
    return %arg0, %c0_i32 : i32, i32
  }
  func.func @transform_4(%arg0: i32) -> (i32, i32) {
    %c0_i32 = arith.constant 0 : i32
    %c0_i32_0 = arith.constant 0 : i32
    return %arg0, %c0_i32 : i32, i32
  }
  func.func @transform_5(%arg0: i32) -> (i32, i32) {
    %c0_i32 = arith.constant 0 : i32
    %c0_i32_0 = arith.constant 0 : i32
    return %arg0, %c0_i32 : i32, i32
  }
}

module attributes {stable_mosaic.version = 14 : i64} {
  func.func @_t2_body(%arg0: i32, %arg1: memref<1000x128xf32, #tpu.memory_space<vmem>>, %arg2: memref<1000x128xf32, #tpu.memory_space<vmem>>, %arg3: memref<1000x128xf32, #tpu.memory_space<vmem>>, %arg4: memref<1000x1xf32, #tpu.memory_space<vmem>>, %arg5: memref<1000x128xf32, #tpu.memory_space<vmem>>, %arg6: memref<1x128xf32, #tpu.memory_space<vmem>>, %arg7: memref<128x128xf32, #tpu.memory_space<vmem>>, %arg8: memref<1000x128xf32, #tpu.memory_space<vmem>>) attributes {dimension_semantics = [#tpu.dimension_semantics<arbitrary>], iteration_bounds = array<i64: 10>, scalar_prefetch = 0 : i64, scratch_operands = 0 : i64, tpu.core_type = #tpu.core_type<tc>, window_params = [{transform_indices = @transform_0, window_bounds = array<i64: 1000, 128>}, {transform_indices = @transform_1, window_bounds = array<i64: 1000, 128>}, {transform_indices = @transform_2, window_bounds = array<i64: 1000, 128>}, {transform_indices = @transform_3, window_bounds = array<i64: 1000, 1>}, {transform_indices = @transform_4, window_bounds = array<i64: 1000, 128>}, {pipeline_mode = #tpu.pipeline_mode<synchronous>, transform_indices = @transform_5, window_bounds = array<i64: 1, 128>}, {pipeline_mode = #tpu.pipeline_mode<synchronous>, transform_indices = @transform_6, window_bounds = array<i64: 128, 128>}, {transform_indices = @transform_7, window_bounds = array<i64: 1000, 128>}]} {
    %get3A = arith.constant 0 : index
    %get3A_0 = arith.constant 0 : index
    %get3A_1 = vector.load %arg4[%get3A, %get3A_0] : memref<1000x1xf32, #tpu.memory_space<vmem>>, vector<1000x1xf32>
    %get3A_2 = arith.constant 0 : index
    %get3A_3 = arith.constant 0 : index
    %get3A_4 = vector.load %arg1[%get3A_2, %get3A_3] : memref<1000x128xf32, #tpu.memory_space<vmem>>, vector<1000x128xf32>
    %get3A_5 = arith.constant 0 : index
    %get3A_6 = arith.constant 0 : index
    %get3A_7 = vector.load %arg2[%get3A_5, %get3A_6] : memref<1000x128xf32, #tpu.memory_space<vmem>>, vector<1000x128xf32>
    %add3A = arith.addf %get3A_4, %get3A_7 : vector<1000x128xf32>
    %get3A_8 = arith.constant 0 : index
    %get3A_9 = arith.constant 0 : index
    %get3A_10 = vector.load %arg3[%get3A_8, %get3A_9] : memref<1000x128xf32, #tpu.memory_space<vmem>>, vector<1000x128xf32>
    %add3A_11 = arith.addf %add3A, %get3A_10 : vector<1000x128xf32>
    %mul3A = vector.broadcast %get3A_1 : vector<1000x1xf32> to vector<1000x128xf32>
    %mul3A_12 = arith.mulf %mul3A, %add3A_11 : vector<1000x128xf32>
    %get3A_13 = arith.constant 0 : index
    %get3A_14 = arith.constant 0 : index
    %get3A_15 = vector.load %arg6[%get3A_13, %get3A_14] : memref<1x128xf32, #tpu.memory_space<vmem>>, vector<1x128xf32>
    %add3A_16 = vector.broadcast %get3A_15 : vector<1x128xf32> to vector<1000x128xf32>
    %add3A_17 = arith.addf %mul3A_12, %add3A_16 : vector<1000x128xf32>
    %get3A_18 = arith.constant 0 : index
    %get3A_19 = arith.constant 0 : index
    %get3A_20 = vector.load %arg5[%get3A_18, %get3A_19] : memref<1000x128xf32, #tpu.memory_space<vmem>>, vector<1000x128xf32>
    %add3A_21 = arith.addf %add3A_17, %get3A_20 : vector<1000x128xf32>
    %max3A = arith.constant 0.000000e+00 : f32
    %max3A_22 = vector.broadcast %max3A : f32 to vector<1000x128xf32>
    %max3A_23 = arith.maximumf %add3A_21, %max3A_22 : vector<1000x128xf32>
    %get3A_24 = arith.constant 0 : index
    %get3A_25 = arith.constant 0 : index
    %get3A_26 = vector.load %arg7[%get3A_24, %get3A_25] : memref<128x128xf32, #tpu.memory_space<vmem>>, vector<128x128xf32>
    %dot_general3A = arith.constant dense<0.000000e+00> : vector<1000x128xf32>
    %dot_general3A_27 = tpu.matmul %max3A_23, %get3A_26, %dot_general3A {dimension_numbers = #tpu.dot_dimension_numbers<[1], [0], [0], [1], [0, 0, 1, 1], [], []>, transpose_lhs_hint = false} : vector<1000x128xf32>, vector<128x128xf32>, vector<1000x128xf32> -> vector<1000x128xf32>
    %mul3A_28 = vector.broadcast %get3A_1 : vector<1000x1xf32> to vector<1000x128xf32>
    %mul3A_29 = arith.mulf %dot_general3A_27, %mul3A_28 : vector<1000x128xf32>
    %swap3A = arith.constant 0 : index
    %swap3A_30 = arith.constant 0 : index
    %swap3A_31 = vector.load %arg8[%swap3A, %swap3A_30] : memref<1000x128xf32, #tpu.memory_space<vmem>>, vector<1000x128xf32>
    tpu.vector_store %arg8[%swap3A, %swap3A_30], %mul3A_29 {strides = array<i32>} : memref<1000x128xf32, #tpu.memory_space<vmem>>, vector<1000x128xf32>,
    return
  }
  func.func @transform_0(%arg0: i32) -> (i32, i32) {
    %c0_i32 = arith.constant 0 : i32
    %c0_i32_0 = arith.constant 0 : i32
    return %arg0, %c0_i32 : i32, i32
  }
  func.func @transform_1(%arg0: i32) -> (i32, i32) {
    %c0_i32 = arith.constant 0 : i32
    %c0_i32_0 = arith.constant 0 : i32
    return %arg0, %c0_i32 : i32, i32
  }
  func.func @transform_2(%arg0: i32) -> (i32, i32) {
    %c0_i32 = arith.constant 0 : i32
    %c0_i32_0 = arith.constant 0 : i32
    return %arg0, %c0_i32 : i32, i32
  }
  func.func @transform_3(%arg0: i32) -> (i32, i32) {
    %c0_i32 = arith.constant 0 : i32
    %c0_i32_0 = arith.constant 0 : i32
    return %arg0, %c0_i32 : i32, i32
  }
  func.func @transform_4(%arg0: i32) -> (i32, i32) {
    %c0_i32 = arith.constant 0 : i32
    %c0_i32_0 = arith.constant 0 : i32
    return %arg0, %c0_i32 : i32, i32
  }
  func.func @transform_5(%arg0: i32) -> (i32, i32) {
    %c0_i32 = arith.constant 0 : i32
    %c0_i32_0 = arith.constant 0 : i32
    %c0_i32_1 = arith.constant 0 : i32
    return %c0_i32, %c0_i32_0 : i32, i32
  }
  func.func @transform_6(%arg0: i32) -> (i32, i32) {
    %c0_i32 = arith.constant 0 : i32
    %c0_i32_0 = arith.constant 0 : i32
    %c0_i32_1 = arith.constant 0 : i32
    return %c0_i32, %c0_i32_0 : i32, i32
  }
  func.func @transform_7(%arg0: i32) -> (i32, i32) {
    %c0_i32 = arith.constant 0 : i32
    %c0_i32_0 = arith.constant 0 : i32
    return %arg0, %c0_i32 : i32, i32
  }
}

module attributes {stable_mosaic.version = 14 : i64} {
  func.func @_t3_body(%arg0: i32, %arg1: memref<1000x128xf32, #tpu.memory_space<vmem>>, %arg2: memref<1000x128xf32, #tpu.memory_space<vmem>>, %arg3: memref<1000x128xf32, #tpu.memory_space<vmem>>, %arg4: memref<1000x1xf32, #tpu.memory_space<vmem>>, %arg5: memref<1x128xf32, #tpu.memory_space<vmem>>, %arg6: memref<1000x128xf32, #tpu.memory_space<vmem>>) attributes {dimension_semantics = [#tpu.dimension_semantics<arbitrary>], iteration_bounds = array<i64: 10>, scalar_prefetch = 0 : i64, scratch_operands = 0 : i64, tpu.core_type = #tpu.core_type<tc>, window_params = [{transform_indices = @transform_0, window_bounds = array<i64: 1000, 128>}, {transform_indices = @transform_1, window_bounds = array<i64: 1000, 128>}, {transform_indices = @transform_2, window_bounds = array<i64: 1000, 128>}, {transform_indices = @transform_3, window_bounds = array<i64: 1000, 1>}, {pipeline_mode = #tpu.pipeline_mode<synchronous>, transform_indices = @transform_4, window_bounds = array<i64: 1, 128>}, {transform_indices = @transform_5, window_bounds = array<i64: 1000, 128>}]} {
    %get3A = arith.constant 0 : index
    %get3A_0 = arith.constant 0 : index
    %get3A_1 = vector.load %arg4[%get3A, %get3A_0] : memref<1000x1xf32, #tpu.memory_space<vmem>>, vector<1000x1xf32>
    %get3A_2 = arith.constant 0 : index
    %get3A_3 = arith.constant 0 : index
    %get3A_4 = vector.load %arg1[%get3A_2, %get3A_3] : memref<1000x128xf32, #tpu.memory_space<vmem>>, vector<1000x128xf32>
    %get3A_5 = arith.constant 0 : index
    %get3A_6 = arith.constant 0 : index
    %get3A_7 = vector.load %arg2[%get3A_5, %get3A_6] : memref<1000x128xf32, #tpu.memory_space<vmem>>, vector<1000x128xf32>
    %add3A = arith.addf %get3A_4, %get3A_7 : vector<1000x128xf32>
    %get3A_8 = arith.constant 0 : index
    %get3A_9 = arith.constant 0 : index
    %get3A_10 = vector.load %arg3[%get3A_8, %get3A_9] : memref<1000x128xf32, #tpu.memory_space<vmem>>, vector<1000x128xf32>
    %add3A_11 = arith.addf %add3A, %get3A_10 : vector<1000x128xf32>
    %mul3A = vector.broadcast %get3A_1 : vector<1000x1xf32> to vector<1000x128xf32>
    %mul3A_12 = arith.mulf %mul3A, %add3A_11 : vector<1000x128xf32>
    %get3A_13 = arith.constant 0 : index
    %get3A_14 = arith.constant 0 : index
    %get3A_15 = vector.load %arg5[%get3A_13, %get3A_14] : memref<1x128xf32, #tpu.memory_space<vmem>>, vector<1x128xf32>
    %add3A_16 = vector.broadcast %get3A_15 : vector<1x128xf32> to vector<1000x128xf32>
    %add3A_17 = arith.addf %mul3A_12, %add3A_16 : vector<1000x128xf32>
    %swap3A = arith.constant 0 : index
    %swap3A_18 = arith.constant 0 : index
    %swap3A_19 = vector.load %arg6[%swap3A, %swap3A_18] : memref<1000x128xf32, #tpu.memory_space<vmem>>, vector<1000x128xf32>
    tpu.vector_store %arg6[%swap3A, %swap3A_18], %add3A_17 {strides = array<i32>} : memref<1000x128xf32, #tpu.memory_space<vmem>>, vector<1000x128xf32>,
    return
  }
  func.func @transform_0(%arg0: i32) -> (i32, i32) {
    %c0_i32 = arith.constant 0 : i32
    %c0_i32_0 = arith.constant 0 : i32
    return %arg0, %c0_i32 : i32, i32
  }
  func.func @transform_1(%arg0: i32) -> (i32, i32) {
    %c0_i32 = arith.constant 0 : i32
    %c0_i32_0 = arith.constant 0 : i32
    return %arg0, %c0_i32 : i32, i32
  }
  func.func @transform_2(%arg0: i32) -> (i32, i32) {
    %c0_i32 = arith.constant 0 : i32
    %c0_i32_0 = arith.constant 0 : i32
    return %arg0, %c0_i32 : i32, i32
  }
  func.func @transform_3(%arg0: i32) -> (i32, i32) {
    %c0_i32 = arith.constant 0 : i32
    %c0_i32_0 = arith.constant 0 : i32
    return %arg0, %c0_i32 : i32, i32
  }
  func.func @transform_4(%arg0: i32) -> (i32, i32) {
    %c0_i32 = arith.constant 0 : i32
    %c0_i32_0 = arith.constant 0 : i32
    %c0_i32_1 = arith.constant 0 : i32
    return %c0_i32, %c0_i32_0 : i32, i32
  }
  func.func @transform_5(%arg0: i32) -> (i32, i32) {
    %c0_i32 = arith.constant 0 : i32
    %c0_i32_0 = arith.constant 0 : i32
    return %arg0, %c0_i32 : i32, i32
  }
}

</mosaic_0001>

<sc_bundles>
// kernel: kernel.11.cloned.1.call-start
scs
__scs_entry_jumppad:
0x0: {  	(pc) =	sbr.rel $0x88, $3  }
0x1: {  	(tag) =	ssettag $0x0;
	lr =	simm.s32 $0x1  }
0x2: {  	[smem:$0x3F9B] =	sst lr;
	_ =	strace $0xD0000000  }
0x3: {  	_ = 	snop  }
0x4: {  	_ = 	snop  }
0x5: {  	_ = 	snop  }
0x6: {  	_ = 	snop  }
0x7: {  	_ = 	snop  }
__scs_overlays_trampoline_lowered:
0x8: {  	[smem:$0x3FAA] =	sst s0  }
0x9: {  	[smem:$0x3FAB] =	sst s1  }
0xa: {  	[smem:$0x3FAC] =	sst s2  }
0xb: {  	[smem:$0x3FAD] =	sst s3  }
0xc: {  	[smem:$0x3FAE] =	sst s4  }
0xd: {  	[smem:$0x3FAF] =	sst s5  }
0xe: {  	[smem:$0x3FB0] =	sst s6  }
0xf: {  	[smem:$0x3FB1] =	sst s7  }
0x10: {  	[smem:$0x3FB2] =	sst s8  }
0x11: {  	[smem:$0x3FB3] =	sst s9;
	s0 =	simm.s32 @!p0 $0x0  }
0x12: {  	s1 =	sld [smem:$0x3F99];
	s0 =	simm.s32 @p0 $0x1  }
0x13: {  	[smem:$0x3FB4] =	sst s0;
	s0 =	simm.s32 @!p1 $0x0  }
0x14: {  	s2 =	sld [smem:$0x3F98];
	s0 =	simm.s32 @p1 $0x1  }
0x15: {  	[smem:$0x3FB5] =	sst s0;
	s0 =	simm.s32 @!p2 $0x0  }
0x16: {  	s3 =	sld [smem:$0x3FDB];
	s0 =	simm.s32 @p2 $0x1  }
0x17: {  	s4 =	simm.s32 $0x1BF5;
	[smem:$0x3FB7] =	sst s0  }
0x18: {  	s0 =	sld [smem:$0x3F9A];
	_ =	swait.ge [sflag:s4], $0x0  }
0x19: {  	s7 =	sld [smem:$0x3F9B]  }
0x1a: {  	s8 =	sadd.s32 $0xFFFFE003, lr  }
0x1b: {  	s9 =	sadd.s32 $0xFFFFFEF7, lr;
	s5 =	simm.s32 $0xFFFFFFFF;
	p2 =	slt.u32 s8, $0xFFFFF086  }
0x1c: {  	p1 =	slt.u32 s9, $0xF7A;
	s5 =	simm.s32 @!p2 $0x0  }
0x1d: {  	s5 =	simm.s32 @p1 $0x1;
	p0 =	seq.s32 s7, s2  }
0x1e: {  	s7 =	smul.u32 @!p0 $0xF7A, s2;
	p2 =	seq.s32 @!p0 s5, $0x0  }
0x1f: {  	s9 =	smul.u32 $0xF7A, s1;
	s8 =	simm.s32 @!p0 $0x1BF5;
	p2 =	por !p2, p0  }
0x20: {  	[sflag:s8] =	ssyncset.s32 @!p0 $0xFFFFF086;
	s6 =	sadd.s32 @!p0 s3, s7;
	s7 =	simm.s32 @!p0 $0x108  }
0x21: {  	s3 =	sadd.s32 s3, s9;
	s6 =	sadd.s32 @!p0 $0x88, s6;
	s7 =	simm.s32 @p2 $0x1082  }
0x22: {  	[simem:s7], [sflag:s8] =	dma.local @!p0 [hbm:s6], $0xF7A  }
0x23: {  	s9 =	sor.u32 $0xD0000000, s2;
	s6 =	simm.s32 $0x108;
	_ =	swait.ge @!p0 [sflag:s8], $0x0  }
0x24: {  	s3 =	sadd.s32 $0x88, s3;
	s6 =	simm.s32 @!p1 $0x1082;
	[sflag:s4] =	ssyncset.s32 $0xFFFFF086  }
0x25: {  	[simem:s6], [sflag:s4] =	dma.local [hbm:s3], $0xF7A  }
0x26: {  	[smem:$0x3F9B] =	sst s1;
	(tag) =	ssettag s2;
	_ =	strace s9  }
0x27: {  	s1 =	sld [smem:$0x3FAB]  }
0x28: {  	s2 =	sld [smem:$0x3FAC]  }
0x29: {  	s4 =	sld [smem:$0x3FAE]  }
0x2a: {  	p0 =	seq.s32 s5, $0x0;
	s5 =	sld [smem:$0x3FAF]  }
0x2b: {  	s6 =	sld [smem:$0x3FB0]  }
0x2c: {  	s7 =	sld [smem:$0x3FB1]  }
0x2d: {  	s3 =	simm.s32 $0x108;
	s8 =	sld [smem:$0x3FB2]  }
0x2e: {  	s3 =	simm.s32 @!p0 $0x1082;
	s9 =	sld [smem:$0x3FB3]  }
0x2f: {  	lr =	sadd.s32 s0, s3;
	s0 =	sld [smem:$0x3FAA]  }
0x30: {  	s3 =	sld [smem:$0x3FAD]  }
0x31: {  	[smem:$0x3FB6] =	sst s10  }
0x32: {  	s10 =	sld [smem:$0x3FB4];
	_ =	sdelay $0x3  }
0x33: {  	p0 =	seq.s32 s10, $0x1;
	s10 =	sld [smem:$0x3FB6];
	_ =	sdelay $0x3  }
0x34: {  	[smem:$0x3FB6] =	sst s10  }
0x35: {  	s10 =	sld [smem:$0x3FB5];
	_ =	sdelay $0x3  }
0x36: {  	p1 =	seq.s32 s10, $0x1;
	s10 =	sld [smem:$0x3FB6];
	_ =	sdelay $0x3  }
0x37: {  	[smem:$0x3FB6] =	sst s10  }
0x38: {  	s10 =	sld [smem:$0x3FB7]  }
0x39: {  	_ = 	snop;
	(pc) =	sbr.ind lr, $3  }
0x3a: {  	_ = 	snop  }
0x3b: {  	_ = 	snop  }
0x3c: {  	p2 =	seq.s32 s10, $0x1;
	s10 =	sld [smem:$0x3FB6]  }
0x3d: {  	_ =	shalt  }
0x3e: {  	_ =	shalt  }
0x3f: {  	_ =	shalt  }
0x40: {  	_ =	shalt  }
0x41: {  	_ =	shalt  }
0x42: {  	_ =	shalt  }
0x43: {  	_ =	shalt  }
0x44: {  	_ =	shalt  }
0x45: {  	_ =	shalt  }
0x46: {  	_ =	shalt  }
0x47: {  	_ =	shalt  }
0x48: {  	_ =	shalt  }
0x49: {  	_ =	shalt  }
0x4a: {  	_ =	shalt  }
0x4b: {  	_ =	shalt  }
0x4c: {  	_ =	shalt  }
0x4d: {  	_ =	shalt  }
0x4e: {  	_ =	shalt  }
0x4f: {  	_ =	shalt  }
0x50: {  	_ =	shalt  }
0x51: {  	_ =	shalt  }
0x52: {  	_ =	shalt  }
0x53: {  	_ =	shalt  }
0x54: {  	_ =	shalt  }
0x55: {  	_ =	shalt  }
0x56: {  	_ =	shalt  }
0x57: {  	_ =	shalt  }
0x58: {  	_ =	shalt  }
0x59: {  	_ =	shalt  }
0x5a: {  	_ =	shalt  }
0x5b: {  	_ =	shalt  }
0x5c: {  	_ =	shalt  }
0x5d: {  	_ =	shalt  }
0x5e: {  	_ =	shalt  }
0x5f: {  	_ =	shalt  }
0x60: {  	_ =	shalt  }
0x61: {  	_ =	shalt  }
0x62: {  	_ =	shalt  }
0x63: {  	_ =	shalt  }
0x64: {  	_ =	shalt  }
0x65: {  	_ =	shalt  }
0x66: {  	_ =	shalt  }
0x67: {  	_ =	shalt  }
0x68: {  	_ =	shalt  }
0x69: {  	_ =	shalt  }
0x6a: {  	_ =	shalt  }
0x6b: {  	_ =	shalt  }
0x6c: {  	_ =	shalt  }
0x6d: {  	_ =	shalt  }
0x6e: {  	_ =	shalt  }
0x6f: {  	_ =	shalt  }
0x70: {  	_ =	shalt  }
0x71: {  	_ =	shalt  }
0x72: {  	_ =	shalt  }
0x73: {  	_ =	shalt  }
0x74: {  	_ =	shalt  }
0x75: {  	_ =	shalt  }
0x76: {  	_ =	shalt  }
0x77: {  	_ =	shalt  }
0x78: {  	_ =	shalt  }
0x79: {  	_ =	shalt  }
0x7a: {  	_ =	shalt  }
0x7b: {  	_ =	shalt  }
0x7c: {  	_ =	shalt  }
0x7d: {  	_ =	shalt  }
0x7e: {  	_ =	shalt  }
0x7f: {  	_ =	shalt  }
0x80: {  	_ =	shalt  }
0x81: {  	_ =	shalt  }
0x82: {  	_ =	shalt  }
0x83: {  	_ =	shalt  }
0x84: {  	_ =	shalt  }
0x85: {  	_ =	shalt  }
0x86: {  	_ =	shalt  }
0x87: {  	_ =	shalt  }
.Lfunc_end0:
.L_simem_size_0:
called_computation.1_lowered:
.L_overlay_start_0:
0x88: {  	s2 =	sld [smem:$0x3FD9]  }
0x89: {  	s3 =	sld [smem:$0x3FFE];
	_ =	sdelay $0x1  }
0x8a: {  	s1 =	srdreg.scid  }
0x8b: {  	s0 =	sand.u32 $0x1, s1  }
0x8c: {  	s17 =	sshll.u32 s0, $0xA;
	s2 =	sadd.s32 s3, s2  }
0x8d: {  	s2 =	sadd.s32 s2, s17  }
0x8e: {  	[smem:$0x3FC2] =	sst s2  }
0x8f: {  	_ = 	snop  }
0x90: {  	s2 =	sld [smem:$0x3FD0];
	(tm) =	ssettm $0x1  }
0x91: {  	s18 =	sld [smem:$0x3FFB];
	_ =	sdelay $0x3  }
0x92: {  	_ =	strace s18  }
0x93: {  	s3 =	sld [smem:$0x3FFC];
	_ =	sdelay $0x3  }
0x94: {  	_ =	strace s3  }
0x95: {  	s3 =	sld [smem:$0x3FFD];
	_ =	sdelay $0x3  }
0x96: {  	_ =	strace s3  }
0x97: {  	_ =	strace $0x8FFFFFFF  }
0x98: {  	s19 =	sld [smem:$0x3FDB];
	_ =	sdelay $0x1  }
0x99: {  	s4 =	simm.s32 $_scs_section_size  }
0x9a: {  	s5 =	simm.s32 $_size__tile_overlayer_lowered;
	s6 =	simm.s32 $_tile_overlayer_lowered  }
0x9b: {  	s22 =	simm.s32 $0x1BFF;
	s21 =	sshll.u32 s6, $0x1;
	s3 =	sadd.s32 s4, s19  }
0x9c: {  	s7 =	simm.s32 $0x0;
	s20 =	sshll.u32 s5, $0x1;
	s5 =	sadd.s32 s21, s3  }
0x9d: {  	[timem:s7], [sflag:s22] =	dma.local [hbm:s5], s20  }
0x9e: {  	_ =	swait.ge [sflag:s22], s20  }
0x9f: {  	s4 =	ssub.s32 $0x0, s20;
	[sflag:s22] =	ssyncset.done $0x0  }
0xa0: {  	[sflag:s22] =	ssyncadd.s32 s4;
	_ =	sdelay $0x1  }
0xa1: {  	s23 =	simm.s32 $0x1B8B  }
0xa2: {  	_ =	swait.ge [sflag:s23], $0x1  }
0xa3: {  	[sflag:s23] =	ssyncset.done $0x0  }
0xa4: {  	s25 =	simm.s32 $0x1B8E;
	s24 =	sld [smem:$0x3FFE];
	[sflag:s23] =	ssyncadd.s32 $0xFFFFFFFF  }
0xa5: {  	s26 =	simm.s32 $execute0_lowered;
	[smem:$0x3FD2] =	sst s25  }
0xa6: {  	s5 =	sshll.u32 s26, $0x1;
	_ =	strace $0x80000049;
	[dreg:$0x1] =	wrdreg $0xFFFFFFFF  }
0xa7: {  	s28 =	simm.s32 $_size_execute0_lowered;
	s3 =	sadd.s32 s3, s5;
	[dreg:$0x0] =	wrdreg $0x0  }
0xa8: {  	s5 =	sshll.u32 s28, $0x1;
	[dreg:$0x2] =	wrdreg s3  }
0xa9: {  	[dreg:$0x3] =	wrdreg s5  }
0xaa: {  	[dreg:$0x4] =	wrdreg $0xC0  }
0xab: {  	_ =	task [dreg:s7], $0x5FFFF  }
0xac: {  	[dreg:$0x1] =	wrdreg $0xFFFFFFFF  }
0xad: {  	[dreg:$0x0] =	wrdreg $0x60  }
0xae: {  	[dreg:$0x2] =	wrdreg s2  }
0xaf: {  	[dreg:$0x3] =	wrdreg s24  }
0xb0: {  	[dreg:$0x4] =	wrdreg $0xA8000  }
0xb1: {  	[dreg:$0x5] =	wrdreg $0x9  }
0xb2: {  	_ =	task.clear_ibuf [dreg:s7], $0x6FFFF;
	_ =	strace $0x90000049  }
0xb3: {  	s29 =	simm.s32 $0x9;
	_ =	strace $0x8000004B  }
0xb4: {  	_ =	swait.ge [sflag:s29], $0x1  }
0xb5: {  	[sflag:s29] =	ssyncadd.s32 $0xFFFFFFFF  }
0xb6: {  	_ =	strace $0x9000004B  }
0xb7: {  	_ =	sfence  }
0xb8: {  	s30 =	sld [smem:$0x0];
	_ =	sdelay $0x2  }
0xb9: {  	s31 =	sshll.u32 s1, $0xD;
	s1 =	sshrl.u32 s1, $0x2  }
0xba: {  	s3 =	sand.u32 $0x4000, s31;
	s1 =	sadd.s32 s1, s30  }
0xbb: {  	s0 =	sor.u32 s3, s0;
	s1 =	sshll.u32 s1, $0x11  }
0xbc: {  	s0 =	sor.u32 s1, s0  }
0xbd: {  	s0 =	sadd.s32 $0x8F2B, s0  }
0xbe: {  	[sflag:s0] =	ssyncadd.remote.s32 $0x1  }
0xbf: {  	_ =	sfence.sel $0xFFFF  }
0xc0: {  	[dreg:$0x0] =	wrdreg $0xFFFFFFFF;
	(pc) =	sbr.abs _section_cstart, $3  }
0xc1: {  	[dreg:$0x1] =	wrdreg $0xFFFFFFFF  }
0xc2: {  	_ =	task.clear_ibuf [dreg:s7], $0x2FFFF;
	_ =	strace $0x9FFFFFFF  }
0xc3: {  	(tm) =	ssettm $0x7FFFFFFF  }
tec
execute0_lowered:
.L_overlay_start_1:
0x0: {  	(tag) =	ssettag $0x1  }
0x1: {  	s1 =	rddreg [dreg:$0x0]  }
0x2: {  	s0 =	rddreg [dreg:$0x1]  }
0x3: {  	s3 =	rddreg [dreg:$0x2];
	s4 =	simm.s32 $0x0;
	s2 =	srdreg.scid  }
0x4: {  	s11 =	stileid.u32;
	s28 =	simm.s32 $0x1400;
	s29 =	simm.s32 $0x40  }
0x5: {  	s30 =	simm.s32 $0x80;
	s31 =	simm.s32 $0x4800;
	s5 =	smul.u32 $0x50000, s11  }
0x6: {  	[smem:$0x7FF] =	sst s4;
	s2 =	sand.u32 $0x1, s2;
	s6 =	sadd.s32 $0x18A00, s0  }
0x7: {  	s8 =	sadd.s32 $0x4400, s0;
	s7 =	ssub.s32 $0x2, s2;
	s5 =	sshrl.u32 s5, $0x2  }
0x8: {  	s10 =	sshll.u32 s11, $0x1;
	s9 =	sshrl.u32 s7, $0x1;
	s5 =	sadd.s32 s5, s3  }
0x9: {  	s7 =	ssub.s32 s7, s9;
	s9 =	sor.u32 s2, s10;
	s10 =	sadd.s32 $0x2000, s5  }
0xa: {  	_ =	strace $0x8000004A;
	s12 =	sadd.s32 $0x4000, s5;
	[dreg:$0x4] =	wrdreg s10  }
0xb: {  	s24 =	smul.u32 $0x2800, s11;
	s13 =	sadd.s32 $0x6000, s5;
	[dreg:$0x5] =	wrdreg s12  }
0xc: {  	s11 =	simm.s32 $0x4;
	s14 =	sadd.s32 $0x8000, s5;
	[dreg:$0x6] =	wrdreg s13  }
0xd: {  	p0 =	seq.s32 s2, $0x1;
	s15 =	sadd.s32 $0xA000, s5;
	[dreg:$0x7] =	wrdreg s14  }
0xe: {  	s2 =	simm.s32 $0x54A00;
	s16 =	sadd.s32 $0xC000, s5;
	[dreg:$0x8] =	wrdreg s15  }
0xf: {  	s9 =	smul.u32 $0xA00, s9;
	s17 =	sadd.s32 $0xE000, s5;
	[dreg:$0x9] =	wrdreg s16  }
0x10: {  	s2 =	simm.s32 @!p0 $0x2CA00;
	s25 =	sadd.s32 $0x10000, s5;
	[dreg:$0xa] =	wrdreg s17  }
0x11: {  	s26 =	sadd.s32 $0x12000, s5;
	[dreg:$0x13] =	wrdreg s25;
	s0 =	sadd.s32 s2, s0  }
0x12: {  	[dreg:$0x14] =	wrdreg s26;
	s25 =	simm.s32 $0x2800;
	s26 =	simm.s32 $0x9  }
0x13: {  	s2 =	simm.s32 $0x6800;
	s13 =	simm.s32 $0x6;
	s14 =	simm.s32 $0x7  }
0x14: {  	s15 =	simm.s32 $0x8;
	s16 =	simm.s32 $0x2600;
	s17 =	simm.s32 $0x2680  }
0x15: {  	s18 =	sadd.s32 s6, s9;
	s19 =	sadd.s32 s8, s9;
	s20 =	sadd.s32 $0x280, s9  }
0x16: {  	s21 =	sadd.s32 $0x500, s9;
	s9 =	sadd.s32 $0x780, s9;
	[dreg:$0xb] =	wrdreg s18  }
0x17: {  	s24 =	sadd.s32 s0, s24;
	[dreg:$0xc] =	wrdreg s19;
	s12 =	sadd.s32 s6, s20  }
0x18: {  	s0 =	simm.s32 $0x100;
	s10 =	sadd.s32 s8, s20;
	[dreg:$0xd] =	wrdreg s12  }
0x19: {  	s22 =	sadd.s32 s6, s21;
	s6 =	sadd.s32 s6, s9;
	[dreg:$0xe] =	wrdreg s10  }
0x1a: {  	s23 =	sadd.s32 s8, s9;
	s9 =	simm.s32 $0x2;
	[dreg:$0xf] =	wrdreg s22  }
0x1b: {  	s18 =	simm.s32 $0x2700;
	s19 =	simm.s32 $0x2780;
	[dreg:$0x11] =	wrdreg s6  }
0x1c: {  	s10 =	sadd.s32 s8, s21;
	[dreg:$0x12] =	wrdreg s23;
	s23 =	smax.u32 s7, $0x1  }
0x1d: {  	s6 =	simm.s32 $0x180;
	s7 =	simm.s32 $0x8800;
	s8 =	simm.s32 $0x1  }
0x1e: {  	v0 =	vimm.f32 $0.0e+00;
	s12 =	simm.s32 $0x5;
	[dreg:$0x10] =	wrdreg s10;
	s10 =	simm.s32 $0x3  }
.LBB2_1:
0x1f: {  	s20 =	simm.s32 $0x0;
	s21 =	simm.s32 $0x200  }
.LBB2_2:
0x20: {  	p0 =	sne.s32 s21, $0x7E00;
	[tilespmem:s20+$0x2870] =	vst v0  }
0x21: {  	[tilespmem:s20+$0x2800] =	vst v0  }
0x22: {  	[tilespmem:s20+$0x2810] =	vst v0  }
.Ltmp0:
0x23: {  	[tilespmem:s20+$0x2820] =	vst v0;
	(pc) =	sbr.rel @p0 .LBB2_2-.Ltmp0, $4  }
0x24: {  	[tilespmem:s20+$0x2830] =	vst v0  }
0x25: {  	[tilespmem:s20+$0x2840] =	vst v0  }
0x26: {  	[tilespmem:s20+$0x2850] =	vst v0  }
0x27: {  	[tilespmem:s20+$0x2860] =	vst v0;
	s20 =	sshra.s32 s21, $0x2;
	s21 =	sadd.s32 $0x200, s21  }
0x28: {  	[tilespmem:s20+$0x2870] =	vst v0  }
0x29: {  	[tilespmem:s20+$0x2800] =	vst v0  }
0x2a: {  	[tilespmem:s20+$0x2810] =	vst v0  }
0x2b: {  	[tilespmem:s20+$0x2820] =	vst v0  }
0x2c: {  	[tilespmem:s20+$0x2830] =	vst v0  }
0x2d: {  	[tilespmem:s20+$0x2840] =	vst v0  }
0x2e: {  	[tilespmem:s20+$0x2850] =	vst v0  }
0x2f: {  	[tilespmem:s20+$0x2860] =	vst v0  }
0x30: {  	[spmem:s5] =	stream.linear.scatter [tilespmem:s25], [sflag:$0x9], $0x2000, $0x38;
	[tilespmem:$0x1E800] =	vst v63  }
0x31: {  	_ =	swait.ge [sflag:s26], $0x2000  }
0x32: {  	[sflag:s26] =	ssyncset.done $0x0  }
0x33: {  	s21 =	rddreg [dreg:$0x4];
	[sflag:s26] =	ssyncadd.s32 $0xFFFFE000  }
0x34: {  	[spmem:s21] =	stream.linear.scatter [tilespmem:s25], [sflag:$0x9], $0x2000, $0x38;
	[tilespmem:$0x1E800] =	vst v63  }
0x35: {  	_ =	swait.ge [sflag:s26], $0x2000  }
0x36: {  	[sflag:s26] =	ssyncset.done $0x0  }
0x37: {  	s22 =	rddreg [dreg:$0x5];
	[sflag:s26] =	ssyncadd.s32 $0xFFFFE000  }
0x38: {  	[spmem:s22] =	stream.linear.scatter [tilespmem:s25], [sflag:$0x9], $0x2000, $0x38;
	[tilespmem:$0x1E800] =	vst v63  }
0x39: {  	_ =	swait.ge [sflag:s26], $0x2000  }
0x3a: {  	[sflag:s26] =	ssyncset.done $0x0  }
0x3b: {  	s21 =	rddreg [dreg:$0x6];
	[sflag:s26] =	ssyncadd.s32 $0xFFFFE000  }
0x3c: {  	[spmem:s21] =	stream.linear.scatter [tilespmem:s25], [sflag:$0x9], $0x2000, $0x38;
	[tilespmem:$0x1E800] =	vst v63  }
0x3d: {  	_ =	swait.ge [sflag:s26], $0x2000  }
0x3e: {  	[sflag:s26] =	ssyncset.done $0x0  }
0x3f: {  	s22 =	rddreg [dreg:$0x7];
	[sflag:s26] =	ssyncadd.s32 $0xFFFFE000  }
0x40: {  	[spmem:s22] =	stream.linear.scatter [tilespmem:s25], [sflag:$0x9], $0x2000, $0x38;
	[tilespmem:$0x1E800] =	vst v63  }
0x41: {  	_ =	swait.ge [sflag:s26], $0x2000  }
0x42: {  	[sflag:s26] =	ssyncset.done $0x0  }
0x43: {  	s21 =	rddreg [dreg:$0x8];
	[sflag:s26] =	ssyncadd.s32 $0xFFFFE000  }
0x44: {  	[spmem:s21] =	stream.linear.scatter [tilespmem:s25], [sflag:$0x9], $0x2000, $0x38;
	[tilespmem:$0x1E800] =	vst v63  }
0x45: {  	_ =	swait.ge [sflag:s26], $0x2000  }
0x46: {  	[sflag:s26] =	ssyncset.done $0x0  }
0x47: {  	s22 =	rddreg [dreg:$0x9];
	[sflag:s26] =	ssyncadd.s32 $0xFFFFE000  }
0x48: {  	[spmem:s22] =	stream.linear.scatter [tilespmem:s25], [sflag:$0x9], $0x2000, $0x38;
	[tilespmem:$0x1E800] =	vst v63  }
0x49: {  	_ =	swait.ge [sflag:s26], $0x2000  }
0x4a: {  	[sflag:s26] =	ssyncset.done $0x0  }
0x4b: {  	s21 =	rddreg [dreg:$0xa];
	[sflag:s26] =	ssyncadd.s32 $0xFFFFE000  }
0x4c: {  	[spmem:s21] =	stream.linear.scatter [tilespmem:s25], [sflag:$0x9], $0x2000, $0x38;
	[tilespmem:$0x1E800] =	vst v63  }
0x4d: {  	_ =	swait.ge [sflag:s26], $0x2000  }
0x4e: {  	[sflag:s26] =	ssyncset.done $0x0  }
0x4f: {  	s22 =	rddreg [dreg:$0x13];
	[sflag:s26] =	ssyncadd.s32 $0xFFFFE000  }
0x50: {  	[spmem:s22] =	stream.linear.scatter [tilespmem:s25], [sflag:$0x9], $0x2000, $0x38;
	[tilespmem:$0x1E800] =	vst v63  }
0x51: {  	_ =	swait.ge [sflag:s26], $0x2000  }
0x52: {  	[sflag:s26] =	ssyncset.done $0x0  }
0x53: {  	s21 =	rddreg [dreg:$0x14];
	[sflag:s26] =	ssyncadd.s32 $0xFFFFE000  }
0x54: {  	[spmem:s21] =	stream.linear.scatter [tilespmem:s25], [sflag:$0x9], $0x2000, $0x38;
	[tilespmem:$0x1E800] =	vst v63  }
0x55: {  	_ =	swait.ge [sflag:s26], $0x2000  }
0x56: {  	[sflag:s26] =	ssyncset.done $0x0  }
0x57: {  	[sflag:s26] =	ssyncadd.s32 $0xFFFFE000  }
0x58: {  	[bflag:$0x0] =	sbarrier.arrive $0xFFFF  }
0x59: {  	s20 =	simm.s32 $0x0;
	s21 =	rddreg [dreg:$0xb]  }
0x5a: {  	[tilespmem:s20], [sflag:$0x9] =	stream.linear.gather [hbm4b:s21+s20], $0x1400, $0x38;
	[tilespmem:$0x1E800] =	vst v63  }
0x5b: {  	_ =	swait.ge [sflag:s26], $0x1400  }
0x5c: {  	[sflag:s26] =	ssyncset.done $0x0  }
0x5d: {  	s22 =	rddreg [dreg:$0xc];
	[sflag:s26] =	ssyncadd.s32 $0xFFFFEC00  }
0x5e: {  	[tilespmem:s28], [sflag:$0x9] =	stream.linear.gather [hbm4b:s22+s20], $0x1400, $0x38;
	[tilespmem:$0x1E800] =	vst v63  }
0x5f: {  	_ =	swait.ge [sflag:s26], $0x1400  }
0x60: {  	[sflag:s26] =	ssyncset.done $0x0  }
0x61: {  	[sflag:s26] =	ssyncadd.s32 $0xFFFFEC00  }
0x62: {  	[tilespmem:s25], [sflag:$0x1] =	stream.indirect.gather [hbm4b:s1+s29], $0x80, s20, s29, $0xb8;
	[tilespmem:$0x1E800] =	vst v63  }
0x63: {  	_ = 	snop  }
0x64: {  	[tilespmem:s31], [sflag:$0x2] =	stream.indirect.gather [hbm4b:s1+s29], $0x80, s30, s29, $0xb8;
	[tilespmem:$0x1E800] =	vst v63  }
0x65: {  	_ = 	snop  }
0x66: {  	[tilespmem:s2], [sflag:$0x3] =	stream.indirect.gather [hbm4b:s1+s29], $0x80, s0, s29, $0xb8;
	[tilespmem:$0x1E800] =	vst v63  }
0x67: {  	_ = 	snop  }
0x68: {  	[tilespmem:s7], [sflag:$0x4] =	stream.indirect.gather [hbm4b:s1+s29], $0x80, s6, s29, $0xb8;
	[tilespmem:$0x1E800] =	vst v63  }
0x69: {  	_ =	swait.ge [sflag:s8], $0x2000  }
0x6a: {  	[sflag:s8] =	ssyncset.done $0x0  }
0x6b: {  	s22 =	simm.s32 $0x1400;
	[sflag:s8] =	ssyncadd.s32 $0xFFFFE000  }
0x6c: {  	[spmem:s3] =	stream.indirect.scatter.add.f32 [tilespmem:s25], [sflag:$0x5], $0x80, s22, s29, $0xb8;
	[tilespmem:$0x1E800] =	vst v63  }
0x6d: {  	_ =	swait.ge [sflag:s9], $0x2000  }
0x6e: {  	[sflag:s9] =	ssyncset.done $0x0  }
0x6f: {  	s21 =	simm.s32 $0x1480;
	[sflag:s9] =	ssyncadd.s32 $0xFFFFE000  }
0x70: {  	[spmem:s3] =	stream.indirect.scatter.add.f32 [tilespmem:s31], [sflag:$0x6], $0x80, s21, s29, $0xb8;
	[tilespmem:$0x1E800] =	vst v63  }
0x71: {  	_ =	swait.ge [sflag:s10], $0x2000  }
0x72: {  	[sflag:s10] =	ssyncset.done $0x0  }
0x73: {  	s22 =	simm.s32 $0x1500;
	[sflag:s10] =	ssyncadd.s32 $0xFFFFE000  }
0x74: {  	[spmem:s3] =	stream.indirect.scatter.add.f32 [tilespmem:s2], [sflag:$0x7], $0x80, s22, s29, $0xb8;
	[tilespmem:$0x1E800] =	vst v63  }
0x75: {  	_ =	swait.ge [sflag:s11], $0x2000  }
0x76: {  	[sflag:s11] =	ssyncset.done $0x0  }
0x77: {  	s21 =	simm.s32 $0x1580;
	[sflag:s11] =	ssyncadd.s32 $0xFFFFE000  }
0x78: {  	[spmem:s3] =	stream.indirect.scatter.add.f32 [tilespmem:s7], [sflag:$0x8], $0x80, s21, s29, $0xb8;
	[tilespmem:$0x1E800] =	vst v63  }
0x79: {  	_ =	swait.ge [sflag:s12], $0x2000  }
0x7a: {  	[sflag:s12] =	ssyncset.done $0x0  }
0x7b: {  	s22 =	simm.s32 $0x200;
	[sflag:s12] =	ssyncadd.s32 $0xFFFFE000  }
0x7c: {  	[tilespmem:s25], [sflag:$0x1] =	stream.indirect.gather [hbm4b:s1+s29], $0x80, s22, s29, $0xb8;
	[tilespmem:$0x1E800] =	vst v63  }
0x7d: {  	_ =	swait.ge [sflag:s13], $0x2000  }
0x7e: {  	[sflag:s13] =	ssyncset.done $0x0  }
0x7f: {  	s21 =	simm.s32 $0x280;
	[sflag:s13] =	ssyncadd.s32 $0xFFFFE000  }
0x80: {  	[tilespmem:s31], [sflag:$0x2] =	stream.indirect.gather [hbm4b:s1+s29], $0x80, s21, s29, $0xb8;
	[tilespmem:$0x1E800] =	vst v63  }
0x81: {  	_ =	swait.ge [sflag:s14], $0x2000  }
0x82: {  	[sflag:s14] =	ssyncset.done $0x0  }
0x83: {  	s22 =	simm.s32 $0x300;
	[sflag:s14] =	ssyncadd.s32 $0xFFFFE000  }
0x84: {  	[tilespmem:s2], [sflag:$0x3] =	stream.indirect.gather [hbm4b:s1+s29], $0x80, s22, s29, $0xb8;
	[tilespmem:$0x1E800] =	vst v63  }
0x85: {  	_ =	swait.ge [sflag:s15], $0x2000  }
0x86: {  	[sflag:s15] =	ssyncset.done $0x0  }
0x87: {  	s20 =	simm.s32 $0x800;
	s21 =	simm.s32 $0x380;
	[sflag:s15] =	ssyncadd.s32 $0xFFFFE000  }
.LBB2_4:
0x88: {  	[tilespmem:s7], [sflag:$0x4] =	stream.indirect.gather [hbm4b:s1+s29], $0x80, s21, s29, $0xb8;
	[tilespmem:$0x1E800] =	vst v63  }
0x89: {  	s21 =	smov.u32 s20  }
0x8a: {  	p0 =	sne.s32 s20, $0x4000;
	s20 =	sadd.s32 $0x800, s20;
	_ =	swait.ge [sflag:s8], $0x2000  }
0x8b: {  	s21 =	sshra.s32 s21, $0x2;
	[sflag:s8] =	ssyncset.done $0x0  }
0x8c: {  	s22 =	sadd.s32 $0x1400, s21;
	[sflag:s8] =	ssyncadd.s32 $0xFFFFE000  }
0x8d: {  	[spmem:s3] =	stream.indirect.scatter.add.f32 [tilespmem:s25], [sflag:$0x5], $0x80, s22, s29, $0xb8;
	[tilespmem:$0x1E800] =	vst v63  }
0x8e: {  	_ =	swait.ge [sflag:s9], $0x2000  }
0x8f: {  	[sflag:s9] =	ssyncset.done $0x0  }
0x90: {  	s22 =	sadd.s32 $0x1480, s21;
	[sflag:s9] =	ssyncadd.s32 $0xFFFFE000  }
0x91: {  	[spmem:s3] =	stream.indirect.scatter.add.f32 [tilespmem:s31], [sflag:$0x6], $0x80, s22, s29, $0xb8;
	[tilespmem:$0x1E800] =	vst v63  }
0x92: {  	_ =	swait.ge [sflag:s10], $0x2000  }
0x93: {  	[sflag:s10] =	ssyncset.done $0x0  }
0x94: {  	s22 =	sadd.s32 $0x1500, s21;
	[sflag:s10] =	ssyncadd.s32 $0xFFFFE000  }
0x95: {  	[spmem:s3] =	stream.indirect.scatter.add.f32 [tilespmem:s2], [sflag:$0x7], $0x80, s22, s29, $0xb8;
	[tilespmem:$0x1E800] =	vst v63  }
0x96: {  	_ =	swait.ge [sflag:s11], $0x2000  }
0x97: {  	[sflag:s11] =	ssyncset.done $0x0  }
0x98: {  	s22 =	sadd.s32 $0x1580, s21;
	[sflag:s11] =	ssyncadd.s32 $0xFFFFE000  }
0x99: {  	[spmem:s3] =	stream.indirect.scatter.add.f32 [tilespmem:s7], [sflag:$0x8], $0x80, s22, s29, $0xb8;
	[tilespmem:$0x1E800] =	vst v63  }
0x9a: {  	_ =	swait.ge [sflag:s12], $0x2000  }
0x9b: {  	[sflag:s12] =	ssyncset.done $0x0  }
0x9c: {  	s22 =	sadd.s32 $0x200, s21;
	[sflag:s12] =	ssyncadd.s32 $0xFFFFE000  }
0x9d: {  	[tilespmem:s25], [sflag:$0x1] =	stream.indirect.gather [hbm4b:s1+s29], $0x80, s22, s29, $0xb8;
	[tilespmem:$0x1E800] =	vst v63  }
0x9e: {  	_ =	swait.ge [sflag:s13], $0x2000  }
0x9f: {  	[sflag:s13] =	ssyncset.done $0x0  }
0xa0: {  	s22 =	sadd.s32 $0x280, s21;
	[sflag:s13] =	ssyncadd.s32 $0xFFFFE000  }
0xa1: {  	[tilespmem:s31], [sflag:$0x2] =	stream.indirect.gather [hbm4b:s1+s29], $0x80, s22, s29, $0xb8;
	[tilespmem:$0x1E800] =	vst v63  }
0xa2: {  	_ =	swait.ge [sflag:s14], $0x2000  }
0xa3: {  	[sflag:s14] =	ssyncset.done $0x0  }
.Ltmp1:
0xa4: {  	s22 =	sadd.s32 $0x300, s21;
	[sflag:s14] =	ssyncadd.s32 $0xFFFFE000;
	(pc) =	sbr.rel @p0 .LBB2_4-.Ltmp1, $4  }
0xa5: {  	[tilespmem:s2], [sflag:$0x3] =	stream.indirect.gather [hbm4b:s1+s29], $0x80, s22, s29, $0xb8;
	[tilespmem:$0x1E800] =	vst v63  }
0xa6: {  	_ =	swait.ge [sflag:s15], $0x2000  }
0xa7: {  	[sflag:s15] =	ssyncset.done $0x0  }
0xa8: {  	s21 =	sadd.s32 $0x380, s21;
	[sflag:s15] =	ssyncadd.s32 $0xFFFFE000  }
0xa9: {  	[tilespmem:s7], [sflag:$0x4] =	stream.indirect.gather [hbm4b:s1+s29], $0x80, s21, s29, $0xb8;
	[tilespmem:$0x1E800] =	vst v63  }
0xaa: {  	_ =	swait.ge [sflag:s8], $0x2000  }
0xab: {  	[sflag:s8] =	ssyncset.done $0x0  }
0xac: {  	[sflag:s8] =	ssyncadd.s32 $0xFFFFE000  }
0xad: {  	[spmem:s3] =	stream.indirect.scatter.add.f32 [tilespmem:s25], [sflag:$0x5], $0x80, s16, s29, $0xb8;
	[tilespmem:$0x1E800] =	vst v63  }
0xae: {  	_ =	swait.ge [sflag:s9], $0x2000  }
0xaf: {  	[sflag:s9] =	ssyncset.done $0x0  }
0xb0: {  	[sflag:s9] =	ssyncadd.s32 $0xFFFFE000  }
0xb1: {  	[spmem:s3] =	stream.indirect.scatter.add.f32 [tilespmem:s31], [sflag:$0x6], $0x80, s17, s29, $0xb8;
	[tilespmem:$0x1E800] =	vst v63  }
0xb2: {  	_ =	swait.ge [sflag:s10], $0x2000  }
0xb3: {  	[sflag:s10] =	ssyncset.done $0x0  }
0xb4: {  	[sflag:s10] =	ssyncadd.s32 $0xFFFFE000  }
0xb5: {  	[spmem:s3] =	stream.indirect.scatter.add.f32 [tilespmem:s2], [sflag:$0x7], $0x80, s18, s29, $0xb8;
	[tilespmem:$0x1E800] =	vst v63  }
0xb6: {  	_ =	swait.ge [sflag:s11], $0x2000  }
0xb7: {  	[sflag:s11] =	ssyncset.done $0x0  }
0xb8: {  	[sflag:s11] =	ssyncadd.s32 $0xFFFFE000  }
0xb9: {  	[spmem:s3] =	stream.indirect.scatter.add.f32 [tilespmem:s7], [sflag:$0x8], $0x80, s19, s29, $0xb8;
	[tilespmem:$0x1E800] =	vst v63  }
0xba: {  	_ =	swait.ge [sflag:s12], $0x2000  }
0xbb: {  	[sflag:s12] =	ssyncset.done $0x0  }
0xbc: {  	[sflag:s12] =	ssyncadd.s32 $0xFFFFE000  }
0xbd: {  	_ =	swait.ge [sflag:s13], $0x2000  }
0xbe: {  	[sflag:s13] =	ssyncset.done $0x0  }
0xbf: {  	[sflag:s13] =	ssyncadd.s32 $0xFFFFE000  }
0xc0: {  	_ =	swait.ge [sflag:s14], $0x2000  }
0xc1: {  	[sflag:s14] =	ssyncset.done $0x0  }
0xc2: {  	[sflag:s14] =	ssyncadd.s32 $0xFFFFE000  }
0xc3: {  	_ =	swait.ge [sflag:s15], $0x2000  }
0xc4: {  	[sflag:s15] =	ssyncset.done $0x0  }
0xc5: {  	s20 =	simm.s32 $0x0;
	s22 =	rddreg [dreg:$0xd];
	[sflag:s15] =	ssyncadd.s32 $0xFFFFE000  }
0xc6: {  	[tilespmem:s20], [sflag:$0x9] =	stream.linear.gather [hbm4b:s22+s20], $0x1400, $0x38;
	[tilespmem:$0x1E800] =	vst v63  }
0xc7: {  	_ =	swait.ge [sflag:s26], $0x1400  }
0xc8: {  	[sflag:s26] =	ssyncset.done $0x0  }
0xc9: {  	s22 =	rddreg [dreg:$0xe];
	[sflag:s26] =	ssyncadd.s32 $0xFFFFEC00  }
0xca: {  	[tilespmem:s28], [sflag:$0x9] =	stream.linear.gather [hbm4b:s22+s20], $0x1400, $0x38;
	[tilespmem:$0x1E800] =	vst v63  }
0xcb: {  	_ =	swait.ge [sflag:s26], $0x1400  }
0xcc: {  	[sflag:s26] =	ssyncset.done $0x0  }
0xcd: {  	[sflag:s26] =	ssyncadd.s32 $0xFFFFEC00  }
0xce: {  	[tilespmem:s25], [sflag:$0x1] =	stream.indirect.gather [hbm4b:s1+s29], $0x80, s20, s29, $0xb8;
	[tilespmem:$0x1E800] =	vst v63  }
0xcf: {  	_ = 	snop  }
0xd0: {  	[tilespmem:s31], [sflag:$0x2] =	stream.indirect.gather [hbm4b:s1+s29], $0x80, s30, s29, $0xb8;
	[tilespmem:$0x1E800] =	vst v63  }
0xd1: {  	_ = 	snop  }
0xd2: {  	[tilespmem:s2], [sflag:$0x3] =	stream.indirect.gather [hbm4b:s1+s29], $0x80, s0, s29, $0xb8;
	[tilespmem:$0x1E800] =	vst v63  }
0xd3: {  	_ = 	snop  }
0xd4: {  	[tilespmem:s7], [sflag:$0x4] =	stream.indirect.gather [hbm4b:s1+s29], $0x80, s6, s29, $0xb8;
	[tilespmem:$0x1E800] =	vst v63  }
0xd5: {  	_ =	swait.ge [sflag:s8], $0x2000  }
0xd6: {  	[sflag:s8] =	ssyncset.done $0x0  }
0xd7: {  	s22 =	simm.s32 $0x1400;
	[sflag:s8] =	ssyncadd.s32 $0xFFFFE000  }
0xd8: {  	[spmem:s3] =	stream.indirect.scatter.add.f32 [tilespmem:s25], [sflag:$0x5], $0x80, s22, s29, $0xb8;
	[tilespmem:$0x1E800] =	vst v63  }
0xd9: {  	_ =	swait.ge [sflag:s9], $0x2000  }
0xda: {  	[sflag:s9] =	ssyncset.done $0x0  }
0xdb: {  	s21 =	simm.s32 $0x1480;
	[sflag:s9] =	ssyncadd.s32 $0xFFFFE000  }
0xdc: {  	[spmem:s3] =	stream.indirect.scatter.add.f32 [tilespmem:s31], [sflag:$0x6], $0x80, s21, s29, $0xb8;
	[tilespmem:$0x1E800] =	vst v63  }
0xdd: {  	_ =	swait.ge [sflag:s10], $0x2000  }
0xde: {  	[sflag:s10] =	ssyncset.done $0x0  }
0xdf: {  	s22 =	simm.s32 $0x1500;
	[sflag:s10] =	ssyncadd.s32 $0xFFFFE000  }
0xe0: {  	[spmem:s3] =	stream.indirect.scatter.add.f32 [tilespmem:s2], [sflag:$0x7], $0x80, s22, s29, $0xb8;
	[tilespmem:$0x1E800] =	vst v63  }
0xe1: {  	_ =	swait.ge [sflag:s11], $0x2000  }
0xe2: {  	[sflag:s11] =	ssyncset.done $0x0  }
0xe3: {  	s21 =	simm.s32 $0x1580;
	[sflag:s11] =	ssyncadd.s32 $0xFFFFE000  }
0xe4: {  	[spmem:s3] =	stream.indirect.scatter.add.f32 [tilespmem:s7], [sflag:$0x8], $0x80, s21, s29, $0xb8;
	[tilespmem:$0x1E800] =	vst v63  }
0xe5: {  	_ =	swait.ge [sflag:s12], $0x2000  }
0xe6: {  	[sflag:s12] =	ssyncset.done $0x0  }
0xe7: {  	s22 =	simm.s32 $0x200;
	[sflag:s12] =	ssyncadd.s32 $0xFFFFE000  }
0xe8: {  	[tilespmem:s25], [sflag:$0x1] =	stream.indirect.gather [hbm4b:s1+s29], $0x80, s22, s29, $0xb8;
	[tilespmem:$0x1E800] =	vst v63  }
0xe9: {  	_ =	swait.ge [sflag:s13], $0x2000  }
0xea: {  	[sflag:s13] =	ssyncset.done $0x0  }
0xeb: {  	s21 =	simm.s32 $0x280;
	[sflag:s13] =	ssyncadd.s32 $0xFFFFE000  }
0xec: {  	[tilespmem:s31], [sflag:$0x2] =	stream.indirect.gather [hbm4b:s1+s29], $0x80, s21, s29, $0xb8;
	[tilespmem:$0x1E800] =	vst v63  }
0xed: {  	_ =	swait.ge [sflag:s14], $0x2000  }
0xee: {  	[sflag:s14] =	ssyncset.done $0x0  }
0xef: {  	s22 =	simm.s32 $0x300;
	[sflag:s14] =	ssyncadd.s32 $0xFFFFE000  }
0xf0: {  	[tilespmem:s2], [sflag:$0x3] =	stream.indirect.gather [hbm4b:s1+s29], $0x80, s22, s29, $0xb8;
	[tilespmem:$0x1E800] =	vst v63  }
0xf1: {  	_ =	swait.ge [sflag:s15], $0x2000  }
0xf2: {  	[sflag:s15] =	ssyncset.done $0x0  }
0xf3: {  	s20 =	simm.s32 $0x800;
	s21 =	simm.s32 $0x380;
	[sflag:s15] =	ssyncadd.s32 $0xFFFFE000  }
.LBB2_6:
0xf4: {  	[tilespmem:s7], [sflag:$0x4] =	stream.indirect.gather [hbm4b:s1+s29], $0x80, s21, s29, $0xb8;
	[tilespmem:$0x1E800] =	vst v63  }
0xf5: {  	s21 =	smov.u32 s20  }
0xf6: {  	p0 =	sne.s32 s20, $0x4000;
	s20 =	sadd.s32 $0x800, s20;
	_ =	swait.ge [sflag:s8], $0x2000  }
0xf7: {  	s21 =	sshra.s32 s21, $0x2;
	[sflag:s8] =	ssyncset.done $0x0  }
0xf8: {  	s22 =	sadd.s32 $0x1400, s21;
	[sflag:s8] =	ssyncadd.s32 $0xFFFFE000  }
0xf9: {  	[spmem:s3] =	stream.indirect.scatter.add.f32 [tilespmem:s25], [sflag:$0x5], $0x80, s22, s29, $0xb8;
	[tilespmem:$0x1E800] =	vst v63  }
0xfa: {  	_ =	swait.ge [sflag:s9], $0x2000  }
0xfb: {  	[sflag:s9] =	ssyncset.done $0x0  }
0xfc: {  	s22 =	sadd.s32 $0x1480, s21;
	[sflag:s9] =	ssyncadd.s32 $0xFFFFE000  }
0xfd: {  	[spmem:s3] =	stream.indirect.scatter.add.f32 [tilespmem:s31], [sflag:$0x6], $0x80, s22, s29, $0xb8;
	[tilespmem:$0x1E800] =	vst v63  }
0xfe: {  	_ =	swait.ge [sflag:s10], $0x2000  }
0xff: {  	[sflag:s10] =	ssyncset.done $0x0  }
0x100: {  	s22 =	sadd.s32 $0x1500, s21;
	[sflag:s10] =	ssyncadd.s32 $0xFFFFE000  }
0x101: {  	[spmem:s3] =	stream.indirect.scatter.add.f32 [tilespmem:s2], [sflag:$0x7], $0x80, s22, s29, $0xb8;
	[tilespmem:$0x1E800] =	vst v63  }
0x102: {  	_ =	swait.ge [sflag:s11], $0x2000  }
0x103: {  	[sflag:s11] =	ssyncset.done $0x0  }
0x104: {  	s22 =	sadd.s32 $0x1580, s21;
	[sflag:s11] =	ssyncadd.s32 $0xFFFFE000  }
0x105: {  	[spmem:s3] =	stream.indirect.scatter.add.f32 [tilespmem:s7], [sflag:$0x8], $0x80, s22, s29, $0xb8;
	[tilespmem:$0x1E800] =	vst v63  }
0x106: {  	_ =	swait.ge [sflag:s12], $0x2000  }
0x107: {  	[sflag:s12] =	ssyncset.done $0x0  }
0x108: {  	s22 =	sadd.s32 $0x200, s21;
	[sflag:s12] =	ssyncadd.s32 $0xFFFFE000  }
0x109: {  	[tilespmem:s25], [sflag:$0x1] =	stream.indirect.gather [hbm4b:s1+s29], $0x80, s22, s29, $0xb8;
	[tilespmem:$0x1E800] =	vst v63  }
0x10a: {  	_ =	swait.ge [sflag:s13], $0x2000  }
0x10b: {  	[sflag:s13] =	ssyncset.done $0x0  }
0x10c: {  	s22 =	sadd.s32 $0x280, s21;
	[sflag:s13] =	ssyncadd.s32 $0xFFFFE000  }
0x10d: {  	[tilespmem:s31], [sflag:$0x2] =	stream.indirect.gather [hbm4b:s1+s29], $0x80, s22, s29, $0xb8;
	[tilespmem:$0x1E800] =	vst v63  }
0x10e: {  	_ =	swait.ge [sflag:s14], $0x2000  }
0x10f: {  	[sflag:s14] =	ssyncset.done $0x0  }
.Ltmp2:
0x110: {  	s22 =	sadd.s32 $0x300, s21;
	[sflag:s14] =	ssyncadd.s32 $0xFFFFE000;
	(pc) =	sbr.rel @p0 .LBB2_6-.Ltmp2, $4  }
0x111: {  	[tilespmem:s2], [sflag:$0x3] =	stream.indirect.gather [hbm4b:s1+s29], $0x80, s22, s29, $0xb8;
	[tilespmem:$0x1E800] =	vst v63  }
0x112: {  	_ =	swait.ge [sflag:s15], $0x2000  }
0x113: {  	[sflag:s15] =	ssyncset.done $0x0  }
0x114: {  	s21 =	sadd.s32 $0x380, s21;
	[sflag:s15] =	ssyncadd.s32 $0xFFFFE000  }
0x115: {  	[tilespmem:s7], [sflag:$0x4] =	stream.indirect.gather [hbm4b:s1+s29], $0x80, s21, s29, $0xb8;
	[tilespmem:$0x1E800] =	vst v63  }
0x116: {  	_ =	swait.ge [sflag:s8], $0x2000  }
0x117: {  	[sflag:s8] =	ssyncset.done $0x0  }
0x118: {  	[sflag:s8] =	ssyncadd.s32 $0xFFFFE000  }
0x119: {  	[spmem:s3] =	stream.indirect.scatter.add.f32 [tilespmem:s25], [sflag:$0x5], $0x80, s16, s29, $0xb8;
	[tilespmem:$0x1E800] =	vst v63  }
0x11a: {  	_ =	swait.ge [sflag:s9], $0x2000  }
0x11b: {  	[sflag:s9] =	ssyncset.done $0x0  }
0x11c: {  	[sflag:s9] =	ssyncadd.s32 $0xFFFFE000  }
0x11d: {  	[spmem:s3] =	stream.indirect.scatter.add.f32 [tilespmem:s31], [sflag:$0x6], $0x80, s17, s29, $0xb8;
	[tilespmem:$0x1E800] =	vst v63  }
0x11e: {  	_ =	swait.ge [sflag:s10], $0x2000  }
0x11f: {  	[sflag:s10] =	ssyncset.done $0x0  }
0x120: {  	[sflag:s10] =	ssyncadd.s32 $0xFFFFE000  }
0x121: {  	[spmem:s3] =	stream.indirect.scatter.add.f32 [tilespmem:s2], [sflag:$0x7], $0x80, s18, s29, $0xb8;
	[tilespmem:$0x1E800] =	vst v63  }
0x122: {  	_ =	swait.ge [sflag:s11], $0x2000  }
0x123: {  	[sflag:s11] =	ssyncset.done $0x0  }
0x124: {  	[sflag:s11] =	ssyncadd.s32 $0xFFFFE000  }
0x125: {  	[spmem:s3] =	stream.indirect.scatter.add.f32 [tilespmem:s7], [sflag:$0x8], $0x80, s19, s29, $0xb8;
	[tilespmem:$0x1E800] =	vst v63  }
0x126: {  	_ =	swait.ge [sflag:s12], $0x2000  }
0x127: {  	[sflag:s12] =	ssyncset.done $0x0  }
0x128: {  	[sflag:s12] =	ssyncadd.s32 $0xFFFFE000  }
0x129: {  	_ =	swait.ge [sflag:s13], $0x2000  }
0x12a: {  	[sflag:s13] =	ssyncset.done $0x0  }
0x12b: {  	[sflag:s13] =	ssyncadd.s32 $0xFFFFE000  }
0x12c: {  	_ =	swait.ge [sflag:s14], $0x2000  }
0x12d: {  	[sflag:s14] =	ssyncset.done $0x0  }
0x12e: {  	[sflag:s14] =	ssyncadd.s32 $0xFFFFE000  }
0x12f: {  	_ =	swait.ge [sflag:s15], $0x2000  }
0x130: {  	[sflag:s15] =	ssyncset.done $0x0  }
0x131: {  	s20 =	simm.s32 $0x0;
	s22 =	rddreg [dreg:$0xf];
	[sflag:s15] =	ssyncadd.s32 $0xFFFFE000  }
0x132: {  	[tilespmem:s20], [sflag:$0x9] =	stream.linear.gather [hbm4b:s22+s20], $0x1400, $0x38;
	[tilespmem:$0x1E800] =	vst v63  }
0x133: {  	_ =	swait.ge [sflag:s26], $0x1400  }
0x134: {  	[sflag:s26] =	ssyncset.done $0x0  }
0x135: {  	s22 =	rddreg [dreg:$0x10];
	[sflag:s26] =	ssyncadd.s32 $0xFFFFEC00  }
0x136: {  	[tilespmem:s28], [sflag:$0x9] =	stream.linear.gather [hbm4b:s22+s20], $0x1400, $0x38;
	[tilespmem:$0x1E800] =	vst v63  }
0x137: {  	_ =	swait.ge [sflag:s26], $0x1400  }
0x138: {  	[sflag:s26] =	ssyncset.done $0x0  }
0x139: {  	[sflag:s26] =	ssyncadd.s32 $0xFFFFEC00  }
0x13a: {  	[tilespmem:s25], [sflag:$0x1] =	stream.indirect.gather [hbm4b:s1+s29], $0x80, s20, s29, $0xb8;
	[tilespmem:$0x1E800] =	vst v63  }
0x13b: {  	_ = 	snop  }
0x13c: {  	[tilespmem:s31], [sflag:$0x2] =	stream.indirect.gather [hbm4b:s1+s29], $0x80, s30, s29, $0xb8;
	[tilespmem:$0x1E800] =	vst v63  }
0x13d: {  	_ = 	snop  }
0x13e: {  	[tilespmem:s2], [sflag:$0x3] =	stream.indirect.gather [hbm4b:s1+s29], $0x80, s0, s29, $0xb8;
	[tilespmem:$0x1E800] =	vst v63  }
0x13f: {  	_ = 	snop  }
0x140: {  	[tilespmem:s7], [sflag:$0x4] =	stream.indirect.gather [hbm4b:s1+s29], $0x80, s6, s29, $0xb8;
	[tilespmem:$0x1E800] =	vst v63  }
0x141: {  	_ =	swait.ge [sflag:s8], $0x2000  }
0x142: {  	[sflag:s8] =	ssyncset.done $0x0  }
0x143: {  	s22 =	simm.s32 $0x1400;
	[sflag:s8] =	ssyncadd.s32 $0xFFFFE000  }
0x144: {  	[spmem:s3] =	stream.indirect.scatter.add.f32 [tilespmem:s25], [sflag:$0x5], $0x80, s22, s29, $0xb8;
	[tilespmem:$0x1E800] =	vst v63  }
0x145: {  	_ =	swait.ge [sflag:s9], $0x2000  }
0x146: {  	[sflag:s9] =	ssyncset.done $0x0  }
0x147: {  	s21 =	simm.s32 $0x1480;
	[sflag:s9] =	ssyncadd.s32 $0xFFFFE000  }
0x148: {  	[spmem:s3] =	stream.indirect.scatter.add.f32 [tilespmem:s31], [sflag:$0x6], $0x80, s21, s29, $0xb8;
	[tilespmem:$0x1E800] =	vst v63  }
0x149: {  	_ =	swait.ge [sflag:s10], $0x2000  }
0x14a: {  	[sflag:s10] =	ssyncset.done $0x0  }
0x14b: {  	s22 =	simm.s32 $0x1500;
	[sflag:s10] =	ssyncadd.s32 $0xFFFFE000  }
0x14c: {  	[spmem:s3] =	stream.indirect.scatter.add.f32 [tilespmem:s2], [sflag:$0x7], $0x80, s22, s29, $0xb8;
	[tilespmem:$0x1E800] =	vst v63  }
0x14d: {  	_ =	swait.ge [sflag:s11], $0x2000  }
0x14e: {  	[sflag:s11] =	ssyncset.done $0x0  }
0x14f: {  	s21 =	simm.s32 $0x1580;
	[sflag:s11] =	ssyncadd.s32 $0xFFFFE000  }
0x150: {  	[spmem:s3] =	stream.indirect.scatter.add.f32 [tilespmem:s7], [sflag:$0x8], $0x80, s21, s29, $0xb8;
	[tilespmem:$0x1E800] =	vst v63  }
0x151: {  	_ =	swait.ge [sflag:s12], $0x2000  }
0x152: {  	[sflag:s12] =	ssyncset.done $0x0  }
0x153: {  	s22 =	simm.s32 $0x200;
	[sflag:s12] =	ssyncadd.s32 $0xFFFFE000  }
0x154: {  	[tilespmem:s25], [sflag:$0x1] =	stream.indirect.gather [hbm4b:s1+s29], $0x80, s22, s29, $0xb8;
	[tilespmem:$0x1E800] =	vst v63  }
0x155: {  	_ =	swait.ge [sflag:s13], $0x2000  }
0x156: {  	[sflag:s13] =	ssyncset.done $0x0  }
0x157: {  	s21 =	simm.s32 $0x280;
	[sflag:s13] =	ssyncadd.s32 $0xFFFFE000  }
0x158: {  	[tilespmem:s31], [sflag:$0x2] =	stream.indirect.gather [hbm4b:s1+s29], $0x80, s21, s29, $0xb8;
	[tilespmem:$0x1E800] =	vst v63  }
0x159: {  	_ =	swait.ge [sflag:s14], $0x2000  }
0x15a: {  	[sflag:s14] =	ssyncset.done $0x0  }
0x15b: {  	s22 =	simm.s32 $0x300;
	[sflag:s14] =	ssyncadd.s32 $0xFFFFE000  }
0x15c: {  	[tilespmem:s2], [sflag:$0x3] =	stream.indirect.gather [hbm4b:s1+s29], $0x80, s22, s29, $0xb8;
	[tilespmem:$0x1E800] =	vst v63  }
0x15d: {  	_ =	swait.ge [sflag:s15], $0x2000  }
0x15e: {  	[sflag:s15] =	ssyncset.done $0x0  }
0x15f: {  	s20 =	simm.s32 $0x800;
	s21 =	simm.s32 $0x380;
	[sflag:s15] =	ssyncadd.s32 $0xFFFFE000  }
.LBB2_8:
0x160: {  	[tilespmem:s7], [sflag:$0x4] =	stream.indirect.gather [hbm4b:s1+s29], $0x80, s21, s29, $0xb8;
	[tilespmem:$0x1E800] =	vst v63  }
0x161: {  	s21 =	smov.u32 s20  }
0x162: {  	p0 =	sne.s32 s20, $0x4000;
	s20 =	sadd.s32 $0x800, s20;
	_ =	swait.ge [sflag:s8], $0x2000  }
0x163: {  	s21 =	sshra.s32 s21, $0x2;
	[sflag:s8] =	ssyncset.done $0x0  }
0x164: {  	s22 =	sadd.s32 $0x1400, s21;
	[sflag:s8] =	ssyncadd.s32 $0xFFFFE000  }
0x165: {  	[spmem:s3] =	stream.indirect.scatter.add.f32 [tilespmem:s25], [sflag:$0x5], $0x80, s22, s29, $0xb8;
	[tilespmem:$0x1E800] =	vst v63  }
0x166: {  	_ =	swait.ge [sflag:s9], $0x2000  }
0x167: {  	[sflag:s9] =	ssyncset.done $0x0  }
0x168: {  	s22 =	sadd.s32 $0x1480, s21;
	[sflag:s9] =	ssyncadd.s32 $0xFFFFE000  }
0x169: {  	[spmem:s3] =	stream.indirect.scatter.add.f32 [tilespmem:s31], [sflag:$0x6], $0x80, s22, s29, $0xb8;
	[tilespmem:$0x1E800] =	vst v63  }
0x16a: {  	_ =	swait.ge [sflag:s10], $0x2000  }
0x16b: {  	[sflag:s10] =	ssyncset.done $0x0  }
0x16c: {  	s22 =	sadd.s32 $0x1500, s21;
	[sflag:s10] =	ssyncadd.s32 $0xFFFFE000  }
0x16d: {  	[spmem:s3] =	stream.indirect.scatter.add.f32 [tilespmem:s2], [sflag:$0x7], $0x80, s22, s29, $0xb8;
	[tilespmem:$0x1E800] =	vst v63  }
0x16e: {  	_ =	swait.ge [sflag:s11], $0x2000  }
0x16f: {  	[sflag:s11] =	ssyncset.done $0x0  }
0x170: {  	s22 =	sadd.s32 $0x1580, s21;
	[sflag:s11] =	ssyncadd.s32 $0xFFFFE000  }
0x171: {  	[spmem:s3] =	stream.indirect.scatter.add.f32 [tilespmem:s7], [sflag:$0x8], $0x80, s22, s29, $0xb8;
	[tilespmem:$0x1E800] =	vst v63  }
0x172: {  	_ =	swait.ge [sflag:s12], $0x2000  }
0x173: {  	[sflag:s12] =	ssyncset.done $0x0  }
0x174: {  	s22 =	sadd.s32 $0x200, s21;
	[sflag:s12] =	ssyncadd.s32 $0xFFFFE000  }
0x175: {  	[tilespmem:s25], [sflag:$0x1] =	stream.indirect.gather [hbm4b:s1+s29], $0x80, s22, s29, $0xb8;
	[tilespmem:$0x1E800] =	vst v63  }
0x176: {  	_ =	swait.ge [sflag:s13], $0x2000  }
0x177: {  	[sflag:s13] =	ssyncset.done $0x0  }
0x178: {  	s22 =	sadd.s32 $0x280, s21;
	[sflag:s13] =	ssyncadd.s32 $0xFFFFE000  }
0x179: {  	[tilespmem:s31], [sflag:$0x2] =	stream.indirect.gather [hbm4b:s1+s29], $0x80, s22, s29, $0xb8;
	[tilespmem:$0x1E800] =	vst v63  }
0x17a: {  	_ =	swait.ge [sflag:s14], $0x2000  }
0x17b: {  	[sflag:s14] =	ssyncset.done $0x0  }
.Ltmp3:
0x17c: {  	s22 =	sadd.s32 $0x300, s21;
	[sflag:s14] =	ssyncadd.s32 $0xFFFFE000;
	(pc) =	sbr.rel @p0 .LBB2_8-.Ltmp3, $4  }
0x17d: {  	[tilespmem:s2], [sflag:$0x3] =	stream.indirect.gather [hbm4b:s1+s29], $0x80, s22, s29, $0xb8;
	[tilespmem:$0x1E800] =	vst v63  }
0x17e: {  	_ =	swait.ge [sflag:s15], $0x2000  }
0x17f: {  	[sflag:s15] =	ssyncset.done $0x0  }
0x180: {  	s21 =	sadd.s32 $0x380, s21;
	[sflag:s15] =	ssyncadd.s32 $0xFFFFE000  }
0x181: {  	[tilespmem:s7], [sflag:$0x4] =	stream.indirect.gather [hbm4b:s1+s29], $0x80, s21, s29, $0xb8;
	[tilespmem:$0x1E800] =	vst v63  }
0x182: {  	_ =	swait.ge [sflag:s8], $0x2000  }
0x183: {  	[sflag:s8] =	ssyncset.done $0x0  }
0x184: {  	[sflag:s8] =	ssyncadd.s32 $0xFFFFE000  }
0x185: {  	[spmem:s3] =	stream.indirect.scatter.add.f32 [tilespmem:s25], [sflag:$0x5], $0x80, s16, s29, $0xb8;
	[tilespmem:$0x1E800] =	vst v63  }
0x186: {  	_ =	swait.ge [sflag:s9], $0x2000  }
0x187: {  	[sflag:s9] =	ssyncset.done $0x0  }
0x188: {  	[sflag:s9] =	ssyncadd.s32 $0xFFFFE000  }
0x189: {  	[spmem:s3] =	stream.indirect.scatter.add.f32 [tilespmem:s31], [sflag:$0x6], $0x80, s17, s29, $0xb8;
	[tilespmem:$0x1E800] =	vst v63  }
0x18a: {  	_ =	swait.ge [sflag:s10], $0x2000  }
0x18b: {  	[sflag:s10] =	ssyncset.done $0x0  }
0x18c: {  	[sflag:s10] =	ssyncadd.s32 $0xFFFFE000  }
0x18d: {  	[spmem:s3] =	stream.indirect.scatter.add.f32 [tilespmem:s2], [sflag:$0x7], $0x80, s18, s29, $0xb8;
	[tilespmem:$0x1E800] =	vst v63  }
0x18e: {  	_ =	swait.ge [sflag:s11], $0x2000  }
0x18f: {  	[sflag:s11] =	ssyncset.done $0x0  }
0x190: {  	[sflag:s11] =	ssyncadd.s32 $0xFFFFE000  }
0x191: {  	[spmem:s3] =	stream.indirect.scatter.add.f32 [tilespmem:s7], [sflag:$0x8], $0x80, s19, s29, $0xb8;
	[tilespmem:$0x1E800] =	vst v63  }
0x192: {  	_ =	swait.ge [sflag:s12], $0x2000  }
0x193: {  	[sflag:s12] =	ssyncset.done $0x0  }
0x194: {  	[sflag:s12] =	ssyncadd.s32 $0xFFFFE000  }
0x195: {  	_ =	swait.ge [sflag:s13], $0x2000  }
0x196: {  	[sflag:s13] =	ssyncset.done $0x0  }
0x197: {  	[sflag:s13] =	ssyncadd.s32 $0xFFFFE000  }
0x198: {  	_ =	swait.ge [sflag:s14], $0x2000  }
0x199: {  	[sflag:s14] =	ssyncset.done $0x0  }
0x19a: {  	[sflag:s14] =	ssyncadd.s32 $0xFFFFE000  }
0x19b: {  	_ =	swait.ge [sflag:s15], $0x2000  }
0x19c: {  	[sflag:s15] =	ssyncset.done $0x0  }
0x19d: {  	s20 =	simm.s32 $0x0;
	s22 =	rddreg [dreg:$0x11];
	[sflag:s15] =	ssyncadd.s32 $0xFFFFE000  }
0x19e: {  	[tilespmem:s20], [sflag:$0x9] =	stream.linear.gather [hbm4b:s22+s20], $0x1400, $0x38;
	[tilespmem:$0x1E800] =	vst v63  }
0x19f: {  	_ =	swait.ge [sflag:s26], $0x1400  }
0x1a0: {  	[sflag:s26] =	ssyncset.done $0x0  }
0x1a1: {  	s22 =	rddreg [dreg:$0x12];
	[sflag:s26] =	ssyncadd.s32 $0xFFFFEC00  }
0x1a2: {  	[tilespmem:s28], [sflag:$0x9] =	stream.linear.gather [hbm4b:s22+s20], $0x1400, $0x38;
	[tilespmem:$0x1E800] =	vst v63  }
0x1a3: {  	_ =	swait.ge [sflag:s26], $0x1400  }
0x1a4: {  	[sflag:s26] =	ssyncset.done $0x0  }
0x1a5: {  	[sflag:s26] =	ssyncadd.s32 $0xFFFFEC00  }
0x1a6: {  	[tilespmem:s25], [sflag:$0x1] =	stream.indirect.gather [hbm4b:s1+s29], $0x80, s20, s29, $0xb8;
	[tilespmem:$0x1E800] =	vst v63  }
0x1a7: {  	_ = 	snop  }
0x1a8: {  	[tilespmem:s31], [sflag:$0x2] =	stream.indirect.gather [hbm4b:s1+s29], $0x80, s30, s29, $0xb8;
	[tilespmem:$0x1E800] =	vst v63  }
0x1a9: {  	_ = 	snop  }
0x1aa: {  	[tilespmem:s2], [sflag:$0x3] =	stream.indirect.gather [hbm4b:s1+s29], $0x80, s0, s29, $0xb8;
	[tilespmem:$0x1E800] =	vst v63  }
0x1ab: {  	_ = 	snop  }
0x1ac: {  	[tilespmem:s7], [sflag:$0x4] =	stream.indirect.gather [hbm4b:s1+s29], $0x80, s6, s29, $0xb8;
	[tilespmem:$0x1E800] =	vst v63  }
0x1ad: {  	_ =	swait.ge [sflag:s8], $0x2000  }
0x1ae: {  	[sflag:s8] =	ssyncset.done $0x0  }
0x1af: {  	s22 =	simm.s32 $0x1400;
	[sflag:s8] =	ssyncadd.s32 $0xFFFFE000  }
0x1b0: {  	[spmem:s3] =	stream.indirect.scatter.add.f32 [tilespmem:s25], [sflag:$0x5], $0x80, s22, s29, $0xb8;
	[tilespmem:$0x1E800] =	vst v63  }
0x1b1: {  	_ =	swait.ge [sflag:s9], $0x2000  }
0x1b2: {  	[sflag:s9] =	ssyncset.done $0x0  }
0x1b3: {  	s21 =	simm.s32 $0x1480;
	[sflag:s9] =	ssyncadd.s32 $0xFFFFE000  }
0x1b4: {  	[spmem:s3] =	stream.indirect.scatter.add.f32 [tilespmem:s31], [sflag:$0x6], $0x80, s21, s29, $0xb8;
	[tilespmem:$0x1E800] =	vst v63  }
0x1b5: {  	_ =	swait.ge [sflag:s10], $0x2000  }
0x1b6: {  	[sflag:s10] =	ssyncset.done $0x0  }
0x1b7: {  	s22 =	simm.s32 $0x1500;
	[sflag:s10] =	ssyncadd.s32 $0xFFFFE000  }
0x1b8: {  	[spmem:s3] =	stream.indirect.scatter.add.f32 [tilespmem:s2], [sflag:$0x7], $0x80, s22, s29, $0xb8;
	[tilespmem:$0x1E800] =	vst v63  }
0x1b9: {  	_ =	swait.ge [sflag:s11], $0x2000  }
0x1ba: {  	[sflag:s11] =	ssyncset.done $0x0  }
0x1bb: {  	s21 =	simm.s32 $0x1580;
	[sflag:s11] =	ssyncadd.s32 $0xFFFFE000  }
0x1bc: {  	[spmem:s3] =	stream.indirect.scatter.add.f32 [tilespmem:s7], [sflag:$0x8], $0x80, s21, s29, $0xb8;
	[tilespmem:$0x1E800] =	vst v63  }
0x1bd: {  	_ =	swait.ge [sflag:s12], $0x2000  }
0x1be: {  	[sflag:s12] =	ssyncset.done $0x0  }
0x1bf: {  	s22 =	simm.s32 $0x200;
	[sflag:s12] =	ssyncadd.s32 $0xFFFFE000  }
0x1c0: {  	[tilespmem:s25], [sflag:$0x1] =	stream.indirect.gather [hbm4b:s1+s29], $0x80, s22, s29, $0xb8;
	[tilespmem:$0x1E800] =	vst v63  }
0x1c1: {  	_ =	swait.ge [sflag:s13], $0x2000  }
0x1c2: {  	[sflag:s13] =	ssyncset.done $0x0  }
0x1c3: {  	s21 =	simm.s32 $0x280;
	[sflag:s13] =	ssyncadd.s32 $0xFFFFE000  }
0x1c4: {  	[tilespmem:s31], [sflag:$0x2] =	stream.indirect.gather [hbm4b:s1+s29], $0x80, s21, s29, $0xb8;
	[tilespmem:$0x1E800] =	vst v63  }
0x1c5: {  	_ =	swait.ge [sflag:s14], $0x2000  }
0x1c6: {  	[sflag:s14] =	ssyncset.done $0x0  }
0x1c7: {  	s22 =	simm.s32 $0x300;
	[sflag:s14] =	ssyncadd.s32 $0xFFFFE000  }
0x1c8: {  	[tilespmem:s2], [sflag:$0x3] =	stream.indirect.gather [hbm4b:s1+s29], $0x80, s22, s29, $0xb8;
	[tilespmem:$0x1E800] =	vst v63  }
0x1c9: {  	_ =	swait.ge [sflag:s15], $0x2000  }
0x1ca: {  	[sflag:s15] =	ssyncset.done $0x0  }
0x1cb: {  	s20 =	simm.s32 $0x800;
	s21 =	simm.s32 $0x380;
	[sflag:s15] =	ssyncadd.s32 $0xFFFFE000  }
.LBB2_10:
0x1cc: {  	[tilespmem:s7], [sflag:$0x4] =	stream.indirect.gather [hbm4b:s1+s29], $0x80, s21, s29, $0xb8;
	[tilespmem:$0x1E800] =	vst v63  }
0x1cd: {  	s21 =	smov.u32 s20  }
0x1ce: {  	p0 =	sne.s32 s20, $0x4000;
	s20 =	sadd.s32 $0x800, s20;
	_ =	swait.ge [sflag:s8], $0x2000  }
0x1cf: {  	s21 =	sshra.s32 s21, $0x2;
	[sflag:s8] =	ssyncset.done $0x0  }
0x1d0: {  	s22 =	sadd.s32 $0x1400, s21;
	[sflag:s8] =	ssyncadd.s32 $0xFFFFE000  }
0x1d1: {  	[spmem:s3] =	stream.indirect.scatter.add.f32 [tilespmem:s25], [sflag:$0x5], $0x80, s22, s29, $0xb8;
	[tilespmem:$0x1E800] =	vst v63  }
0x1d2: {  	_ =	swait.ge [sflag:s9], $0x2000  }
0x1d3: {  	[sflag:s9] =	ssyncset.done $0x0  }
0x1d4: {  	s22 =	sadd.s32 $0x1480, s21;
	[sflag:s9] =	ssyncadd.s32 $0xFFFFE000  }
0x1d5: {  	[spmem:s3] =	stream.indirect.scatter.add.f32 [tilespmem:s31], [sflag:$0x6], $0x80, s22, s29, $0xb8;
	[tilespmem:$0x1E800] =	vst v63  }
0x1d6: {  	_ =	swait.ge [sflag:s10], $0x2000  }
0x1d7: {  	[sflag:s10] =	ssyncset.done $0x0  }
0x1d8: {  	s22 =	sadd.s32 $0x1500, s21;
	[sflag:s10] =	ssyncadd.s32 $0xFFFFE000  }
0x1d9: {  	[spmem:s3] =	stream.indirect.scatter.add.f32 [tilespmem:s2], [sflag:$0x7], $0x80, s22, s29, $0xb8;
	[tilespmem:$0x1E800] =	vst v63  }
0x1da: {  	_ =	swait.ge [sflag:s11], $0x2000  }
0x1db: {  	[sflag:s11] =	ssyncset.done $0x0  }
0x1dc: {  	s22 =	sadd.s32 $0x1580, s21;
	[sflag:s11] =	ssyncadd.s32 $0xFFFFE000  }
0x1dd: {  	[spmem:s3] =	stream.indirect.scatter.add.f32 [tilespmem:s7], [sflag:$0x8], $0x80, s22, s29, $0xb8;
	[tilespmem:$0x1E800] =	vst v63  }
0x1de: {  	_ =	swait.ge [sflag:s12], $0x2000  }
0x1df: {  	[sflag:s12] =	ssyncset.done $0x0  }
0x1e0: {  	s22 =	sadd.s32 $0x200, s21;
	[sflag:s12] =	ssyncadd.s32 $0xFFFFE000  }
0x1e1: {  	[tilespmem:s25], [sflag:$0x1] =	stream.indirect.gather [hbm4b:s1+s29], $0x80, s22, s29, $0xb8;
	[tilespmem:$0x1E800] =	vst v63  }
0x1e2: {  	_ =	swait.ge [sflag:s13], $0x2000  }
0x1e3: {  	[sflag:s13] =	ssyncset.done $0x0  }
0x1e4: {  	s22 =	sadd.s32 $0x280, s21;
	[sflag:s13] =	ssyncadd.s32 $0xFFFFE000  }
0x1e5: {  	[tilespmem:s31], [sflag:$0x2] =	stream.indirect.gather [hbm4b:s1+s29], $0x80, s22, s29, $0xb8;
	[tilespmem:$0x1E800] =	vst v63  }
0x1e6: {  	_ =	swait.ge [sflag:s14], $0x2000  }
0x1e7: {  	[sflag:s14] =	ssyncset.done $0x0  }
.Ltmp4:
0x1e8: {  	s22 =	sadd.s32 $0x300, s21;
	[sflag:s14] =	ssyncadd.s32 $0xFFFFE000;
	(pc) =	sbr.rel @p0 .LBB2_10-.Ltmp4, $4  }
0x1e9: {  	[tilespmem:s2], [sflag:$0x3] =	stream.indirect.gather [hbm4b:s1+s29], $0x80, s22, s29, $0xb8;
	[tilespmem:$0x1E800] =	vst v63  }
0x1ea: {  	_ =	swait.ge [sflag:s15], $0x2000  }
0x1eb: {  	[sflag:s15] =	ssyncset.done $0x0  }
0x1ec: {  	s21 =	sadd.s32 $0x380, s21;
	[sflag:s15] =	ssyncadd.s32 $0xFFFFE000  }
0x1ed: {  	[tilespmem:s7], [sflag:$0x4] =	stream.indirect.gather [hbm4b:s1+s29], $0x80, s21, s29, $0xb8;
	[tilespmem:$0x1E800] =	vst v63  }
0x1ee: {  	_ =	swait.ge [sflag:s8], $0x2000  }
0x1ef: {  	[sflag:s8] =	ssyncset.done $0x0  }
0x1f0: {  	[sflag:s8] =	ssyncadd.s32 $0xFFFFE000  }
0x1f1: {  	[spmem:s3] =	stream.indirect.scatter.add.f32 [tilespmem:s25], [sflag:$0x5], $0x80, s16, s29, $0xb8;
	[tilespmem:$0x1E800] =	vst v63  }
0x1f2: {  	_ =	swait.ge [sflag:s9], $0x2000  }
0x1f3: {  	[sflag:s9] =	ssyncset.done $0x0  }
0x1f4: {  	[sflag:s9] =	ssyncadd.s32 $0xFFFFE000  }
0x1f5: {  	[spmem:s3] =	stream.indirect.scatter.add.f32 [tilespmem:s31], [sflag:$0x6], $0x80, s17, s29, $0xb8;
	[tilespmem:$0x1E800] =	vst v63  }
0x1f6: {  	_ =	swait.ge [sflag:s10], $0x2000  }
0x1f7: {  	[sflag:s10] =	ssyncset.done $0x0  }
0x1f8: {  	[sflag:s10] =	ssyncadd.s32 $0xFFFFE000  }
0x1f9: {  	[spmem:s3] =	stream.indirect.scatter.add.f32 [tilespmem:s2], [sflag:$0x7], $0x80, s18, s29, $0xb8;
	[tilespmem:$0x1E800] =	vst v63  }
0x1fa: {  	_ =	swait.ge [sflag:s11], $0x2000  }
0x1fb: {  	[sflag:s11] =	ssyncset.done $0x0  }
0x1fc: {  	[sflag:s11] =	ssyncadd.s32 $0xFFFFE000  }
0x1fd: {  	[spmem:s3] =	stream.indirect.scatter.add.f32 [tilespmem:s7], [sflag:$0x8], $0x80, s19, s29, $0xb8;
	[tilespmem:$0x1E800] =	vst v63  }
0x1fe: {  	_ =	swait.ge [sflag:s12], $0x2000  }
0x1ff: {  	[sflag:s12] =	ssyncset.done $0x0  }
0x200: {  	[sflag:s12] =	ssyncadd.s32 $0xFFFFE000  }
0x201: {  	_ =	swait.ge [sflag:s13], $0x2000  }
0x202: {  	[sflag:s13] =	ssyncset.done $0x0  }
0x203: {  	[sflag:s13] =	ssyncadd.s32 $0xFFFFE000  }
0x204: {  	_ =	swait.ge [sflag:s14], $0x2000  }
0x205: {  	[sflag:s14] =	ssyncset.done $0x0  }
0x206: {  	[sflag:s14] =	ssyncadd.s32 $0xFFFFE000  }
0x207: {  	s20 =	stileid.u32;
	_ =	swait.ge [sflag:s15], $0x2000  }
0x208: {  	s22 =	sshrl.u32 s5, $0x3;
	s4 =	sadd.s32 $0x1, s4;
	[sflag:s15] =	ssyncset.done $0x0  }
0x209: {  	s20 =	sshll.u32 s20, $0x6;
	p0 =	sne.s32 s4, s23;
	[sflag:s15] =	ssyncadd.s32 $0xFFFFE000  }
.Ltmp5:
0x20a: {  	s20 =	sor.u32 $0x1C09, s20;
	[bflag:$0x0] =	sbarrier.arrive $0xFFFF;
	(pc) =	sbr.rel @p0 .LBB2_1-.Ltmp5, $4  }
0x20b: {  	[hbm:s24], [sflag:s20] =	dma.local [spmem:s22], $0x2800  }
0x20c: {  	_ =	swait.ge [sflag:s26], $0x2800  }
0x20d: {  	[sflag:s26] =	ssyncset.done $0x0  }
0x20e: {  	[sflag:s26] =	ssyncadd.s32 $0xFFFFD800  }
0x20f: {  	_ =	sfence.sel $0x180000  }
0x210: {  	[bflag:$0x0] =	sbarrier.arrive $0xFFFF  }
0x211: {  	_ =	strace $0x9000004A  }
0x212: {  	s0 =	stileid.u32;
	[bflag:$0x2] =	sbarrier.arrive $0xFFFF  }
0x213: {  	p0 =	sne.s32 s0, $0x0;
	s0 =	rddreg [dreg:$0x3]  }
0x214: {  	s0 =	sadd.s32 @!p0 $0x100000, s0  }
0x215: {  	[sflag:s0] =	ssyncadd.tile.s32 @!p0 $0x1;
	_ =	shalt  }
.Lfunc_end2:
_tile_overlayer_lowered:
.L_overlay_start_2:
0x216: {  	(tag) =	ssettag $0x2  }
0x217: {  	s0 =	rddreg [dreg:$0x0];
	s2 =	stileid.u32  }
0x218: {  	s1 =	rddreg [dreg:$0x1];
	p0 =	sne.s32 s2, $0x0  }
0x219: {  	s3 =	rddreg [dreg:$0x2];
	[bflag:$0x3] =	sbarrier.arrive $0xFFFF;
	s2 =	simm.s32 @!p0 $0x1C09  }
0x21a: {  	[timem:s3], [sflag:s2] =	dma.local @!p0 [hbm:s0], s1  }
0x21b: {  	s0 =	simm.s32 @!p0 $0x9  }
0x21c: {  	_ =	swait.ge @!p0 [sflag:s0], s1  }
0x21d: {  	s1 =	ssub.s32 @!p0 $0x0, s1;
	[sflag:s0] =	ssyncset.done @!p0 $0x0  }
0x21e: {  	[sflag:s0] =	ssyncadd.s32 @!p0 s1  }
0x21f: {  	[bflag:$0x3] =	sbarrier.arrive $0xFFFF  }
0x220: {  	_ =	shalt  }

// kernel: kernel.14.cloned.1.call-start
scs
__scs_entry_jumppad:
0x0: {  	(pc) =	sbr.rel $0x88, $3  }
0x1: {  	(tag) =	ssettag $0x0;
	lr =	simm.s32 $0x1  }
0x2: {  	[smem:$0x3F9B] =	sst lr;
	_ =	strace $0xD0000000  }
0x3: {  	_ = 	snop  }
0x4: {  	_ = 	snop  }
0x5: {  	_ = 	snop  }
0x6: {  	_ = 	snop  }
0x7: {  	_ = 	snop  }
__scs_overlays_trampoline_lowered:
0x8: {  	[smem:$0x3FAA] =	sst s0  }
0x9: {  	[smem:$0x3FAB] =	sst s1  }
0xa: {  	[smem:$0x3FAC] =	sst s2  }
0xb: {  	[smem:$0x3FAD] =	sst s3  }
0xc: {  	[smem:$0x3FAE] =	sst s4  }
0xd: {  	[smem:$0x3FAF] =	sst s5  }
0xe: {  	[smem:$0x3FB0] =	sst s6  }
0xf: {  	[smem:$0x3FB1] =	sst s7  }
0x10: {  	[smem:$0x3FB2] =	sst s8  }
0x11: {  	[smem:$0x3FB3] =	sst s9;
	s0 =	simm.s32 @!p0 $0x0  }
0x12: {  	s1 =	sld [smem:$0x3F99];
	s0 =	simm.s32 @p0 $0x1  }
0x13: {  	[smem:$0x3FB4] =	sst s0;
	s0 =	simm.s32 @!p1 $0x0  }
0x14: {  	s2 =	sld [smem:$0x3F98];
	s0 =	simm.s32 @p1 $0x1  }
0x15: {  	[smem:$0x3FB5] =	sst s0;
	s0 =	simm.s32 @!p2 $0x0  }
0x16: {  	s3 =	sld [smem:$0x3FDB];
	s0 =	simm.s32 @p2 $0x1  }
0x17: {  	s4 =	simm.s32 $0x1BF5;
	[smem:$0x3FB7] =	sst s0  }
0x18: {  	s0 =	sld [smem:$0x3F9A];
	_ =	swait.ge [sflag:s4], $0x0  }
0x19: {  	s7 =	sld [smem:$0x3F9B]  }
0x1a: {  	s8 =	sadd.s32 $0xFFFFE003, lr  }
0x1b: {  	s9 =	sadd.s32 $0xFFFFFEF7, lr;
	s5 =	simm.s32 $0xFFFFFFFF;
	p2 =	slt.u32 s8, $0xFFFFF086  }
0x1c: {  	p1 =	slt.u32 s9, $0xF7A;
	s5 =	simm.s32 @!p2 $0x0  }
0x1d: {  	s5 =	simm.s32 @p1 $0x1;
	p0 =	seq.s32 s7, s2  }
0x1e: {  	s7 =	smul.u32 @!p0 $0xF7A, s2;
	p2 =	seq.s32 @!p0 s5, $0x0  }
0x1f: {  	s9 =	smul.u32 $0xF7A, s1;
	s8 =	simm.s32 @!p0 $0x1BF5;
	p2 =	por !p2, p0  }
0x20: {  	[sflag:s8] =	ssyncset.s32 @!p0 $0xFFFFF086;
	s6 =	sadd.s32 @!p0 s3, s7;
	s7 =	simm.s32 @!p0 $0x108  }
0x21: {  	s3 =	sadd.s32 s3, s9;
	s6 =	sadd.s32 @!p0 $0x88, s6;
	s7 =	simm.s32 @p2 $0x1082  }
0x22: {  	[simem:s7], [sflag:s8] =	dma.local @!p0 [hbm:s6], $0xF7A  }
0x23: {  	s9 =	sor.u32 $0xD0000000, s2;
	s6 =	simm.s32 $0x108;
	_ =	swait.ge @!p0 [sflag:s8], $0x0  }
0x24: {  	s3 =	sadd.s32 $0x88, s3;
	s6 =	simm.s32 @!p1 $0x1082;
	[sflag:s4] =	ssyncset.s32 $0xFFFFF086  }
0x25: {  	[simem:s6], [sflag:s4] =	dma.local [hbm:s3], $0xF7A  }
0x26: {  	[smem:$0x3F9B] =	sst s1;
	(tag) =	ssettag s2;
	_ =	strace s9  }
0x27: {  	s1 =	sld [smem:$0x3FAB]  }
0x28: {  	s2 =	sld [smem:$0x3FAC]  }
0x29: {  	s4 =	sld [smem:$0x3FAE]  }
0x2a: {  	p0 =	seq.s32 s5, $0x0;
	s5 =	sld [smem:$0x3FAF]  }
0x2b: {  	s6 =	sld [smem:$0x3FB0]  }
0x2c: {  	s7 =	sld [smem:$0x3FB1]  }
0x2d: {  	s3 =	simm.s32 $0x108;
	s8 =	sld [smem:$0x3FB2]  }
0x2e: {  	s3 =	simm.s32 @!p0 $0x1082;
	s9 =	sld [smem:$0x3FB3]  }
0x2f: {  	lr =	sadd.s32 s0, s3;
	s0 =	sld [smem:$0x3FAA]  }
0x30: {  	s3 =	sld [smem:$0x3FAD]  }
0x31: {  	[smem:$0x3FB6] =	sst s10  }
0x32: {  	s10 =	sld [smem:$0x3FB4];
	_ =	sdelay $0x3  }
0x33: {  	p0 =	seq.s32 s10, $0x1;
	s10 =	sld [smem:$0x3FB6];
	_ =	sdelay $0x3  }
0x34: {  	[smem:$0x3FB6] =	sst s10  }
0x35: {  	s10 =	sld [smem:$0x3FB5];
	_ =	sdelay $0x3  }
0x36: {  	p1 =	seq.s32 s10, $0x1;
	s10 =	sld [smem:$0x3FB6];
	_ =	sdelay $0x3  }
0x37: {  	[smem:$0x3FB6] =	sst s10  }
0x38: {  	s10 =	sld [smem:$0x3FB7]  }
0x39: {  	_ = 	snop;
	(pc) =	sbr.ind lr, $3  }
0x3a: {  	_ = 	snop  }
0x3b: {  	_ = 	snop  }
0x3c: {  	p2 =	seq.s32 s10, $0x1;
	s10 =	sld [smem:$0x3FB6]  }
0x3d: {  	_ =	shalt  }
0x3e: {  	_ =	shalt  }
0x3f: {  	_ =	shalt  }
0x40: {  	_ =	shalt  }
0x41: {  	_ =	shalt  }
0x42: {  	_ =	shalt  }
0x43: {  	_ =	shalt  }
0x44: {  	_ =	shalt  }
0x45: {  	_ =	shalt  }
0x46: {  	_ =	shalt  }
0x47: {  	_ =	shalt  }
0x48: {  	_ =	shalt  }
0x49: {  	_ =	shalt  }
0x4a: {  	_ =	shalt  }
0x4b: {  	_ =	shalt  }
0x4c: {  	_ =	shalt  }
0x4d: {  	_ =	shalt  }
0x4e: {  	_ =	shalt  }
0x4f: {  	_ =	shalt  }
0x50: {  	_ =	shalt  }
0x51: {  	_ =	shalt  }
0x52: {  	_ =	shalt  }
0x53: {  	_ =	shalt  }
0x54: {  	_ =	shalt  }
0x55: {  	_ =	shalt  }
0x56: {  	_ =	shalt  }
0x57: {  	_ =	shalt  }
0x58: {  	_ =	shalt  }
0x59: {  	_ =	shalt  }
0x5a: {  	_ =	shalt  }
0x5b: {  	_ =	shalt  }
0x5c: {  	_ =	shalt  }
0x5d: {  	_ =	shalt  }
0x5e: {  	_ =	shalt  }
0x5f: {  	_ =	shalt  }
0x60: {  	_ =	shalt  }
0x61: {  	_ =	shalt  }
0x62: {  	_ =	shalt  }
0x63: {  	_ =	shalt  }
0x64: {  	_ =	shalt  }
0x65: {  	_ =	shalt  }
0x66: {  	_ =	shalt  }
0x67: {  	_ =	shalt  }
0x68: {  	_ =	shalt  }
0x69: {  	_ =	shalt  }
0x6a: {  	_ =	shalt  }
0x6b: {  	_ =	shalt  }
0x6c: {  	_ =	shalt  }
0x6d: {  	_ =	shalt  }
0x6e: {  	_ =	shalt  }
0x6f: {  	_ =	shalt  }
0x70: {  	_ =	shalt  }
0x71: {  	_ =	shalt  }
0x72: {  	_ =	shalt  }
0x73: {  	_ =	shalt  }
0x74: {  	_ =	shalt  }
0x75: {  	_ =	shalt  }
0x76: {  	_ =	shalt  }
0x77: {  	_ =	shalt  }
0x78: {  	_ =	shalt  }
0x79: {  	_ =	shalt  }
0x7a: {  	_ =	shalt  }
0x7b: {  	_ =	shalt  }
0x7c: {  	_ =	shalt  }
0x7d: {  	_ =	shalt  }
0x7e: {  	_ =	shalt  }
0x7f: {  	_ =	shalt  }
0x80: {  	_ =	shalt  }
0x81: {  	_ =	shalt  }
0x82: {  	_ =	shalt  }
0x83: {  	_ =	shalt  }
0x84: {  	_ =	shalt  }
0x85: {  	_ =	shalt  }
0x86: {  	_ =	shalt  }
0x87: {  	_ =	shalt  }
.Lfunc_end0:
.L_simem_size_0:
called_computation.2_lowered:
.L_overlay_start_0:
0x88: {  	s2 =	sld [smem:$0x3FD9]  }
0x89: {  	s3 =	sld [smem:$0x3FFE];
	_ =	sdelay $0x1  }
0x8a: {  	s1 =	srdreg.scid  }
0x8b: {  	s0 =	sand.u32 $0x1, s1  }
0x8c: {  	s17 =	sshll.u32 s0, $0xA;
	s2 =	sadd.s32 s3, s2  }
0x8d: {  	s2 =	sadd.s32 s2, s17  }
0x8e: {  	[smem:$0x3FC2] =	sst s2  }
0x8f: {  	_ = 	snop  }
0x90: {  	s2 =	sld [smem:$0x3FD0];
	(tm) =	ssettm $0x1  }
0x91: {  	s18 =	sld [smem:$0x3FFB];
	_ =	sdelay $0x3  }
0x92: {  	_ =	strace s18  }
0x93: {  	s3 =	sld [smem:$0x3FFC];
	_ =	sdelay $0x3  }
0x94: {  	_ =	strace s3  }
0x95: {  	s3 =	sld [smem:$0x3FFD];
	_ =	sdelay $0x3  }
0x96: {  	_ =	strace s3  }
0x97: {  	_ =	strace $0x8FFFFFFF  }
0x98: {  	s19 =	sld [smem:$0x3FDB];
	_ =	sdelay $0x1  }
0x99: {  	s4 =	simm.s32 $_scs_section_size  }
0x9a: {  	s5 =	simm.s32 $_size__tile_overlayer_lowered;
	s6 =	simm.s32 $_tile_overlayer_lowered  }
0x9b: {  	s22 =	simm.s32 $0x1BFF;
	s21 =	sshll.u32 s6, $0x1;
	s3 =	sadd.s32 s4, s19  }
0x9c: {  	s7 =	simm.s32 $0x0;
	s20 =	sshll.u32 s5, $0x1;
	s5 =	sadd.s32 s21, s3  }
0x9d: {  	[timem:s7], [sflag:s22] =	dma.local [hbm:s5], s20  }
0x9e: {  	_ =	swait.ge [sflag:s22], s20  }
0x9f: {  	s4 =	ssub.s32 $0x0, s20;
	[sflag:s22] =	ssyncset.done $0x0  }
0xa0: {  	[sflag:s22] =	ssyncadd.s32 s4;
	_ =	sdelay $0x1  }
0xa1: {  	s23 =	simm.s32 $0x1B8B  }
0xa2: {  	_ =	swait.ge [sflag:s23], $0x1  }
0xa3: {  	[sflag:s23] =	ssyncset.done $0x0  }
0xa4: {  	s25 =	simm.s32 $0x1B8E;
	s24 =	sld [smem:$0x3FFE];
	[sflag:s23] =	ssyncadd.s32 $0xFFFFFFFF  }
0xa5: {  	s26 =	simm.s32 $execute0_lowered;
	[smem:$0x3FD2] =	sst s25  }
0xa6: {  	s5 =	sshll.u32 s26, $0x1;
	_ =	strace $0x8000004C;
	[dreg:$0x1] =	wrdreg $0xFFFFFFFF  }
0xa7: {  	s28 =	simm.s32 $_size_execute0_lowered;
	s3 =	sadd.s32 s3, s5;
	[dreg:$0x0] =	wrdreg $0x0  }
0xa8: {  	s5 =	sshll.u32 s28, $0x1;
	[dreg:$0x2] =	wrdreg s3  }
0xa9: {  	[dreg:$0x3] =	wrdreg s5  }
0xaa: {  	[dreg:$0x4] =	wrdreg $0xC0  }
0xab: {  	_ =	task [dreg:s7], $0x5FFFF  }
0xac: {  	[dreg:$0x1] =	wrdreg $0xFFFFFFFF  }
0xad: {  	[dreg:$0x0] =	wrdreg $0x60  }
0xae: {  	[dreg:$0x2] =	wrdreg s2  }
0xaf: {  	[dreg:$0x3] =	wrdreg s24  }
0xb0: {  	[dreg:$0x4] =	wrdreg $0xA8000  }
0xb1: {  	[dreg:$0x5] =	wrdreg $0x9  }
0xb2: {  	_ =	task.clear_ibuf [dreg:s7], $0x6FFFF;
	_ =	strace $0x9000004C  }
0xb3: {  	s29 =	simm.s32 $0x9;
	_ =	strace $0x8000004E  }
0xb4: {  	_ =	swait.ge [sflag:s29], $0x1  }
0xb5: {  	[sflag:s29] =	ssyncadd.s32 $0xFFFFFFFF  }
0xb6: {  	_ =	strace $0x9000004E  }
0xb7: {  	_ =	sfence  }
0xb8: {  	s30 =	sld [smem:$0x0];
	_ =	sdelay $0x2  }
0xb9: {  	s31 =	sshll.u32 s1, $0xD;
	s1 =	sshrl.u32 s1, $0x2  }
0xba: {  	s3 =	sand.u32 $0x4000, s31;
	s1 =	sadd.s32 s1, s30  }
0xbb: {  	s0 =	sor.u32 s3, s0;
	s1 =	sshll.u32 s1, $0x11  }
0xbc: {  	s0 =	sor.u32 s1, s0  }
0xbd: {  	s0 =	sadd.s32 $0x8F2B, s0  }
0xbe: {  	[sflag:s0] =	ssyncadd.remote.s32 $0x1  }
0xbf: {  	_ =	sfence.sel $0xFFFF  }
0xc0: {  	[dreg:$0x0] =	wrdreg $0xFFFFFFFF;
	(pc) =	sbr.abs _section_cstart, $3  }
0xc1: {  	[dreg:$0x1] =	wrdreg $0xFFFFFFFF  }
0xc2: {  	_ =	task.clear_ibuf [dreg:s7], $0x2FFFF;
	_ =	strace $0x9FFFFFFF  }
0xc3: {  	(tm) =	ssettm $0x7FFFFFFF  }
tec
execute0_lowered:
.L_overlay_start_1:
0x0: {  	(tag) =	ssettag $0x1  }
0x1: {  	s1 =	rddreg [dreg:$0x0]  }
0x2: {  	s0 =	rddreg [dreg:$0x1]  }
0x3: {  	s3 =	rddreg [dreg:$0x2];
	s4 =	simm.s32 $0x0;
	s2 =	srdreg.scid  }
0x4: {  	s11 =	stileid.u32;
	s28 =	simm.s32 $0x1400;
	s29 =	simm.s32 $0x40  }
0x5: {  	s30 =	simm.s32 $0x80;
	s31 =	simm.s32 $0x4800;
	s5 =	smul.u32 $0x50000, s11  }
0x6: {  	[smem:$0x7FF] =	sst s4;
	s2 =	sand.u32 $0x1, s2;
	s6 =	sadd.s32 $0x18A00, s0  }
0x7: {  	s8 =	sadd.s32 $0x4400, s0;
	s7 =	ssub.s32 $0x2, s2;
	s5 =	sshrl.u32 s5, $0x2  }
0x8: {  	s10 =	sshll.u32 s11, $0x1;
	s9 =	sshrl.u32 s7, $0x1;
	s5 =	sadd.s32 s5, s3  }
0x9: {  	s7 =	ssub.s32 s7, s9;
	s9 =	sor.u32 s2, s10;
	s10 =	sadd.s32 $0x2000, s5  }
0xa: {  	_ =	strace $0x8000004D;
	s12 =	sadd.s32 $0x4000, s5;
	[dreg:$0x4] =	wrdreg s10  }
0xb: {  	s24 =	smul.u32 $0x2800, s11;
	s13 =	sadd.s32 $0x6000, s5;
	[dreg:$0x5] =	wrdreg s12  }
0xc: {  	s11 =	simm.s32 $0x4;
	s14 =	sadd.s32 $0x8000, s5;
	[dreg:$0x6] =	wrdreg s13  }
0xd: {  	p0 =	seq.s32 s2, $0x1;
	s15 =	sadd.s32 $0xA000, s5;
	[dreg:$0x7] =	wrdreg s14  }
0xe: {  	s2 =	simm.s32 $0x54A00;
	s16 =	sadd.s32 $0xC000, s5;
	[dreg:$0x8] =	wrdreg s15  }
0xf: {  	s9 =	smul.u32 $0xA00, s9;
	s17 =	sadd.s32 $0xE000, s5;
	[dreg:$0x9] =	wrdreg s16  }
0x10: {  	s2 =	simm.s32 @!p0 $0x2CA00;
	s25 =	sadd.s32 $0x10000, s5;
	[dreg:$0xa] =	wrdreg s17  }
0x11: {  	s26 =	sadd.s32 $0x12000, s5;
	[dreg:$0x13] =	wrdreg s25;
	s0 =	sadd.s32 s2, s0  }
0x12: {  	[dreg:$0x14] =	wrdreg s26;
	s25 =	simm.s32 $0x2800;
	s26 =	simm.s32 $0x9  }
0x13: {  	s2 =	simm.s32 $0x6800;
	s13 =	simm.s32 $0x6;
	s14 =	simm.s32 $0x7  }
0x14: {  	s15 =	simm.s32 $0x8;
	s16 =	simm.s32 $0x2600;
	s17 =	simm.s32 $0x2680  }
0x15: {  	s18 =	sadd.s32 s6, s9;
	s19 =	sadd.s32 s8, s9;
	s20 =	sadd.s32 $0x280, s9  }
0x16: {  	s21 =	sadd.s32 $0x500, s9;
	s9 =	sadd.s32 $0x780, s9;
	[dreg:$0xb] =	wrdreg s18  }
0x17: {  	s24 =	sadd.s32 s0, s24;
	[dreg:$0xc] =	wrdreg s19;
	s12 =	sadd.s32 s6, s20  }
0x18: {  	s0 =	simm.s32 $0x100;
	s10 =	sadd.s32 s8, s20;
	[dreg:$0xd] =	wrdreg s12  }
0x19: {  	s22 =	sadd.s32 s6, s21;
	s6 =	sadd.s32 s6, s9;
	[dreg:$0xe] =	wrdreg s10  }
0x1a: {  	s23 =	sadd.s32 s8, s9;
	s9 =	simm.s32 $0x2;
	[dreg:$0xf] =	wrdreg s22  }
0x1b: {  	s18 =	simm.s32 $0x2700;
	s19 =	simm.s32 $0x2780;
	[dreg:$0x11] =	wrdreg s6  }
0x1c: {  	s10 =	sadd.s32 s8, s21;
	[dreg:$0x12] =	wrdreg s23;
	s23 =	smax.u32 s7, $0x1  }
0x1d: {  	s6 =	simm.s32 $0x180;
	s7 =	simm.s32 $0x8800;
	s8 =	simm.s32 $0x1  }
0x1e: {  	v0 =	vimm.f32 $0.0e+00;
	s12 =	simm.s32 $0x5;
	[dreg:$0x10] =	wrdreg s10;
	s10 =	simm.s32 $0x3  }
.LBB2_1:
0x1f: {  	s20 =	simm.s32 $0x0;
	s21 =	simm.s32 $0x200  }
.LBB2_2:
0x20: {  	p0 =	sne.s32 s21, $0x7E00;
	[tilespmem:s20+$0x2870] =	vst v0  }
0x21: {  	[tilespmem:s20+$0x2800] =	vst v0  }
0x22: {  	[tilespmem:s20+$0x2810] =	vst v0  }
.Ltmp0:
0x23: {  	[tilespmem:s20+$0x2820] =	vst v0;
	(pc) =	sbr.rel @p0 .LBB2_2-.Ltmp0, $4  }
0x24: {  	[tilespmem:s20+$0x2830] =	vst v0  }
0x25: {  	[tilespmem:s20+$0x2840] =	vst v0  }
0x26: {  	[tilespmem:s20+$0x2850] =	vst v0  }
0x27: {  	[tilespmem:s20+$0x2860] =	vst v0;
	s20 =	sshra.s32 s21, $0x2;
	s21 =	sadd.s32 $0x200, s21  }
0x28: {  	[tilespmem:s20+$0x2870] =	vst v0  }
0x29: {  	[tilespmem:s20+$0x2800] =	vst v0  }
0x2a: {  	[tilespmem:s20+$0x2810] =	vst v0  }
0x2b: {  	[tilespmem:s20+$0x2820] =	vst v0  }
0x2c: {  	[tilespmem:s20+$0x2830] =	vst v0  }
0x2d: {  	[tilespmem:s20+$0x2840] =	vst v0  }
0x2e: {  	[tilespmem:s20+$0x2850] =	vst v0  }
0x2f: {  	[tilespmem:s20+$0x2860] =	vst v0  }
0x30: {  	[spmem:s5] =	stream.linear.scatter [tilespmem:s25], [sflag:$0x9], $0x2000, $0x38;
	[tilespmem:$0x1E800] =	vst v63  }
0x31: {  	_ =	swait.ge [sflag:s26], $0x2000  }
0x32: {  	[sflag:s26] =	ssyncset.done $0x0  }
0x33: {  	s21 =	rddreg [dreg:$0x4];
	[sflag:s26] =	ssyncadd.s32 $0xFFFFE000  }
0x34: {  	[spmem:s21] =	stream.linear.scatter [tilespmem:s25], [sflag:$0x9], $0x2000, $0x38;
	[tilespmem:$0x1E800] =	vst v63  }
0x35: {  	_ =	swait.ge [sflag:s26], $0x2000  }
0x36: {  	[sflag:s26] =	ssyncset.done $0x0  }
0x37: {  	s22 =	rddreg [dreg:$0x5];
	[sflag:s26] =	ssyncadd.s32 $0xFFFFE000  }
0x38: {  	[spmem:s22] =	stream.linear.scatter [tilespmem:s25], [sflag:$0x9], $0x2000, $0x38;
	[tilespmem:$0x1E800] =	vst v63  }
0x39: {  	_ =	swait.ge [sflag:s26], $0x2000  }
0x3a: {  	[sflag:s26] =	ssyncset.done $0x0  }
0x3b: {  	s21 =	rddreg [dreg:$0x6];
	[sflag:s26] =	ssyncadd.s32 $0xFFFFE000  }
0x3c: {  	[spmem:s21] =	stream.linear.scatter [tilespmem:s25], [sflag:$0x9], $0x2000, $0x38;
	[tilespmem:$0x1E800] =	vst v63  }
0x3d: {  	_ =	swait.ge [sflag:s26], $0x2000  }
0x3e: {  	[sflag:s26] =	ssyncset.done $0x0  }
0x3f: {  	s22 =	rddreg [dreg:$0x7];
	[sflag:s26] =	ssyncadd.s32 $0xFFFFE000  }
0x40: {  	[spmem:s22] =	stream.linear.scatter [tilespmem:s25], [sflag:$0x9], $0x2000, $0x38;
	[tilespmem:$0x1E800] =	vst v63  }
0x41: {  	_ =	swait.ge [sflag:s26], $0x2000  }
0x42: {  	[sflag:s26] =	ssyncset.done $0x0  }
0x43: {  	s21 =	rddreg [dreg:$0x8];
	[sflag:s26] =	ssyncadd.s32 $0xFFFFE000  }
0x44: {  	[spmem:s21] =	stream.linear.scatter [tilespmem:s25], [sflag:$0x9], $0x2000, $0x38;
	[tilespmem:$0x1E800] =	vst v63  }
0x45: {  	_ =	swait.ge [sflag:s26], $0x2000  }
0x46: {  	[sflag:s26] =	ssyncset.done $0x0  }
0x47: {  	s22 =	rddreg [dreg:$0x9];
	[sflag:s26] =	ssyncadd.s32 $0xFFFFE000  }
0x48: {  	[spmem:s22] =	stream.linear.scatter [tilespmem:s25], [sflag:$0x9], $0x2000, $0x38;
	[tilespmem:$0x1E800] =	vst v63  }
0x49: {  	_ =	swait.ge [sflag:s26], $0x2000  }
0x4a: {  	[sflag:s26] =	ssyncset.done $0x0  }
0x4b: {  	s21 =	rddreg [dreg:$0xa];
	[sflag:s26] =	ssyncadd.s32 $0xFFFFE000  }
0x4c: {  	[spmem:s21] =	stream.linear.scatter [tilespmem:s25], [sflag:$0x9], $0x2000, $0x38;
	[tilespmem:$0x1E800] =	vst v63  }
0x4d: {  	_ =	swait.ge [sflag:s26], $0x2000  }
0x4e: {  	[sflag:s26] =	ssyncset.done $0x0  }
0x4f: {  	s22 =	rddreg [dreg:$0x13];
	[sflag:s26] =	ssyncadd.s32 $0xFFFFE000  }
0x50: {  	[spmem:s22] =	stream.linear.scatter [tilespmem:s25], [sflag:$0x9], $0x2000, $0x38;
	[tilespmem:$0x1E800] =	vst v63  }
0x51: {  	_ =	swait.ge [sflag:s26], $0x2000  }
0x52: {  	[sflag:s26] =	ssyncset.done $0x0  }
0x53: {  	s21 =	rddreg [dreg:$0x14];
	[sflag:s26] =	ssyncadd.s32 $0xFFFFE000  }
0x54: {  	[spmem:s21] =	stream.linear.scatter [tilespmem:s25], [sflag:$0x9], $0x2000, $0x38;
	[tilespmem:$0x1E800] =	vst v63  }
0x55: {  	_ =	swait.ge [sflag:s26], $0x2000  }
0x56: {  	[sflag:s26] =	ssyncset.done $0x0  }
0x57: {  	[sflag:s26] =	ssyncadd.s32 $0xFFFFE000  }
0x58: {  	[bflag:$0x0] =	sbarrier.arrive $0xFFFF  }
0x59: {  	s20 =	simm.s32 $0x0;
	s21 =	rddreg [dreg:$0xb]  }
0x5a: {  	[tilespmem:s20], [sflag:$0x9] =	stream.linear.gather [hbm4b:s21+s20], $0x1400, $0x38;
	[tilespmem:$0x1E800] =	vst v63  }
0x5b: {  	_ =	swait.ge [sflag:s26], $0x1400  }
0x5c: {  	[sflag:s26] =	ssyncset.done $0x0  }
0x5d: {  	s22 =	rddreg [dreg:$0xc];
	[sflag:s26] =	ssyncadd.s32 $0xFFFFEC00  }
0x5e: {  	[tilespmem:s28], [sflag:$0x9] =	stream.linear.gather [hbm4b:s22+s20], $0x1400, $0x38;
	[tilespmem:$0x1E800] =	vst v63  }
0x5f: {  	_ =	swait.ge [sflag:s26], $0x1400  }
0x60: {  	[sflag:s26] =	ssyncset.done $0x0  }
0x61: {  	[sflag:s26] =	ssyncadd.s32 $0xFFFFEC00  }
0x62: {  	[tilespmem:s25], [sflag:$0x1] =	stream.indirect.gather [hbm4b:s1+s29], $0x80, s20, s29, $0xb8;
	[tilespmem:$0x1E800] =	vst v63  }
0x63: {  	_ = 	snop  }
0x64: {  	[tilespmem:s31], [sflag:$0x2] =	stream.indirect.gather [hbm4b:s1+s29], $0x80, s30, s29, $0xb8;
	[tilespmem:$0x1E800] =	vst v63  }
0x65: {  	_ = 	snop  }
0x66: {  	[tilespmem:s2], [sflag:$0x3] =	stream.indirect.gather [hbm4b:s1+s29], $0x80, s0, s29, $0xb8;
	[tilespmem:$0x1E800] =	vst v63  }
0x67: {  	_ = 	snop  }
0x68: {  	[tilespmem:s7], [sflag:$0x4] =	stream.indirect.gather [hbm4b:s1+s29], $0x80, s6, s29, $0xb8;
	[tilespmem:$0x1E800] =	vst v63  }
0x69: {  	_ =	swait.ge [sflag:s8], $0x2000  }
0x6a: {  	[sflag:s8] =	ssyncset.done $0x0  }
0x6b: {  	s22 =	simm.s32 $0x1400;
	[sflag:s8] =	ssyncadd.s32 $0xFFFFE000  }
0x6c: {  	[spmem:s3] =	stream.indirect.scatter.add.f32 [tilespmem:s25], [sflag:$0x5], $0x80, s22, s29, $0xb8;
	[tilespmem:$0x1E800] =	vst v63  }
0x6d: {  	_ =	swait.ge [sflag:s9], $0x2000  }
0x6e: {  	[sflag:s9] =	ssyncset.done $0x0  }
0x6f: {  	s21 =	simm.s32 $0x1480;
	[sflag:s9] =	ssyncadd.s32 $0xFFFFE000  }
0x70: {  	[spmem:s3] =	stream.indirect.scatter.add.f32 [tilespmem:s31], [sflag:$0x6], $0x80, s21, s29, $0xb8;
	[tilespmem:$0x1E800] =	vst v63  }
0x71: {  	_ =	swait.ge [sflag:s10], $0x2000  }
0x72: {  	[sflag:s10] =	ssyncset.done $0x0  }
0x73: {  	s22 =	simm.s32 $0x1500;
	[sflag:s10] =	ssyncadd.s32 $0xFFFFE000  }
0x74: {  	[spmem:s3] =	stream.indirect.scatter.add.f32 [tilespmem:s2], [sflag:$0x7], $0x80, s22, s29, $0xb8;
	[tilespmem:$0x1E800] =	vst v63  }
0x75: {  	_ =	swait.ge [sflag:s11], $0x2000  }
0x76: {  	[sflag:s11] =	ssyncset.done $0x0  }
0x77: {  	s21 =	simm.s32 $0x1580;
	[sflag:s11] =	ssyncadd.s32 $0xFFFFE000  }
0x78: {  	[spmem:s3] =	stream.indirect.scatter.add.f32 [tilespmem:s7], [sflag:$0x8], $0x80, s21, s29, $0xb8;
	[tilespmem:$0x1E800] =	vst v63  }
0x79: {  	_ =	swait.ge [sflag:s12], $0x2000  }
0x7a: {  	[sflag:s12] =	ssyncset.done $0x0  }
0x7b: {  	s22 =	simm.s32 $0x200;
	[sflag:s12] =	ssyncadd.s32 $0xFFFFE000  }
0x7c: {  	[tilespmem:s25], [sflag:$0x1] =	stream.indirect.gather [hbm4b:s1+s29], $0x80, s22, s29, $0xb8;
	[tilespmem:$0x1E800] =	vst v63  }
0x7d: {  	_ =	swait.ge [sflag:s13], $0x2000  }
0x7e: {  	[sflag:s13] =	ssyncset.done $0x0  }
0x7f: {  	s21 =	simm.s32 $0x280;
	[sflag:s13] =	ssyncadd.s32 $0xFFFFE000  }
0x80: {  	[tilespmem:s31], [sflag:$0x2] =	stream.indirect.gather [hbm4b:s1+s29], $0x80, s21, s29, $0xb8;
	[tilespmem:$0x1E800] =	vst v63  }
0x81: {  	_ =	swait.ge [sflag:s14], $0x2000  }
0x82: {  	[sflag:s14] =	ssyncset.done $0x0  }
0x83: {  	s22 =	simm.s32 $0x300;
	[sflag:s14] =	ssyncadd.s32 $0xFFFFE000  }
0x84: {  	[tilespmem:s2], [sflag:$0x3] =	stream.indirect.gather [hbm4b:s1+s29], $0x80, s22, s29, $0xb8;
	[tilespmem:$0x1E800] =	vst v63  }
0x85: {  	_ =	swait.ge [sflag:s15], $0x2000  }
0x86: {  	[sflag:s15] =	ssyncset.done $0x0  }
0x87: {  	s20 =	simm.s32 $0x800;
	s21 =	simm.s32 $0x380;
	[sflag:s15] =	ssyncadd.s32 $0xFFFFE000  }
.LBB2_4:
0x88: {  	[tilespmem:s7], [sflag:$0x4] =	stream.indirect.gather [hbm4b:s1+s29], $0x80, s21, s29, $0xb8;
	[tilespmem:$0x1E800] =	vst v63  }
0x89: {  	s21 =	smov.u32 s20  }
0x8a: {  	p0 =	sne.s32 s20, $0x4000;
	s20 =	sadd.s32 $0x800, s20;
	_ =	swait.ge [sflag:s8], $0x2000  }
0x8b: {  	s21 =	sshra.s32 s21, $0x2;
	[sflag:s8] =	ssyncset.done $0x0  }
0x8c: {  	s22 =	sadd.s32 $0x1400, s21;
	[sflag:s8] =	ssyncadd.s32 $0xFFFFE000  }
0x8d: {  	[spmem:s3] =	stream.indirect.scatter.add.f32 [tilespmem:s25], [sflag:$0x5], $0x80, s22, s29, $0xb8;
	[tilespmem:$0x1E800] =	vst v63  }
0x8e: {  	_ =	swait.ge [sflag:s9], $0x2000  }
0x8f: {  	[sflag:s9] =	ssyncset.done $0x0  }
0x90: {  	s22 =	sadd.s32 $0x1480, s21;
	[sflag:s9] =	ssyncadd.s32 $0xFFFFE000  }
0x91: {  	[spmem:s3] =	stream.indirect.scatter.add.f32 [tilespmem:s31], [sflag:$0x6], $0x80, s22, s29, $0xb8;
	[tilespmem:$0x1E800] =	vst v63  }
0x92: {  	_ =	swait.ge [sflag:s10], $0x2000  }
0x93: {  	[sflag:s10] =	ssyncset.done $0x0  }
0x94: {  	s22 =	sadd.s32 $0x1500, s21;
	[sflag:s10] =	ssyncadd.s32 $0xFFFFE000  }
0x95: {  	[spmem:s3] =	stream.indirect.scatter.add.f32 [tilespmem:s2], [sflag:$0x7], $0x80, s22, s29, $0xb8;
	[tilespmem:$0x1E800] =	vst v63  }
0x96: {  	_ =	swait.ge [sflag:s11], $0x2000  }
0x97: {  	[sflag:s11] =	ssyncset.done $0x0  }
0x98: {  	s22 =	sadd.s32 $0x1580, s21;
	[sflag:s11] =	ssyncadd.s32 $0xFFFFE000  }
0x99: {  	[spmem:s3] =	stream.indirect.scatter.add.f32 [tilespmem:s7], [sflag:$0x8], $0x80, s22, s29, $0xb8;
	[tilespmem:$0x1E800] =	vst v63  }
0x9a: {  	_ =	swait.ge [sflag:s12], $0x2000  }
0x9b: {  	[sflag:s12] =	ssyncset.done $0x0  }
0x9c: {  	s22 =	sadd.s32 $0x200, s21;
	[sflag:s12] =	ssyncadd.s32 $0xFFFFE000  }
0x9d: {  	[tilespmem:s25], [sflag:$0x1] =	stream.indirect.gather [hbm4b:s1+s29], $0x80, s22, s29, $0xb8;
	[tilespmem:$0x1E800] =	vst v63  }
0x9e: {  	_ =	swait.ge [sflag:s13], $0x2000  }
0x9f: {  	[sflag:s13] =	ssyncset.done $0x0  }
0xa0: {  	s22 =	sadd.s32 $0x280, s21;
	[sflag:s13] =	ssyncadd.s32 $0xFFFFE000  }
0xa1: {  	[tilespmem:s31], [sflag:$0x2] =	stream.indirect.gather [hbm4b:s1+s29], $0x80, s22, s29, $0xb8;
	[tilespmem:$0x1E800] =	vst v63  }
0xa2: {  	_ =	swait.ge [sflag:s14], $0x2000  }
0xa3: {  	[sflag:s14] =	ssyncset.done $0x0  }
.Ltmp1:
0xa4: {  	s22 =	sadd.s32 $0x300, s21;
	[sflag:s14] =	ssyncadd.s32 $0xFFFFE000;
	(pc) =	sbr.rel @p0 .LBB2_4-.Ltmp1, $4  }
0xa5: {  	[tilespmem:s2], [sflag:$0x3] =	stream.indirect.gather [hbm4b:s1+s29], $0x80, s22, s29, $0xb8;
	[tilespmem:$0x1E800] =	vst v63  }
0xa6: {  	_ =	swait.ge [sflag:s15], $0x2000  }
0xa7: {  	[sflag:s15] =	ssyncset.done $0x0  }
0xa8: {  	s21 =	sadd.s32 $0x380, s21;
	[sflag:s15] =	ssyncadd.s32 $0xFFFFE000  }
0xa9: {  	[tilespmem:s7], [sflag:$0x4] =	stream.indirect.gather [hbm4b:s1+s29], $0x80, s21, s29, $0xb8;
	[tilespmem:$0x1E800] =	vst v63  }
0xaa: {  	_ =	swait.ge [sflag:s8], $0x2000  }
0xab: {  	[sflag:s8] =	ssyncset.done $0x0  }
0xac: {  	[sflag:s8] =	ssyncadd.s32 $0xFFFFE000  }
0xad: {  	[spmem:s3] =	stream.indirect.scatter.add.f32 [tilespmem:s25], [sflag:$0x5], $0x80, s16, s29, $0xb8;
	[tilespmem:$0x1E800] =	vst v63  }
0xae: {  	_ =	swait.ge [sflag:s9], $0x2000  }
0xaf: {  	[sflag:s9] =	ssyncset.done $0x0  }
0xb0: {  	[sflag:s9] =	ssyncadd.s32 $0xFFFFE000  }
0xb1: {  	[spmem:s3] =	stream.indirect.scatter.add.f32 [tilespmem:s31], [sflag:$0x6], $0x80, s17, s29, $0xb8;
	[tilespmem:$0x1E800] =	vst v63  }
0xb2: {  	_ =	swait.ge [sflag:s10], $0x2000  }
0xb3: {  	[sflag:s10] =	ssyncset.done $0x0  }
0xb4: {  	[sflag:s10] =	ssyncadd.s32 $0xFFFFE000  }
0xb5: {  	[spmem:s3] =	stream.indirect.scatter.add.f32 [tilespmem:s2], [sflag:$0x7], $0x80, s18, s29, $0xb8;
	[tilespmem:$0x1E800] =	vst v63  }
0xb6: {  	_ =	swait.ge [sflag:s11], $0x2000  }
0xb7: {  	[sflag:s11] =	ssyncset.done $0x0  }
0xb8: {  	[sflag:s11] =	ssyncadd.s32 $0xFFFFE000  }
0xb9: {  	[spmem:s3] =	stream.indirect.scatter.add.f32 [tilespmem:s7], [sflag:$0x8], $0x80, s19, s29, $0xb8;
	[tilespmem:$0x1E800] =	vst v63  }
0xba: {  	_ =	swait.ge [sflag:s12], $0x2000  }
0xbb: {  	[sflag:s12] =	ssyncset.done $0x0  }
0xbc: {  	[sflag:s12] =	ssyncadd.s32 $0xFFFFE000  }
0xbd: {  	_ =	swait.ge [sflag:s13], $0x2000  }
0xbe: {  	[sflag:s13] =	ssyncset.done $0x0  }
0xbf: {  	[sflag:s13] =	ssyncadd.s32 $0xFFFFE000  }
0xc0: {  	_ =	swait.ge [sflag:s14], $0x2000  }
0xc1: {  	[sflag:s14] =	ssyncset.done $0x0  }
0xc2: {  	[sflag:s14] =	ssyncadd.s32 $0xFFFFE000  }
0xc3: {  	_ =	swait.ge [sflag:s15], $0x2000  }
0xc4: {  	[sflag:s15] =	ssyncset.done $0x0  }
0xc5: {  	s20 =	simm.s32 $0x0;
	s22 =	rddreg [dreg:$0xd];
	[sflag:s15] =	ssyncadd.s32 $0xFFFFE000  }
0xc6: {  	[tilespmem:s20], [sflag:$0x9] =	stream.linear.gather [hbm4b:s22+s20], $0x1400, $0x38;
	[tilespmem:$0x1E800] =	vst v63  }
0xc7: {  	_ =	swait.ge [sflag:s26], $0x1400  }
0xc8: {  	[sflag:s26] =	ssyncset.done $0x0  }
0xc9: {  	s22 =	rddreg [dreg:$0xe];
	[sflag:s26] =	ssyncadd.s32 $0xFFFFEC00  }
0xca: {  	[tilespmem:s28], [sflag:$0x9] =	stream.linear.gather [hbm4b:s22+s20], $0x1400, $0x38;
	[tilespmem:$0x1E800] =	vst v63  }
0xcb: {  	_ =	swait.ge [sflag:s26], $0x1400  }
0xcc: {  	[sflag:s26] =	ssyncset.done $0x0  }
0xcd: {  	[sflag:s26] =	ssyncadd.s32 $0xFFFFEC00  }
0xce: {  	[tilespmem:s25], [sflag:$0x1] =	stream.indirect.gather [hbm4b:s1+s29], $0x80, s20, s29, $0xb8;
	[tilespmem:$0x1E800] =	vst v63  }
0xcf: {  	_ = 	snop  }
0xd0: {  	[tilespmem:s31], [sflag:$0x2] =	stream.indirect.gather [hbm4b:s1+s29], $0x80, s30, s29, $0xb8;
	[tilespmem:$0x1E800] =	vst v63  }
0xd1: {  	_ = 	snop  }
0xd2: {  	[tilespmem:s2], [sflag:$0x3] =	stream.indirect.gather [hbm4b:s1+s29], $0x80, s0, s29, $0xb8;
	[tilespmem:$0x1E800] =	vst v63  }
0xd3: {  	_ = 	snop  }
0xd4: {  	[tilespmem:s7], [sflag:$0x4] =	stream.indirect.gather [hbm4b:s1+s29], $0x80, s6, s29, $0xb8;
	[tilespmem:$0x1E800] =	vst v63  }
0xd5: {  	_ =	swait.ge [sflag:s8], $0x2000  }
0xd6: {  	[sflag:s8] =	ssyncset.done $0x0  }
0xd7: {  	s22 =	simm.s32 $0x1400;
	[sflag:s8] =	ssyncadd.s32 $0xFFFFE000  }
0xd8: {  	[spmem:s3] =	stream.indirect.scatter.add.f32 [tilespmem:s25], [sflag:$0x5], $0x80, s22, s29, $0xb8;
	[tilespmem:$0x1E800] =	vst v63  }
0xd9: {  	_ =	swait.ge [sflag:s9], $0x2000  }
0xda: {  	[sflag:s9] =	ssyncset.done $0x0  }
0xdb: {  	s21 =	simm.s32 $0x1480;
	[sflag:s9] =	ssyncadd.s32 $0xFFFFE000  }
0xdc: {  	[spmem:s3] =	stream.indirect.scatter.add.f32 [tilespmem:s31], [sflag:$0x6], $0x80, s21, s29, $0xb8;
	[tilespmem:$0x1E800] =	vst v63  }
0xdd: {  	_ =	swait.ge [sflag:s10], $0x2000  }
0xde: {  	[sflag:s10] =	ssyncset.done $0x0  }
0xdf: {  	s22 =	simm.s32 $0x1500;
	[sflag:s10] =	ssyncadd.s32 $0xFFFFE000  }
0xe0: {  	[spmem:s3] =	stream.indirect.scatter.add.f32 [tilespmem:s2], [sflag:$0x7], $0x80, s22, s29, $0xb8;
	[tilespmem:$0x1E800] =	vst v63  }
0xe1: {  	_ =	swait.ge [sflag:s11], $0x2000  }
0xe2: {  	[sflag:s11] =	ssyncset.done $0x0  }
0xe3: {  	s21 =	simm.s32 $0x1580;
	[sflag:s11] =	ssyncadd.s32 $0xFFFFE000  }
0xe4: {  	[spmem:s3] =	stream.indirect.scatter.add.f32 [tilespmem:s7], [sflag:$0x8], $0x80, s21, s29, $0xb8;
	[tilespmem:$0x1E800] =	vst v63  }
0xe5: {  	_ =	swait.ge [sflag:s12], $0x2000  }
0xe6: {  	[sflag:s12] =	ssyncset.done $0x0  }
0xe7: {  	s22 =	simm.s32 $0x200;
	[sflag:s12] =	ssyncadd.s32 $0xFFFFE000  }
0xe8: {  	[tilespmem:s25], [sflag:$0x1] =	stream.indirect.gather [hbm4b:s1+s29], $0x80, s22, s29, $0xb8;
	[tilespmem:$0x1E800] =	vst v63  }
0xe9: {  	_ =	swait.ge [sflag:s13], $0x2000  }
0xea: {  	[sflag:s13] =	ssyncset.done $0x0  }
0xeb: {  	s21 =	simm.s32 $0x280;
	[sflag:s13] =	ssyncadd.s32 $0xFFFFE000  }
0xec: {  	[tilespmem:s31], [sflag:$0x2] =	stream.indirect.gather [hbm4b:s1+s29], $0x80, s21, s29, $0xb8;
	[tilespmem:$0x1E800] =	vst v63  }
0xed: {  	_ =	swait.ge [sflag:s14], $0x2000  }
0xee: {  	[sflag:s14] =	ssyncset.done $0x0  }
0xef: {  	s22 =	simm.s32 $0x300;
	[sflag:s14] =	ssyncadd.s32 $0xFFFFE000  }
0xf0: {  	[tilespmem:s2], [sflag:$0x3] =	stream.indirect.gather [hbm4b:s1+s29], $0x80, s22, s29, $0xb8;
	[tilespmem:$0x1E800] =	vst v63  }
0xf1: {  	_ =	swait.ge [sflag:s15], $0x2000  }
0xf2: {  	[sflag:s15] =	ssyncset.done $0x0  }
0xf3: {  	s20 =	simm.s32 $0x800;
	s21 =	simm.s32 $0x380;
	[sflag:s15] =	ssyncadd.s32 $0xFFFFE000  }
.LBB2_6:
0xf4: {  	[tilespmem:s7], [sflag:$0x4] =	stream.indirect.gather [hbm4b:s1+s29], $0x80, s21, s29, $0xb8;
	[tilespmem:$0x1E800] =	vst v63  }
0xf5: {  	s21 =	smov.u32 s20  }
0xf6: {  	p0 =	sne.s32 s20, $0x4000;
	s20 =	sadd.s32 $0x800, s20;
	_ =	swait.ge [sflag:s8], $0x2000  }
0xf7: {  	s21 =	sshra.s32 s21, $0x2;
	[sflag:s8] =	ssyncset.done $0x0  }
0xf8: {  	s22 =	sadd.s32 $0x1400, s21;
	[sflag:s8] =	ssyncadd.s32 $0xFFFFE000  }
0xf9: {  	[spmem:s3] =	stream.indirect.scatter.add.f32 [tilespmem:s25], [sflag:$0x5], $0x80, s22, s29, $0xb8;
	[tilespmem:$0x1E800] =	vst v63  }
0xfa: {  	_ =	swait.ge [sflag:s9], $0x2000  }
0xfb: {  	[sflag:s9] =	ssyncset.done $0x0  }
0xfc: {  	s22 =	sadd.s32 $0x1480, s21;
	[sflag:s9] =	ssyncadd.s32 $0xFFFFE000  }
0xfd: {  	[spmem:s3] =	stream.indirect.scatter.add.f32 [tilespmem:s31], [sflag:$0x6], $0x80, s22, s29, $0xb8;
	[tilespmem:$0x1E800] =	vst v63  }
0xfe: {  	_ =	swait.ge [sflag:s10], $0x2000  }
0xff: {  	[sflag:s10] =	ssyncset.done $0x0  }
0x100: {  	s22 =	sadd.s32 $0x1500, s21;
	[sflag:s10] =	ssyncadd.s32 $0xFFFFE000  }
0x101: {  	[spmem:s3] =	stream.indirect.scatter.add.f32 [tilespmem:s2], [sflag:$0x7], $0x80, s22, s29, $0xb8;
	[tilespmem:$0x1E800] =	vst v63  }
0x102: {  	_ =	swait.ge [sflag:s11], $0x2000  }
0x103: {  	[sflag:s11] =	ssyncset.done $0x0  }
0x104: {  	s22 =	sadd.s32 $0x1580, s21;
	[sflag:s11] =	ssyncadd.s32 $0xFFFFE000  }
0x105: {  	[spmem:s3] =	stream.indirect.scatter.add.f32 [tilespmem:s7], [sflag:$0x8], $0x80, s22, s29, $0xb8;
	[tilespmem:$0x1E800] =	vst v63  }
0x106: {  	_ =	swait.ge [sflag:s12], $0x2000  }
0x107: {  	[sflag:s12] =	ssyncset.done $0x0  }
0x108: {  	s22 =	sadd.s32 $0x200, s21;
	[sflag:s12] =	ssyncadd.s32 $0xFFFFE000  }
0x109: {  	[tilespmem:s25], [sflag:$0x1] =	stream.indirect.gather [hbm4b:s1+s29], $0x80, s22, s29, $0xb8;
	[tilespmem:$0x1E800] =	vst v63  }
0x10a: {  	_ =	swait.ge [sflag:s13], $0x2000  }
0x10b: {  	[sflag:s13] =	ssyncset.done $0x0  }
0x10c: {  	s22 =	sadd.s32 $0x280, s21;
	[sflag:s13] =	ssyncadd.s32 $0xFFFFE000  }
0x10d: {  	[tilespmem:s31], [sflag:$0x2] =	stream.indirect.gather [hbm4b:s1+s29], $0x80, s22, s29, $0xb8;
	[tilespmem:$0x1E800] =	vst v63  }
0x10e: {  	_ =	swait.ge [sflag:s14], $0x2000  }
0x10f: {  	[sflag:s14] =	ssyncset.done $0x0  }
.Ltmp2:
0x110: {  	s22 =	sadd.s32 $0x300, s21;
	[sflag:s14] =	ssyncadd.s32 $0xFFFFE000;
	(pc) =	sbr.rel @p0 .LBB2_6-.Ltmp2, $4  }
0x111: {  	[tilespmem:s2], [sflag:$0x3] =	stream.indirect.gather [hbm4b:s1+s29], $0x80, s22, s29, $0xb8;
	[tilespmem:$0x1E800] =	vst v63  }
0x112: {  	_ =	swait.ge [sflag:s15], $0x2000  }
0x113: {  	[sflag:s15] =	ssyncset.done $0x0  }
0x114: {  	s21 =	sadd.s32 $0x380, s21;
	[sflag:s15] =	ssyncadd.s32 $0xFFFFE000  }
0x115: {  	[tilespmem:s7], [sflag:$0x4] =	stream.indirect.gather [hbm4b:s1+s29], $0x80, s21, s29, $0xb8;
	[tilespmem:$0x1E800] =	vst v63  }
0x116: {  	_ =	swait.ge [sflag:s8], $0x2000  }
0x117: {  	[sflag:s8] =	ssyncset.done $0x0  }
0x118: {  	[sflag:s8] =	ssyncadd.s32 $0xFFFFE000  }
0x119: {  	[spmem:s3] =	stream.indirect.scatter.add.f32 [tilespmem:s25], [sflag:$0x5], $0x80, s16, s29, $0xb8;
	[tilespmem:$0x1E800] =	vst v63  }
0x11a: {  	_ =	swait.ge [sflag:s9], $0x2000  }
0x11b: {  	[sflag:s9] =	ssyncset.done $0x0  }
0x11c: {  	[sflag:s9] =	ssyncadd.s32 $0xFFFFE000  }
0x11d: {  	[spmem:s3] =	stream.indirect.scatter.add.f32 [tilespmem:s31], [sflag:$0x6], $0x80, s17, s29, $0xb8;
	[tilespmem:$0x1E800] =	vst v63  }
0x11e: {  	_ =	swait.ge [sflag:s10], $0x2000  }
0x11f: {  	[sflag:s10] =	ssyncset.done $0x0  }
0x120: {  	[sflag:s10] =	ssyncadd.s32 $0xFFFFE000  }
0x121: {  	[spmem:s3] =	stream.indirect.scatter.add.f32 [tilespmem:s2], [sflag:$0x7], $0x80, s18, s29, $0xb8;
	[tilespmem:$0x1E800] =	vst v63  }
0x122: {  	_ =	swait.ge [sflag:s11], $0x2000  }
0x123: {  	[sflag:s11] =	ssyncset.done $0x0  }
0x124: {  	[sflag:s11] =	ssyncadd.s32 $0xFFFFE000  }
0x125: {  	[spmem:s3] =	stream.indirect.scatter.add.f32 [tilespmem:s7], [sflag:$0x8], $0x80, s19, s29, $0xb8;
	[tilespmem:$0x1E800] =	vst v63  }
0x126: {  	_ =	swait.ge [sflag:s12], $0x2000  }
0x127: {  	[sflag:s12] =	ssyncset.done $0x0  }
0x128: {  	[sflag:s12] =	ssyncadd.s32 $0xFFFFE000  }
0x129: {  	_ =	swait.ge [sflag:s13], $0x2000  }
0x12a: {  	[sflag:s13] =	ssyncset.done $0x0  }
0x12b: {  	[sflag:s13] =	ssyncadd.s32 $0xFFFFE000  }
0x12c: {  	_ =	swait.ge [sflag:s14], $0x2000  }
0x12d: {  	[sflag:s14] =	ssyncset.done $0x0  }
0x12e: {  	[sflag:s14] =	ssyncadd.s32 $0xFFFFE000  }
0x12f: {  	_ =	swait.ge [sflag:s15], $0x2000  }
0x130: {  	[sflag:s15] =	ssyncset.done $0x0  }
0x131: {  	s20 =	simm.s32 $0x0;
	s22 =	rddreg [dreg:$0xf];
	[sflag:s15] =	ssyncadd.s32 $0xFFFFE000  }
0x132: {  	[tilespmem:s20], [sflag:$0x9] =	stream.linear.gather [hbm4b:s22+s20], $0x1400, $0x38;
	[tilespmem:$0x1E800] =	vst v63  }
0x133: {  	_ =	swait.ge [sflag:s26], $0x1400  }
0x134: {  	[sflag:s26] =	ssyncset.done $0x0  }
0x135: {  	s22 =	rddreg [dreg:$0x10];
	[sflag:s26] =	ssyncadd.s32 $0xFFFFEC00  }
0x136: {  	[tilespmem:s28], [sflag:$0x9] =	stream.linear.gather [hbm4b:s22+s20], $0x1400, $0x38;
	[tilespmem:$0x1E800] =	vst v63  }
0x137: {  	_ =	swait.ge [sflag:s26], $0x1400  }
0x138: {  	[sflag:s26] =	ssyncset.done $0x0  }
0x139: {  	[sflag:s26] =	ssyncadd.s32 $0xFFFFEC00  }
0x13a: {  	[tilespmem:s25], [sflag:$0x1] =	stream.indirect.gather [hbm4b:s1+s29], $0x80, s20, s29, $0xb8;
	[tilespmem:$0x1E800] =	vst v63  }
0x13b: {  	_ = 	snop  }
0x13c: {  	[tilespmem:s31], [sflag:$0x2] =	stream.indirect.gather [hbm4b:s1+s29], $0x80, s30, s29, $0xb8;
	[tilespmem:$0x1E800] =	vst v63  }
0x13d: {  	_ = 	snop  }
0x13e: {  	[tilespmem:s2], [sflag:$0x3] =	stream.indirect.gather [hbm4b:s1+s29], $0x80, s0, s29, $0xb8;
	[tilespmem:$0x1E800] =	vst v63  }
0x13f: {  	_ = 	snop  }
0x140: {  	[tilespmem:s7], [sflag:$0x4] =	stream.indirect.gather [hbm4b:s1+s29], $0x80, s6, s29, $0xb8;
	[tilespmem:$0x1E800] =	vst v63  }
0x141: {  	_ =	swait.ge [sflag:s8], $0x2000  }
0x142: {  	[sflag:s8] =	ssyncset.done $0x0  }
0x143: {  	s22 =	simm.s32 $0x1400;
	[sflag:s8] =	ssyncadd.s32 $0xFFFFE000  }
0x144: {  	[spmem:s3] =	stream.indirect.scatter.add.f32 [tilespmem:s25], [sflag:$0x5], $0x80, s22, s29, $0xb8;
	[tilespmem:$0x1E800] =	vst v63  }
0x145: {  	_ =	swait.ge [sflag:s9], $0x2000  }
0x146: {  	[sflag:s9] =	ssyncset.done $0x0  }
0x147: {  	s21 =	simm.s32 $0x1480;
	[sflag:s9] =	ssyncadd.s32 $0xFFFFE000  }
0x148: {  	[spmem:s3] =	stream.indirect.scatter.add.f32 [tilespmem:s31], [sflag:$0x6], $0x80, s21, s29, $0xb8;
	[tilespmem:$0x1E800] =	vst v63  }
0x149: {  	_ =	swait.ge [sflag:s10], $0x2000  }
0x14a: {  	[sflag:s10] =	ssyncset.done $0x0  }
0x14b: {  	s22 =	simm.s32 $0x1500;
	[sflag:s10] =	ssyncadd.s32 $0xFFFFE000  }
0x14c: {  	[spmem:s3] =	stream.indirect.scatter.add.f32 [tilespmem:s2], [sflag:$0x7], $0x80, s22, s29, $0xb8;
	[tilespmem:$0x1E800] =	vst v63  }
0x14d: {  	_ =	swait.ge [sflag:s11], $0x2000  }
0x14e: {  	[sflag:s11] =	ssyncset.done $0x0  }
0x14f: {  	s21 =	simm.s32 $0x1580;
	[sflag:s11] =	ssyncadd.s32 $0xFFFFE000  }
0x150: {  	[spmem:s3] =	stream.indirect.scatter.add.f32 [tilespmem:s7], [sflag:$0x8], $0x80, s21, s29, $0xb8;
	[tilespmem:$0x1E800] =	vst v63  }
0x151: {  	_ =	swait.ge [sflag:s12], $0x2000  }
0x152: {  	[sflag:s12] =	ssyncset.done $0x0  }
0x153: {  	s22 =	simm.s32 $0x200;
	[sflag:s12] =	ssyncadd.s32 $0xFFFFE000  }
0x154: {  	[tilespmem:s25], [sflag:$0x1] =	stream.indirect.gather [hbm4b:s1+s29], $0x80, s22, s29, $0xb8;
	[tilespmem:$0x1E800] =	vst v63  }
0x155: {  	_ =	swait.ge [sflag:s13], $0x2000  }
0x156: {  	[sflag:s13] =	ssyncset.done $0x0  }
0x157: {  	s21 =	simm.s32 $0x280;
	[sflag:s13] =	ssyncadd.s32 $0xFFFFE000  }
0x158: {  	[tilespmem:s31], [sflag:$0x2] =	stream.indirect.gather [hbm4b:s1+s29], $0x80, s21, s29, $0xb8;
	[tilespmem:$0x1E800] =	vst v63  }
0x159: {  	_ =	swait.ge [sflag:s14], $0x2000  }
0x15a: {  	[sflag:s14] =	ssyncset.done $0x0  }
0x15b: {  	s22 =	simm.s32 $0x300;
	[sflag:s14] =	ssyncadd.s32 $0xFFFFE000  }
0x15c: {  	[tilespmem:s2], [sflag:$0x3] =	stream.indirect.gather [hbm4b:s1+s29], $0x80, s22, s29, $0xb8;
	[tilespmem:$0x1E800] =	vst v63  }
0x15d: {  	_ =	swait.ge [sflag:s15], $0x2000  }
0x15e: {  	[sflag:s15] =	ssyncset.done $0x0  }
0x15f: {  	s20 =	simm.s32 $0x800;
	s21 =	simm.s32 $0x380;
	[sflag:s15] =	ssyncadd.s32 $0xFFFFE000  }
.LBB2_8:
0x160: {  	[tilespmem:s7], [sflag:$0x4] =	stream.indirect.gather [hbm4b:s1+s29], $0x80, s21, s29, $0xb8;
	[tilespmem:$0x1E800] =	vst v63  }
0x161: {  	s21 =	smov.u32 s20  }
0x162: {  	p0 =	sne.s32 s20, $0x4000;
	s20 =	sadd.s32 $0x800, s20;
	_ =	swait.ge [sflag:s8], $0x2000  }
0x163: {  	s21 =	sshra.s32 s21, $0x2;
	[sflag:s8] =	ssyncset.done $0x0  }
0x164: {  	s22 =	sadd.s32 $0x1400, s21;
	[sflag:s8] =	ssyncadd.s32 $0xFFFFE000  }
0x165: {  	[spmem:s3] =	stream.indirect.scatter.add.f32 [tilespmem:s25], [sflag:$0x5], $0x80, s22, s29, $0xb8;
	[tilespmem:$0x1E800] =	vst v63  }
0x166: {  	_ =	swait.ge [sflag:s9], $0x2000  }
0x167: {  	[sflag:s9] =	ssyncset.done $0x0  }
0x168: {  	s22 =	sadd.s32 $0x1480, s21;
	[sflag:s9] =	ssyncadd.s32 $0xFFFFE000  }
0x169: {  	[spmem:s3] =	stream.indirect.scatter.add.f32 [tilespmem:s31], [sflag:$0x6], $0x80, s22, s29, $0xb8;
	[tilespmem:$0x1E800] =	vst v63  }
0x16a: {  	_ =	swait.ge [sflag:s10], $0x2000  }
0x16b: {  	[sflag:s10] =	ssyncset.done $0x0  }
0x16c: {  	s22 =	sadd.s32 $0x1500, s21;
	[sflag:s10] =	ssyncadd.s32 $0xFFFFE000  }
0x16d: {  	[spmem:s3] =	stream.indirect.scatter.add.f32 [tilespmem:s2], [sflag:$0x7], $0x80, s22, s29, $0xb8;
	[tilespmem:$0x1E800] =	vst v63  }
0x16e: {  	_ =	swait.ge [sflag:s11], $0x2000  }
0x16f: {  	[sflag:s11] =	ssyncset.done $0x0  }
0x170: {  	s22 =	sadd.s32 $0x1580, s21;
	[sflag:s11] =	ssyncadd.s32 $0xFFFFE000  }
0x171: {  	[spmem:s3] =	stream.indirect.scatter.add.f32 [tilespmem:s7], [sflag:$0x8], $0x80, s22, s29, $0xb8;
	[tilespmem:$0x1E800] =	vst v63  }
0x172: {  	_ =	swait.ge [sflag:s12], $0x2000  }
0x173: {  	[sflag:s12] =	ssyncset.done $0x0  }
0x174: {  	s22 =	sadd.s32 $0x200, s21;
	[sflag:s12] =	ssyncadd.s32 $0xFFFFE000  }
0x175: {  	[tilespmem:s25], [sflag:$0x1] =	stream.indirect.gather [hbm4b:s1+s29], $0x80, s22, s29, $0xb8;
	[tilespmem:$0x1E800] =	vst v63  }
0x176: {  	_ =	swait.ge [sflag:s13], $0x2000  }
0x177: {  	[sflag:s13] =	ssyncset.done $0x0  }
0x178: {  	s22 =	sadd.s32 $0x280, s21;
	[sflag:s13] =	ssyncadd.s32 $0xFFFFE000  }
0x179: {  	[tilespmem:s31], [sflag:$0x2] =	stream.indirect.gather [hbm4b:s1+s29], $0x80, s22, s29, $0xb8;
	[tilespmem:$0x1E800] =	vst v63  }
0x17a: {  	_ =	swait.ge [sflag:s14], $0x2000  }
0x17b: {  	[sflag:s14] =	ssyncset.done $0x0  }
.Ltmp3:
0x17c: {  	s22 =	sadd.s32 $0x300, s21;
	[sflag:s14] =	ssyncadd.s32 $0xFFFFE000;
	(pc) =	sbr.rel @p0 .LBB2_8-.Ltmp3, $4  }
0x17d: {  	[tilespmem:s2], [sflag:$0x3] =	stream.indirect.gather [hbm4b:s1+s29], $0x80, s22, s29, $0xb8;
	[tilespmem:$0x1E800] =	vst v63  }
0x17e: {  	_ =	swait.ge [sflag:s15], $0x2000  }
0x17f: {  	[sflag:s15] =	ssyncset.done $0x0  }
0x180: {  	s21 =	sadd.s32 $0x380, s21;
	[sflag:s15] =	ssyncadd.s32 $0xFFFFE000  }
0x181: {  	[tilespmem:s7], [sflag:$0x4] =	stream.indirect.gather [hbm4b:s1+s29], $0x80, s21, s29, $0xb8;
	[tilespmem:$0x1E800] =	vst v63  }
0x182: {  	_ =	swait.ge [sflag:s8], $0x2000  }
0x183: {  	[sflag:s8] =	ssyncset.done $0x0  }
0x184: {  	[sflag:s8] =	ssyncadd.s32 $0xFFFFE000  }
0x185: {  	[spmem:s3] =	stream.indirect.scatter.add.f32 [tilespmem:s25], [sflag:$0x5], $0x80, s16, s29, $0xb8;
	[tilespmem:$0x1E800] =	vst v63  }
0x186: {  	_ =	swait.ge [sflag:s9], $0x2000  }
0x187: {  	[sflag:s9] =	ssyncset.done $0x0  }
0x188: {  	[sflag:s9] =	ssyncadd.s32 $0xFFFFE000  }
0x189: {  	[spmem:s3] =	stream.indirect.scatter.add.f32 [tilespmem:s31], [sflag:$0x6], $0x80, s17, s29, $0xb8;
	[tilespmem:$0x1E800] =	vst v63  }
0x18a: {  	_ =	swait.ge [sflag:s10], $0x2000  }
0x18b: {  	[sflag:s10] =	ssyncset.done $0x0  }
0x18c: {  	[sflag:s10] =	ssyncadd.s32 $0xFFFFE000  }
0x18d: {  	[spmem:s3] =	stream.indirect.scatter.add.f32 [tilespmem:s2], [sflag:$0x7], $0x80, s18, s29, $0xb8;
	[tilespmem:$0x1E800] =	vst v63  }
0x18e: {  	_ =	swait.ge [sflag:s11], $0x2000  }
0x18f: {  	[sflag:s11] =	ssyncset.done $0x0  }
0x190: {  	[sflag:s11] =	ssyncadd.s32 $0xFFFFE000  }
0x191: {  	[spmem:s3] =	stream.indirect.scatter.add.f32 [tilespmem:s7], [sflag:$0x8], $0x80, s19, s29, $0xb8;
	[tilespmem:$0x1E800] =	vst v63  }
0x192: {  	_ =	swait.ge [sflag:s12], $0x2000  }
0x193: {  	[sflag:s12] =	ssyncset.done $0x0  }
0x194: {  	[sflag:s12] =	ssyncadd.s32 $0xFFFFE000  }
0x195: {  	_ =	swait.ge [sflag:s13], $0x2000  }
0x196: {  	[sflag:s13] =	ssyncset.done $0x0  }
0x197: {  	[sflag:s13] =	ssyncadd.s32 $0xFFFFE000  }
0x198: {  	_ =	swait.ge [sflag:s14], $0x2000  }
0x199: {  	[sflag:s14] =	ssyncset.done $0x0  }
0x19a: {  	[sflag:s14] =	ssyncadd.s32 $0xFFFFE000  }
0x19b: {  	_ =	swait.ge [sflag:s15], $0x2000  }
0x19c: {  	[sflag:s15] =	ssyncset.done $0x0  }
0x19d: {  	s20 =	simm.s32 $0x0;
	s22 =	rddreg [dreg:$0x11];
	[sflag:s15] =	ssyncadd.s32 $0xFFFFE000  }
0x19e: {  	[tilespmem:s20], [sflag:$0x9] =	stream.linear.gather [hbm4b:s22+s20], $0x1400, $0x38;
	[tilespmem:$0x1E800] =	vst v63  }
0x19f: {  	_ =	swait.ge [sflag:s26], $0x1400  }
0x1a0: {  	[sflag:s26] =	ssyncset.done $0x0  }
0x1a1: {  	s22 =	rddreg [dreg:$0x12];
	[sflag:s26] =	ssyncadd.s32 $0xFFFFEC00  }
0x1a2: {  	[tilespmem:s28], [sflag:$0x9] =	stream.linear.gather [hbm4b:s22+s20], $0x1400, $0x38;
	[tilespmem:$0x1E800] =	vst v63  }
0x1a3: {  	_ =	swait.ge [sflag:s26], $0x1400  }
0x1a4: {  	[sflag:s26] =	ssyncset.done $0x0  }
0x1a5: {  	[sflag:s26] =	ssyncadd.s32 $0xFFFFEC00  }
0x1a6: {  	[tilespmem:s25], [sflag:$0x1] =	stream.indirect.gather [hbm4b:s1+s29], $0x80, s20, s29, $0xb8;
	[tilespmem:$0x1E800] =	vst v63  }
0x1a7: {  	_ = 	snop  }
0x1a8: {  	[tilespmem:s31], [sflag:$0x2] =	stream.indirect.gather [hbm4b:s1+s29], $0x80, s30, s29, $0xb8;
	[tilespmem:$0x1E800] =	vst v63  }
0x1a9: {  	_ = 	snop  }
0x1aa: {  	[tilespmem:s2], [sflag:$0x3] =	stream.indirect.gather [hbm4b:s1+s29], $0x80, s0, s29, $0xb8;
	[tilespmem:$0x1E800] =	vst v63  }
0x1ab: {  	_ = 	snop  }
0x1ac: {  	[tilespmem:s7], [sflag:$0x4] =	stream.indirect.gather [hbm4b:s1+s29], $0x80, s6, s29, $0xb8;
	[tilespmem:$0x1E800] =	vst v63  }
0x1ad: {  	_ =	swait.ge [sflag:s8], $0x2000  }
0x1ae: {  	[sflag:s8] =	ssyncset.done $0x0  }
0x1af: {  	s22 =	simm.s32 $0x1400;
	[sflag:s8] =	ssyncadd.s32 $0xFFFFE000  }
0x1b0: {  	[spmem:s3] =	stream.indirect.scatter.add.f32 [tilespmem:s25], [sflag:$0x5], $0x80, s22, s29, $0xb8;
	[tilespmem:$0x1E800] =	vst v63  }
0x1b1: {  	_ =	swait.ge [sflag:s9], $0x2000  }
0x1b2: {  	[sflag:s9] =	ssyncset.done $0x0  }
0x1b3: {  	s21 =	simm.s32 $0x1480;
	[sflag:s9] =	ssyncadd.s32 $0xFFFFE000  }
0x1b4: {  	[spmem:s3] =	stream.indirect.scatter.add.f32 [tilespmem:s31], [sflag:$0x6], $0x80, s21, s29, $0xb8;
	[tilespmem:$0x1E800] =	vst v63  }
0x1b5: {  	_ =	swait.ge [sflag:s10], $0x2000  }
0x1b6: {  	[sflag:s10] =	ssyncset.done $0x0  }
0x1b7: {  	s22 =	simm.s32 $0x1500;
	[sflag:s10] =	ssyncadd.s32 $0xFFFFE000  }
0x1b8: {  	[spmem:s3] =	stream.indirect.scatter.add.f32 [tilespmem:s2], [sflag:$0x7], $0x80, s22, s29, $0xb8;
	[tilespmem:$0x1E800] =	vst v63  }
0x1b9: {  	_ =	swait.ge [sflag:s11], $0x2000  }
0x1ba: {  	[sflag:s11] =	ssyncset.done $0x0  }
0x1bb: {  	s21 =	simm.s32 $0x1580;
	[sflag:s11] =	ssyncadd.s32 $0xFFFFE000  }
0x1bc: {  	[spmem:s3] =	stream.indirect.scatter.add.f32 [tilespmem:s7], [sflag:$0x8], $0x80, s21, s29, $0xb8;
	[tilespmem:$0x1E800] =	vst v63  }
0x1bd: {  	_ =	swait.ge [sflag:s12], $0x2000  }
0x1be: {  	[sflag:s12] =	ssyncset.done $0x0  }
0x1bf: {  	s22 =	simm.s32 $0x200;
	[sflag:s12] =	ssyncadd.s32 $0xFFFFE000  }
0x1c0: {  	[tilespmem:s25], [sflag:$0x1] =	stream.indirect.gather [hbm4b:s1+s29], $0x80, s22, s29, $0xb8;
	[tilespmem:$0x1E800] =	vst v63  }
0x1c1: {  	_ =	swait.ge [sflag:s13], $0x2000  }
0x1c2: {  	[sflag:s13] =	ssyncset.done $0x0  }
0x1c3: {  	s21 =	simm.s32 $0x280;
	[sflag:s13] =	ssyncadd.s32 $0xFFFFE000  }
0x1c4: {  	[tilespmem:s31], [sflag:$0x2] =	stream.indirect.gather [hbm4b:s1+s29], $0x80, s21, s29, $0xb8;
	[tilespmem:$0x1E800] =	vst v63  }
0x1c5: {  	_ =	swait.ge [sflag:s14], $0x2000  }
0x1c6: {  	[sflag:s14] =	ssyncset.done $0x0  }
0x1c7: {  	s22 =	simm.s32 $0x300;
	[sflag:s14] =	ssyncadd.s32 $0xFFFFE000  }
0x1c8: {  	[tilespmem:s2], [sflag:$0x3] =	stream.indirect.gather [hbm4b:s1+s29], $0x80, s22, s29, $0xb8;
	[tilespmem:$0x1E800] =	vst v63  }
0x1c9: {  	_ =	swait.ge [sflag:s15], $0x2000  }
0x1ca: {  	[sflag:s15] =	ssyncset.done $0x0  }
0x1cb: {  	s20 =	simm.s32 $0x800;
	s21 =	simm.s32 $0x380;
	[sflag:s15] =	ssyncadd.s32 $0xFFFFE000  }
.LBB2_10:
0x1cc: {  	[tilespmem:s7], [sflag:$0x4] =	stream.indirect.gather [hbm4b:s1+s29], $0x80, s21, s29, $0xb8;
	[tilespmem:$0x1E800] =	vst v63  }
0x1cd: {  	s21 =	smov.u32 s20  }
0x1ce: {  	p0 =	sne.s32 s20, $0x4000;
	s20 =	sadd.s32 $0x800, s20;
	_ =	swait.ge [sflag:s8], $0x2000  }
0x1cf: {  	s21 =	sshra.s32 s21, $0x2;
	[sflag:s8] =	ssyncset.done $0x0  }
0x1d0: {  	s22 =	sadd.s32 $0x1400, s21;
	[sflag:s8] =	ssyncadd.s32 $0xFFFFE000  }
0x1d1: {  	[spmem:s3] =	stream.indirect.scatter.add.f32 [tilespmem:s25], [sflag:$0x5], $0x80, s22, s29, $0xb8;
	[tilespmem:$0x1E800] =	vst v63  }
0x1d2: {  	_ =	swait.ge [sflag:s9], $0x2000  }
0x1d3: {  	[sflag:s9] =	ssyncset.done $0x0  }
0x1d4: {  	s22 =	sadd.s32 $0x1480, s21;
	[sflag:s9] =	ssyncadd.s32 $0xFFFFE000  }
0x1d5: {  	[spmem:s3] =	stream.indirect.scatter.add.f32 [tilespmem:s31], [sflag:$0x6], $0x80, s22, s29, $0xb8;
	[tilespmem:$0x1E800] =	vst v63  }
0x1d6: {  	_ =	swait.ge [sflag:s10], $0x2000  }
0x1d7: {  	[sflag:s10] =	ssyncset.done $0x0  }
0x1d8: {  	s22 =	sadd.s32 $0x1500, s21;
	[sflag:s10] =	ssyncadd.s32 $0xFFFFE000  }
0x1d9: {  	[spmem:s3] =	stream.indirect.scatter.add.f32 [tilespmem:s2], [sflag:$0x7], $0x80, s22, s29, $0xb8;
	[tilespmem:$0x1E800] =	vst v63  }
0x1da: {  	_ =	swait.ge [sflag:s11], $0x2000  }
0x1db: {  	[sflag:s11] =	ssyncset.done $0x0  }
0x1dc: {  	s22 =	sadd.s32 $0x1580, s21;
	[sflag:s11] =	ssyncadd.s32 $0xFFFFE000  }
0x1dd: {  	[spmem:s3] =	stream.indirect.scatter.add.f32 [tilespmem:s7], [sflag:$0x8], $0x80, s22, s29, $0xb8;
	[tilespmem:$0x1E800] =	vst v63  }
0x1de: {  	_ =	swait.ge [sflag:s12], $0x2000  }
0x1df: {  	[sflag:s12] =	ssyncset.done $0x0  }
0x1e0: {  	s22 =	sadd.s32 $0x200, s21;
	[sflag:s12] =	ssyncadd.s32 $0xFFFFE000  }
0x1e1: {  	[tilespmem:s25], [sflag:$0x1] =	stream.indirect.gather [hbm4b:s1+s29], $0x80, s22, s29, $0xb8;
	[tilespmem:$0x1E800] =	vst v63  }
0x1e2: {  	_ =	swait.ge [sflag:s13], $0x2000  }
0x1e3: {  	[sflag:s13] =	ssyncset.done $0x0  }
0x1e4: {  	s22 =	sadd.s32 $0x280, s21;
	[sflag:s13] =	ssyncadd.s32 $0xFFFFE000  }
0x1e5: {  	[tilespmem:s31], [sflag:$0x2] =	stream.indirect.gather [hbm4b:s1+s29], $0x80, s22, s29, $0xb8;
	[tilespmem:$0x1E800] =	vst v63  }
0x1e6: {  	_ =	swait.ge [sflag:s14], $0x2000  }
0x1e7: {  	[sflag:s14] =	ssyncset.done $0x0  }
.Ltmp4:
0x1e8: {  	s22 =	sadd.s32 $0x300, s21;
	[sflag:s14] =	ssyncadd.s32 $0xFFFFE000;
	(pc) =	sbr.rel @p0 .LBB2_10-.Ltmp4, $4  }
0x1e9: {  	[tilespmem:s2], [sflag:$0x3] =	stream.indirect.gather [hbm4b:s1+s29], $0x80, s22, s29, $0xb8;
	[tilespmem:$0x1E800] =	vst v63  }
0x1ea: {  	_ =	swait.ge [sflag:s15], $0x2000  }
0x1eb: {  	[sflag:s15] =	ssyncset.done $0x0  }
0x1ec: {  	s21 =	sadd.s32 $0x380, s21;
	[sflag:s15] =	ssyncadd.s32 $0xFFFFE000  }
0x1ed: {  	[tilespmem:s7], [sflag:$0x4] =	stream.indirect.gather [hbm4b:s1+s29], $0x80, s21, s29, $0xb8;
	[tilespmem:$0x1E800] =	vst v63  }
0x1ee: {  	_ =	swait.ge [sflag:s8], $0x2000  }
0x1ef: {  	[sflag:s8] =	ssyncset.done $0x0  }
0x1f0: {  	[sflag:s8] =	ssyncadd.s32 $0xFFFFE000  }
0x1f1: {  	[spmem:s3] =	stream.indirect.scatter.add.f32 [tilespmem:s25], [sflag:$0x5], $0x80, s16, s29, $0xb8;
	[tilespmem:$0x1E800] =	vst v63  }
0x1f2: {  	_ =	swait.ge [sflag:s9], $0x2000  }
0x1f3: {  	[sflag:s9] =	ssyncset.done $0x0  }
0x1f4: {  	[sflag:s9] =	ssyncadd.s32 $0xFFFFE000  }
0x1f5: {  	[spmem:s3] =	stream.indirect.scatter.add.f32 [tilespmem:s31], [sflag:$0x6], $0x80, s17, s29, $0xb8;
	[tilespmem:$0x1E800] =	vst v63  }
0x1f6: {  	_ =	swait.ge [sflag:s10], $0x2000  }
0x1f7: {  	[sflag:s10] =	ssyncset.done $0x0  }
0x1f8: {  	[sflag:s10] =	ssyncadd.s32 $0xFFFFE000  }
0x1f9: {  	[spmem:s3] =	stream.indirect.scatter.add.f32 [tilespmem:s2], [sflag:$0x7], $0x80, s18, s29, $0xb8;
	[tilespmem:$0x1E800] =	vst v63  }
0x1fa: {  	_ =	swait.ge [sflag:s11], $0x2000  }
0x1fb: {  	[sflag:s11] =	ssyncset.done $0x0  }
0x1fc: {  	[sflag:s11] =	ssyncadd.s32 $0xFFFFE000  }
0x1fd: {  	[spmem:s3] =	stream.indirect.scatter.add.f32 [tilespmem:s7], [sflag:$0x8], $0x80, s19, s29, $0xb8;
	[tilespmem:$0x1E800] =	vst v63  }
0x1fe: {  	_ =	swait.ge [sflag:s12], $0x2000  }
0x1ff: {  	[sflag:s12] =	ssyncset.done $0x0  }
0x200: {  	[sflag:s12] =	ssyncadd.s32 $0xFFFFE000  }
0x201: {  	_ =	swait.ge [sflag:s13], $0x2000  }
0x202: {  	[sflag:s13] =	ssyncset.done $0x0  }
0x203: {  	[sflag:s13] =	ssyncadd.s32 $0xFFFFE000  }
0x204: {  	_ =	swait.ge [sflag:s14], $0x2000  }
0x205: {  	[sflag:s14] =	ssyncset.done $0x0  }
0x206: {  	[sflag:s14] =	ssyncadd.s32 $0xFFFFE000  }
0x207: {  	s20 =	stileid.u32;
	_ =	swait.ge [sflag:s15], $0x2000  }
0x208: {  	s22 =	sshrl.u32 s5, $0x3;
	s4 =	sadd.s32 $0x1, s4;
	[sflag:s15] =	ssyncset.done $0x0  }
0x209: {  	s20 =	sshll.u32 s20, $0x6;
	p0 =	sne.s32 s4, s23;
	[sflag:s15] =	ssyncadd.s32 $0xFFFFE000  }
.Ltmp5:
0x20a: {  	s20 =	sor.u32 $0x1C09, s20;
	[bflag:$0x0] =	sbarrier.arrive $0xFFFF;
	(pc) =	sbr.rel @p0 .LBB2_1-.Ltmp5, $4  }
0x20b: {  	[hbm:s24], [sflag:s20] =	dma.local [spmem:s22], $0x2800  }
0x20c: {  	_ =	swait.ge [sflag:s26], $0x2800  }
0x20d: {  	[sflag:s26] =	ssyncset.done $0x0  }
0x20e: {  	[sflag:s26] =	ssyncadd.s32 $0xFFFFD800  }
0x20f: {  	_ =	sfence.sel $0x180000  }
0x210: {  	[bflag:$0x0] =	sbarrier.arrive $0xFFFF  }
0x211: {  	_ =	strace $0x9000004D  }
0x212: {  	s0 =	stileid.u32;
	[bflag:$0x2] =	sbarrier.arrive $0xFFFF  }
0x213: {  	p0 =	sne.s32 s0, $0x0;
	s0 =	rddreg [dreg:$0x3]  }
0x214: {  	s0 =	sadd.s32 @!p0 $0x100000, s0  }
0x215: {  	[sflag:s0] =	ssyncadd.tile.s32 @!p0 $0x1;
	_ =	shalt  }
.Lfunc_end2:
_tile_overlayer_lowered:
.L_overlay_start_2:
0x216: {  	(tag) =	ssettag $0x2  }
0x217: {  	s0 =	rddreg [dreg:$0x0];
	s2 =	stileid.u32  }
0x218: {  	s1 =	rddreg [dreg:$0x1];
	p0 =	sne.s32 s2, $0x0  }
0x219: {  	s3 =	rddreg [dreg:$0x2];
	[bflag:$0x3] =	sbarrier.arrive $0xFFFF;
	s2 =	simm.s32 @!p0 $0x1C09  }
0x21a: {  	[timem:s3], [sflag:s2] =	dma.local @!p0 [hbm:s0], s1  }
0x21b: {  	s0 =	simm.s32 @!p0 $0x9  }
0x21c: {  	_ =	swait.ge @!p0 [sflag:s0], s1  }
0x21d: {  	s1 =	ssub.s32 @!p0 $0x0, s1;
	[sflag:s0] =	ssyncset.done @!p0 $0x0  }
0x21e: {  	[sflag:s0] =	ssyncadd.s32 @!p0 s1  }
0x21f: {  	[bflag:$0x3] =	sbarrier.arrive $0xFFFF  }
0x220: {  	_ =	shalt  }

// kernel: kernel.8.cloned.1.call-start
scs
__scs_entry_jumppad:
0x0: {  	(pc) =	sbr.rel $0x88, $3  }
0x1: {  	(tag) =	ssettag $0x0;
	lr =	simm.s32 $0x1  }
0x2: {  	[smem:$0x3F9B] =	sst lr;
	_ =	strace $0xD0000000  }
0x3: {  	_ = 	snop  }
0x4: {  	_ = 	snop  }
0x5: {  	_ = 	snop  }
0x6: {  	_ = 	snop  }
0x7: {  	_ = 	snop  }
__scs_overlays_trampoline_lowered:
0x8: {  	[smem:$0x3FAA] =	sst s0  }
0x9: {  	[smem:$0x3FAB] =	sst s1  }
0xa: {  	[smem:$0x3FAC] =	sst s2  }
0xb: {  	[smem:$0x3FAD] =	sst s3  }
0xc: {  	[smem:$0x3FAE] =	sst s4  }
0xd: {  	[smem:$0x3FAF] =	sst s5  }
0xe: {  	[smem:$0x3FB0] =	sst s6  }
0xf: {  	[smem:$0x3FB1] =	sst s7  }
0x10: {  	[smem:$0x3FB2] =	sst s8  }
0x11: {  	[smem:$0x3FB3] =	sst s9;
	s0 =	simm.s32 @!p0 $0x0  }
0x12: {  	s1 =	sld [smem:$0x3F99];
	s0 =	simm.s32 @p0 $0x1  }
0x13: {  	[smem:$0x3FB4] =	sst s0;
	s0 =	simm.s32 @!p1 $0x0  }
0x14: {  	s2 =	sld [smem:$0x3F98];
	s0 =	simm.s32 @p1 $0x1  }
0x15: {  	[smem:$0x3FB5] =	sst s0;
	s0 =	simm.s32 @!p2 $0x0  }
0x16: {  	s3 =	sld [smem:$0x3FDB];
	s0 =	simm.s32 @p2 $0x1  }
0x17: {  	s4 =	simm.s32 $0x1BF5;
	[smem:$0x3FB7] =	sst s0  }
0x18: {  	s0 =	sld [smem:$0x3F9A];
	_ =	swait.ge [sflag:s4], $0x0  }
0x19: {  	s7 =	sld [smem:$0x3F9B]  }
0x1a: {  	s8 =	sadd.s32 $0xFFFFE003, lr  }
0x1b: {  	s9 =	sadd.s32 $0xFFFFFEF7, lr;
	s5 =	simm.s32 $0xFFFFFFFF;
	p2 =	slt.u32 s8, $0xFFFFF086  }
0x1c: {  	p1 =	slt.u32 s9, $0xF7A;
	s5 =	simm.s32 @!p2 $0x0  }
0x1d: {  	s5 =	simm.s32 @p1 $0x1;
	p0 =	seq.s32 s7, s2  }
0x1e: {  	s7 =	smul.u32 @!p0 $0xF7A, s2;
	p2 =	seq.s32 @!p0 s5, $0x0  }
0x1f: {  	s9 =	smul.u32 $0xF7A, s1;
	s8 =	simm.s32 @!p0 $0x1BF5;
	p2 =	por !p2, p0  }
0x20: {  	[sflag:s8] =	ssyncset.s32 @!p0 $0xFFFFF086;
	s6 =	sadd.s32 @!p0 s3, s7;
	s7 =	simm.s32 @!p0 $0x108  }
0x21: {  	s3 =	sadd.s32 s3, s9;
	s6 =	sadd.s32 @!p0 $0x88, s6;
	s7 =	simm.s32 @p2 $0x1082  }
0x22: {  	[simem:s7], [sflag:s8] =	dma.local @!p0 [hbm:s6], $0xF7A  }
0x23: {  	s9 =	sor.u32 $0xD0000000, s2;
	s6 =	simm.s32 $0x108;
	_ =	swait.ge @!p0 [sflag:s8], $0x0  }
0x24: {  	s3 =	sadd.s32 $0x88, s3;
	s6 =	simm.s32 @!p1 $0x1082;
	[sflag:s4] =	ssyncset.s32 $0xFFFFF086  }
0x25: {  	[simem:s6], [sflag:s4] =	dma.local [hbm:s3], $0xF7A  }
0x26: {  	[smem:$0x3F9B] =	sst s1;
	(tag) =	ssettag s2;
	_ =	strace s9  }
0x27: {  	s1 =	sld [smem:$0x3FAB]  }
0x28: {  	s2 =	sld [smem:$0x3FAC]  }
0x29: {  	s4 =	sld [smem:$0x3FAE]  }
0x2a: {  	p0 =	seq.s32 s5, $0x0;
	s5 =	sld [smem:$0x3FAF]  }
0x2b: {  	s6 =	sld [smem:$0x3FB0]  }
0x2c: {  	s7 =	sld [smem:$0x3FB1]  }
0x2d: {  	s3 =	simm.s32 $0x108;
	s8 =	sld [smem:$0x3FB2]  }
0x2e: {  	s3 =	simm.s32 @!p0 $0x1082;
	s9 =	sld [smem:$0x3FB3]  }
0x2f: {  	lr =	sadd.s32 s0, s3;
	s0 =	sld [smem:$0x3FAA]  }
0x30: {  	s3 =	sld [smem:$0x3FAD]  }
0x31: {  	[smem:$0x3FB6] =	sst s10  }
0x32: {  	s10 =	sld [smem:$0x3FB4];
	_ =	sdelay $0x3  }
0x33: {  	p0 =	seq.s32 s10, $0x1;
	s10 =	sld [smem:$0x3FB6];
	_ =	sdelay $0x3  }
0x34: {  	[smem:$0x3FB6] =	sst s10  }
0x35: {  	s10 =	sld [smem:$0x3FB5];
	_ =	sdelay $0x3  }
0x36: {  	p1 =	seq.s32 s10, $0x1;
	s10 =	sld [smem:$0x3FB6];
	_ =	sdelay $0x3  }
0x37: {  	[smem:$0x3FB6] =	sst s10  }
0x38: {  	s10 =	sld [smem:$0x3FB7]  }
0x39: {  	_ = 	snop;
	(pc) =	sbr.ind lr, $3  }
0x3a: {  	_ = 	snop  }
0x3b: {  	_ = 	snop  }
0x3c: {  	p2 =	seq.s32 s10, $0x1;
	s10 =	sld [smem:$0x3FB6]  }
0x3d: {  	_ =	shalt  }
0x3e: {  	_ =	shalt  }
0x3f: {  	_ =	shalt  }
0x40: {  	_ =	shalt  }
0x41: {  	_ =	shalt  }
0x42: {  	_ =	shalt  }
0x43: {  	_ =	shalt  }
0x44: {  	_ =	shalt  }
0x45: {  	_ =	shalt  }
0x46: {  	_ =	shalt  }
0x47: {  	_ =	shalt  }
0x48: {  	_ =	shalt  }
0x49: {  	_ =	shalt  }
0x4a: {  	_ =	shalt  }
0x4b: {  	_ =	shalt  }
0x4c: {  	_ =	shalt  }
0x4d: {  	_ =	shalt  }
0x4e: {  	_ =	shalt  }
0x4f: {  	_ =	shalt  }
0x50: {  	_ =	shalt  }
0x51: {  	_ =	shalt  }
0x52: {  	_ =	shalt  }
0x53: {  	_ =	shalt  }
0x54: {  	_ =	shalt  }
0x55: {  	_ =	shalt  }
0x56: {  	_ =	shalt  }
0x57: {  	_ =	shalt  }
0x58: {  	_ =	shalt  }
0x59: {  	_ =	shalt  }
0x5a: {  	_ =	shalt  }
0x5b: {  	_ =	shalt  }
0x5c: {  	_ =	shalt  }
0x5d: {  	_ =	shalt  }
0x5e: {  	_ =	shalt  }
0x5f: {  	_ =	shalt  }
0x60: {  	_ =	shalt  }
0x61: {  	_ =	shalt  }
0x62: {  	_ =	shalt  }
0x63: {  	_ =	shalt  }
0x64: {  	_ =	shalt  }
0x65: {  	_ =	shalt  }
0x66: {  	_ =	shalt  }
0x67: {  	_ =	shalt  }
0x68: {  	_ =	shalt  }
0x69: {  	_ =	shalt  }
0x6a: {  	_ =	shalt  }
0x6b: {  	_ =	shalt  }
0x6c: {  	_ =	shalt  }
0x6d: {  	_ =	shalt  }
0x6e: {  	_ =	shalt  }
0x6f: {  	_ =	shalt  }
0x70: {  	_ =	shalt  }
0x71: {  	_ =	shalt  }
0x72: {  	_ =	shalt  }
0x73: {  	_ =	shalt  }
0x74: {  	_ =	shalt  }
0x75: {  	_ =	shalt  }
0x76: {  	_ =	shalt  }
0x77: {  	_ =	shalt  }
0x78: {  	_ =	shalt  }
0x79: {  	_ =	shalt  }
0x7a: {  	_ =	shalt  }
0x7b: {  	_ =	shalt  }
0x7c: {  	_ =	shalt  }
0x7d: {  	_ =	shalt  }
0x7e: {  	_ =	shalt  }
0x7f: {  	_ =	shalt  }
0x80: {  	_ =	shalt  }
0x81: {  	_ =	shalt  }
0x82: {  	_ =	shalt  }
0x83: {  	_ =	shalt  }
0x84: {  	_ =	shalt  }
0x85: {  	_ =	shalt  }
0x86: {  	_ =	shalt  }
0x87: {  	_ =	shalt  }
.Lfunc_end0:
.L_simem_size_0:
called_computation_lowered:
.L_overlay_start_0:
0x88: {  	s2 =	sld [smem:$0x3FD9]  }
0x89: {  	s3 =	sld [smem:$0x3FFE];
	_ =	sdelay $0x1  }
0x8a: {  	s1 =	srdreg.scid  }
0x8b: {  	s0 =	sand.u32 $0x1, s1  }
0x8c: {  	s17 =	sshll.u32 s0, $0xA;
	s2 =	sadd.s32 s3, s2  }
0x8d: {  	s2 =	sadd.s32 s2, s17  }
0x8e: {  	[smem:$0x3FC2] =	sst s2  }
0x8f: {  	_ = 	snop  }
0x90: {  	s2 =	sld [smem:$0x3FD0];
	(tm) =	ssettm $0x1  }
0x91: {  	s18 =	sld [smem:$0x3FFB];
	_ =	sdelay $0x3  }
0x92: {  	_ =	strace s18  }
0x93: {  	s3 =	sld [smem:$0x3FFC];
	_ =	sdelay $0x3  }
0x94: {  	_ =	strace s3  }
0x95: {  	s3 =	sld [smem:$0x3FFD];
	_ =	sdelay $0x3  }
0x96: {  	_ =	strace s3  }
0x97: {  	_ =	strace $0x8FFFFFFF  }
0x98: {  	s19 =	sld [smem:$0x3FDB];
	_ =	sdelay $0x1  }
0x99: {  	s4 =	simm.s32 $_scs_section_size  }
0x9a: {  	s5 =	simm.s32 $_size__tile_overlayer_lowered;
	s6 =	simm.s32 $_tile_overlayer_lowered  }
0x9b: {  	s22 =	simm.s32 $0x1BFF;
	s21 =	sshll.u32 s6, $0x1;
	s3 =	sadd.s32 s4, s19  }
0x9c: {  	s7 =	simm.s32 $0x0;
	s20 =	sshll.u32 s5, $0x1;
	s5 =	sadd.s32 s21, s3  }
0x9d: {  	[timem:s7], [sflag:s22] =	dma.local [hbm:s5], s20  }
0x9e: {  	_ =	swait.ge [sflag:s22], s20  }
0x9f: {  	s4 =	ssub.s32 $0x0, s20;
	[sflag:s22] =	ssyncset.done $0x0  }
0xa0: {  	[sflag:s22] =	ssyncadd.s32 s4;
	_ =	sdelay $0x1  }
0xa1: {  	s23 =	simm.s32 $0x1B8B  }
0xa2: {  	_ =	swait.ge [sflag:s23], $0x1  }
0xa3: {  	[sflag:s23] =	ssyncset.done $0x0  }
0xa4: {  	s25 =	simm.s32 $0x1B8E;
	s24 =	sld [smem:$0x3FFE];
	[sflag:s23] =	ssyncadd.s32 $0xFFFFFFFF  }
0xa5: {  	s26 =	simm.s32 $execute0_lowered;
	[smem:$0x3FD2] =	sst s25  }
0xa6: {  	s5 =	sshll.u32 s26, $0x1;
	_ =	strace $0x80000046;
	[dreg:$0x1] =	wrdreg $0xFFFFFFFF  }
0xa7: {  	s28 =	simm.s32 $_size_execute0_lowered;
	s3 =	sadd.s32 s3, s5;
	[dreg:$0x0] =	wrdreg $0x0  }
0xa8: {  	s5 =	sshll.u32 s28, $0x1;
	[dreg:$0x2] =	wrdreg s3  }
0xa9: {  	[dreg:$0x3] =	wrdreg s5  }
0xaa: {  	[dreg:$0x4] =	wrdreg $0xC0  }
0xab: {  	_ =	task [dreg:s7], $0x5FFFF  }
0xac: {  	[dreg:$0x1] =	wrdreg $0xFFFFFFFF  }
0xad: {  	[dreg:$0x0] =	wrdreg $0x60  }
0xae: {  	[dreg:$0x2] =	wrdreg s24  }
0xaf: {  	[dreg:$0x3] =	wrdreg s2  }
0xb0: {  	[dreg:$0x4] =	wrdreg $0x53000  }
0xb1: {  	[dreg:$0x5] =	wrdreg $0x9  }
0xb2: {  	_ =	task.clear_ibuf [dreg:s7], $0x6FFFF;
	_ =	strace $0x90000046  }
0xb3: {  	s29 =	simm.s32 $0x9;
	_ =	strace $0x80000048  }
0xb4: {  	_ =	swait.ge [sflag:s29], $0x1  }
0xb5: {  	[sflag:s29] =	ssyncadd.s32 $0xFFFFFFFF  }
0xb6: {  	_ =	strace $0x90000048  }
0xb7: {  	_ =	sfence  }
0xb8: {  	s30 =	sld [smem:$0x0];
	_ =	sdelay $0x2  }
0xb9: {  	s31 =	sshll.u32 s1, $0xD;
	s1 =	sshrl.u32 s1, $0x2  }
0xba: {  	s3 =	sand.u32 $0x4000, s31;
	s1 =	sadd.s32 s1, s30  }
0xbb: {  	s0 =	sor.u32 s3, s0;
	s1 =	sshll.u32 s1, $0x11  }
0xbc: {  	s0 =	sor.u32 s1, s0  }
0xbd: {  	s0 =	sadd.s32 $0x8F2B, s0  }
0xbe: {  	[sflag:s0] =	ssyncadd.remote.s32 $0x1  }
0xbf: {  	_ =	sfence.sel $0xFFFF  }
0xc0: {  	[dreg:$0x0] =	wrdreg $0xFFFFFFFF;
	(pc) =	sbr.abs _section_cstart, $3  }
0xc1: {  	[dreg:$0x1] =	wrdreg $0xFFFFFFFF  }
0xc2: {  	_ =	task.clear_ibuf [dreg:s7], $0x2FFFF;
	_ =	strace $0x9FFFFFFF  }
0xc3: {  	(tm) =	ssettm $0x7FFFFFFF  }
tec
execute0_lowered:
.L_overlay_start_1:
0x0: {  	(tag) =	ssettag $0x1  }
0x1: {  	s4 =	rddreg [dreg:$0x0]  }
0x2: {  	s7 =	rddreg [dreg:$0x1];
	s1 =	srdreg.scid  }
0x3: {  	s0 =	stileid.u32;
	s2 =	rddreg [dreg:$0x2]  }
0x4: {  	s3 =	simm.s32 $0x0;
	s12 =	simm.s32 $0x1;
	s15 =	simm.s32 $0x0  }
0x5: {  	s5 =	sand.u32 $0x1, s1;
	s6 =	sshll.u32 s0, $0x1;
	s1 =	rddreg [dreg:$0x3]  }
0x6: {  	[smem:$0x7FF] =	sst s3;
	s10 =	smul.u32 $0x280, s0;
	s11 =	sadd.s32 $0x18400, s4  }
0x7: {  	s13 =	sshll.u32 s0, $0x6;
	s6 =	sor.u32 s5, s6;
	_ =	strace $0x80000047  }
0x8: {  	s8 =	ssub.s32 $0x2, s5;
	p0 =	seq.s32 s5, $0x1;
	s13 =	sor.u32 $0x1C02, s13  }
0x9: {  	s6 =	smul.u32 $0xA00, s6;
	s9 =	sshrl.u32 s8, $0x1;
	s31 =	sshrl.u32 s10, $0x3  }
0xa: {  	s7 =	smov.u32 @p0 s11;
	s5 =	sadd.s32 s10, s2;
	s10 =	simm.s32 $0x40  }
0xb: {  	s11 =	simm.s32 $0x5000;
	s8 =	ssub.s32 s8, s9;
	s7 =	sadd.s32 s7, s31  }
0xc: {  	s9 =	simm.s32 $0x5080;
	s14 =	sshrl.u32 s5, $0x3;
	s6 =	sadd.s32 s6, s4  }
0xd: {  	v0 =	vimm.f32 $1.000000000e+00;
	v1 =	vimm.f32 $0.0e+00;
	s4 =	sadd.s32 $0x4400, s6;
	s6 =	smax.u32 s8, $0x1;
	s8 =	simm.s32 $0x2  }
.LBB2_1:
0xe: {  	[tilespmem:$0x5000] =	vst v0  }
0xf: {  	[tilespmem:$0x5010] =	vst v0  }
0x10: {  	[tilespmem:$0x5020] =	vst v0  }
0x11: {  	[tilespmem:$0x5030] =	vst v0  }
0x12: {  	[tilespmem:$0x5080] =	vst v1  }
0x13: {  	[tilespmem:$0x5090] =	vst v1  }
0x14: {  	[tilespmem:$0x50A0] =	vst v1  }
0x15: {  	[tilespmem:$0x50B0] =	vst v1  }
0x16: {  	[tilespmem:$0x50C0] =	vst v1  }
0x17: {  	[tilespmem:$0x50D0] =	vst v1  }
0x18: {  	[tilespmem:$0x50E0] =	vst v1  }
0x19: {  	[tilespmem:$0x50F0] =	vst v1  }
0x1a: {  	[tilespmem:$0x5100] =	vst v1  }
0x1b: {  	[tilespmem:$0x5110] =	vst v1  }
0x1c: {  	[tilespmem:$0x5120] =	vst v1  }
0x1d: {  	[tilespmem:$0x5130] =	vst v1  }
0x1e: {  	[tilespmem:$0x5140] =	vst v1  }
0x1f: {  	[tilespmem:$0x5150] =	vst v1  }
0x20: {  	[tilespmem:$0x5160] =	vst v1  }
0x21: {  	[tilespmem:$0x5170] =	vst v1  }
0x22: {  	[tilespmem:$0x5180] =	vst v1  }
0x23: {  	[tilespmem:$0x5190] =	vst v1  }
0x24: {  	[tilespmem:$0x51A0] =	vst v1  }
0x25: {  	[tilespmem:$0x51B0] =	vst v1  }
0x26: {  	[tilespmem:$0x51C0] =	vst v1  }
0x27: {  	[tilespmem:$0x51D0] =	vst v1  }
0x28: {  	[tilespmem:$0x51E0] =	vst v1  }
0x29: {  	[tilespmem:$0x51F0] =	vst v1  }
0x2a: {  	[tilespmem:$0x5200] =	vst v1  }
0x2b: {  	[tilespmem:$0x5210] =	vst v1  }
0x2c: {  	[tilespmem:$0x5220] =	vst v1  }
0x2d: {  	[tilespmem:$0x5230] =	vst v1  }
0x2e: {  	[tilespmem:$0x5240] =	vst v1  }
0x2f: {  	[tilespmem:$0x5250] =	vst v1  }
0x30: {  	[tilespmem:$0x5260] =	vst v1  }
0x31: {  	[tilespmem:$0x5270] =	vst v1  }
0x32: {  	[tilespmem:$0x5280] =	vst v1  }
0x33: {  	[tilespmem:$0x5290] =	vst v1  }
0x34: {  	[tilespmem:$0x52A0] =	vst v1  }
0x35: {  	[tilespmem:$0x52B0] =	vst v1  }
0x36: {  	[tilespmem:$0x52C0] =	vst v1  }
0x37: {  	[tilespmem:$0x52D0] =	vst v1  }
0x38: {  	[tilespmem:$0x52E0] =	vst v1  }
0x39: {  	[tilespmem:$0x52F0] =	vst v1  }
0x3a: {  	[tilespmem:s3], [sflag:$0x2] =	stream.linear.gather [hbm4b:s4+s3], $0x5000, $0x38;
	[tilespmem:$0x5580] =	vst v63  }
0x3b: {  	_ =	swait.ge [sflag:s8], $0x5000  }
0x3c: {  	[sflag:s8] =	ssyncset.done $0x0  }
0x3d: {  	[sflag:s8] =	ssyncadd.s32 $0xFFFFB000  }
0x3e: {  	[spmem:s5] =	stream.linear.scatter [tilespmem:s9], [sflag:$0x2], $0x280, $0x38;
	[tilespmem:$0x5580] =	vst v63  }
0x3f: {  	_ =	swait.ge [sflag:s8], $0x280  }
0x40: {  	[sflag:s8] =	ssyncset.done $0x0  }
0x41: {  	[sflag:s8] =	ssyncadd.s32 $0xFFFFFD80  }
0x42: {  	s16 =	simm.s32 $0x0;
	[bflag:$0x0] =	sbarrier.arrive $0xFFFF  }
0x43: {  	[spmem:s2] =	stream.indirect.scatter.add.f32 [tilespmem:s11], [sflag:$0x1], $0x1, s16, s10, $0xb8;
	[tilespmem:$0x5580] =	vst v63  }
0x44: {  	s24 =	simm.s32 $0x80  }
0x45: {  	[spmem:s2] =	stream.indirect.scatter.add.f32 [tilespmem:s11], [sflag:$0x1], $0x1, s24, s10, $0xb8;
	[tilespmem:$0x5580] =	vst v63  }
0x46: {  	s25 =	simm.s32 $0x100  }
0x47: {  	[spmem:s2] =	stream.indirect.scatter.add.f32 [tilespmem:s11], [sflag:$0x1], $0x1, s25, s10, $0xb8;
	[tilespmem:$0x5580] =	vst v63  }
0x48: {  	s26 =	simm.s32 $0x180  }
0x49: {  	[spmem:s2] =	stream.indirect.scatter.add.f32 [tilespmem:s11], [sflag:$0x1], $0x1, s26, s10, $0xb8;
	[tilespmem:$0x5580] =	vst v63  }
0x4a: {  	s28 =	simm.s32 $0x200  }
0x4b: {  	[spmem:s2] =	stream.indirect.scatter.add.f32 [tilespmem:s11], [sflag:$0x1], $0x1, s28, s10, $0xb8;
	[tilespmem:$0x5580] =	vst v63  }
0x4c: {  	s29 =	simm.s32 $0x280  }
0x4d: {  	[spmem:s2] =	stream.indirect.scatter.add.f32 [tilespmem:s11], [sflag:$0x1], $0x1, s29, s10, $0xb8;
	[tilespmem:$0x5580] =	vst v63  }
0x4e: {  	s30 =	simm.s32 $0x300  }
0x4f: {  	[spmem:s2] =	stream.indirect.scatter.add.f32 [tilespmem:s11], [sflag:$0x1], $0x1, s30, s10, $0xb8;
	[tilespmem:$0x5580] =	vst v63  }
0x50: {  	s31 =	simm.s32 $0x380  }
0x51: {  	[spmem:s2] =	stream.indirect.scatter.add.f32 [tilespmem:s11], [sflag:$0x1], $0x1, s31, s10, $0xb8;
	[tilespmem:$0x5580] =	vst v63  }
0x52: {  	_ =	swait.ge [sflag:s12], $0x40  }
0x53: {  	[sflag:s12] =	ssyncset.done $0x0  }
0x54: {  	[sflag:s12] =	ssyncadd.s32 $0xFFFFFFC0  }
0x55: {  	_ =	swait.ge [sflag:s12], $0x40  }
0x56: {  	[sflag:s12] =	ssyncset.done $0x0  }
0x57: {  	[sflag:s12] =	ssyncadd.s32 $0xFFFFFFC0  }
0x58: {  	_ =	swait.ge [sflag:s12], $0x40  }
0x59: {  	[sflag:s12] =	ssyncset.done $0x0  }
0x5a: {  	[sflag:s12] =	ssyncadd.s32 $0xFFFFFFC0  }
0x5b: {  	_ =	swait.ge [sflag:s12], $0x40  }
0x5c: {  	[sflag:s12] =	ssyncset.done $0x0  }
0x5d: {  	[sflag:s12] =	ssyncadd.s32 $0xFFFFFFC0  }
0x5e: {  	_ =	swait.ge [sflag:s12], $0x40  }
0x5f: {  	[sflag:s12] =	ssyncset.done $0x0  }
0x60: {  	[sflag:s12] =	ssyncadd.s32 $0xFFFFFFC0  }
0x61: {  	_ =	swait.ge [sflag:s12], $0x40  }
0x62: {  	[sflag:s12] =	ssyncset.done $0x0  }
0x63: {  	[sflag:s12] =	ssyncadd.s32 $0xFFFFFFC0  }
0x64: {  	_ =	swait.ge [sflag:s12], $0x40  }
0x65: {  	[sflag:s12] =	ssyncset.done $0x0  }
0x66: {  	[sflag:s12] =	ssyncadd.s32 $0xFFFFFFC0  }
0x67: {  	_ =	swait.ge [sflag:s12], $0x40  }
0x68: {  	s18 =	simm.s32 $0x2000;
	s16 =	simm.s32 $0x1000;
	[sflag:s12] =	ssyncset.done $0x0  }
.LBB2_2:
0x69: {  	s19 =	sshra.s32 s16, $0x2  }
0x6a: {  	[sflag:s12] =	ssyncadd.s32 $0xFFFFFFC0;
	s16 =	smov.u32 s18;
	s17 =	sadd.s32 $0x1000, s18  }
0x6b: {  	[spmem:s2] =	stream.indirect.scatter.add.f32 [tilespmem:s11], [sflag:$0x1], $0x1, s19, s10, $0xb8;
	[tilespmem:$0x5580] =	vst v63  }
0x6c: {  	p0 =	sne.s32 s18, $0x13000;
	s18 =	sadd.s32 $0x80, s19  }
0x6d: {  	[spmem:s2] =	stream.indirect.scatter.add.f32 [tilespmem:s11], [sflag:$0x1], $0x1, s18, s10, $0xb8;
	[tilespmem:$0x5580] =	vst v63  }
0x6e: {  	s18 =	sadd.s32 $0x100, s19  }
0x6f: {  	[spmem:s2] =	stream.indirect.scatter.add.f32 [tilespmem:s11], [sflag:$0x1], $0x1, s18, s10, $0xb8;
	[tilespmem:$0x5580] =	vst v63  }
0x70: {  	s18 =	sadd.s32 $0x180, s19  }
0x71: {  	[spmem:s2] =	stream.indirect.scatter.add.f32 [tilespmem:s11], [sflag:$0x1], $0x1, s18, s10, $0xb8;
	[tilespmem:$0x5580] =	vst v63  }
0x72: {  	s18 =	sadd.s32 $0x200, s19  }
0x73: {  	[spmem:s2] =	stream.indirect.scatter.add.f32 [tilespmem:s11], [sflag:$0x1], $0x1, s18, s10, $0xb8;
	[tilespmem:$0x5580] =	vst v63  }
0x74: {  	s18 =	sadd.s32 $0x280, s19  }
0x75: {  	[spmem:s2] =	stream.indirect.scatter.add.f32 [tilespmem:s11], [sflag:$0x1], $0x1, s18, s10, $0xb8;
	[tilespmem:$0x5580] =	vst v63  }
0x76: {  	s18 =	sadd.s32 $0x300, s19  }
0x77: {  	[spmem:s2] =	stream.indirect.scatter.add.f32 [tilespmem:s11], [sflag:$0x1], $0x1, s18, s10, $0xb8;
	[tilespmem:$0x5580] =	vst v63  }
0x78: {  	s18 =	sadd.s32 $0x380, s19  }
0x79: {  	[spmem:s2] =	stream.indirect.scatter.add.f32 [tilespmem:s11], [sflag:$0x1], $0x1, s18, s10, $0xb8;
	[tilespmem:$0x5580] =	vst v63  }
0x7a: {  	_ =	swait.ge [sflag:s12], $0x40  }
0x7b: {  	[sflag:s12] =	ssyncset.done $0x0  }
0x7c: {  	[sflag:s12] =	ssyncadd.s32 $0xFFFFFFC0  }
0x7d: {  	_ =	swait.ge [sflag:s12], $0x40  }
0x7e: {  	[sflag:s12] =	ssyncset.done $0x0  }
0x7f: {  	[sflag:s12] =	ssyncadd.s32 $0xFFFFFFC0  }
0x80: {  	_ =	swait.ge [sflag:s12], $0x40  }
0x81: {  	[sflag:s12] =	ssyncset.done $0x0  }
0x82: {  	[sflag:s12] =	ssyncadd.s32 $0xFFFFFFC0  }
0x83: {  	_ =	swait.ge [sflag:s12], $0x40  }
0x84: {  	[sflag:s12] =	ssyncset.done $0x0  }
0x85: {  	[sflag:s12] =	ssyncadd.s32 $0xFFFFFFC0  }
0x86: {  	_ =	swait.ge [sflag:s12], $0x40  }
0x87: {  	[sflag:s12] =	ssyncset.done $0x0  }
0x88: {  	[sflag:s12] =	ssyncadd.s32 $0xFFFFFFC0  }
0x89: {  	_ =	swait.ge [sflag:s12], $0x40  }
0x8a: {  	[sflag:s12] =	ssyncset.done $0x0  }
0x8b: {  	[sflag:s12] =	ssyncadd.s32 $0xFFFFFFC0  }
.Ltmp0:
0x8c: {  	_ =	swait.ge [sflag:s12], $0x40;
	(pc) =	sbr.rel @p0 .LBB2_2-.Ltmp0, $4  }
0x8d: {  	[sflag:s12] =	ssyncset.done $0x0  }
0x8e: {  	[sflag:s12] =	ssyncadd.s32 $0xFFFFFFC0  }
0x8f: {  	_ =	swait.ge [sflag:s12], $0x40  }
0x90: {  	s18 =	smov.u32 s17;
	[sflag:s12] =	ssyncset.done $0x0  }
0x91: {  	s16 =	sshra.s32 s16, $0x2;
	[sflag:s12] =	ssyncadd.s32 $0xFFFFFFC0  }
0x92: {  	[spmem:s2] =	stream.indirect.scatter.add.f32 [tilespmem:s11], [sflag:$0x1], $0x1, s16, s10, $0xb8;
	[tilespmem:$0x5580] =	vst v63  }
0x93: {  	s17 =	sadd.s32 $0x80, s16  }
0x94: {  	[spmem:s2] =	stream.indirect.scatter.add.f32 [tilespmem:s11], [sflag:$0x1], $0x1, s17, s10, $0xb8;
	[tilespmem:$0x5580] =	vst v63  }
0x95: {  	s26 =	sadd.s32 $0x100, s16  }
0x96: {  	[spmem:s2] =	stream.indirect.scatter.add.f32 [tilespmem:s11], [sflag:$0x1], $0x1, s26, s10, $0xb8;
	[tilespmem:$0x5580] =	vst v63  }
0x97: {  	s28 =	sadd.s32 $0x180, s16  }
0x98: {  	[spmem:s2] =	stream.indirect.scatter.add.f32 [tilespmem:s11], [sflag:$0x1], $0x1, s28, s10, $0xb8;
	[tilespmem:$0x5580] =	vst v63  }
0x99: {  	s29 =	sadd.s32 $0x200, s16  }
0x9a: {  	[spmem:s2] =	stream.indirect.scatter.add.f32 [tilespmem:s11], [sflag:$0x1], $0x1, s29, s10, $0xb8;
	[tilespmem:$0x5580] =	vst v63  }
0x9b: {  	s30 =	sadd.s32 $0x280, s16  }
0x9c: {  	[spmem:s2] =	stream.indirect.scatter.add.f32 [tilespmem:s11], [sflag:$0x1], $0x1, s30, s10, $0xb8;
	[tilespmem:$0x5580] =	vst v63  }
0x9d: {  	s31 =	sadd.s32 $0x300, s16  }
0x9e: {  	[spmem:s2] =	stream.indirect.scatter.add.f32 [tilespmem:s11], [sflag:$0x1], $0x1, s31, s10, $0xb8;
	[tilespmem:$0x5580] =	vst v63  }
0x9f: {  	s16 =	sadd.s32 $0x380, s16  }
0xa0: {  	[spmem:s2] =	stream.indirect.scatter.add.f32 [tilespmem:s11], [sflag:$0x1], $0x1, s16, s10, $0xb8;
	[tilespmem:$0x5580] =	vst v63  }
0xa1: {  	_ =	swait.ge [sflag:s12], $0x40  }
0xa2: {  	[sflag:s12] =	ssyncset.done $0x0  }
0xa3: {  	[sflag:s12] =	ssyncadd.s32 $0xFFFFFFC0  }
0xa4: {  	_ =	swait.ge [sflag:s12], $0x40  }
0xa5: {  	[sflag:s12] =	ssyncset.done $0x0  }
0xa6: {  	[sflag:s12] =	ssyncadd.s32 $0xFFFFFFC0  }
0xa7: {  	_ =	swait.ge [sflag:s12], $0x40  }
0xa8: {  	[sflag:s12] =	ssyncset.done $0x0  }
0xa9: {  	[sflag:s12] =	ssyncadd.s32 $0xFFFFFFC0  }
0xaa: {  	_ =	swait.ge [sflag:s12], $0x40  }
0xab: {  	[sflag:s12] =	ssyncset.done $0x0  }
0xac: {  	[sflag:s12] =	ssyncadd.s32 $0xFFFFFFC0  }
0xad: {  	_ =	swait.ge [sflag:s12], $0x40  }
0xae: {  	[sflag:s12] =	ssyncset.done $0x0  }
0xaf: {  	[sflag:s12] =	ssyncadd.s32 $0xFFFFFFC0  }
0xb0: {  	_ =	swait.ge [sflag:s12], $0x40  }
0xb1: {  	[sflag:s12] =	ssyncset.done $0x0  }
0xb2: {  	[sflag:s12] =	ssyncadd.s32 $0xFFFFFFC0  }
0xb3: {  	_ =	swait.ge [sflag:s12], $0x40  }
0xb4: {  	[sflag:s12] =	ssyncset.done $0x0  }
0xb5: {  	[sflag:s12] =	ssyncadd.s32 $0xFFFFFFC0  }
0xb6: {  	_ =	swait.ge [sflag:s12], $0x40  }
0xb7: {  	s15 =	sadd.s32 $0x1, s15;
	[sflag:s12] =	ssyncset.done $0x0  }
0xb8: {  	p0 =	sne.s32 s15, s6;
	[sflag:s12] =	ssyncadd.s32 $0xFFFFFFC0  }
.Ltmp1:
0xb9: {  	[bflag:$0x0] =	sbarrier.arrive $0xFFFF;
	(pc) =	sbr.rel @p0 .LBB2_1-.Ltmp1, $4  }
0xba: {  	[hbm:s7], [sflag:s13] =	dma.local [spmem:s14], $0x50  }
0xbb: {  	_ =	swait.ge [sflag:s8], $0x50  }
0xbc: {  	[sflag:s8] =	ssyncset.done $0x0  }
0xbd: {  	[sflag:s8] =	ssyncadd.s32 $0xFFFFFFB0  }
0xbe: {  	_ =	sfence.sel $0x180000  }
0xbf: {  	[bflag:$0x0] =	sbarrier.arrive $0xFFFF  }
0xc0: {  	p0 =	sne.s32 s0, $0x0;
	_ =	strace $0x90000047  }
0xc1: {  	s0 =	sadd.s32 @!p0 $0x100000, s1;
	[bflag:$0x2] =	sbarrier.arrive $0xFFFF  }
0xc2: {  	[sflag:s0] =	ssyncadd.tile.s32 @!p0 $0x1;
	_ =	shalt  }
.Lfunc_end2:
_tile_overlayer_lowered:
.L_overlay_start_2:
0xc3: {  	(tag) =	ssettag $0x2  }
0xc4: {  	s0 =	rddreg [dreg:$0x0];
	s2 =	stileid.u32  }
0xc5: {  	s1 =	rddreg [dreg:$0x1];
	p0 =	sne.s32 s2, $0x0  }
0xc6: {  	s3 =	rddreg [dreg:$0x2];
	[bflag:$0x3] =	sbarrier.arrive $0xFFFF;
	s2 =	simm.s32 @!p0 $0x1C02  }
0xc7: {  	[timem:s3], [sflag:s2] =	dma.local @!p0 [hbm:s0], s1  }
0xc8: {  	s0 =	simm.s32 @!p0 $0x2  }
0xc9: {  	_ =	swait.ge @!p0 [sflag:s0], s1  }
0xca: {  	s1 =	ssub.s32 @!p0 $0x0, s1;
	[sflag:s0] =	ssyncset.done @!p0 $0x0  }
0xcb: {  	[sflag:s0] =	ssyncadd.s32 @!p0 s1  }
0xcc: {  	[bflag:$0x3] =	sbarrier.arrive $0xFFFF  }
0xcd: {  	_ =	shalt  }

</sc_bundles>
